<compile_context>
chip_gen: v7x
topology: tpu7x:2x2x1
jax: 0.10.2.dev20260603
libtpu: 0.0.44.dev20260713+nightly
codegen_flags: <defaults>
</compile_context>

<pallas_src>
import functools

import jax
import jax.numpy as jnp
from jax import lax
from jax.experimental import pallas as pl
from jax.experimental.pallas import tpu as pltpu
from jax.experimental.pallas import tpu_sc as plsc


_K = 5
_BETA = 3.0
_NSUB = 16


def _body(q_ref, xpt_t_ref, xp_t_ref, xpt_s_ref, xp_s_ref, out_ref):
    q = q_ref[0, 0]
    qq = jnp.sum(q * q, axis=1, keepdims=True)

    res = []
    for xpt_ref, xp_ref in ((xpt_t_ref, xp_t_ref), (xpt_s_ref, xp_s_ref)):
        xt = xpt_ref[0]
        xp = xp_ref[0]
        xx = jnp.sum(xt * xt, axis=0, keepdims=True)
        d2 = qq + xx - 2.0 * jnp.dot(q, xt, preferred_element_type=jnp.float32)
        d2 = jnp.maximum(d2, 0.0)
        w_mat = jnp.zeros_like(d2)
        norm = jnp.zeros_like(qq)
        rem = jnp.full_like(qq, float(_K))
        for k in range(_K):
            m = jnp.min(d2, axis=1, keepdims=True)
            sel = (d2 == m).astype(jnp.float32)
            if k == 0:
                cnt = jnp.sum(sel, axis=1, keepdims=True)
                take = jnp.minimum(cnt, rem)
                w = take / (m + 1e-8)
                w_mat = w_mat + sel * (w / cnt)
            else:
                take = jnp.minimum(rem, 1.0)
                w = take / (m + 1e-8)
                w_mat = w_mat + sel * w
            norm = norm + w
            if k < _K - 1:
                rem = rem - take
                d2 = d2 + sel * jnp.float32(1e30)
        p = jnp.dot(w_mat, xp, preferred_element_type=jnp.float32)
        g = q - p / norm
        udf = jnp.sqrt(jnp.sum((g + 1e-10) ** 2, axis=1, keepdims=True))
        res.append((udf, g))

    (udf_t, g_t), (udf_s, g_s) = res
    ue = jnp.abs(udf_t - udf_s)
    ge = jnp.sum(jnp.abs(g_s - g_t), axis=1, keepdims=True)
    tot = ue + ge
    out_ref[0, 0] = tot * jnp.exp(-tot * _BETA)


def _build_query(src, tgt, noise):
    b, n_tgt, _ = tgt.shape
    query = tgt[:, :, None, :] + noise
    query = query.reshape(b, n_tgt * noise.shape[2], 3)
    return jnp.concatenate([query, src], axis=1)


def _tc_contrib(query, src, tgt, interpret=False):
    b, nq, _ = query.shape
    n_tgt, n_src = tgt.shape[1], src.shape[1]

    qblk = 256
    assert nq % qblk == 0
    nb = nq // qblk

    def pad8(a):
        return jnp.pad(a, ((0, 0), (0, 0), (0, 5)))

    qp = pad8(query).reshape(b, nb, qblk, 8)
    xp_t = pad8(tgt)
    xp_s = pad8(src)
    xpt_t = xp_t.transpose(0, 2, 1)
    xpt_s = xp_s.transpose(0, 2, 1)

    r_t = n_tgt
    r_s = n_src

    contrib = pl.pallas_call(
        _body,
        grid=(b, nb),
        in_specs=[
            pl.BlockSpec((1, 1, qblk, 8), lambda bi, i: (bi, i, 0, 0)),
            pl.BlockSpec((1, 8, r_t), lambda bi, i: (bi, 0, 0)),
            pl.BlockSpec((1, r_t, 8), lambda bi, i: (bi, 0, 0)),
            pl.BlockSpec((1, 8, r_s), lambda bi, i: (bi, 0, 0)),
            pl.BlockSpec((1, r_s, 8), lambda bi, i: (bi, 0, 0)),
        ],
        out_specs=pl.BlockSpec((1, 1, qblk, 1), lambda bi, i: (bi, i, 0, 0)),
        out_shape=jax.ShapeDtypeStruct((b, nb, qblk, 1), jnp.float32),
        interpret=interpret,
    )(qp, xpt_t, xp_t, xpt_s, xp_s)

    return contrib


@functools.partial(jax.jit, static_argnames=("interpret",))
def _impl(src, tgt, noise, interpret=False):
    query = _build_query(src, tgt, noise)
    contrib = _tc_contrib(query, src, tgt, interpret=interpret)
    return jnp.sum(contrib) / query.shape[0] / query.shape[1]


def _tail_body(gtx_ref, gty_ref, gtz_ref, gsx_ref, gsy_ref, gsz_ref, o_ref):
    gtx, gty, gtz = gtx_ref[0], gty_ref[0], gtz_ref[0]
    gsx, gsy, gsz = gsx_ref[0], gsy_ref[0], gsz_ref[0]

    def nrm(ax, ay, az):
        bx, by, bz = ax + 1e-10, ay + 1e-10, az + 1e-10
        return jnp.sqrt(bx * bx + by * by + bz * bz)

    tot = (jnp.abs(nrm(gtx, gty, gtz) - nrm(gsx, gsy, gsz))
           + jnp.abs(gsx - gtx) + jnp.abs(gsy - gty) + jnp.abs(gsz - gtz))
    o_ref[0] = tot * jnp.exp(tot * (-_BETA))


def _loss_tail(gt, gs):
    n = gt[0].shape[0]
    assert n % 1024 == 0 or n % 512 == 0
    rows = 8 if n % 1024 == 0 else 4
    nb = n // (rows * 128)
    args = [a.reshape(nb, rows, 128) for a in (*gt, *gs)]
    spec = pl.BlockSpec((1, rows, 128), lambda i: (i, 0, 0))
    contrib = pl.pallas_call(
        _tail_body,
        grid=(nb,),
        in_specs=[spec] * 6,
        out_specs=spec,
        out_shape=jax.ShapeDtypeStruct((nb, rows, 128), jnp.float32),
    )(*args)
    return jnp.sum(contrib)


@functools.lru_cache(maxsize=None)
def _make_sc(b, nqp, r):
    mesh = plsc.VectorSubcoreMesh(core_axis_name="c", subcore_axis_name="s")
    ngrp = nqp // 16
    nchunk = r // 16

    @functools.partial(
        pl.kernel,
        mesh=mesh,
        out_type=tuple(jax.ShapeDtypeStruct((b * _NSUB * nqp,), jnp.float32)
                       for _ in range(6)),
        scratch_types=[pltpu.VMEM((nqp,), jnp.float32)] * 3
        + [pltpu.VMEM((r,), jnp.float32)] * 6
        + [pltpu.VMEM((nqp,), jnp.float32)] * 6
        + [pltpu.VMEM((r,), jnp.float32)] * 8
        + [pltpu.VMEM((16, 16), jnp.float32), pltpu.SemaphoreType.DMA],
    )
    def sc_knn(qx_h, qy_h, qz_h, tx_h, ty_h, tz_h, sx_h, sy_h, sz_h,
               gtx_h, gty_h, gtz_h, gsx_h, gsy_h, gsz_h,
               qxv, qyv, qzv, txv, tyv, tzv, sxv, syv, szv,
               gtxv, gtyv, gtzv, gsxv, gsyv, gszv,
               txr, tyr, tzr, sxr, syr, szr, txx, sxx, gbuf, gsem):
        c = lax.axis_index("c")
        sid = lax.axis_index("s")
        nq = _NSUB * nqp
        base = c * nq + sid * nqp
        pltpu.sync_copy(qx_h.at[pl.ds(base, nqp)], qxv)
        pltpu.sync_copy(qy_h.at[pl.ds(base, nqp)], qyv)
        pltpu.sync_copy(qz_h.at[pl.ds(base, nqp)], qzv)
        rbase = c * r
        pltpu.sync_copy(tx_h.at[pl.ds(rbase, r)], txv)
        pltpu.sync_copy(ty_h.at[pl.ds(rbase, r)], tyv)
        pltpu.sync_copy(tz_h.at[pl.ds(rbase, r)], tzv)
        pltpu.sync_copy(sx_h.at[pl.ds(rbase, r)], sxv)
        pltpu.sync_copy(sy_h.at[pl.ds(rbase, r)], syv)
        pltpu.sync_copy(sz_h.at[pl.ds(rbase, r)], szv)

        def _bf(a):
            t = a * 65537.0
            return t - (t - a)

        def prep(i, _):
            sl = pl.ds(i * 16, 16)
            tx, ty, tz = txv[sl], tyv[sl], tzv[sl]
            sx, sy, sz = sxv[sl], syv[sl], szv[sl]
            txr[sl], tyr[sl], tzr[sl] = _bf(tx), _bf(ty), _bf(tz)
            sxr[sl], syr[sl], szr[sl] = _bf(sx), _bf(sy), _bf(sz)
            txx[sl] = tx * tx + ty * ty + tz * tz
            sxx[sl] = sx * sx + sy * sy + sz * sz
            return 0

        lax.fori_loop(0, r // 16, prep, 0)

        def group(g, _):
            qx = qxv[pl.ds(g * 16, 16)]
            qy = qyv[pl.ds(g * 16, 16)]
            qz = qzv[pl.ds(g * 16, 16)]
            qxr, qyr, qzr = _bf(qx), _bf(qy), _bf(qz)
            qq = qx * qx + qy * qy + qz * qz
            outs = []
            for rxv, ryv, rzv, xxv, rx_h, ry_h, rz_h in (
                    (txr, tyr, tzr, txx, tx_h, ty_h, tz_h),
                    (sxr, syr, szr, sxx, sx_h, sy_h, sz_h)):

                def chunk(cb, carry, rxv=rxv, ryv=ryv, rzv=rzv, xxv=xxv):
                    ts = list(carry[:5])
                    ids = list(carry[5:])
                    cb16 = cb * 16
                    rxr16 = rxv[pl.ds(cb16, 16)]
                    ryr16 = ryv[pl.ds(cb16, 16)]
                    rzr16 = rzv[pl.ds(cb16, 16)]
                    xx16 = xxv[pl.ds(cb16, 16)]
                    for j in range(16):
                        dot = (qxr * rxr16[j] + qyr * ryr16[j]
                               + qzr * rzr16[j])
                        x = jnp.maximum(qq + xx16[j] - 2.0 * dot, 0.0)
                        xi = jnp.full((16,), cb16 + j, jnp.int32)
                        for t in range(5):
                            swap = x < ts[t]
                            ts[t], x = (jnp.where(swap, x, ts[t]),
                                        jnp.where(swap, ts[t], x))
                            ids[t], xi = (jnp.where(swap, xi, ids[t]),
                                          jnp.where(swap, ids[t], xi))
                    return tuple(ts) + tuple(ids)

                init = (jnp.full((16,), 1e30, jnp.float32),) * 5 + (
                    jnp.zeros((16,), jnp.int32),) * 5
                fin = lax.fori_loop(0, nchunk, chunk, init)
                ts, ids = fin[:5], fin[5:]
                copies = []
                for k in range(5):
                    gi = ids[k] + rbase
                    for cc, r_h in enumerate((rx_h, ry_h, rz_h)):
                        copies.append(pltpu.async_copy(
                            r_h.at[gi], gbuf.at[k * 3 + cc], gsem))
                for cp in copies:
                    cp.wait()
                ws = [1.0 / (t + 1e-8) for t in ts]
                norm = ws[0] + ws[1] + ws[2] + ws[3] + ws[4]
                px = sum(ws[k] * gbuf[k * 3 + 0] for k in range(5))
                py = sum(ws[k] * gbuf[k * 3 + 1] for k in range(5))
                pz = sum(ws[k] * gbuf[k * 3 + 2] for k in range(5))
                outs.append((qx - px / norm, qy - py / norm, qz - pz / norm))

            (gtx, gty, gtz), (gsx, gsy, gsz) = outs
            sl = pl.ds(g * 16, 16)
            gtxv[sl], gtyv[sl], gtzv[sl] = gtx, gty, gtz
            gsxv[sl], gsyv[sl], gszv[sl] = gsx, gsy, gsz
            return 0

        lax.fori_loop(0, ngrp, group, 0)
        osl = pl.ds(base, nqp)
        pltpu.sync_copy(gtxv, gtx_h.at[osl])
        pltpu.sync_copy(gtyv, gty_h.at[osl])
        pltpu.sync_copy(gtzv, gtz_h.at[osl])
        pltpu.sync_copy(gsxv, gsx_h.at[osl])
        pltpu.sync_copy(gsyv, gsy_h.at[osl])
        pltpu.sync_copy(gszv, gsz_h.at[osl])

    return sc_knn


def _sc_grads(query, src, tgt):
    b, nq, _ = query.shape
    assert nq % (_NSUB * 16) == 0
    nqp = nq // _NSUB

    flat = lambda a, i: a[..., i].reshape(-1)
    args = [flat(query, i) for i in range(3)]
    args += [flat(tgt, i) for i in range(3)]
    args += [flat(src, i) for i in range(3)]
    return _make_sc(b, nqp, tgt.shape[1])(*args)


@jax.jit
def _impl_sc(src, tgt, noise):
    query = _build_query(src, tgt, noise)
    gtx, gty, gtz, gsx, gsy, gsz = _sc_grads(query, src, tgt)
    total = _loss_tail((gtx, gty, gtz), (gsx, gsy, gsz))
    return total / query.shape[0] / query.shape[1]


_TC_SHARE = 32768


@jax.jit
def _impl_hybrid(src, tgt, noise):
    query = _build_query(src, tgt, noise)
    b, nq, _ = query.shape
    grads = _sc_grads(query[:, _TC_SHARE:], src, tgt)
    tc_part = _tc_contrib(query[:, :_TC_SHARE], src, tgt)
    sc_total = _loss_tail(tuple(grads[:3]), tuple(grads[3:]))
    return (jnp.sum(tc_part) + sc_total) / b / nq


def kernel(src, tgt, noise):
    return _impl_hybrid(src, tgt, noise)

# --- scband reference (transcript-rebuilt; emitter-appended) ---
"""Pipeline reference for scband-dir-dist-p2-p-9723805958691 (READ-ONLY COPY).

The authoritative reference and input builder live on the scoring server;
editing this copy changes nothing except your own understanding.
"""

import jax, jax.numpy as jnp
import numpy as np

K = 5
UP_RATIO = 10
STD = 0.05
BETA = 3.0
CHUNK = 2048


def setup_inputs(seed: int = 0) -> dict:
    key = jax.random.key(seed)
    k1, k2, k3 = jax.random.split(key, 3)
    src = jax.random.normal(k1, (2, 4096, 3), dtype=jnp.float32)
    tgt = jax.random.normal(k2, (2, 4096, 3), dtype=jnp.float32)
    # torch forward draws randn noise inside forward; materialize it here for determinism
    noise = jax.random.normal(k3, (2, 4096, UP_RATIO, 3), dtype=jnp.float32) * STD
    return {"src": src, "tgt": tgt, "noise": noise}


def knn_points(query, x, k):
    # pytorch3d.knn_points: returns SQUARED distances, sorted ascending, and gathered nn points
    def per_batch(q, xb):
        x2 = jnp.sum(xb * xb, axis=-1)

        def per_chunk(qc):
            d2 = jnp.sum(qc * qc, axis=-1, keepdims=True) + x2[None, :] - 2.0 * (qc @ xb.T)
            d2 = jnp.maximum(d2, 0.0)
            neg, idx = jax.lax.top_k(-d2, k)
            return -neg, idx

        qch = q.reshape(-1, CHUNK, 3)
        d, i = jax.lax.map(per_chunk, qch)
        d = d.reshape(-1, k)
        i = i.reshape(-1, k)
        return d, xb[i]

    return jax.vmap(per_batch)(query, x)


def cal_udf_weights(x, query):
    dists, knn_pc = knn_points(query, x, K)
    dirv = query[:, :, None, :] - knn_pc
    norm = jnp.sum(1.0 / (dists + 1e-08), axis=2, keepdims=True)
    weights = 1.0 / (jax.lax.stop_gradient(dists) + 1e-08) / jax.lax.stop_gradient(norm)
    udf_grad = jnp.sum(dirv * weights[..., None], axis=2)
    udf = jnp.sqrt(jnp.sum((udf_grad + 1e-10) ** 2, axis=-1))
    return udf, udf_grad, weights


def reference(src, tgt, noise):
    query = jax.lax.stop_gradient(tgt)[:, :, None, :] + jax.lax.stop_gradient(noise)
    query = query.reshape(tgt.shape[0], -1, 3)
    query = jnp.concatenate([query, jax.lax.stop_gradient(src)], axis=1)
    udf_tgt, udf_grad_tgt, _ = cal_udf_weights(tgt, query)
    udf_src, udf_grad_src, _ = cal_udf_weights(src, query)
    udf_error = jnp.abs(udf_tgt - udf_src)
    udf_grad_error = jnp.sum(jnp.abs(udf_grad_src - udf_grad_tgt), axis=-1)
    query_weights = jnp.exp(-jax.lax.stop_gradient(udf_error) * BETA) * jnp.exp(-jax.lax.stop_gradient(udf_grad_error) * BETA)
    return jnp.sum((udf_error + udf_grad_error) * query_weights) / query.shape[0] / query.shape[1]

if __name__ == "__main__":
    import jax
    _d = setup_inputs()
    print(jax.jit(kernel)(*tuple(_d.values())))

</pallas_src>

<mosaic_0001>
#map = affine_map<(d0, d1) -> (0)>
module attributes {stable_mosaic.version = 14 : i64} {
  func.func @sc_knn(%arg0: i32, %arg1: i32, %arg2: memref<24576xf32, #tpu.memory_space<hbm>>, %arg3: memref<24576xf32, #tpu.memory_space<hbm>>, %arg4: memref<24576xf32, #tpu.memory_space<hbm>>, %arg5: memref<8192xf32, #tpu.memory_space<hbm>>, %arg6: memref<8192xf32, #tpu.memory_space<hbm>>, %arg7: memref<8192xf32, #tpu.memory_space<hbm>>, %arg8: memref<8192xf32, #tpu.memory_space<hbm>>, %arg9: memref<8192xf32, #tpu.memory_space<hbm>>, %arg10: memref<8192xf32, #tpu.memory_space<hbm>>, %arg11: memref<24576xf32, #tpu.memory_space<hbm>>, %arg12: memref<24576xf32, #tpu.memory_space<hbm>>, %arg13: memref<24576xf32, #tpu.memory_space<hbm>>, %arg14: memref<24576xf32, #tpu.memory_space<hbm>>, %arg15: memref<24576xf32, #tpu.memory_space<hbm>>, %arg16: memref<24576xf32, #tpu.memory_space<hbm>>, %arg17: memref<768xf32, #tpu.memory_space<vmem>>, %arg18: memref<768xf32, #tpu.memory_space<vmem>>, %arg19: memref<768xf32, #tpu.memory_space<vmem>>, %arg20: memref<4096xf32, #tpu.memory_space<vmem>>, %arg21: memref<4096xf32, #tpu.memory_space<vmem>>, %arg22: memref<4096xf32, #tpu.memory_space<vmem>>, %arg23: memref<4096xf32, #tpu.memory_space<vmem>>, %arg24: memref<4096xf32, #tpu.memory_space<vmem>>, %arg25: memref<4096xf32, #tpu.memory_space<vmem>>, %arg26: memref<768xf32, #tpu.memory_space<vmem>>, %arg27: memref<768xf32, #tpu.memory_space<vmem>>, %arg28: memref<768xf32, #tpu.memory_space<vmem>>, %arg29: memref<768xf32, #tpu.memory_space<vmem>>, %arg30: memref<768xf32, #tpu.memory_space<vmem>>, %arg31: memref<768xf32, #tpu.memory_space<vmem>>, %arg32: memref<4096xf32, #tpu.memory_space<vmem>>, %arg33: memref<4096xf32, #tpu.memory_space<vmem>>, %arg34: memref<4096xf32, #tpu.memory_space<vmem>>, %arg35: memref<4096xf32, #tpu.memory_space<vmem>>, %arg36: memref<4096xf32, #tpu.memory_space<vmem>>, %arg37: memref<4096xf32, #tpu.memory_space<vmem>>, %arg38: memref<4096xf32, #tpu.memory_space<vmem>>, %arg39: memref<4096xf32, #tpu.memory_space<vmem>>, %arg40: memref<16x16xf32, #tpu.memory_space<vmem>>, %arg41: memref<!tpu.dma_semaphore, #tpu.memory_space<semaphore_mem>>) attributes {dimension_semantics = [#tpu.dimension_semantics<core_parallel>, #tpu.dimension_semantics<subcore_parallel>], iteration_bounds = array<i64: 2, 16>, scalar_prefetch = 0 : i64, scratch_operands = 25 : i64, tpu.core_type = #tpu.core_type<sc_vector_subcore>, window_params = [{transform_indices = #map}, {transform_indices = #map}, {transform_indices = #map}, {transform_indices = #map}, {transform_indices = #map}, {transform_indices = #map}, {transform_indices = #map}, {transform_indices = #map}, {transform_indices = #map}, {transform_indices = #map}, {transform_indices = #map}, {transform_indices = #map}, {transform_indices = #map}, {transform_indices = #map}, {transform_indices = #map}]} {
    %mul3A = arith.constant 12288 : i32
    %mul3A_0 = arith.muli %arg0, %mul3A : i32
    %mul3A_1 = arith.constant 768 : i32
    %mul3A_2 = arith.muli %arg1, %mul3A_1 : i32
    %add3A = arith.addi %mul3A_0, %mul3A_2 : i32
    "tpu.region"() ({
      %run_scoped3A = tpu.sem_alloc : memref<!tpu.dma_semaphore, #tpu.memory_space<semaphore_mem>>
      %dma_start3A = tpu.memref_slice %arg2[%add3A] : memref<24576xf32, #tpu.memory_space<hbm>> -> memref<768xf32, #tpu.memory_space<hbm>>
      %dma_start3A_18 = tpu.memref_slice %arg2[%add3A] : memref<24576xf32, #tpu.memory_space<hbm>> -> memref<768xf32, #tpu.memory_space<hbm>>
      tpu.enqueue_dma source(%dma_start3A_18 : memref<768xf32, #tpu.memory_space<hbm>>) target(%arg17 : memref<768xf32, #tpu.memory_space<vmem>>) target_semaphore(%run_scoped3A : memref<!tpu.dma_semaphore, #tpu.memory_space<semaphore_mem>>)
      %dma_wait3A = tpu.memref_slice %arg2[%add3A] : memref<24576xf32, #tpu.memory_space<hbm>> -> memref<768xf32, #tpu.memory_space<hbm>>
      %dma_wait3A_19 = tpu.memref_slice %arg2[%add3A] : memref<24576xf32, #tpu.memory_space<hbm>> -> memref<768xf32, #tpu.memory_space<hbm>>
      tpu.wait_dma2 semaphore(%run_scoped3A : memref<!tpu.dma_semaphore, #tpu.memory_space<semaphore_mem>>) src(%dma_wait3A_19 : memref<768xf32, #tpu.memory_space<hbm>>) dst(%arg17 : memref<768xf32, #tpu.memory_space<vmem>>)
      tpu.yield
    }) : () -> ()
    "tpu.region"() ({
      %run_scoped3A = tpu.sem_alloc : memref<!tpu.dma_semaphore, #tpu.memory_space<semaphore_mem>>
      %dma_start3A = tpu.memref_slice %arg3[%add3A] : memref<24576xf32, #tpu.memory_space<hbm>> -> memref<768xf32, #tpu.memory_space<hbm>>
      %dma_start3A_18 = tpu.memref_slice %arg3[%add3A] : memref<24576xf32, #tpu.memory_space<hbm>> -> memref<768xf32, #tpu.memory_space<hbm>>
      tpu.enqueue_dma source(%dma_start3A_18 : memref<768xf32, #tpu.memory_space<hbm>>) target(%arg18 : memref<768xf32, #tpu.memory_space<vmem>>) target_semaphore(%run_scoped3A : memref<!tpu.dma_semaphore, #tpu.memory_space<semaphore_mem>>)
      %dma_wait3A = tpu.memref_slice %arg3[%add3A] : memref<24576xf32, #tpu.memory_space<hbm>> -> memref<768xf32, #tpu.memory_space<hbm>>
      %dma_wait3A_19 = tpu.memref_slice %arg3[%add3A] : memref<24576xf32, #tpu.memory_space<hbm>> -> memref<768xf32, #tpu.memory_space<hbm>>
      tpu.wait_dma2 semaphore(%run_scoped3A : memref<!tpu.dma_semaphore, #tpu.memory_space<semaphore_mem>>) src(%dma_wait3A_19 : memref<768xf32, #tpu.memory_space<hbm>>) dst(%arg18 : memref<768xf32, #tpu.memory_space<vmem>>)
      tpu.yield
    }) : () -> ()
    "tpu.region"() ({
      %run_scoped3A = tpu.sem_alloc : memref<!tpu.dma_semaphore, #tpu.memory_space<semaphore_mem>>
      %dma_start3A = tpu.memref_slice %arg4[%add3A] : memref<24576xf32, #tpu.memory_space<hbm>> -> memref<768xf32, #tpu.memory_space<hbm>>
      %dma_start3A_18 = tpu.memref_slice %arg4[%add3A] : memref<24576xf32, #tpu.memory_space<hbm>> -> memref<768xf32, #tpu.memory_space<hbm>>
      tpu.enqueue_dma source(%dma_start3A_18 : memref<768xf32, #tpu.memory_space<hbm>>) target(%arg19 : memref<768xf32, #tpu.memory_space<vmem>>) target_semaphore(%run_scoped3A : memref<!tpu.dma_semaphore, #tpu.memory_space<semaphore_mem>>)
      %dma_wait3A = tpu.memref_slice %arg4[%add3A] : memref<24576xf32, #tpu.memory_space<hbm>> -> memref<768xf32, #tpu.memory_space<hbm>>
      %dma_wait3A_19 = tpu.memref_slice %arg4[%add3A] : memref<24576xf32, #tpu.memory_space<hbm>> -> memref<768xf32, #tpu.memory_space<hbm>>
      tpu.wait_dma2 semaphore(%run_scoped3A : memref<!tpu.dma_semaphore, #tpu.memory_space<semaphore_mem>>) src(%dma_wait3A_19 : memref<768xf32, #tpu.memory_space<hbm>>) dst(%arg19 : memref<768xf32, #tpu.memory_space<vmem>>)
      tpu.yield
    }) : () -> ()
    %mul3A_3 = arith.constant 4096 : i32
    %mul3A_4 = arith.muli %arg0, %mul3A_3 : i32
    "tpu.region"() ({
      %run_scoped3A = tpu.sem_alloc : memref<!tpu.dma_semaphore, #tpu.memory_space<semaphore_mem>>
      %dma_start3A = tpu.memref_slice %arg5[%mul3A_4] : memref<8192xf32, #tpu.memory_space<hbm>> -> memref<4096xf32, #tpu.memory_space<hbm>>
      %dma_start3A_18 = tpu.memref_slice %arg5[%mul3A_4] : memref<8192xf32, #tpu.memory_space<hbm>> -> memref<4096xf32, #tpu.memory_space<hbm>>
      tpu.enqueue_dma source(%dma_start3A_18 : memref<4096xf32, #tpu.memory_space<hbm>>) target(%arg20 : memref<4096xf32, #tpu.memory_space<vmem>>) target_semaphore(%run_scoped3A : memref<!tpu.dma_semaphore, #tpu.memory_space<semaphore_mem>>)
      %dma_wait3A = tpu.memref_slice %arg5[%mul3A_4] : memref<8192xf32, #tpu.memory_space<hbm>> -> memref<4096xf32, #tpu.memory_space<hbm>>
      %dma_wait3A_19 = tpu.memref_slice %arg5[%mul3A_4] : memref<8192xf32, #tpu.memory_space<hbm>> -> memref<4096xf32, #tpu.memory_space<hbm>>
      tpu.wait_dma2 semaphore(%run_scoped3A : memref<!tpu.dma_semaphore, #tpu.memory_space<semaphore_mem>>) src(%dma_wait3A_19 : memref<4096xf32, #tpu.memory_space<hbm>>) dst(%arg20 : memref<4096xf32, #tpu.memory_space<vmem>>)
      tpu.yield
    }) : () -> ()
    "tpu.region"() ({
      %run_scoped3A = tpu.sem_alloc : memref<!tpu.dma_semaphore, #tpu.memory_space<semaphore_mem>>
      %dma_start3A = tpu.memref_slice %arg6[%mul3A_4] : memref<8192xf32, #tpu.memory_space<hbm>> -> memref<4096xf32, #tpu.memory_space<hbm>>
      %dma_start3A_18 = tpu.memref_slice %arg6[%mul3A_4] : memref<8192xf32, #tpu.memory_space<hbm>> -> memref<4096xf32, #tpu.memory_space<hbm>>
      tpu.enqueue_dma source(%dma_start3A_18 : memref<4096xf32, #tpu.memory_space<hbm>>) target(%arg21 : memref<4096xf32, #tpu.memory_space<vmem>>) target_semaphore(%run_scoped3A : memref<!tpu.dma_semaphore, #tpu.memory_space<semaphore_mem>>)
      %dma_wait3A = tpu.memref_slice %arg6[%mul3A_4] : memref<8192xf32, #tpu.memory_space<hbm>> -> memref<4096xf32, #tpu.memory_space<hbm>>
      %dma_wait3A_19 = tpu.memref_slice %arg6[%mul3A_4] : memref<8192xf32, #tpu.memory_space<hbm>> -> memref<4096xf32, #tpu.memory_space<hbm>>
      tpu.wait_dma2 semaphore(%run_scoped3A : memref<!tpu.dma_semaphore, #tpu.memory_space<semaphore_mem>>) src(%dma_wait3A_19 : memref<4096xf32, #tpu.memory_space<hbm>>) dst(%arg21 : memref<4096xf32, #tpu.memory_space<vmem>>)
      tpu.yield
    }) : () -> ()
    "tpu.region"() ({
      %run_scoped3A = tpu.sem_alloc : memref<!tpu.dma_semaphore, #tpu.memory_space<semaphore_mem>>
      %dma_start3A = tpu.memref_slice %arg7[%mul3A_4] : memref<8192xf32, #tpu.memory_space<hbm>> -> memref<4096xf32, #tpu.memory_space<hbm>>
      %dma_start3A_18 = tpu.memref_slice %arg7[%mul3A_4] : memref<8192xf32, #tpu.memory_space<hbm>> -> memref<4096xf32, #tpu.memory_space<hbm>>
      tpu.enqueue_dma source(%dma_start3A_18 : memref<4096xf32, #tpu.memory_space<hbm>>) target(%arg22 : memref<4096xf32, #tpu.memory_space<vmem>>) target_semaphore(%run_scoped3A : memref<!tpu.dma_semaphore, #tpu.memory_space<semaphore_mem>>)
      %dma_wait3A = tpu.memref_slice %arg7[%mul3A_4] : memref<8192xf32, #tpu.memory_space<hbm>> -> memref<4096xf32, #tpu.memory_space<hbm>>
      %dma_wait3A_19 = tpu.memref_slice %arg7[%mul3A_4] : memref<8192xf32, #tpu.memory_space<hbm>> -> memref<4096xf32, #tpu.memory_space<hbm>>
      tpu.wait_dma2 semaphore(%run_scoped3A : memref<!tpu.dma_semaphore, #tpu.memory_space<semaphore_mem>>) src(%dma_wait3A_19 : memref<4096xf32, #tpu.memory_space<hbm>>) dst(%arg22 : memref<4096xf32, #tpu.memory_space<vmem>>)
      tpu.yield
    }) : () -> ()
    "tpu.region"() ({
      %run_scoped3A = tpu.sem_alloc : memref<!tpu.dma_semaphore, #tpu.memory_space<semaphore_mem>>
      %dma_start3A = tpu.memref_slice %arg8[%mul3A_4] : memref<8192xf32, #tpu.memory_space<hbm>> -> memref<4096xf32, #tpu.memory_space<hbm>>
      %dma_start3A_18 = tpu.memref_slice %arg8[%mul3A_4] : memref<8192xf32, #tpu.memory_space<hbm>> -> memref<4096xf32, #tpu.memory_space<hbm>>
      tpu.enqueue_dma source(%dma_start3A_18 : memref<4096xf32, #tpu.memory_space<hbm>>) target(%arg23 : memref<4096xf32, #tpu.memory_space<vmem>>) target_semaphore(%run_scoped3A : memref<!tpu.dma_semaphore, #tpu.memory_space<semaphore_mem>>)
      %dma_wait3A = tpu.memref_slice %arg8[%mul3A_4] : memref<8192xf32, #tpu.memory_space<hbm>> -> memref<4096xf32, #tpu.memory_space<hbm>>
      %dma_wait3A_19 = tpu.memref_slice %arg8[%mul3A_4] : memref<8192xf32, #tpu.memory_space<hbm>> -> memref<4096xf32, #tpu.memory_space<hbm>>
      tpu.wait_dma2 semaphore(%run_scoped3A : memref<!tpu.dma_semaphore, #tpu.memory_space<semaphore_mem>>) src(%dma_wait3A_19 : memref<4096xf32, #tpu.memory_space<hbm>>) dst(%arg23 : memref<4096xf32, #tpu.memory_space<vmem>>)
      tpu.yield
    }) : () -> ()
    "tpu.region"() ({
      %run_scoped3A = tpu.sem_alloc : memref<!tpu.dma_semaphore, #tpu.memory_space<semaphore_mem>>
      %dma_start3A = tpu.memref_slice %arg9[%mul3A_4] : memref<8192xf32, #tpu.memory_space<hbm>> -> memref<4096xf32, #tpu.memory_space<hbm>>
      %dma_start3A_18 = tpu.memref_slice %arg9[%mul3A_4] : memref<8192xf32, #tpu.memory_space<hbm>> -> memref<4096xf32, #tpu.memory_space<hbm>>
      tpu.enqueue_dma source(%dma_start3A_18 : memref<4096xf32, #tpu.memory_space<hbm>>) target(%arg24 : memref<4096xf32, #tpu.memory_space<vmem>>) target_semaphore(%run_scoped3A : memref<!tpu.dma_semaphore, #tpu.memory_space<semaphore_mem>>)
      %dma_wait3A = tpu.memref_slice %arg9[%mul3A_4] : memref<8192xf32, #tpu.memory_space<hbm>> -> memref<4096xf32, #tpu.memory_space<hbm>>
      %dma_wait3A_19 = tpu.memref_slice %arg9[%mul3A_4] : memref<8192xf32, #tpu.memory_space<hbm>> -> memref<4096xf32, #tpu.memory_space<hbm>>
      tpu.wait_dma2 semaphore(%run_scoped3A : memref<!tpu.dma_semaphore, #tpu.memory_space<semaphore_mem>>) src(%dma_wait3A_19 : memref<4096xf32, #tpu.memory_space<hbm>>) dst(%arg24 : memref<4096xf32, #tpu.memory_space<vmem>>)
      tpu.yield
    }) : () -> ()
    "tpu.region"() ({
      %run_scoped3A = tpu.sem_alloc : memref<!tpu.dma_semaphore, #tpu.memory_space<semaphore_mem>>
      %dma_start3A = tpu.memref_slice %arg10[%mul3A_4] : memref<8192xf32, #tpu.memory_space<hbm>> -> memref<4096xf32, #tpu.memory_space<hbm>>
      %dma_start3A_18 = tpu.memref_slice %arg10[%mul3A_4] : memref<8192xf32, #tpu.memory_space<hbm>> -> memref<4096xf32, #tpu.memory_space<hbm>>
      tpu.enqueue_dma source(%dma_start3A_18 : memref<4096xf32, #tpu.memory_space<hbm>>) target(%arg25 : memref<4096xf32, #tpu.memory_space<vmem>>) target_semaphore(%run_scoped3A : memref<!tpu.dma_semaphore, #tpu.memory_space<semaphore_mem>>)
      %dma_wait3A = tpu.memref_slice %arg10[%mul3A_4] : memref<8192xf32, #tpu.memory_space<hbm>> -> memref<4096xf32, #tpu.memory_space<hbm>>
      %dma_wait3A_19 = tpu.memref_slice %arg10[%mul3A_4] : memref<8192xf32, #tpu.memory_space<hbm>> -> memref<4096xf32, #tpu.memory_space<hbm>>
      tpu.wait_dma2 semaphore(%run_scoped3A : memref<!tpu.dma_semaphore, #tpu.memory_space<semaphore_mem>>) src(%dma_wait3A_19 : memref<4096xf32, #tpu.memory_space<hbm>>) dst(%arg25 : memref<4096xf32, #tpu.memory_space<vmem>>)
      tpu.yield
    }) : () -> ()
    %scan3A = arith.constant 0 : i32
    %scan3A_5 = arith.constant 0 : i32
    %scan3A_6 = arith.constant 256 : i32
    %scan3A_7 = arith.addi %scan3A_5, %scan3A_6 : i32
    %scan3A_8 = arith.constant 1 : i32
    %scan3A_9 = scf.for %scan3A_18 = %scan3A_5 to %scan3A_7 step %scan3A_8 iter_args(%scan3A_19 = %scan3A) -> (i32)  : i32 {
      %mul3A_20 = arith.constant 16 : i32
      %mul3A_21 = arith.muli %scan3A_18, %mul3A_20 : i32
      %get3A = arith.index_cast %mul3A_21 : i32 to index
      %get3A_22 = tpu.vector_load %arg20[%get3A] {strides = array<i32>} : memref<4096xf32, #tpu.memory_space<vmem>>, vector<16xf32>,
      %get3A_23 = vector.shape_cast %get3A_22 : vector<16xf32> to vector<16xf32>
      %get3A_24 = arith.index_cast %mul3A_21 : i32 to index
      %get3A_25 = tpu.vector_load %arg21[%get3A_24] {strides = array<i32>} : memref<4096xf32, #tpu.memory_space<vmem>>, vector<16xf32>,
      %get3A_26 = vector.shape_cast %get3A_25 : vector<16xf32> to vector<16xf32>
      %get3A_27 = arith.index_cast %mul3A_21 : i32 to index
      %get3A_28 = tpu.vector_load %arg22[%get3A_27] {strides = array<i32>} : memref<4096xf32, #tpu.memory_space<vmem>>, vector<16xf32>,
      %get3A_29 = vector.shape_cast %get3A_28 : vector<16xf32> to vector<16xf32>
      %get3A_30 = arith.index_cast %mul3A_21 : i32 to index
      %get3A_31 = tpu.vector_load %arg23[%get3A_30] {strides = array<i32>} : memref<4096xf32, #tpu.memory_space<vmem>>, vector<16xf32>,
      %get3A_32 = vector.shape_cast %get3A_31 : vector<16xf32> to vector<16xf32>
      %get3A_33 = arith.index_cast %mul3A_21 : i32 to index
      %get3A_34 = tpu.vector_load %arg24[%get3A_33] {strides = array<i32>} : memref<4096xf32, #tpu.memory_space<vmem>>, vector<16xf32>,
      %get3A_35 = vector.shape_cast %get3A_34 : vector<16xf32> to vector<16xf32>
      %get3A_36 = arith.index_cast %mul3A_21 : i32 to index
      %get3A_37 = tpu.vector_load %arg25[%get3A_36] {strides = array<i32>} : memref<4096xf32, #tpu.memory_space<vmem>>, vector<16xf32>,
      %get3A_38 = vector.shape_cast %get3A_37 : vector<16xf32> to vector<16xf32>
      %mul3A_39 = arith.constant 6.553700e+04 : f32
      %mul3A_40 = vector.broadcast %mul3A_39 : f32 to vector<16xf32>
      %mul3A_41 = arith.mulf %get3A_23, %mul3A_40 : vector<16xf32>
      %sub3A = arith.subf %mul3A_41, %get3A_23 : vector<16xf32>
      %sub3A_42 = arith.subf %mul3A_41, %sub3A : vector<16xf32>
      %mul3A_43 = arith.constant 6.553700e+04 : f32
      %mul3A_44 = vector.broadcast %mul3A_43 : f32 to vector<16xf32>
      %mul3A_45 = arith.mulf %get3A_26, %mul3A_44 : vector<16xf32>
      %sub3A_46 = arith.subf %mul3A_45, %get3A_26 : vector<16xf32>
      %sub3A_47 = arith.subf %mul3A_45, %sub3A_46 : vector<16xf32>
      %mul3A_48 = arith.constant 6.553700e+04 : f32
      %mul3A_49 = vector.broadcast %mul3A_48 : f32 to vector<16xf32>
      %mul3A_50 = arith.mulf %get3A_29, %mul3A_49 : vector<16xf32>
      %sub3A_51 = arith.subf %mul3A_50, %get3A_29 : vector<16xf32>
      %sub3A_52 = arith.subf %mul3A_50, %sub3A_51 : vector<16xf32>
      %swap3A = arith.index_cast %mul3A_21 : i32 to index
      %swap3A_53 = tpu.vector_load %arg32[%swap3A] {strides = array<i32>} : memref<4096xf32, #tpu.memory_space<vmem>>, vector<16xf32>,
      %swap3A_54 = vector.shape_cast %swap3A_53 : vector<16xf32> to vector<16xf32>
      %swap3A_55 = vector.shape_cast %sub3A_42 : vector<16xf32> to vector<16xf32>
      tpu.vector_store %arg32[%swap3A], %swap3A_55 {strides = array<i32>} : memref<4096xf32, #tpu.memory_space<vmem>>, vector<16xf32>,
      %swap3A_56 = arith.index_cast %mul3A_21 : i32 to index
      %swap3A_57 = tpu.vector_load %arg33[%swap3A_56] {strides = array<i32>} : memref<4096xf32, #tpu.memory_space<vmem>>, vector<16xf32>,
      %swap3A_58 = vector.shape_cast %swap3A_57 : vector<16xf32> to vector<16xf32>
      %swap3A_59 = vector.shape_cast %sub3A_47 : vector<16xf32> to vector<16xf32>
      tpu.vector_store %arg33[%swap3A_56], %swap3A_59 {strides = array<i32>} : memref<4096xf32, #tpu.memory_space<vmem>>, vector<16xf32>,
      %swap3A_60 = arith.index_cast %mul3A_21 : i32 to index
      %swap3A_61 = tpu.vector_load %arg34[%swap3A_60] {strides = array<i32>} : memref<4096xf32, #tpu.memory_space<vmem>>, vector<16xf32>,
      %swap3A_62 = vector.shape_cast %swap3A_61 : vector<16xf32> to vector<16xf32>
      %swap3A_63 = vector.shape_cast %sub3A_52 : vector<16xf32> to vector<16xf32>
      tpu.vector_store %arg34[%swap3A_60], %swap3A_63 {strides = array<i32>} : memref<4096xf32, #tpu.memory_space<vmem>>, vector<16xf32>,
      %mul3A_64 = arith.constant 6.553700e+04 : f32
      %mul3A_65 = vector.broadcast %mul3A_64 : f32 to vector<16xf32>
      %mul3A_66 = arith.mulf %get3A_32, %mul3A_65 : vector<16xf32>
      %sub3A_67 = arith.subf %mul3A_66, %get3A_32 : vector<16xf32>
      %sub3A_68 = arith.subf %mul3A_66, %sub3A_67 : vector<16xf32>
      %mul3A_69 = arith.constant 6.553700e+04 : f32
      %mul3A_70 = vector.broadcast %mul3A_69 : f32 to vector<16xf32>
      %mul3A_71 = arith.mulf %get3A_35, %mul3A_70 : vector<16xf32>
      %sub3A_72 = arith.subf %mul3A_71, %get3A_35 : vector<16xf32>
      %sub3A_73 = arith.subf %mul3A_71, %sub3A_72 : vector<16xf32>
      %mul3A_74 = arith.constant 6.553700e+04 : f32
      %mul3A_75 = vector.broadcast %mul3A_74 : f32 to vector<16xf32>
      %mul3A_76 = arith.mulf %get3A_38, %mul3A_75 : vector<16xf32>
      %sub3A_77 = arith.subf %mul3A_76, %get3A_38 : vector<16xf32>
      %sub3A_78 = arith.subf %mul3A_76, %sub3A_77 : vector<16xf32>
      %swap3A_79 = arith.index_cast %mul3A_21 : i32 to index
      %swap3A_80 = tpu.vector_load %arg35[%swap3A_79] {strides = array<i32>} : memref<4096xf32, #tpu.memory_space<vmem>>, vector<16xf32>,
      %swap3A_81 = vector.shape_cast %swap3A_80 : vector<16xf32> to vector<16xf32>
      %swap3A_82 = vector.shape_cast %sub3A_68 : vector<16xf32> to vector<16xf32>
      tpu.vector_store %arg35[%swap3A_79], %swap3A_82 {strides = array<i32>} : memref<4096xf32, #tpu.memory_space<vmem>>, vector<16xf32>,
      %swap3A_83 = arith.index_cast %mul3A_21 : i32 to index
      %swap3A_84 = tpu.vector_load %arg36[%swap3A_83] {strides = array<i32>} : memref<4096xf32, #tpu.memory_space<vmem>>, vector<16xf32>,
      %swap3A_85 = vector.shape_cast %swap3A_84 : vector<16xf32> to vector<16xf32>
      %swap3A_86 = vector.shape_cast %sub3A_73 : vector<16xf32> to vector<16xf32>
      tpu.vector_store %arg36[%swap3A_83], %swap3A_86 {strides = array<i32>} : memref<4096xf32, #tpu.memory_space<vmem>>, vector<16xf32>,
      %swap3A_87 = arith.index_cast %mul3A_21 : i32 to index
      %swap3A_88 = tpu.vector_load %arg37[%swap3A_87] {strides = array<i32>} : memref<4096xf32, #tpu.memory_space<vmem>>, vector<16xf32>,
      %swap3A_89 = vector.shape_cast %swap3A_88 : vector<16xf32> to vector<16xf32>
      %swap3A_90 = vector.shape_cast %sub3A_78 : vector<16xf32> to vector<16xf32>
      tpu.vector_store %arg37[%swap3A_87], %swap3A_90 {strides = array<i32>} : memref<4096xf32, #tpu.memory_space<vmem>>, vector<16xf32>,
      %mul3A_91 = arith.mulf %get3A_23, %get3A_23 : vector<16xf32>
      %mul3A_92 = arith.mulf %get3A_26, %get3A_26 : vector<16xf32>
      %add3A_93 = arith.addf %mul3A_91, %mul3A_92 : vector<16xf32>
      %mul3A_94 = arith.mulf %get3A_29, %get3A_29 : vector<16xf32>
      %add3A_95 = arith.addf %add3A_93, %mul3A_94 : vector<16xf32>
      %swap3A_96 = arith.index_cast %mul3A_21 : i32 to index
      %swap3A_97 = tpu.vector_load %arg38[%swap3A_96] {strides = array<i32>} : memref<4096xf32, #tpu.memory_space<vmem>>, vector<16xf32>,
      %swap3A_98 = vector.shape_cast %swap3A_97 : vector<16xf32> to vector<16xf32>
      %swap3A_99 = vector.shape_cast %add3A_95 : vector<16xf32> to vector<16xf32>
      tpu.vector_store %arg38[%swap3A_96], %swap3A_99 {strides = array<i32>} : memref<4096xf32, #tpu.memory_space<vmem>>, vector<16xf32>,
      %mul3A_100 = arith.mulf %get3A_32, %get3A_32 : vector<16xf32>
      %mul3A_101 = arith.mulf %get3A_35, %get3A_35 : vector<16xf32>
      %add3A_102 = arith.addf %mul3A_100, %mul3A_101 : vector<16xf32>
      %mul3A_103 = arith.mulf %get3A_38, %get3A_38 : vector<16xf32>
      %add3A_104 = arith.addf %add3A_102, %mul3A_103 : vector<16xf32>
      %swap3A_105 = arith.index_cast %mul3A_21 : i32 to index
      %swap3A_106 = tpu.vector_load %arg39[%swap3A_105] {strides = array<i32>} : memref<4096xf32, #tpu.memory_space<vmem>>, vector<16xf32>,
      %swap3A_107 = vector.shape_cast %swap3A_106 : vector<16xf32> to vector<16xf32>
      %swap3A_108 = vector.shape_cast %add3A_104 : vector<16xf32> to vector<16xf32>
      tpu.vector_store %arg39[%swap3A_105], %swap3A_108 {strides = array<i32>} : memref<4096xf32, #tpu.memory_space<vmem>>, vector<16xf32>,
      %scan3A_109 = arith.constant 0 : i32
      scf.yield %scan3A_109 : i32
    }
    %scan3A_10 = arith.constant 256 : i32
    %scan3A_11 = arith.constant 0 : i32
    %scan3A_12 = arith.constant 0 : i32
    %scan3A_13 = arith.constant 48 : i32
    %scan3A_14 = arith.addi %scan3A_12, %scan3A_13 : i32
    %scan3A_15 = arith.constant 1 : i32
    %scan3A_16 = scf.for %scan3A_18 = %scan3A_12 to %scan3A_14 step %scan3A_15 iter_args(%scan3A_19 = %scan3A_11) -> (i32)  : i32 {
      %mul3A_20 = arith.constant 16 : i32
      %mul3A_21 = arith.muli %scan3A_18, %mul3A_20 : i32
      %get3A = arith.index_cast %mul3A_21 : i32 to index
      %get3A_22 = tpu.vector_load %arg17[%get3A] {strides = array<i32>} : memref<768xf32, #tpu.memory_space<vmem>>, vector<16xf32>,
      %get3A_23 = vector.shape_cast %get3A_22 : vector<16xf32> to vector<16xf32>
      %mul3A_24 = arith.constant 16 : i32
      %mul3A_25 = arith.muli %scan3A_18, %mul3A_24 : i32
      %get3A_26 = arith.index_cast %mul3A_25 : i32 to index
      %get3A_27 = tpu.vector_load %arg18[%get3A_26] {strides = array<i32>} : memref<768xf32, #tpu.memory_space<vmem>>, vector<16xf32>,
      %get3A_28 = vector.shape_cast %get3A_27 : vector<16xf32> to vector<16xf32>
      %mul3A_29 = arith.constant 16 : i32
      %mul3A_30 = arith.muli %scan3A_18, %mul3A_29 : i32
      %get3A_31 = arith.index_cast %mul3A_30 : i32 to index
      %get3A_32 = tpu.vector_load %arg19[%get3A_31] {strides = array<i32>} : memref<768xf32, #tpu.memory_space<vmem>>, vector<16xf32>,
      %get3A_33 = vector.shape_cast %get3A_32 : vector<16xf32> to vector<16xf32>
      %mul3A_34 = arith.constant 6.553700e+04 : f32
      %mul3A_35 = vector.broadcast %mul3A_34 : f32 to vector<16xf32>
      %mul3A_36 = arith.mulf %get3A_23, %mul3A_35 : vector<16xf32>
      %sub3A = arith.subf %mul3A_36, %get3A_23 : vector<16xf32>
      %sub3A_37 = arith.subf %mul3A_36, %sub3A : vector<16xf32>
      %mul3A_38 = arith.constant 6.553700e+04 : f32
      %mul3A_39 = vector.broadcast %mul3A_38 : f32 to vector<16xf32>
      %mul3A_40 = arith.mulf %get3A_28, %mul3A_39 : vector<16xf32>
      %sub3A_41 = arith.subf %mul3A_40, %get3A_28 : vector<16xf32>
      %sub3A_42 = arith.subf %mul3A_40, %sub3A_41 : vector<16xf32>
      %mul3A_43 = arith.constant 6.553700e+04 : f32
      %mul3A_44 = vector.broadcast %mul3A_43 : f32 to vector<16xf32>
      %mul3A_45 = arith.mulf %get3A_33, %mul3A_44 : vector<16xf32>
      %sub3A_46 = arith.subf %mul3A_45, %get3A_33 : vector<16xf32>
      %sub3A_47 = arith.subf %mul3A_45, %sub3A_46 : vector<16xf32>
      %mul3A_48 = arith.mulf %get3A_23, %get3A_23 : vector<16xf32>
      %mul3A_49 = arith.mulf %get3A_28, %get3A_28 : vector<16xf32>
      %add3A_50 = arith.addf %mul3A_48, %mul3A_49 : vector<16xf32>
      %mul3A_51 = arith.mulf %get3A_33, %get3A_33 : vector<16xf32>
      %add3A_52 = arith.addf %add3A_50, %mul3A_51 : vector<16xf32>
      %broadcast_in_dim3A = arith.constant 1.000000e+30 : f32
      %broadcast_in_dim3A_53 = vector.broadcast %broadcast_in_dim3A : f32 to vector<16xf32>
      %broadcast_in_dim3A_54 = arith.constant 0 : i32
      %broadcast_in_dim3A_55 = vector.broadcast %broadcast_in_dim3A_54 : i32 to vector<16xi32>
      %scan3A_56 = arith.constant 0 : i32
      %scan3A_57 = arith.constant 256 : i32
      %scan3A_58 = arith.addi %scan3A_56, %scan3A_57 : i32
      %scan3A_59 = arith.constant 1 : i32
      %scan3A_60:10 = scf.for %scan3A_777 = %scan3A_56 to %scan3A_58 step %scan3A_59 iter_args(%scan3A_778 = %broadcast_in_dim3A_53, %scan3A_779 = %broadcast_in_dim3A_53, %scan3A_780 = %broadcast_in_dim3A_53, %scan3A_781 = %broadcast_in_dim3A_53, %scan3A_782 = %broadcast_in_dim3A_53, %scan3A_783 = %broadcast_in_dim3A_55, %scan3A_784 = %broadcast_in_dim3A_55, %scan3A_785 = %broadcast_in_dim3A_55, %scan3A_786 = %broadcast_in_dim3A_55, %scan3A_787 = %broadcast_in_dim3A_55) -> (vector<16xf32>, vector<16xf32>, vector<16xf32>, vector<16xf32>, vector<16xf32>, vector<16xi32>, vector<16xi32>, vector<16xi32>, vector<16xi32>, vector<16xi32>)  : i32 {
        %mul3A_788 = arith.constant 16 : i32
        %mul3A_789 = arith.muli %scan3A_777, %mul3A_788 : i32
        %get3A_790 = arith.index_cast %mul3A_789 : i32 to index
        %get3A_791 = tpu.vector_load %arg32[%get3A_790] {strides = array<i32>} : memref<4096xf32, #tpu.memory_space<vmem>>, vector<16xf32>,
        %get3A_792 = vector.shape_cast %get3A_791 : vector<16xf32> to vector<16xf32>
        %get3A_793 = arith.index_cast %mul3A_789 : i32 to index
        %get3A_794 = tpu.vector_load %arg33[%get3A_793] {strides = array<i32>} : memref<4096xf32, #tpu.memory_space<vmem>>, vector<16xf32>,
        %get3A_795 = vector.shape_cast %get3A_794 : vector<16xf32> to vector<16xf32>
        %get3A_796 = arith.index_cast %mul3A_789 : i32 to index
        %get3A_797 = tpu.vector_load %arg34[%get3A_796] {strides = array<i32>} : memref<4096xf32, #tpu.memory_space<vmem>>, vector<16xf32>,
        %get3A_798 = vector.shape_cast %get3A_797 : vector<16xf32> to vector<16xf32>
        %get3A_799 = arith.index_cast %mul3A_789 : i32 to index
        %get3A_800 = tpu.vector_load %arg38[%get3A_799] {strides = array<i32>} : memref<4096xf32, #tpu.memory_space<vmem>>, vector<16xf32>,
        %get3A_801 = vector.shape_cast %get3A_800 : vector<16xf32> to vector<16xf32>
        %slice3A = vector.extract_strided_slice %get3A_792 {offsets = [0], sizes = [1], strides = [1]} : vector<16xf32> to vector<1xf32>
        %squeeze3A = vector.extract %slice3A[0] : f32 from vector<1xf32>
        %mul3A_802 = vector.broadcast %squeeze3A : f32 to vector<16xf32>
        %mul3A_803 = arith.mulf %sub3A_37, %mul3A_802 : vector<16xf32>
        %slice3A_804 = vector.extract_strided_slice %get3A_795 {offsets = [0], sizes = [1], strides = [1]} : vector<16xf32> to vector<1xf32>
        %squeeze3A_805 = vector.extract %slice3A_804[0] : f32 from vector<1xf32>
        %mul3A_806 = vector.broadcast %squeeze3A_805 : f32 to vector<16xf32>
        %mul3A_807 = arith.mulf %sub3A_42, %mul3A_806 : vector<16xf32>
        %add3A_808 = arith.addf %mul3A_803, %mul3A_807 : vector<16xf32>
        %slice3A_809 = vector.extract_strided_slice %get3A_798 {offsets = [0], sizes = [1], strides = [1]} : vector<16xf32> to vector<1xf32>
        %squeeze3A_810 = vector.extract %slice3A_809[0] : f32 from vector<1xf32>
        %mul3A_811 = vector.broadcast %squeeze3A_810 : f32 to vector<16xf32>
        %mul3A_812 = arith.mulf %sub3A_47, %mul3A_811 : vector<16xf32>
        %add3A_813 = arith.addf %add3A_808, %mul3A_812 : vector<16xf32>
        %slice3A_814 = vector.extract_strided_slice %get3A_801 {offsets = [0], sizes = [1], strides = [1]} : vector<16xf32> to vector<1xf32>
        %squeeze3A_815 = vector.extract %slice3A_814[0] : f32 from vector<1xf32>
        %add3A_816 = vector.broadcast %squeeze3A_815 : f32 to vector<16xf32>
        %add3A_817 = arith.addf %add3A_52, %add3A_816 : vector<16xf32>
        %mul3A_818 = arith.constant 2.000000e+00 : f32
        %mul3A_819 = vector.broadcast %mul3A_818 : f32 to vector<16xf32>
        %mul3A_820 = arith.mulf %mul3A_819, %add3A_813 : vector<16xf32>
        %sub3A_821 = arith.subf %add3A_817, %mul3A_820 : vector<16xf32>
        %max3A = arith.constant 0.000000e+00 : f32
        %max3A_822 = vector.broadcast %max3A : f32 to vector<16xf32>
        %max3A_823 = arith.maximumf %sub3A_821, %max3A_822 : vector<16xf32>
        %add3A_824 = arith.constant 0 : i32
        %add3A_825 = arith.addi %mul3A_789, %add3A_824 : i32
        %broadcast_in_dim3A_826 = vector.broadcast %add3A_825 : i32 to vector<16xi32>
        %lt3A = arith.cmpf olt, %max3A_823, %scan3A_778 : vector<16xf32>
        %select_n3A = arith.select %lt3A, %max3A_823, %scan3A_778 : vector<16xi1>, vector<16xf32>
        %select_n3A_827 = arith.select %lt3A, %scan3A_778, %max3A_823 : vector<16xi1>, vector<16xf32>
        %select_n3A_828 = arith.select %lt3A, %broadcast_in_dim3A_826, %scan3A_783 : vector<16xi1>, vector<16xi32>
        %select_n3A_829 = arith.select %lt3A, %scan3A_783, %broadcast_in_dim3A_826 : vector<16xi1>, vector<16xi32>
        %lt3A_830 = arith.cmpf olt, %select_n3A_827, %scan3A_779 : vector<16xf32>
        %select_n3A_831 = arith.select %lt3A_830, %select_n3A_827, %scan3A_779 : vector<16xi1>, vector<16xf32>
        %select_n3A_832 = arith.select %lt3A_830, %scan3A_779, %select_n3A_827 : vector<16xi1>, vector<16xf32>
        %select_n3A_833 = arith.select %lt3A_830, %select_n3A_829, %scan3A_784 : vector<16xi1>, vector<16xi32>
        %select_n3A_834 = arith.select %lt3A_830, %scan3A_784, %select_n3A_829 : vector<16xi1>, vector<16xi32>
        %lt3A_835 = arith.cmpf olt, %select_n3A_832, %scan3A_780 : vector<16xf32>
        %select_n3A_836 = arith.select %lt3A_835, %select_n3A_832, %scan3A_780 : vector<16xi1>, vector<16xf32>
        %select_n3A_837 = arith.select %lt3A_835, %scan3A_780, %select_n3A_832 : vector<16xi1>, vector<16xf32>
        %select_n3A_838 = arith.select %lt3A_835, %select_n3A_834, %scan3A_785 : vector<16xi1>, vector<16xi32>
        %select_n3A_839 = arith.select %lt3A_835, %scan3A_785, %select_n3A_834 : vector<16xi1>, vector<16xi32>
        %lt3A_840 = arith.cmpf olt, %select_n3A_837, %scan3A_781 : vector<16xf32>
        %select_n3A_841 = arith.select %lt3A_840, %select_n3A_837, %scan3A_781 : vector<16xi1>, vector<16xf32>
        %select_n3A_842 = arith.select %lt3A_840, %scan3A_781, %select_n3A_837 : vector<16xi1>, vector<16xf32>
        %select_n3A_843 = arith.select %lt3A_840, %select_n3A_839, %scan3A_786 : vector<16xi1>, vector<16xi32>
        %select_n3A_844 = arith.select %lt3A_840, %scan3A_786, %select_n3A_839 : vector<16xi1>, vector<16xi32>
        %lt3A_845 = arith.cmpf olt, %select_n3A_842, %scan3A_782 : vector<16xf32>
        %select_n3A_846 = arith.select %lt3A_845, %select_n3A_842, %scan3A_782 : vector<16xi1>, vector<16xf32>
        %select_n3A_847 = arith.select %lt3A_845, %scan3A_782, %select_n3A_842 : vector<16xi1>, vector<16xf32>
        %select_n3A_848 = arith.select %lt3A_845, %select_n3A_844, %scan3A_787 : vector<16xi1>, vector<16xi32>
        %select_n3A_849 = arith.select %lt3A_845, %scan3A_787, %select_n3A_844 : vector<16xi1>, vector<16xi32>
        %slice3A_850 = vector.extract_strided_slice %get3A_792 {offsets = [1], sizes = [1], strides = [1]} : vector<16xf32> to vector<1xf32>
        %squeeze3A_851 = vector.extract %slice3A_850[0] : f32 from vector<1xf32>
        %mul3A_852 = vector.broadcast %squeeze3A_851 : f32 to vector<16xf32>
        %mul3A_853 = arith.mulf %sub3A_37, %mul3A_852 : vector<16xf32>
        %slice3A_854 = vector.extract_strided_slice %get3A_795 {offsets = [1], sizes = [1], strides = [1]} : vector<16xf32> to vector<1xf32>
        %squeeze3A_855 = vector.extract %slice3A_854[0] : f32 from vector<1xf32>
        %mul3A_856 = vector.broadcast %squeeze3A_855 : f32 to vector<16xf32>
        %mul3A_857 = arith.mulf %sub3A_42, %mul3A_856 : vector<16xf32>
        %add3A_858 = arith.addf %mul3A_853, %mul3A_857 : vector<16xf32>
        %slice3A_859 = vector.extract_strided_slice %get3A_798 {offsets = [1], sizes = [1], strides = [1]} : vector<16xf32> to vector<1xf32>
        %squeeze3A_860 = vector.extract %slice3A_859[0] : f32 from vector<1xf32>
        %mul3A_861 = vector.broadcast %squeeze3A_860 : f32 to vector<16xf32>
        %mul3A_862 = arith.mulf %sub3A_47, %mul3A_861 : vector<16xf32>
        %add3A_863 = arith.addf %add3A_858, %mul3A_862 : vector<16xf32>
        %slice3A_864 = vector.extract_strided_slice %get3A_801 {offsets = [1], sizes = [1], strides = [1]} : vector<16xf32> to vector<1xf32>
        %squeeze3A_865 = vector.extract %slice3A_864[0] : f32 from vector<1xf32>
        %add3A_866 = vector.broadcast %squeeze3A_865 : f32 to vector<16xf32>
        %add3A_867 = arith.addf %add3A_52, %add3A_866 : vector<16xf32>
        %mul3A_868 = arith.constant 2.000000e+00 : f32
        %mul3A_869 = vector.broadcast %mul3A_868 : f32 to vector<16xf32>
        %mul3A_870 = arith.mulf %mul3A_869, %add3A_863 : vector<16xf32>
        %sub3A_871 = arith.subf %add3A_867, %mul3A_870 : vector<16xf32>
        %max3A_872 = arith.constant 0.000000e+00 : f32
        %max3A_873 = vector.broadcast %max3A_872 : f32 to vector<16xf32>
        %max3A_874 = arith.maximumf %sub3A_871, %max3A_873 : vector<16xf32>
        %add3A_875 = arith.constant 1 : i32
        %add3A_876 = arith.addi %mul3A_789, %add3A_875 : i32
        %broadcast_in_dim3A_877 = vector.broadcast %add3A_876 : i32 to vector<16xi32>
        %lt3A_878 = arith.cmpf olt, %max3A_874, %select_n3A : vector<16xf32>
        %select_n3A_879 = arith.select %lt3A_878, %max3A_874, %select_n3A : vector<16xi1>, vector<16xf32>
        %select_n3A_880 = arith.select %lt3A_878, %select_n3A, %max3A_874 : vector<16xi1>, vector<16xf32>
        %select_n3A_881 = arith.select %lt3A_878, %broadcast_in_dim3A_877, %select_n3A_828 : vector<16xi1>, vector<16xi32>
        %select_n3A_882 = arith.select %lt3A_878, %select_n3A_828, %broadcast_in_dim3A_877 : vector<16xi1>, vector<16xi32>
        %lt3A_883 = arith.cmpf olt, %select_n3A_880, %select_n3A_831 : vector<16xf32>
        %select_n3A_884 = arith.select %lt3A_883, %select_n3A_880, %select_n3A_831 : vector<16xi1>, vector<16xf32>
        %select_n3A_885 = arith.select %lt3A_883, %select_n3A_831, %select_n3A_880 : vector<16xi1>, vector<16xf32>
        %select_n3A_886 = arith.select %lt3A_883, %select_n3A_882, %select_n3A_833 : vector<16xi1>, vector<16xi32>
        %select_n3A_887 = arith.select %lt3A_883, %select_n3A_833, %select_n3A_882 : vector<16xi1>, vector<16xi32>
        %lt3A_888 = arith.cmpf olt, %select_n3A_885, %select_n3A_836 : vector<16xf32>
        %select_n3A_889 = arith.select %lt3A_888, %select_n3A_885, %select_n3A_836 : vector<16xi1>, vector<16xf32>
        %select_n3A_890 = arith.select %lt3A_888, %select_n3A_836, %select_n3A_885 : vector<16xi1>, vector<16xf32>
        %select_n3A_891 = arith.select %lt3A_888, %select_n3A_887, %select_n3A_838 : vector<16xi1>, vector<16xi32>
        %select_n3A_892 = arith.select %lt3A_888, %select_n3A_838, %select_n3A_887 : vector<16xi1>, vector<16xi32>
        %lt3A_893 = arith.cmpf olt, %select_n3A_890, %select_n3A_841 : vector<16xf32>
        %select_n3A_894 = arith.select %lt3A_893, %select_n3A_890, %select_n3A_841 : vector<16xi1>, vector<16xf32>
        %select_n3A_895 = arith.select %lt3A_893, %select_n3A_841, %select_n3A_890 : vector<16xi1>, vector<16xf32>
        %select_n3A_896 = arith.select %lt3A_893, %select_n3A_892, %select_n3A_843 : vector<16xi1>, vector<16xi32>
        %select_n3A_897 = arith.select %lt3A_893, %select_n3A_843, %select_n3A_892 : vector<16xi1>, vector<16xi32>
        %lt3A_898 = arith.cmpf olt, %select_n3A_895, %select_n3A_846 : vector<16xf32>
        %select_n3A_899 = arith.select %lt3A_898, %select_n3A_895, %select_n3A_846 : vector<16xi1>, vector<16xf32>
        %select_n3A_900 = arith.select %lt3A_898, %select_n3A_846, %select_n3A_895 : vector<16xi1>, vector<16xf32>
        %select_n3A_901 = arith.select %lt3A_898, %select_n3A_897, %select_n3A_848 : vector<16xi1>, vector<16xi32>
        %select_n3A_902 = arith.select %lt3A_898, %select_n3A_848, %select_n3A_897 : vector<16xi1>, vector<16xi32>
        %slice3A_903 = vector.extract_strided_slice %get3A_792 {offsets = [2], sizes = [1], strides = [1]} : vector<16xf32> to vector<1xf32>
        %squeeze3A_904 = vector.extract %slice3A_903[0] : f32 from vector<1xf32>
        %mul3A_905 = vector.broadcast %squeeze3A_904 : f32 to vector<16xf32>
        %mul3A_906 = arith.mulf %sub3A_37, %mul3A_905 : vector<16xf32>
        %slice3A_907 = vector.extract_strided_slice %get3A_795 {offsets = [2], sizes = [1], strides = [1]} : vector<16xf32> to vector<1xf32>
        %squeeze3A_908 = vector.extract %slice3A_907[0] : f32 from vector<1xf32>
        %mul3A_909 = vector.broadcast %squeeze3A_908 : f32 to vector<16xf32>
        %mul3A_910 = arith.mulf %sub3A_42, %mul3A_909 : vector<16xf32>
        %add3A_911 = arith.addf %mul3A_906, %mul3A_910 : vector<16xf32>
        %slice3A_912 = vector.extract_strided_slice %get3A_798 {offsets = [2], sizes = [1], strides = [1]} : vector<16xf32> to vector<1xf32>
        %squeeze3A_913 = vector.extract %slice3A_912[0] : f32 from vector<1xf32>
        %mul3A_914 = vector.broadcast %squeeze3A_913 : f32 to vector<16xf32>
        %mul3A_915 = arith.mulf %sub3A_47, %mul3A_914 : vector<16xf32>
        %add3A_916 = arith.addf %add3A_911, %mul3A_915 : vector<16xf32>
        %slice3A_917 = vector.extract_strided_slice %get3A_801 {offsets = [2], sizes = [1], strides = [1]} : vector<16xf32> to vector<1xf32>
        %squeeze3A_918 = vector.extract %slice3A_917[0] : f32 from vector<1xf32>
        %add3A_919 = vector.broadcast %squeeze3A_918 : f32 to vector<16xf32>
        %add3A_920 = arith.addf %add3A_52, %add3A_919 : vector<16xf32>
        %mul3A_921 = arith.constant 2.000000e+00 : f32
        %mul3A_922 = vector.broadcast %mul3A_921 : f32 to vector<16xf32>
        %mul3A_923 = arith.mulf %mul3A_922, %add3A_916 : vector<16xf32>
        %sub3A_924 = arith.subf %add3A_920, %mul3A_923 : vector<16xf32>
        %max3A_925 = arith.constant 0.000000e+00 : f32
        %max3A_926 = vector.broadcast %max3A_925 : f32 to vector<16xf32>
        %max3A_927 = arith.maximumf %sub3A_924, %max3A_926 : vector<16xf32>
        %add3A_928 = arith.constant 2 : i32
        %add3A_929 = arith.addi %mul3A_789, %add3A_928 : i32
        %broadcast_in_dim3A_930 = vector.broadcast %add3A_929 : i32 to vector<16xi32>
        %lt3A_931 = arith.cmpf olt, %max3A_927, %select_n3A_879 : vector<16xf32>
        %select_n3A_932 = arith.select %lt3A_931, %max3A_927, %select_n3A_879 : vector<16xi1>, vector<16xf32>
        %select_n3A_933 = arith.select %lt3A_931, %select_n3A_879, %max3A_927 : vector<16xi1>, vector<16xf32>
        %select_n3A_934 = arith.select %lt3A_931, %broadcast_in_dim3A_930, %select_n3A_881 : vector<16xi1>, vector<16xi32>
        %select_n3A_935 = arith.select %lt3A_931, %select_n3A_881, %broadcast_in_dim3A_930 : vector<16xi1>, vector<16xi32>
        %lt3A_936 = arith.cmpf olt, %select_n3A_933, %select_n3A_884 : vector<16xf32>
        %select_n3A_937 = arith.select %lt3A_936, %select_n3A_933, %select_n3A_884 : vector<16xi1>, vector<16xf32>
        %select_n3A_938 = arith.select %lt3A_936, %select_n3A_884, %select_n3A_933 : vector<16xi1>, vector<16xf32>
        %select_n3A_939 = arith.select %lt3A_936, %select_n3A_935, %select_n3A_886 : vector<16xi1>, vector<16xi32>
        %select_n3A_940 = arith.select %lt3A_936, %select_n3A_886, %select_n3A_935 : vector<16xi1>, vector<16xi32>
        %lt3A_941 = arith.cmpf olt, %select_n3A_938, %select_n3A_889 : vector<16xf32>
        %select_n3A_942 = arith.select %lt3A_941, %select_n3A_938, %select_n3A_889 : vector<16xi1>, vector<16xf32>
        %select_n3A_943 = arith.select %lt3A_941, %select_n3A_889, %select_n3A_938 : vector<16xi1>, vector<16xf32>
        %select_n3A_944 = arith.select %lt3A_941, %select_n3A_940, %select_n3A_891 : vector<16xi1>, vector<16xi32>
        %select_n3A_945 = arith.select %lt3A_941, %select_n3A_891, %select_n3A_940 : vector<16xi1>, vector<16xi32>
        %lt3A_946 = arith.cmpf olt, %select_n3A_943, %select_n3A_894 : vector<16xf32>
        %select_n3A_947 = arith.select %lt3A_946, %select_n3A_943, %select_n3A_894 : vector<16xi1>, vector<16xf32>
        %select_n3A_948 = arith.select %lt3A_946, %select_n3A_894, %select_n3A_943 : vector<16xi1>, vector<16xf32>
        %select_n3A_949 = arith.select %lt3A_946, %select_n3A_945, %select_n3A_896 : vector<16xi1>, vector<16xi32>
        %select_n3A_950 = arith.select %lt3A_946, %select_n3A_896, %select_n3A_945 : vector<16xi1>, vector<16xi32>
        %lt3A_951 = arith.cmpf olt, %select_n3A_948, %select_n3A_899 : vector<16xf32>
        %select_n3A_952 = arith.select %lt3A_951, %select_n3A_948, %select_n3A_899 : vector<16xi1>, vector<16xf32>
        %select_n3A_953 = arith.select %lt3A_951, %select_n3A_899, %select_n3A_948 : vector<16xi1>, vector<16xf32>
        %select_n3A_954 = arith.select %lt3A_951, %select_n3A_950, %select_n3A_901 : vector<16xi1>, vector<16xi32>
        %select_n3A_955 = arith.select %lt3A_951, %select_n3A_901, %select_n3A_950 : vector<16xi1>, vector<16xi32>
        %slice3A_956 = vector.extract_strided_slice %get3A_792 {offsets = [3], sizes = [1], strides = [1]} : vector<16xf32> to vector<1xf32>
        %squeeze3A_957 = vector.extract %slice3A_956[0] : f32 from vector<1xf32>
        %mul3A_958 = vector.broadcast %squeeze3A_957 : f32 to vector<16xf32>
        %mul3A_959 = arith.mulf %sub3A_37, %mul3A_958 : vector<16xf32>
        %slice3A_960 = vector.extract_strided_slice %get3A_795 {offsets = [3], sizes = [1], strides = [1]} : vector<16xf32> to vector<1xf32>
        %squeeze3A_961 = vector.extract %slice3A_960[0] : f32 from vector<1xf32>
        %mul3A_962 = vector.broadcast %squeeze3A_961 : f32 to vector<16xf32>
        %mul3A_963 = arith.mulf %sub3A_42, %mul3A_962 : vector<16xf32>
        %add3A_964 = arith.addf %mul3A_959, %mul3A_963 : vector<16xf32>
        %slice3A_965 = vector.extract_strided_slice %get3A_798 {offsets = [3], sizes = [1], strides = [1]} : vector<16xf32> to vector<1xf32>
        %squeeze3A_966 = vector.extract %slice3A_965[0] : f32 from vector<1xf32>
        %mul3A_967 = vector.broadcast %squeeze3A_966 : f32 to vector<16xf32>
        %mul3A_968 = arith.mulf %sub3A_47, %mul3A_967 : vector<16xf32>
        %add3A_969 = arith.addf %add3A_964, %mul3A_968 : vector<16xf32>
        %slice3A_970 = vector.extract_strided_slice %get3A_801 {offsets = [3], sizes = [1], strides = [1]} : vector<16xf32> to vector<1xf32>
        %squeeze3A_971 = vector.extract %slice3A_970[0] : f32 from vector<1xf32>
        %add3A_972 = vector.broadcast %squeeze3A_971 : f32 to vector<16xf32>
        %add3A_973 = arith.addf %add3A_52, %add3A_972 : vector<16xf32>
        %mul3A_974 = arith.constant 2.000000e+00 : f32
        %mul3A_975 = vector.broadcast %mul3A_974 : f32 to vector<16xf32>
        %mul3A_976 = arith.mulf %mul3A_975, %add3A_969 : vector<16xf32>
        %sub3A_977 = arith.subf %add3A_973, %mul3A_976 : vector<16xf32>
        %max3A_978 = arith.constant 0.000000e+00 : f32
        %max3A_979 = vector.broadcast %max3A_978 : f32 to vector<16xf32>
        %max3A_980 = arith.maximumf %sub3A_977, %max3A_979 : vector<16xf32>
        %add3A_981 = arith.constant 3 : i32
        %add3A_982 = arith.addi %mul3A_789, %add3A_981 : i32
        %broadcast_in_dim3A_983 = vector.broadcast %add3A_982 : i32 to vector<16xi32>
        %lt3A_984 = arith.cmpf olt, %max3A_980, %select_n3A_932 : vector<16xf32>
        %select_n3A_985 = arith.select %lt3A_984, %max3A_980, %select_n3A_932 : vector<16xi1>, vector<16xf32>
        %select_n3A_986 = arith.select %lt3A_984, %select_n3A_932, %max3A_980 : vector<16xi1>, vector<16xf32>
        %select_n3A_987 = arith.select %lt3A_984, %broadcast_in_dim3A_983, %select_n3A_934 : vector<16xi1>, vector<16xi32>
        %select_n3A_988 = arith.select %lt3A_984, %select_n3A_934, %broadcast_in_dim3A_983 : vector<16xi1>, vector<16xi32>
        %lt3A_989 = arith.cmpf olt, %select_n3A_986, %select_n3A_937 : vector<16xf32>
        %select_n3A_990 = arith.select %lt3A_989, %select_n3A_986, %select_n3A_937 : vector<16xi1>, vector<16xf32>
        %select_n3A_991 = arith.select %lt3A_989, %select_n3A_937, %select_n3A_986 : vector<16xi1>, vector<16xf32>
        %select_n3A_992 = arith.select %lt3A_989, %select_n3A_988, %select_n3A_939 : vector<16xi1>, vector<16xi32>
        %select_n3A_993 = arith.select %lt3A_989, %select_n3A_939, %select_n3A_988 : vector<16xi1>, vector<16xi32>
        %lt3A_994 = arith.cmpf olt, %select_n3A_991, %select_n3A_942 : vector<16xf32>
        %select_n3A_995 = arith.select %lt3A_994, %select_n3A_991, %select_n3A_942 : vector<16xi1>, vector<16xf32>
        %select_n3A_996 = arith.select %lt3A_994, %select_n3A_942, %select_n3A_991 : vector<16xi1>, vector<16xf32>
        %select_n3A_997 = arith.select %lt3A_994, %select_n3A_993, %select_n3A_944 : vector<16xi1>, vector<16xi32>
        %select_n3A_998 = arith.select %lt3A_994, %select_n3A_944, %select_n3A_993 : vector<16xi1>, vector<16xi32>
        %lt3A_999 = arith.cmpf olt, %select_n3A_996, %select_n3A_947 : vector<16xf32>
        %select_n3A_1000 = arith.select %lt3A_999, %select_n3A_996, %select_n3A_947 : vector<16xi1>, vector<16xf32>
        %select_n3A_1001 = arith.select %lt3A_999, %select_n3A_947, %select_n3A_996 : vector<16xi1>, vector<16xf32>
        %select_n3A_1002 = arith.select %lt3A_999, %select_n3A_998, %select_n3A_949 : vector<16xi1>, vector<16xi32>
        %select_n3A_1003 = arith.select %lt3A_999, %select_n3A_949, %select_n3A_998 : vector<16xi1>, vector<16xi32>
        %lt3A_1004 = arith.cmpf olt, %select_n3A_1001, %select_n3A_952 : vector<16xf32>
        %select_n3A_1005 = arith.select %lt3A_1004, %select_n3A_1001, %select_n3A_952 : vector<16xi1>, vector<16xf32>
        %select_n3A_1006 = arith.select %lt3A_1004, %select_n3A_952, %select_n3A_1001 : vector<16xi1>, vector<16xf32>
        %select_n3A_1007 = arith.select %lt3A_1004, %select_n3A_1003, %select_n3A_954 : vector<16xi1>, vector<16xi32>
        %select_n3A_1008 = arith.select %lt3A_1004, %select_n3A_954, %select_n3A_1003 : vector<16xi1>, vector<16xi32>
        %slice3A_1009 = vector.extract_strided_slice %get3A_792 {offsets = [4], sizes = [1], strides = [1]} : vector<16xf32> to vector<1xf32>
        %squeeze3A_1010 = vector.extract %slice3A_1009[0] : f32 from vector<1xf32>
        %mul3A_1011 = vector.broadcast %squeeze3A_1010 : f32 to vector<16xf32>
        %mul3A_1012 = arith.mulf %sub3A_37, %mul3A_1011 : vector<16xf32>
        %slice3A_1013 = vector.extract_strided_slice %get3A_795 {offsets = [4], sizes = [1], strides = [1]} : vector<16xf32> to vector<1xf32>
        %squeeze3A_1014 = vector.extract %slice3A_1013[0] : f32 from vector<1xf32>
        %mul3A_1015 = vector.broadcast %squeeze3A_1014 : f32 to vector<16xf32>
        %mul3A_1016 = arith.mulf %sub3A_42, %mul3A_1015 : vector<16xf32>
        %add3A_1017 = arith.addf %mul3A_1012, %mul3A_1016 : vector<16xf32>
        %slice3A_1018 = vector.extract_strided_slice %get3A_798 {offsets = [4], sizes = [1], strides = [1]} : vector<16xf32> to vector<1xf32>
        %squeeze3A_1019 = vector.extract %slice3A_1018[0] : f32 from vector<1xf32>
        %mul3A_1020 = vector.broadcast %squeeze3A_1019 : f32 to vector<16xf32>
        %mul3A_1021 = arith.mulf %sub3A_47, %mul3A_1020 : vector<16xf32>
        %add3A_1022 = arith.addf %add3A_1017, %mul3A_1021 : vector<16xf32>
        %slice3A_1023 = vector.extract_strided_slice %get3A_801 {offsets = [4], sizes = [1], strides = [1]} : vector<16xf32> to vector<1xf32>
        %squeeze3A_1024 = vector.extract %slice3A_1023[0] : f32 from vector<1xf32>
        %add3A_1025 = vector.broadcast %squeeze3A_1024 : f32 to vector<16xf32>
        %add3A_1026 = arith.addf %add3A_52, %add3A_1025 : vector<16xf32>
        %mul3A_1027 = arith.constant 2.000000e+00 : f32
        %mul3A_1028 = vector.broadcast %mul3A_1027 : f32 to vector<16xf32>
        %mul3A_1029 = arith.mulf %mul3A_1028, %add3A_1022 : vector<16xf32>
        %sub3A_1030 = arith.subf %add3A_1026, %mul3A_1029 : vector<16xf32>
        %max3A_1031 = arith.constant 0.000000e+00 : f32
        %max3A_1032 = vector.broadcast %max3A_1031 : f32 to vector<16xf32>
        %max3A_1033 = arith.maximumf %sub3A_1030, %max3A_1032 : vector<16xf32>
        %add3A_1034 = arith.constant 4 : i32
        %add3A_1035 = arith.addi %mul3A_789, %add3A_1034 : i32
        %broadcast_in_dim3A_1036 = vector.broadcast %add3A_1035 : i32 to vector<16xi32>
        %lt3A_1037 = arith.cmpf olt, %max3A_1033, %select_n3A_985 : vector<16xf32>
        %select_n3A_1038 = arith.select %lt3A_1037, %max3A_1033, %select_n3A_985 : vector<16xi1>, vector<16xf32>
        %select_n3A_1039 = arith.select %lt3A_1037, %select_n3A_985, %max3A_1033 : vector<16xi1>, vector<16xf32>
        %select_n3A_1040 = arith.select %lt3A_1037, %broadcast_in_dim3A_1036, %select_n3A_987 : vector<16xi1>, vector<16xi32>
        %select_n3A_1041 = arith.select %lt3A_1037, %select_n3A_987, %broadcast_in_dim3A_1036 : vector<16xi1>, vector<16xi32>
        %lt3A_1042 = arith.cmpf olt, %select_n3A_1039, %select_n3A_990 : vector<16xf32>
        %select_n3A_1043 = arith.select %lt3A_1042, %select_n3A_1039, %select_n3A_990 : vector<16xi1>, vector<16xf32>
        %select_n3A_1044 = arith.select %lt3A_1042, %select_n3A_990, %select_n3A_1039 : vector<16xi1>, vector<16xf32>
        %select_n3A_1045 = arith.select %lt3A_1042, %select_n3A_1041, %select_n3A_992 : vector<16xi1>, vector<16xi32>
        %select_n3A_1046 = arith.select %lt3A_1042, %select_n3A_992, %select_n3A_1041 : vector<16xi1>, vector<16xi32>
        %lt3A_1047 = arith.cmpf olt, %select_n3A_1044, %select_n3A_995 : vector<16xf32>
        %select_n3A_1048 = arith.select %lt3A_1047, %select_n3A_1044, %select_n3A_995 : vector<16xi1>, vector<16xf32>
        %select_n3A_1049 = arith.select %lt3A_1047, %select_n3A_995, %select_n3A_1044 : vector<16xi1>, vector<16xf32>
        %select_n3A_1050 = arith.select %lt3A_1047, %select_n3A_1046, %select_n3A_997 : vector<16xi1>, vector<16xi32>
        %select_n3A_1051 = arith.select %lt3A_1047, %select_n3A_997, %select_n3A_1046 : vector<16xi1>, vector<16xi32>
        %lt3A_1052 = arith.cmpf olt, %select_n3A_1049, %select_n3A_1000 : vector<16xf32>
        %select_n3A_1053 = arith.select %lt3A_1052, %select_n3A_1049, %select_n3A_1000 : vector<16xi1>, vector<16xf32>
        %select_n3A_1054 = arith.select %lt3A_1052, %select_n3A_1000, %select_n3A_1049 : vector<16xi1>, vector<16xf32>
        %select_n3A_1055 = arith.select %lt3A_1052, %select_n3A_1051, %select_n3A_1002 : vector<16xi1>, vector<16xi32>
        %select_n3A_1056 = arith.select %lt3A_1052, %select_n3A_1002, %select_n3A_1051 : vector<16xi1>, vector<16xi32>
        %lt3A_1057 = arith.cmpf olt, %select_n3A_1054, %select_n3A_1005 : vector<16xf32>
        %select_n3A_1058 = arith.select %lt3A_1057, %select_n3A_1054, %select_n3A_1005 : vector<16xi1>, vector<16xf32>
        %select_n3A_1059 = arith.select %lt3A_1057, %select_n3A_1005, %select_n3A_1054 : vector<16xi1>, vector<16xf32>
        %select_n3A_1060 = arith.select %lt3A_1057, %select_n3A_1056, %select_n3A_1007 : vector<16xi1>, vector<16xi32>
        %select_n3A_1061 = arith.select %lt3A_1057, %select_n3A_1007, %select_n3A_1056 : vector<16xi1>, vector<16xi32>
        %slice3A_1062 = vector.extract_strided_slice %get3A_792 {offsets = [5], sizes = [1], strides = [1]} : vector<16xf32> to vector<1xf32>
        %squeeze3A_1063 = vector.extract %slice3A_1062[0] : f32 from vector<1xf32>
        %mul3A_1064 = vector.broadcast %squeeze3A_1063 : f32 to vector<16xf32>
        %mul3A_1065 = arith.mulf %sub3A_37, %mul3A_1064 : vector<16xf32>
        %slice3A_1066 = vector.extract_strided_slice %get3A_795 {offsets = [5], sizes = [1], strides = [1]} : vector<16xf32> to vector<1xf32>
        %squeeze3A_1067 = vector.extract %slice3A_1066[0] : f32 from vector<1xf32>
        %mul3A_1068 = vector.broadcast %squeeze3A_1067 : f32 to vector<16xf32>
        %mul3A_1069 = arith.mulf %sub3A_42, %mul3A_1068 : vector<16xf32>
        %add3A_1070 = arith.addf %mul3A_1065, %mul3A_1069 : vector<16xf32>
        %slice3A_1071 = vector.extract_strided_slice %get3A_798 {offsets = [5], sizes = [1], strides = [1]} : vector<16xf32> to vector<1xf32>
        %squeeze3A_1072 = vector.extract %slice3A_1071[0] : f32 from vector<1xf32>
        %mul3A_1073 = vector.broadcast %squeeze3A_1072 : f32 to vector<16xf32>
        %mul3A_1074 = arith.mulf %sub3A_47, %mul3A_1073 : vector<16xf32>
        %add3A_1075 = arith.addf %add3A_1070, %mul3A_1074 : vector<16xf32>
        %slice3A_1076 = vector.extract_strided_slice %get3A_801 {offsets = [5], sizes = [1], strides = [1]} : vector<16xf32> to vector<1xf32>
        %squeeze3A_1077 = vector.extract %slice3A_1076[0] : f32 from vector<1xf32>
        %add3A_1078 = vector.broadcast %squeeze3A_1077 : f32 to vector<16xf32>
        %add3A_1079 = arith.addf %add3A_52, %add3A_1078 : vector<16xf32>
        %mul3A_1080 = arith.constant 2.000000e+00 : f32
        %mul3A_1081 = vector.broadcast %mul3A_1080 : f32 to vector<16xf32>
        %mul3A_1082 = arith.mulf %mul3A_1081, %add3A_1075 : vector<16xf32>
        %sub3A_1083 = arith.subf %add3A_1079, %mul3A_1082 : vector<16xf32>
        %max3A_1084 = arith.constant 0.000000e+00 : f32
        %max3A_1085 = vector.broadcast %max3A_1084 : f32 to vector<16xf32>
        %max3A_1086 = arith.maximumf %sub3A_1083, %max3A_1085 : vector<16xf32>
        %add3A_1087 = arith.constant 5 : i32
        %add3A_1088 = arith.addi %mul3A_789, %add3A_1087 : i32
        %broadcast_in_dim3A_1089 = vector.broadcast %add3A_1088 : i32 to vector<16xi32>
        %lt3A_1090 = arith.cmpf olt, %max3A_1086, %select_n3A_1038 : vector<16xf32>
        %select_n3A_1091 = arith.select %lt3A_1090, %max3A_1086, %select_n3A_1038 : vector<16xi1>, vector<16xf32>
        %select_n3A_1092 = arith.select %lt3A_1090, %select_n3A_1038, %max3A_1086 : vector<16xi1>, vector<16xf32>
        %select_n3A_1093 = arith.select %lt3A_1090, %broadcast_in_dim3A_1089, %select_n3A_1040 : vector<16xi1>, vector<16xi32>
        %select_n3A_1094 = arith.select %lt3A_1090, %select_n3A_1040, %broadcast_in_dim3A_1089 : vector<16xi1>, vector<16xi32>
        %lt3A_1095 = arith.cmpf olt, %select_n3A_1092, %select_n3A_1043 : vector<16xf32>
        %select_n3A_1096 = arith.select %lt3A_1095, %select_n3A_1092, %select_n3A_1043 : vector<16xi1>, vector<16xf32>
        %select_n3A_1097 = arith.select %lt3A_1095, %select_n3A_1043, %select_n3A_1092 : vector<16xi1>, vector<16xf32>
        %select_n3A_1098 = arith.select %lt3A_1095, %select_n3A_1094, %select_n3A_1045 : vector<16xi1>, vector<16xi32>
        %select_n3A_1099 = arith.select %lt3A_1095, %select_n3A_1045, %select_n3A_1094 : vector<16xi1>, vector<16xi32>
        %lt3A_1100 = arith.cmpf olt, %select_n3A_1097, %select_n3A_1048 : vector<16xf32>
        %select_n3A_1101 = arith.select %lt3A_1100, %select_n3A_1097, %select_n3A_1048 : vector<16xi1>, vector<16xf32>
        %select_n3A_1102 = arith.select %lt3A_1100, %select_n3A_1048, %select_n3A_1097 : vector<16xi1>, vector<16xf32>
        %select_n3A_1103 = arith.select %lt3A_1100, %select_n3A_1099, %select_n3A_1050 : vector<16xi1>, vector<16xi32>
        %select_n3A_1104 = arith.select %lt3A_1100, %select_n3A_1050, %select_n3A_1099 : vector<16xi1>, vector<16xi32>
        %lt3A_1105 = arith.cmpf olt, %select_n3A_1102, %select_n3A_1053 : vector<16xf32>
        %select_n3A_1106 = arith.select %lt3A_1105, %select_n3A_1102, %select_n3A_1053 : vector<16xi1>, vector<16xf32>
        %select_n3A_1107 = arith.select %lt3A_1105, %select_n3A_1053, %select_n3A_1102 : vector<16xi1>, vector<16xf32>
        %select_n3A_1108 = arith.select %lt3A_1105, %select_n3A_1104, %select_n3A_1055 : vector<16xi1>, vector<16xi32>
        %select_n3A_1109 = arith.select %lt3A_1105, %select_n3A_1055, %select_n3A_1104 : vector<16xi1>, vector<16xi32>
        %lt3A_1110 = arith.cmpf olt, %select_n3A_1107, %select_n3A_1058 : vector<16xf32>
        %select_n3A_1111 = arith.select %lt3A_1110, %select_n3A_1107, %select_n3A_1058 : vector<16xi1>, vector<16xf32>
        %select_n3A_1112 = arith.select %lt3A_1110, %select_n3A_1058, %select_n3A_1107 : vector<16xi1>, vector<16xf32>
        %select_n3A_1113 = arith.select %lt3A_1110, %select_n3A_1109, %select_n3A_1060 : vector<16xi1>, vector<16xi32>
        %select_n3A_1114 = arith.select %lt3A_1110, %select_n3A_1060, %select_n3A_1109 : vector<16xi1>, vector<16xi32>
        %slice3A_1115 = vector.extract_strided_slice %get3A_792 {offsets = [6], sizes = [1], strides = [1]} : vector<16xf32> to vector<1xf32>
        %squeeze3A_1116 = vector.extract %slice3A_1115[0] : f32 from vector<1xf32>
        %mul3A_1117 = vector.broadcast %squeeze3A_1116 : f32 to vector<16xf32>
        %mul3A_1118 = arith.mulf %sub3A_37, %mul3A_1117 : vector<16xf32>
        %slice3A_1119 = vector.extract_strided_slice %get3A_795 {offsets = [6], sizes = [1], strides = [1]} : vector<16xf32> to vector<1xf32>
        %squeeze3A_1120 = vector.extract %slice3A_1119[0] : f32 from vector<1xf32>
        %mul3A_1121 = vector.broadcast %squeeze3A_1120 : f32 to vector<16xf32>
        %mul3A_1122 = arith.mulf %sub3A_42, %mul3A_1121 : vector<16xf32>
        %add3A_1123 = arith.addf %mul3A_1118, %mul3A_1122 : vector<16xf32>
        %slice3A_1124 = vector.extract_strided_slice %get3A_798 {offsets = [6], sizes = [1], strides = [1]} : vector<16xf32> to vector<1xf32>
        %squeeze3A_1125 = vector.extract %slice3A_1124[0] : f32 from vector<1xf32>
        %mul3A_1126 = vector.broadcast %squeeze3A_1125 : f32 to vector<16xf32>
        %mul3A_1127 = arith.mulf %sub3A_47, %mul3A_1126 : vector<16xf32>
        %add3A_1128 = arith.addf %add3A_1123, %mul3A_1127 : vector<16xf32>
        %slice3A_1129 = vector.extract_strided_slice %get3A_801 {offsets = [6], sizes = [1], strides = [1]} : vector<16xf32> to vector<1xf32>
        %squeeze3A_1130 = vector.extract %slice3A_1129[0] : f32 from vector<1xf32>
        %add3A_1131 = vector.broadcast %squeeze3A_1130 : f32 to vector<16xf32>
        %add3A_1132 = arith.addf %add3A_52, %add3A_1131 : vector<16xf32>
        %mul3A_1133 = arith.constant 2.000000e+00 : f32
        %mul3A_1134 = vector.broadcast %mul3A_1133 : f32 to vector<16xf32>
        %mul3A_1135 = arith.mulf %mul3A_1134, %add3A_1128 : vector<16xf32>
        %sub3A_1136 = arith.subf %add3A_1132, %mul3A_1135 : vector<16xf32>
        %max3A_1137 = arith.constant 0.000000e+00 : f32
        %max3A_1138 = vector.broadcast %max3A_1137 : f32 to vector<16xf32>
        %max3A_1139 = arith.maximumf %sub3A_1136, %max3A_1138 : vector<16xf32>
        %add3A_1140 = arith.constant 6 : i32
        %add3A_1141 = arith.addi %mul3A_789, %add3A_1140 : i32
        %broadcast_in_dim3A_1142 = vector.broadcast %add3A_1141 : i32 to vector<16xi32>
        %lt3A_1143 = arith.cmpf olt, %max3A_1139, %select_n3A_1091 : vector<16xf32>
        %select_n3A_1144 = arith.select %lt3A_1143, %max3A_1139, %select_n3A_1091 : vector<16xi1>, vector<16xf32>
        %select_n3A_1145 = arith.select %lt3A_1143, %select_n3A_1091, %max3A_1139 : vector<16xi1>, vector<16xf32>
        %select_n3A_1146 = arith.select %lt3A_1143, %broadcast_in_dim3A_1142, %select_n3A_1093 : vector<16xi1>, vector<16xi32>
        %select_n3A_1147 = arith.select %lt3A_1143, %select_n3A_1093, %broadcast_in_dim3A_1142 : vector<16xi1>, vector<16xi32>
        %lt3A_1148 = arith.cmpf olt, %select_n3A_1145, %select_n3A_1096 : vector<16xf32>
        %select_n3A_1149 = arith.select %lt3A_1148, %select_n3A_1145, %select_n3A_1096 : vector<16xi1>, vector<16xf32>
        %select_n3A_1150 = arith.select %lt3A_1148, %select_n3A_1096, %select_n3A_1145 : vector<16xi1>, vector<16xf32>
        %select_n3A_1151 = arith.select %lt3A_1148, %select_n3A_1147, %select_n3A_1098 : vector<16xi1>, vector<16xi32>
        %select_n3A_1152 = arith.select %lt3A_1148, %select_n3A_1098, %select_n3A_1147 : vector<16xi1>, vector<16xi32>
        %lt3A_1153 = arith.cmpf olt, %select_n3A_1150, %select_n3A_1101 : vector<16xf32>
        %select_n3A_1154 = arith.select %lt3A_1153, %select_n3A_1150, %select_n3A_1101 : vector<16xi1>, vector<16xf32>
        %select_n3A_1155 = arith.select %lt3A_1153, %select_n3A_1101, %select_n3A_1150 : vector<16xi1>, vector<16xf32>
        %select_n3A_1156 = arith.select %lt3A_1153, %select_n3A_1152, %select_n3A_1103 : vector<16xi1>, vector<16xi32>
        %select_n3A_1157 = arith.select %lt3A_1153, %select_n3A_1103, %select_n3A_1152 : vector<16xi1>, vector<16xi32>
        %lt3A_1158 = arith.cmpf olt, %select_n3A_1155, %select_n3A_1106 : vector<16xf32>
        %select_n3A_1159 = arith.select %lt3A_1158, %select_n3A_1155, %select_n3A_1106 : vector<16xi1>, vector<16xf32>
        %select_n3A_1160 = arith.select %lt3A_1158, %select_n3A_1106, %select_n3A_1155 : vector<16xi1>, vector<16xf32>
        %select_n3A_1161 = arith.select %lt3A_1158, %select_n3A_1157, %select_n3A_1108 : vector<16xi1>, vector<16xi32>
        %select_n3A_1162 = arith.select %lt3A_1158, %select_n3A_1108, %select_n3A_1157 : vector<16xi1>, vector<16xi32>
        %lt3A_1163 = arith.cmpf olt, %select_n3A_1160, %select_n3A_1111 : vector<16xf32>
        %select_n3A_1164 = arith.select %lt3A_1163, %select_n3A_1160, %select_n3A_1111 : vector<16xi1>, vector<16xf32>
        %select_n3A_1165 = arith.select %lt3A_1163, %select_n3A_1111, %select_n3A_1160 : vector<16xi1>, vector<16xf32>
        %select_n3A_1166 = arith.select %lt3A_1163, %select_n3A_1162, %select_n3A_1113 : vector<16xi1>, vector<16xi32>
        %select_n3A_1167 = arith.select %lt3A_1163, %select_n3A_1113, %select_n3A_1162 : vector<16xi1>, vector<16xi32>
        %slice3A_1168 = vector.extract_strided_slice %get3A_792 {offsets = [7], sizes = [1], strides = [1]} : vector<16xf32> to vector<1xf32>
        %squeeze3A_1169 = vector.extract %slice3A_1168[0] : f32 from vector<1xf32>
        %mul3A_1170 = vector.broadcast %squeeze3A_1169 : f32 to vector<16xf32>
        %mul3A_1171 = arith.mulf %sub3A_37, %mul3A_1170 : vector<16xf32>
        %slice3A_1172 = vector.extract_strided_slice %get3A_795 {offsets = [7], sizes = [1], strides = [1]} : vector<16xf32> to vector<1xf32>
        %squeeze3A_1173 = vector.extract %slice3A_1172[0] : f32 from vector<1xf32>
        %mul3A_1174 = vector.broadcast %squeeze3A_1173 : f32 to vector<16xf32>
        %mul3A_1175 = arith.mulf %sub3A_42, %mul3A_1174 : vector<16xf32>
        %add3A_1176 = arith.addf %mul3A_1171, %mul3A_1175 : vector<16xf32>
        %slice3A_1177 = vector.extract_strided_slice %get3A_798 {offsets = [7], sizes = [1], strides = [1]} : vector<16xf32> to vector<1xf32>
        %squeeze3A_1178 = vector.extract %slice3A_1177[0] : f32 from vector<1xf32>
        %mul3A_1179 = vector.broadcast %squeeze3A_1178 : f32 to vector<16xf32>
        %mul3A_1180 = arith.mulf %sub3A_47, %mul3A_1179 : vector<16xf32>
        %add3A_1181 = arith.addf %add3A_1176, %mul3A_1180 : vector<16xf32>
        %slice3A_1182 = vector.extract_strided_slice %get3A_801 {offsets = [7], sizes = [1], strides = [1]} : vector<16xf32> to vector<1xf32>
        %squeeze3A_1183 = vector.extract %slice3A_1182[0] : f32 from vector<1xf32>
        %add3A_1184 = vector.broadcast %squeeze3A_1183 : f32 to vector<16xf32>
        %add3A_1185 = arith.addf %add3A_52, %add3A_1184 : vector<16xf32>
        %mul3A_1186 = arith.constant 2.000000e+00 : f32
        %mul3A_1187 = vector.broadcast %mul3A_1186 : f32 to vector<16xf32>
        %mul3A_1188 = arith.mulf %mul3A_1187, %add3A_1181 : vector<16xf32>
        %sub3A_1189 = arith.subf %add3A_1185, %mul3A_1188 : vector<16xf32>
        %max3A_1190 = arith.constant 0.000000e+00 : f32
        %max3A_1191 = vector.broadcast %max3A_1190 : f32 to vector<16xf32>
        %max3A_1192 = arith.maximumf %sub3A_1189, %max3A_1191 : vector<16xf32>
        %add3A_1193 = arith.constant 7 : i32
        %add3A_1194 = arith.addi %mul3A_789, %add3A_1193 : i32
        %broadcast_in_dim3A_1195 = vector.broadcast %add3A_1194 : i32 to vector<16xi32>
        %lt3A_1196 = arith.cmpf olt, %max3A_1192, %select_n3A_1144 : vector<16xf32>
        %select_n3A_1197 = arith.select %lt3A_1196, %max3A_1192, %select_n3A_1144 : vector<16xi1>, vector<16xf32>
        %select_n3A_1198 = arith.select %lt3A_1196, %select_n3A_1144, %max3A_1192 : vector<16xi1>, vector<16xf32>
        %select_n3A_1199 = arith.select %lt3A_1196, %broadcast_in_dim3A_1195, %select_n3A_1146 : vector<16xi1>, vector<16xi32>
        %select_n3A_1200 = arith.select %lt3A_1196, %select_n3A_1146, %broadcast_in_dim3A_1195 : vector<16xi1>, vector<16xi32>
        %lt3A_1201 = arith.cmpf olt, %select_n3A_1198, %select_n3A_1149 : vector<16xf32>
        %select_n3A_1202 = arith.select %lt3A_1201, %select_n3A_1198, %select_n3A_1149 : vector<16xi1>, vector<16xf32>
        %select_n3A_1203 = arith.select %lt3A_1201, %select_n3A_1149, %select_n3A_1198 : vector<16xi1>, vector<16xf32>
        %select_n3A_1204 = arith.select %lt3A_1201, %select_n3A_1200, %select_n3A_1151 : vector<16xi1>, vector<16xi32>
        %select_n3A_1205 = arith.select %lt3A_1201, %select_n3A_1151, %select_n3A_1200 : vector<16xi1>, vector<16xi32>
        %lt3A_1206 = arith.cmpf olt, %select_n3A_1203, %select_n3A_1154 : vector<16xf32>
        %select_n3A_1207 = arith.select %lt3A_1206, %select_n3A_1203, %select_n3A_1154 : vector<16xi1>, vector<16xf32>
        %select_n3A_1208 = arith.select %lt3A_1206, %select_n3A_1154, %select_n3A_1203 : vector<16xi1>, vector<16xf32>
        %select_n3A_1209 = arith.select %lt3A_1206, %select_n3A_1205, %select_n3A_1156 : vector<16xi1>, vector<16xi32>
        %select_n3A_1210 = arith.select %lt3A_1206, %select_n3A_1156, %select_n3A_1205 : vector<16xi1>, vector<16xi32>
        %lt3A_1211 = arith.cmpf olt, %select_n3A_1208, %select_n3A_1159 : vector<16xf32>
        %select_n3A_1212 = arith.select %lt3A_1211, %select_n3A_1208, %select_n3A_1159 : vector<16xi1>, vector<16xf32>
        %select_n3A_1213 = arith.select %lt3A_1211, %select_n3A_1159, %select_n3A_1208 : vector<16xi1>, vector<16xf32>
        %select_n3A_1214 = arith.select %lt3A_1211, %select_n3A_1210, %select_n3A_1161 : vector<16xi1>, vector<16xi32>
        %select_n3A_1215 = arith.select %lt3A_1211, %select_n3A_1161, %select_n3A_1210 : vector<16xi1>, vector<16xi32>
        %lt3A_1216 = arith.cmpf olt, %select_n3A_1213, %select_n3A_1164 : vector<16xf32>
        %select_n3A_1217 = arith.select %lt3A_1216, %select_n3A_1213, %select_n3A_1164 : vector<16xi1>, vector<16xf32>
        %select_n3A_1218 = arith.select %lt3A_1216, %select_n3A_1164, %select_n3A_1213 : vector<16xi1>, vector<16xf32>
        %select_n3A_1219 = arith.select %lt3A_1216, %select_n3A_1215, %select_n3A_1166 : vector<16xi1>, vector<16xi32>
        %select_n3A_1220 = arith.select %lt3A_1216, %select_n3A_1166, %select_n3A_1215 : vector<16xi1>, vector<16xi32>
        %slice3A_1221 = vector.extract_strided_slice %get3A_792 {offsets = [8], sizes = [1], strides = [1]} : vector<16xf32> to vector<1xf32>
        %squeeze3A_1222 = vector.extract %slice3A_1221[0] : f32 from vector<1xf32>
        %mul3A_1223 = vector.broadcast %squeeze3A_1222 : f32 to vector<16xf32>
        %mul3A_1224 = arith.mulf %sub3A_37, %mul3A_1223 : vector<16xf32>
        %slice3A_1225 = vector.extract_strided_slice %get3A_795 {offsets = [8], sizes = [1], strides = [1]} : vector<16xf32> to vector<1xf32>
        %squeeze3A_1226 = vector.extract %slice3A_1225[0] : f32 from vector<1xf32>
        %mul3A_1227 = vector.broadcast %squeeze3A_1226 : f32 to vector<16xf32>
        %mul3A_1228 = arith.mulf %sub3A_42, %mul3A_1227 : vector<16xf32>
        %add3A_1229 = arith.addf %mul3A_1224, %mul3A_1228 : vector<16xf32>
        %slice3A_1230 = vector.extract_strided_slice %get3A_798 {offsets = [8], sizes = [1], strides = [1]} : vector<16xf32> to vector<1xf32>
        %squeeze3A_1231 = vector.extract %slice3A_1230[0] : f32 from vector<1xf32>
        %mul3A_1232 = vector.broadcast %squeeze3A_1231 : f32 to vector<16xf32>
        %mul3A_1233 = arith.mulf %sub3A_47, %mul3A_1232 : vector<16xf32>
        %add3A_1234 = arith.addf %add3A_1229, %mul3A_1233 : vector<16xf32>
        %slice3A_1235 = vector.extract_strided_slice %get3A_801 {offsets = [8], sizes = [1], strides = [1]} : vector<16xf32> to vector<1xf32>
        %squeeze3A_1236 = vector.extract %slice3A_1235[0] : f32 from vector<1xf32>
        %add3A_1237 = vector.broadcast %squeeze3A_1236 : f32 to vector<16xf32>
        %add3A_1238 = arith.addf %add3A_52, %add3A_1237 : vector<16xf32>
        %mul3A_1239 = arith.constant 2.000000e+00 : f32
        %mul3A_1240 = vector.broadcast %mul3A_1239 : f32 to vector<16xf32>
        %mul3A_1241 = arith.mulf %mul3A_1240, %add3A_1234 : vector<16xf32>
        %sub3A_1242 = arith.subf %add3A_1238, %mul3A_1241 : vector<16xf32>
        %max3A_1243 = arith.constant 0.000000e+00 : f32
        %max3A_1244 = vector.broadcast %max3A_1243 : f32 to vector<16xf32>
        %max3A_1245 = arith.maximumf %sub3A_1242, %max3A_1244 : vector<16xf32>
        %add3A_1246 = arith.constant 8 : i32
        %add3A_1247 = arith.addi %mul3A_789, %add3A_1246 : i32
        %broadcast_in_dim3A_1248 = vector.broadcast %add3A_1247 : i32 to vector<16xi32>
        %lt3A_1249 = arith.cmpf olt, %max3A_1245, %select_n3A_1197 : vector<16xf32>
        %select_n3A_1250 = arith.select %lt3A_1249, %max3A_1245, %select_n3A_1197 : vector<16xi1>, vector<16xf32>
        %select_n3A_1251 = arith.select %lt3A_1249, %select_n3A_1197, %max3A_1245 : vector<16xi1>, vector<16xf32>
        %select_n3A_1252 = arith.select %lt3A_1249, %broadcast_in_dim3A_1248, %select_n3A_1199 : vector<16xi1>, vector<16xi32>
        %select_n3A_1253 = arith.select %lt3A_1249, %select_n3A_1199, %broadcast_in_dim3A_1248 : vector<16xi1>, vector<16xi32>
        %lt3A_1254 = arith.cmpf olt, %select_n3A_1251, %select_n3A_1202 : vector<16xf32>
        %select_n3A_1255 = arith.select %lt3A_1254, %select_n3A_1251, %select_n3A_1202 : vector<16xi1>, vector<16xf32>
        %select_n3A_1256 = arith.select %lt3A_1254, %select_n3A_1202, %select_n3A_1251 : vector<16xi1>, vector<16xf32>
        %select_n3A_1257 = arith.select %lt3A_1254, %select_n3A_1253, %select_n3A_1204 : vector<16xi1>, vector<16xi32>
        %select_n3A_1258 = arith.select %lt3A_1254, %select_n3A_1204, %select_n3A_1253 : vector<16xi1>, vector<16xi32>
        %lt3A_1259 = arith.cmpf olt, %select_n3A_1256, %select_n3A_1207 : vector<16xf32>
        %select_n3A_1260 = arith.select %lt3A_1259, %select_n3A_1256, %select_n3A_1207 : vector<16xi1>, vector<16xf32>
        %select_n3A_1261 = arith.select %lt3A_1259, %select_n3A_1207, %select_n3A_1256 : vector<16xi1>, vector<16xf32>
        %select_n3A_1262 = arith.select %lt3A_1259, %select_n3A_1258, %select_n3A_1209 : vector<16xi1>, vector<16xi32>
        %select_n3A_1263 = arith.select %lt3A_1259, %select_n3A_1209, %select_n3A_1258 : vector<16xi1>, vector<16xi32>
        %lt3A_1264 = arith.cmpf olt, %select_n3A_1261, %select_n3A_1212 : vector<16xf32>
        %select_n3A_1265 = arith.select %lt3A_1264, %select_n3A_1261, %select_n3A_1212 : vector<16xi1>, vector<16xf32>
        %select_n3A_1266 = arith.select %lt3A_1264, %select_n3A_1212, %select_n3A_1261 : vector<16xi1>, vector<16xf32>
        %select_n3A_1267 = arith.select %lt3A_1264, %select_n3A_1263, %select_n3A_1214 : vector<16xi1>, vector<16xi32>
        %select_n3A_1268 = arith.select %lt3A_1264, %select_n3A_1214, %select_n3A_1263 : vector<16xi1>, vector<16xi32>
        %lt3A_1269 = arith.cmpf olt, %select_n3A_1266, %select_n3A_1217 : vector<16xf32>
        %select_n3A_1270 = arith.select %lt3A_1269, %select_n3A_1266, %select_n3A_1217 : vector<16xi1>, vector<16xf32>
        %select_n3A_1271 = arith.select %lt3A_1269, %select_n3A_1217, %select_n3A_1266 : vector<16xi1>, vector<16xf32>
        %select_n3A_1272 = arith.select %lt3A_1269, %select_n3A_1268, %select_n3A_1219 : vector<16xi1>, vector<16xi32>
        %select_n3A_1273 = arith.select %lt3A_1269, %select_n3A_1219, %select_n3A_1268 : vector<16xi1>, vector<16xi32>
        %slice3A_1274 = vector.extract_strided_slice %get3A_792 {offsets = [9], sizes = [1], strides = [1]} : vector<16xf32> to vector<1xf32>
        %squeeze3A_1275 = vector.extract %slice3A_1274[0] : f32 from vector<1xf32>
        %mul3A_1276 = vector.broadcast %squeeze3A_1275 : f32 to vector<16xf32>
        %mul3A_1277 = arith.mulf %sub3A_37, %mul3A_1276 : vector<16xf32>
        %slice3A_1278 = vector.extract_strided_slice %get3A_795 {offsets = [9], sizes = [1], strides = [1]} : vector<16xf32> to vector<1xf32>
        %squeeze3A_1279 = vector.extract %slice3A_1278[0] : f32 from vector<1xf32>
        %mul3A_1280 = vector.broadcast %squeeze3A_1279 : f32 to vector<16xf32>
        %mul3A_1281 = arith.mulf %sub3A_42, %mul3A_1280 : vector<16xf32>
        %add3A_1282 = arith.addf %mul3A_1277, %mul3A_1281 : vector<16xf32>
        %slice3A_1283 = vector.extract_strided_slice %get3A_798 {offsets = [9], sizes = [1], strides = [1]} : vector<16xf32> to vector<1xf32>
        %squeeze3A_1284 = vector.extract %slice3A_1283[0] : f32 from vector<1xf32>
        %mul3A_1285 = vector.broadcast %squeeze3A_1284 : f32 to vector<16xf32>
        %mul3A_1286 = arith.mulf %sub3A_47, %mul3A_1285 : vector<16xf32>
        %add3A_1287 = arith.addf %add3A_1282, %mul3A_1286 : vector<16xf32>
        %slice3A_1288 = vector.extract_strided_slice %get3A_801 {offsets = [9], sizes = [1], strides = [1]} : vector<16xf32> to vector<1xf32>
        %squeeze3A_1289 = vector.extract %slice3A_1288[0] : f32 from vector<1xf32>
        %add3A_1290 = vector.broadcast %squeeze3A_1289 : f32 to vector<16xf32>
        %add3A_1291 = arith.addf %add3A_52, %add3A_1290 : vector<16xf32>
        %mul3A_1292 = arith.constant 2.000000e+00 : f32
        %mul3A_1293 = vector.broadcast %mul3A_1292 : f32 to vector<16xf32>
        %mul3A_1294 = arith.mulf %mul3A_1293, %add3A_1287 : vector<16xf32>
        %sub3A_1295 = arith.subf %add3A_1291, %mul3A_1294 : vector<16xf32>
        %max3A_1296 = arith.constant 0.000000e+00 : f32
        %max3A_1297 = vector.broadcast %max3A_1296 : f32 to vector<16xf32>
        %max3A_1298 = arith.maximumf %sub3A_1295, %max3A_1297 : vector<16xf32>
        %add3A_1299 = arith.constant 9 : i32
        %add3A_1300 = arith.addi %mul3A_789, %add3A_1299 : i32
        %broadcast_in_dim3A_1301 = vector.broadcast %add3A_1300 : i32 to vector<16xi32>
        %lt3A_1302 = arith.cmpf olt, %max3A_1298, %select_n3A_1250 : vector<16xf32>
        %select_n3A_1303 = arith.select %lt3A_1302, %max3A_1298, %select_n3A_1250 : vector<16xi1>, vector<16xf32>
        %select_n3A_1304 = arith.select %lt3A_1302, %select_n3A_1250, %max3A_1298 : vector<16xi1>, vector<16xf32>
        %select_n3A_1305 = arith.select %lt3A_1302, %broadcast_in_dim3A_1301, %select_n3A_1252 : vector<16xi1>, vector<16xi32>
        %select_n3A_1306 = arith.select %lt3A_1302, %select_n3A_1252, %broadcast_in_dim3A_1301 : vector<16xi1>, vector<16xi32>
        %lt3A_1307 = arith.cmpf olt, %select_n3A_1304, %select_n3A_1255 : vector<16xf32>
        %select_n3A_1308 = arith.select %lt3A_1307, %select_n3A_1304, %select_n3A_1255 : vector<16xi1>, vector<16xf32>
        %select_n3A_1309 = arith.select %lt3A_1307, %select_n3A_1255, %select_n3A_1304 : vector<16xi1>, vector<16xf32>
        %select_n3A_1310 = arith.select %lt3A_1307, %select_n3A_1306, %select_n3A_1257 : vector<16xi1>, vector<16xi32>
        %select_n3A_1311 = arith.select %lt3A_1307, %select_n3A_1257, %select_n3A_1306 : vector<16xi1>, vector<16xi32>
        %lt3A_1312 = arith.cmpf olt, %select_n3A_1309, %select_n3A_1260 : vector<16xf32>
        %select_n3A_1313 = arith.select %lt3A_1312, %select_n3A_1309, %select_n3A_1260 : vector<16xi1>, vector<16xf32>
        %select_n3A_1314 = arith.select %lt3A_1312, %select_n3A_1260, %select_n3A_1309 : vector<16xi1>, vector<16xf32>
        %select_n3A_1315 = arith.select %lt3A_1312, %select_n3A_1311, %select_n3A_1262 : vector<16xi1>, vector<16xi32>
        %select_n3A_1316 = arith.select %lt3A_1312, %select_n3A_1262, %select_n3A_1311 : vector<16xi1>, vector<16xi32>
        %lt3A_1317 = arith.cmpf olt, %select_n3A_1314, %select_n3A_1265 : vector<16xf32>
        %select_n3A_1318 = arith.select %lt3A_1317, %select_n3A_1314, %select_n3A_1265 : vector<16xi1>, vector<16xf32>
        %select_n3A_1319 = arith.select %lt3A_1317, %select_n3A_1265, %select_n3A_1314 : vector<16xi1>, vector<16xf32>
        %select_n3A_1320 = arith.select %lt3A_1317, %select_n3A_1316, %select_n3A_1267 : vector<16xi1>, vector<16xi32>
        %select_n3A_1321 = arith.select %lt3A_1317, %select_n3A_1267, %select_n3A_1316 : vector<16xi1>, vector<16xi32>
        %lt3A_1322 = arith.cmpf olt, %select_n3A_1319, %select_n3A_1270 : vector<16xf32>
        %select_n3A_1323 = arith.select %lt3A_1322, %select_n3A_1319, %select_n3A_1270 : vector<16xi1>, vector<16xf32>
        %select_n3A_1324 = arith.select %lt3A_1322, %select_n3A_1270, %select_n3A_1319 : vector<16xi1>, vector<16xf32>
        %select_n3A_1325 = arith.select %lt3A_1322, %select_n3A_1321, %select_n3A_1272 : vector<16xi1>, vector<16xi32>
        %select_n3A_1326 = arith.select %lt3A_1322, %select_n3A_1272, %select_n3A_1321 : vector<16xi1>, vector<16xi32>
        %slice3A_1327 = vector.extract_strided_slice %get3A_792 {offsets = [10], sizes = [1], strides = [1]} : vector<16xf32> to vector<1xf32>
        %squeeze3A_1328 = vector.extract %slice3A_1327[0] : f32 from vector<1xf32>
        %mul3A_1329 = vector.broadcast %squeeze3A_1328 : f32 to vector<16xf32>
        %mul3A_1330 = arith.mulf %sub3A_37, %mul3A_1329 : vector<16xf32>
        %slice3A_1331 = vector.extract_strided_slice %get3A_795 {offsets = [10], sizes = [1], strides = [1]} : vector<16xf32> to vector<1xf32>
        %squeeze3A_1332 = vector.extract %slice3A_1331[0] : f32 from vector<1xf32>
        %mul3A_1333 = vector.broadcast %squeeze3A_1332 : f32 to vector<16xf32>
        %mul3A_1334 = arith.mulf %sub3A_42, %mul3A_1333 : vector<16xf32>
        %add3A_1335 = arith.addf %mul3A_1330, %mul3A_1334 : vector<16xf32>
        %slice3A_1336 = vector.extract_strided_slice %get3A_798 {offsets = [10], sizes = [1], strides = [1]} : vector<16xf32> to vector<1xf32>
        %squeeze3A_1337 = vector.extract %slice3A_1336[0] : f32 from vector<1xf32>
        %mul3A_1338 = vector.broadcast %squeeze3A_1337 : f32 to vector<16xf32>
        %mul3A_1339 = arith.mulf %sub3A_47, %mul3A_1338 : vector<16xf32>
        %add3A_1340 = arith.addf %add3A_1335, %mul3A_1339 : vector<16xf32>
        %slice3A_1341 = vector.extract_strided_slice %get3A_801 {offsets = [10], sizes = [1], strides = [1]} : vector<16xf32> to vector<1xf32>
        %squeeze3A_1342 = vector.extract %slice3A_1341[0] : f32 from vector<1xf32>
        %add3A_1343 = vector.broadcast %squeeze3A_1342 : f32 to vector<16xf32>
        %add3A_1344 = arith.addf %add3A_52, %add3A_1343 : vector<16xf32>
        %mul3A_1345 = arith.constant 2.000000e+00 : f32
        %mul3A_1346 = vector.broadcast %mul3A_1345 : f32 to vector<16xf32>
        %mul3A_1347 = arith.mulf %mul3A_1346, %add3A_1340 : vector<16xf32>
        %sub3A_1348 = arith.subf %add3A_1344, %mul3A_1347 : vector<16xf32>
        %max3A_1349 = arith.constant 0.000000e+00 : f32
        %max3A_1350 = vector.broadcast %max3A_1349 : f32 to vector<16xf32>
        %max3A_1351 = arith.maximumf %sub3A_1348, %max3A_1350 : vector<16xf32>
        %add3A_1352 = arith.constant 10 : i32
        %add3A_1353 = arith.addi %mul3A_789, %add3A_1352 : i32
        %broadcast_in_dim3A_1354 = vector.broadcast %add3A_1353 : i32 to vector<16xi32>
        %lt3A_1355 = arith.cmpf olt, %max3A_1351, %select_n3A_1303 : vector<16xf32>
        %select_n3A_1356 = arith.select %lt3A_1355, %max3A_1351, %select_n3A_1303 : vector<16xi1>, vector<16xf32>
        %select_n3A_1357 = arith.select %lt3A_1355, %select_n3A_1303, %max3A_1351 : vector<16xi1>, vector<16xf32>
        %select_n3A_1358 = arith.select %lt3A_1355, %broadcast_in_dim3A_1354, %select_n3A_1305 : vector<16xi1>, vector<16xi32>
        %select_n3A_1359 = arith.select %lt3A_1355, %select_n3A_1305, %broadcast_in_dim3A_1354 : vector<16xi1>, vector<16xi32>
        %lt3A_1360 = arith.cmpf olt, %select_n3A_1357, %select_n3A_1308 : vector<16xf32>
        %select_n3A_1361 = arith.select %lt3A_1360, %select_n3A_1357, %select_n3A_1308 : vector<16xi1>, vector<16xf32>
        %select_n3A_1362 = arith.select %lt3A_1360, %select_n3A_1308, %select_n3A_1357 : vector<16xi1>, vector<16xf32>
        %select_n3A_1363 = arith.select %lt3A_1360, %select_n3A_1359, %select_n3A_1310 : vector<16xi1>, vector<16xi32>
        %select_n3A_1364 = arith.select %lt3A_1360, %select_n3A_1310, %select_n3A_1359 : vector<16xi1>, vector<16xi32>
        %lt3A_1365 = arith.cmpf olt, %select_n3A_1362, %select_n3A_1313 : vector<16xf32>
        %select_n3A_1366 = arith.select %lt3A_1365, %select_n3A_1362, %select_n3A_1313 : vector<16xi1>, vector<16xf32>
        %select_n3A_1367 = arith.select %lt3A_1365, %select_n3A_1313, %select_n3A_1362 : vector<16xi1>, vector<16xf32>
        %select_n3A_1368 = arith.select %lt3A_1365, %select_n3A_1364, %select_n3A_1315 : vector<16xi1>, vector<16xi32>
        %select_n3A_1369 = arith.select %lt3A_1365, %select_n3A_1315, %select_n3A_1364 : vector<16xi1>, vector<16xi32>
        %lt3A_1370 = arith.cmpf olt, %select_n3A_1367, %select_n3A_1318 : vector<16xf32>
        %select_n3A_1371 = arith.select %lt3A_1370, %select_n3A_1367, %select_n3A_1318 : vector<16xi1>, vector<16xf32>
        %select_n3A_1372 = arith.select %lt3A_1370, %select_n3A_1318, %select_n3A_1367 : vector<16xi1>, vector<16xf32>
        %select_n3A_1373 = arith.select %lt3A_1370, %select_n3A_1369, %select_n3A_1320 : vector<16xi1>, vector<16xi32>
        %select_n3A_1374 = arith.select %lt3A_1370, %select_n3A_1320, %select_n3A_1369 : vector<16xi1>, vector<16xi32>
        %lt3A_1375 = arith.cmpf olt, %select_n3A_1372, %select_n3A_1323 : vector<16xf32>
        %select_n3A_1376 = arith.select %lt3A_1375, %select_n3A_1372, %select_n3A_1323 : vector<16xi1>, vector<16xf32>
        %select_n3A_1377 = arith.select %lt3A_1375, %select_n3A_1323, %select_n3A_1372 : vector<16xi1>, vector<16xf32>
        %select_n3A_1378 = arith.select %lt3A_1375, %select_n3A_1374, %select_n3A_1325 : vector<16xi1>, vector<16xi32>
        %select_n3A_1379 = arith.select %lt3A_1375, %select_n3A_1325, %select_n3A_1374 : vector<16xi1>, vector<16xi32>
        %slice3A_1380 = vector.extract_strided_slice %get3A_792 {offsets = [11], sizes = [1], strides = [1]} : vector<16xf32> to vector<1xf32>
        %squeeze3A_1381 = vector.extract %slice3A_1380[0] : f32 from vector<1xf32>
        %mul3A_1382 = vector.broadcast %squeeze3A_1381 : f32 to vector<16xf32>
        %mul3A_1383 = arith.mulf %sub3A_37, %mul3A_1382 : vector<16xf32>
        %slice3A_1384 = vector.extract_strided_slice %get3A_795 {offsets = [11], sizes = [1], strides = [1]} : vector<16xf32> to vector<1xf32>
        %squeeze3A_1385 = vector.extract %slice3A_1384[0] : f32 from vector<1xf32>
        %mul3A_1386 = vector.broadcast %squeeze3A_1385 : f32 to vector<16xf32>
        %mul3A_1387 = arith.mulf %sub3A_42, %mul3A_1386 : vector<16xf32>
        %add3A_1388 = arith.addf %mul3A_1383, %mul3A_1387 : vector<16xf32>
        %slice3A_1389 = vector.extract_strided_slice %get3A_798 {offsets = [11], sizes = [1], strides = [1]} : vector<16xf32> to vector<1xf32>
        %squeeze3A_1390 = vector.extract %slice3A_1389[0] : f32 from vector<1xf32>
        %mul3A_1391 = vector.broadcast %squeeze3A_1390 : f32 to vector<16xf32>
        %mul3A_1392 = arith.mulf %sub3A_47, %mul3A_1391 : vector<16xf32>
        %add3A_1393 = arith.addf %add3A_1388, %mul3A_1392 : vector<16xf32>
        %slice3A_1394 = vector.extract_strided_slice %get3A_801 {offsets = [11], sizes = [1], strides = [1]} : vector<16xf32> to vector<1xf32>
        %squeeze3A_1395 = vector.extract %slice3A_1394[0] : f32 from vector<1xf32>
        %add3A_1396 = vector.broadcast %squeeze3A_1395 : f32 to vector<16xf32>
        %add3A_1397 = arith.addf %add3A_52, %add3A_1396 : vector<16xf32>
        %mul3A_1398 = arith.constant 2.000000e+00 : f32
        %mul3A_1399 = vector.broadcast %mul3A_1398 : f32 to vector<16xf32>
        %mul3A_1400 = arith.mulf %mul3A_1399, %add3A_1393 : vector<16xf32>
        %sub3A_1401 = arith.subf %add3A_1397, %mul3A_1400 : vector<16xf32>
        %max3A_1402 = arith.constant 0.000000e+00 : f32
        %max3A_1403 = vector.broadcast %max3A_1402 : f32 to vector<16xf32>
        %max3A_1404 = arith.maximumf %sub3A_1401, %max3A_1403 : vector<16xf32>
        %add3A_1405 = arith.constant 11 : i32
        %add3A_1406 = arith.addi %mul3A_789, %add3A_1405 : i32
        %broadcast_in_dim3A_1407 = vector.broadcast %add3A_1406 : i32 to vector<16xi32>
        %lt3A_1408 = arith.cmpf olt, %max3A_1404, %select_n3A_1356 : vector<16xf32>
        %select_n3A_1409 = arith.select %lt3A_1408, %max3A_1404, %select_n3A_1356 : vector<16xi1>, vector<16xf32>
        %select_n3A_1410 = arith.select %lt3A_1408, %select_n3A_1356, %max3A_1404 : vector<16xi1>, vector<16xf32>
        %select_n3A_1411 = arith.select %lt3A_1408, %broadcast_in_dim3A_1407, %select_n3A_1358 : vector<16xi1>, vector<16xi32>
        %select_n3A_1412 = arith.select %lt3A_1408, %select_n3A_1358, %broadcast_in_dim3A_1407 : vector<16xi1>, vector<16xi32>
        %lt3A_1413 = arith.cmpf olt, %select_n3A_1410, %select_n3A_1361 : vector<16xf32>
        %select_n3A_1414 = arith.select %lt3A_1413, %select_n3A_1410, %select_n3A_1361 : vector<16xi1>, vector<16xf32>
        %select_n3A_1415 = arith.select %lt3A_1413, %select_n3A_1361, %select_n3A_1410 : vector<16xi1>, vector<16xf32>
        %select_n3A_1416 = arith.select %lt3A_1413, %select_n3A_1412, %select_n3A_1363 : vector<16xi1>, vector<16xi32>
        %select_n3A_1417 = arith.select %lt3A_1413, %select_n3A_1363, %select_n3A_1412 : vector<16xi1>, vector<16xi32>
        %lt3A_1418 = arith.cmpf olt, %select_n3A_1415, %select_n3A_1366 : vector<16xf32>
        %select_n3A_1419 = arith.select %lt3A_1418, %select_n3A_1415, %select_n3A_1366 : vector<16xi1>, vector<16xf32>
        %select_n3A_1420 = arith.select %lt3A_1418, %select_n3A_1366, %select_n3A_1415 : vector<16xi1>, vector<16xf32>
        %select_n3A_1421 = arith.select %lt3A_1418, %select_n3A_1417, %select_n3A_1368 : vector<16xi1>, vector<16xi32>
        %select_n3A_1422 = arith.select %lt3A_1418, %select_n3A_1368, %select_n3A_1417 : vector<16xi1>, vector<16xi32>
        %lt3A_1423 = arith.cmpf olt, %select_n3A_1420, %select_n3A_1371 : vector<16xf32>
        %select_n3A_1424 = arith.select %lt3A_1423, %select_n3A_1420, %select_n3A_1371 : vector<16xi1>, vector<16xf32>
        %select_n3A_1425 = arith.select %lt3A_1423, %select_n3A_1371, %select_n3A_1420 : vector<16xi1>, vector<16xf32>
        %select_n3A_1426 = arith.select %lt3A_1423, %select_n3A_1422, %select_n3A_1373 : vector<16xi1>, vector<16xi32>
        %select_n3A_1427 = arith.select %lt3A_1423, %select_n3A_1373, %select_n3A_1422 : vector<16xi1>, vector<16xi32>
        %lt3A_1428 = arith.cmpf olt, %select_n3A_1425, %select_n3A_1376 : vector<16xf32>
        %select_n3A_1429 = arith.select %lt3A_1428, %select_n3A_1425, %select_n3A_1376 : vector<16xi1>, vector<16xf32>
        %select_n3A_1430 = arith.select %lt3A_1428, %select_n3A_1376, %select_n3A_1425 : vector<16xi1>, vector<16xf32>
        %select_n3A_1431 = arith.select %lt3A_1428, %select_n3A_1427, %select_n3A_1378 : vector<16xi1>, vector<16xi32>
        %select_n3A_1432 = arith.select %lt3A_1428, %select_n3A_1378, %select_n3A_1427 : vector<16xi1>, vector<16xi32>
        %slice3A_1433 = vector.extract_strided_slice %get3A_792 {offsets = [12], sizes = [1], strides = [1]} : vector<16xf32> to vector<1xf32>
        %squeeze3A_1434 = vector.extract %slice3A_1433[0] : f32 from vector<1xf32>
        %mul3A_1435 = vector.broadcast %squeeze3A_1434 : f32 to vector<16xf32>
        %mul3A_1436 = arith.mulf %sub3A_37, %mul3A_1435 : vector<16xf32>
        %slice3A_1437 = vector.extract_strided_slice %get3A_795 {offsets = [12], sizes = [1], strides = [1]} : vector<16xf32> to vector<1xf32>
        %squeeze3A_1438 = vector.extract %slice3A_1437[0] : f32 from vector<1xf32>
        %mul3A_1439 = vector.broadcast %squeeze3A_1438 : f32 to vector<16xf32>
        %mul3A_1440 = arith.mulf %sub3A_42, %mul3A_1439 : vector<16xf32>
        %add3A_1441 = arith.addf %mul3A_1436, %mul3A_1440 : vector<16xf32>
        %slice3A_1442 = vector.extract_strided_slice %get3A_798 {offsets = [12], sizes = [1], strides = [1]} : vector<16xf32> to vector<1xf32>
        %squeeze3A_1443 = vector.extract %slice3A_1442[0] : f32 from vector<1xf32>
        %mul3A_1444 = vector.broadcast %squeeze3A_1443 : f32 to vector<16xf32>
        %mul3A_1445 = arith.mulf %sub3A_47, %mul3A_1444 : vector<16xf32>
        %add3A_1446 = arith.addf %add3A_1441, %mul3A_1445 : vector<16xf32>
        %slice3A_1447 = vector.extract_strided_slice %get3A_801 {offsets = [12], sizes = [1], strides = [1]} : vector<16xf32> to vector<1xf32>
        %squeeze3A_1448 = vector.extract %slice3A_1447[0] : f32 from vector<1xf32>
        %add3A_1449 = vector.broadcast %squeeze3A_1448 : f32 to vector<16xf32>
        %add3A_1450 = arith.addf %add3A_52, %add3A_1449 : vector<16xf32>
        %mul3A_1451 = arith.constant 2.000000e+00 : f32
        %mul3A_1452 = vector.broadcast %mul3A_1451 : f32 to vector<16xf32>
        %mul3A_1453 = arith.mulf %mul3A_1452, %add3A_1446 : vector<16xf32>
        %sub3A_1454 = arith.subf %add3A_1450, %mul3A_1453 : vector<16xf32>
        %max3A_1455 = arith.constant 0.000000e+00 : f32
        %max3A_1456 = vector.broadcast %max3A_1455 : f32 to vector<16xf32>
        %max3A_1457 = arith.maximumf %sub3A_1454, %max3A_1456 : vector<16xf32>
        %add3A_1458 = arith.constant 12 : i32
        %add3A_1459 = arith.addi %mul3A_789, %add3A_1458 : i32
        %broadcast_in_dim3A_1460 = vector.broadcast %add3A_1459 : i32 to vector<16xi32>
        %lt3A_1461 = arith.cmpf olt, %max3A_1457, %select_n3A_1409 : vector<16xf32>
        %select_n3A_1462 = arith.select %lt3A_1461, %max3A_1457, %select_n3A_1409 : vector<16xi1>, vector<16xf32>
        %select_n3A_1463 = arith.select %lt3A_1461, %select_n3A_1409, %max3A_1457 : vector<16xi1>, vector<16xf32>
        %select_n3A_1464 = arith.select %lt3A_1461, %broadcast_in_dim3A_1460, %select_n3A_1411 : vector<16xi1>, vector<16xi32>
        %select_n3A_1465 = arith.select %lt3A_1461, %select_n3A_1411, %broadcast_in_dim3A_1460 : vector<16xi1>, vector<16xi32>
        %lt3A_1466 = arith.cmpf olt, %select_n3A_1463, %select_n3A_1414 : vector<16xf32>
        %select_n3A_1467 = arith.select %lt3A_1466, %select_n3A_1463, %select_n3A_1414 : vector<16xi1>, vector<16xf32>
        %select_n3A_1468 = arith.select %lt3A_1466, %select_n3A_1414, %select_n3A_1463 : vector<16xi1>, vector<16xf32>
        %select_n3A_1469 = arith.select %lt3A_1466, %select_n3A_1465, %select_n3A_1416 : vector<16xi1>, vector<16xi32>
        %select_n3A_1470 = arith.select %lt3A_1466, %select_n3A_1416, %select_n3A_1465 : vector<16xi1>, vector<16xi32>
        %lt3A_1471 = arith.cmpf olt, %select_n3A_1468, %select_n3A_1419 : vector<16xf32>
        %select_n3A_1472 = arith.select %lt3A_1471, %select_n3A_1468, %select_n3A_1419 : vector<16xi1>, vector<16xf32>
        %select_n3A_1473 = arith.select %lt3A_1471, %select_n3A_1419, %select_n3A_1468 : vector<16xi1>, vector<16xf32>
        %select_n3A_1474 = arith.select %lt3A_1471, %select_n3A_1470, %select_n3A_1421 : vector<16xi1>, vector<16xi32>
        %select_n3A_1475 = arith.select %lt3A_1471, %select_n3A_1421, %select_n3A_1470 : vector<16xi1>, vector<16xi32>
        %lt3A_1476 = arith.cmpf olt, %select_n3A_1473, %select_n3A_1424 : vector<16xf32>
        %select_n3A_1477 = arith.select %lt3A_1476, %select_n3A_1473, %select_n3A_1424 : vector<16xi1>, vector<16xf32>
        %select_n3A_1478 = arith.select %lt3A_1476, %select_n3A_1424, %select_n3A_1473 : vector<16xi1>, vector<16xf32>
        %select_n3A_1479 = arith.select %lt3A_1476, %select_n3A_1475, %select_n3A_1426 : vector<16xi1>, vector<16xi32>
        %select_n3A_1480 = arith.select %lt3A_1476, %select_n3A_1426, %select_n3A_1475 : vector<16xi1>, vector<16xi32>
        %lt3A_1481 = arith.cmpf olt, %select_n3A_1478, %select_n3A_1429 : vector<16xf32>
        %select_n3A_1482 = arith.select %lt3A_1481, %select_n3A_1478, %select_n3A_1429 : vector<16xi1>, vector<16xf32>
        %select_n3A_1483 = arith.select %lt3A_1481, %select_n3A_1429, %select_n3A_1478 : vector<16xi1>, vector<16xf32>
        %select_n3A_1484 = arith.select %lt3A_1481, %select_n3A_1480, %select_n3A_1431 : vector<16xi1>, vector<16xi32>
        %select_n3A_1485 = arith.select %lt3A_1481, %select_n3A_1431, %select_n3A_1480 : vector<16xi1>, vector<16xi32>
        %slice3A_1486 = vector.extract_strided_slice %get3A_792 {offsets = [13], sizes = [1], strides = [1]} : vector<16xf32> to vector<1xf32>
        %squeeze3A_1487 = vector.extract %slice3A_1486[0] : f32 from vector<1xf32>
        %mul3A_1488 = vector.broadcast %squeeze3A_1487 : f32 to vector<16xf32>
        %mul3A_1489 = arith.mulf %sub3A_37, %mul3A_1488 : vector<16xf32>
        %slice3A_1490 = vector.extract_strided_slice %get3A_795 {offsets = [13], sizes = [1], strides = [1]} : vector<16xf32> to vector<1xf32>
        %squeeze3A_1491 = vector.extract %slice3A_1490[0] : f32 from vector<1xf32>
        %mul3A_1492 = vector.broadcast %squeeze3A_1491 : f32 to vector<16xf32>
        %mul3A_1493 = arith.mulf %sub3A_42, %mul3A_1492 : vector<16xf32>
        %add3A_1494 = arith.addf %mul3A_1489, %mul3A_1493 : vector<16xf32>
        %slice3A_1495 = vector.extract_strided_slice %get3A_798 {offsets = [13], sizes = [1], strides = [1]} : vector<16xf32> to vector<1xf32>
        %squeeze3A_1496 = vector.extract %slice3A_1495[0] : f32 from vector<1xf32>
        %mul3A_1497 = vector.broadcast %squeeze3A_1496 : f32 to vector<16xf32>
        %mul3A_1498 = arith.mulf %sub3A_47, %mul3A_1497 : vector<16xf32>
        %add3A_1499 = arith.addf %add3A_1494, %mul3A_1498 : vector<16xf32>
        %slice3A_1500 = vector.extract_strided_slice %get3A_801 {offsets = [13], sizes = [1], strides = [1]} : vector<16xf32> to vector<1xf32>
        %squeeze3A_1501 = vector.extract %slice3A_1500[0] : f32 from vector<1xf32>
        %add3A_1502 = vector.broadcast %squeeze3A_1501 : f32 to vector<16xf32>
        %add3A_1503 = arith.addf %add3A_52, %add3A_1502 : vector<16xf32>
        %mul3A_1504 = arith.constant 2.000000e+00 : f32
        %mul3A_1505 = vector.broadcast %mul3A_1504 : f32 to vector<16xf32>
        %mul3A_1506 = arith.mulf %mul3A_1505, %add3A_1499 : vector<16xf32>
        %sub3A_1507 = arith.subf %add3A_1503, %mul3A_1506 : vector<16xf32>
        %max3A_1508 = arith.constant 0.000000e+00 : f32
        %max3A_1509 = vector.broadcast %max3A_1508 : f32 to vector<16xf32>
        %max3A_1510 = arith.maximumf %sub3A_1507, %max3A_1509 : vector<16xf32>
        %add3A_1511 = arith.constant 13 : i32
        %add3A_1512 = arith.addi %mul3A_789, %add3A_1511 : i32
        %broadcast_in_dim3A_1513 = vector.broadcast %add3A_1512 : i32 to vector<16xi32>
        %lt3A_1514 = arith.cmpf olt, %max3A_1510, %select_n3A_1462 : vector<16xf32>
        %select_n3A_1515 = arith.select %lt3A_1514, %max3A_1510, %select_n3A_1462 : vector<16xi1>, vector<16xf32>
        %select_n3A_1516 = arith.select %lt3A_1514, %select_n3A_1462, %max3A_1510 : vector<16xi1>, vector<16xf32>
        %select_n3A_1517 = arith.select %lt3A_1514, %broadcast_in_dim3A_1513, %select_n3A_1464 : vector<16xi1>, vector<16xi32>
        %select_n3A_1518 = arith.select %lt3A_1514, %select_n3A_1464, %broadcast_in_dim3A_1513 : vector<16xi1>, vector<16xi32>
        %lt3A_1519 = arith.cmpf olt, %select_n3A_1516, %select_n3A_1467 : vector<16xf32>
        %select_n3A_1520 = arith.select %lt3A_1519, %select_n3A_1516, %select_n3A_1467 : vector<16xi1>, vector<16xf32>
        %select_n3A_1521 = arith.select %lt3A_1519, %select_n3A_1467, %select_n3A_1516 : vector<16xi1>, vector<16xf32>
        %select_n3A_1522 = arith.select %lt3A_1519, %select_n3A_1518, %select_n3A_1469 : vector<16xi1>, vector<16xi32>
        %select_n3A_1523 = arith.select %lt3A_1519, %select_n3A_1469, %select_n3A_1518 : vector<16xi1>, vector<16xi32>
        %lt3A_1524 = arith.cmpf olt, %select_n3A_1521, %select_n3A_1472 : vector<16xf32>
        %select_n3A_1525 = arith.select %lt3A_1524, %select_n3A_1521, %select_n3A_1472 : vector<16xi1>, vector<16xf32>
        %select_n3A_1526 = arith.select %lt3A_1524, %select_n3A_1472, %select_n3A_1521 : vector<16xi1>, vector<16xf32>
        %select_n3A_1527 = arith.select %lt3A_1524, %select_n3A_1523, %select_n3A_1474 : vector<16xi1>, vector<16xi32>
        %select_n3A_1528 = arith.select %lt3A_1524, %select_n3A_1474, %select_n3A_1523 : vector<16xi1>, vector<16xi32>
        %lt3A_1529 = arith.cmpf olt, %select_n3A_1526, %select_n3A_1477 : vector<16xf32>
        %select_n3A_1530 = arith.select %lt3A_1529, %select_n3A_1526, %select_n3A_1477 : vector<16xi1>, vector<16xf32>
        %select_n3A_1531 = arith.select %lt3A_1529, %select_n3A_1477, %select_n3A_1526 : vector<16xi1>, vector<16xf32>
        %select_n3A_1532 = arith.select %lt3A_1529, %select_n3A_1528, %select_n3A_1479 : vector<16xi1>, vector<16xi32>
        %select_n3A_1533 = arith.select %lt3A_1529, %select_n3A_1479, %select_n3A_1528 : vector<16xi1>, vector<16xi32>
        %lt3A_1534 = arith.cmpf olt, %select_n3A_1531, %select_n3A_1482 : vector<16xf32>
        %select_n3A_1535 = arith.select %lt3A_1534, %select_n3A_1531, %select_n3A_1482 : vector<16xi1>, vector<16xf32>
        %select_n3A_1536 = arith.select %lt3A_1534, %select_n3A_1482, %select_n3A_1531 : vector<16xi1>, vector<16xf32>
        %select_n3A_1537 = arith.select %lt3A_1534, %select_n3A_1533, %select_n3A_1484 : vector<16xi1>, vector<16xi32>
        %select_n3A_1538 = arith.select %lt3A_1534, %select_n3A_1484, %select_n3A_1533 : vector<16xi1>, vector<16xi32>
        %slice3A_1539 = vector.extract_strided_slice %get3A_792 {offsets = [14], sizes = [1], strides = [1]} : vector<16xf32> to vector<1xf32>
        %squeeze3A_1540 = vector.extract %slice3A_1539[0] : f32 from vector<1xf32>
        %mul3A_1541 = vector.broadcast %squeeze3A_1540 : f32 to vector<16xf32>
        %mul3A_1542 = arith.mulf %sub3A_37, %mul3A_1541 : vector<16xf32>
        %slice3A_1543 = vector.extract_strided_slice %get3A_795 {offsets = [14], sizes = [1], strides = [1]} : vector<16xf32> to vector<1xf32>
        %squeeze3A_1544 = vector.extract %slice3A_1543[0] : f32 from vector<1xf32>
        %mul3A_1545 = vector.broadcast %squeeze3A_1544 : f32 to vector<16xf32>
        %mul3A_1546 = arith.mulf %sub3A_42, %mul3A_1545 : vector<16xf32>
        %add3A_1547 = arith.addf %mul3A_1542, %mul3A_1546 : vector<16xf32>
        %slice3A_1548 = vector.extract_strided_slice %get3A_798 {offsets = [14], sizes = [1], strides = [1]} : vector<16xf32> to vector<1xf32>
        %squeeze3A_1549 = vector.extract %slice3A_1548[0] : f32 from vector<1xf32>
        %mul3A_1550 = vector.broadcast %squeeze3A_1549 : f32 to vector<16xf32>
        %mul3A_1551 = arith.mulf %sub3A_47, %mul3A_1550 : vector<16xf32>
        %add3A_1552 = arith.addf %add3A_1547, %mul3A_1551 : vector<16xf32>
        %slice3A_1553 = vector.extract_strided_slice %get3A_801 {offsets = [14], sizes = [1], strides = [1]} : vector<16xf32> to vector<1xf32>
        %squeeze3A_1554 = vector.extract %slice3A_1553[0] : f32 from vector<1xf32>
        %add3A_1555 = vector.broadcast %squeeze3A_1554 : f32 to vector<16xf32>
        %add3A_1556 = arith.addf %add3A_52, %add3A_1555 : vector<16xf32>
        %mul3A_1557 = arith.constant 2.000000e+00 : f32
        %mul3A_1558 = vector.broadcast %mul3A_1557 : f32 to vector<16xf32>
        %mul3A_1559 = arith.mulf %mul3A_1558, %add3A_1552 : vector<16xf32>
        %sub3A_1560 = arith.subf %add3A_1556, %mul3A_1559 : vector<16xf32>
        %max3A_1561 = arith.constant 0.000000e+00 : f32
        %max3A_1562 = vector.broadcast %max3A_1561 : f32 to vector<16xf32>
        %max3A_1563 = arith.maximumf %sub3A_1560, %max3A_1562 : vector<16xf32>
        %add3A_1564 = arith.constant 14 : i32
        %add3A_1565 = arith.addi %mul3A_789, %add3A_1564 : i32
        %broadcast_in_dim3A_1566 = vector.broadcast %add3A_1565 : i32 to vector<16xi32>
        %lt3A_1567 = arith.cmpf olt, %max3A_1563, %select_n3A_1515 : vector<16xf32>
        %select_n3A_1568 = arith.select %lt3A_1567, %max3A_1563, %select_n3A_1515 : vector<16xi1>, vector<16xf32>
        %select_n3A_1569 = arith.select %lt3A_1567, %select_n3A_1515, %max3A_1563 : vector<16xi1>, vector<16xf32>
        %select_n3A_1570 = arith.select %lt3A_1567, %broadcast_in_dim3A_1566, %select_n3A_1517 : vector<16xi1>, vector<16xi32>
        %select_n3A_1571 = arith.select %lt3A_1567, %select_n3A_1517, %broadcast_in_dim3A_1566 : vector<16xi1>, vector<16xi32>
        %lt3A_1572 = arith.cmpf olt, %select_n3A_1569, %select_n3A_1520 : vector<16xf32>
        %select_n3A_1573 = arith.select %lt3A_1572, %select_n3A_1569, %select_n3A_1520 : vector<16xi1>, vector<16xf32>
        %select_n3A_1574 = arith.select %lt3A_1572, %select_n3A_1520, %select_n3A_1569 : vector<16xi1>, vector<16xf32>
        %select_n3A_1575 = arith.select %lt3A_1572, %select_n3A_1571, %select_n3A_1522 : vector<16xi1>, vector<16xi32>
        %select_n3A_1576 = arith.select %lt3A_1572, %select_n3A_1522, %select_n3A_1571 : vector<16xi1>, vector<16xi32>
        %lt3A_1577 = arith.cmpf olt, %select_n3A_1574, %select_n3A_1525 : vector<16xf32>
        %select_n3A_1578 = arith.select %lt3A_1577, %select_n3A_1574, %select_n3A_1525 : vector<16xi1>, vector<16xf32>
        %select_n3A_1579 = arith.select %lt3A_1577, %select_n3A_1525, %select_n3A_1574 : vector<16xi1>, vector<16xf32>
        %select_n3A_1580 = arith.select %lt3A_1577, %select_n3A_1576, %select_n3A_1527 : vector<16xi1>, vector<16xi32>
        %select_n3A_1581 = arith.select %lt3A_1577, %select_n3A_1527, %select_n3A_1576 : vector<16xi1>, vector<16xi32>
        %lt3A_1582 = arith.cmpf olt, %select_n3A_1579, %select_n3A_1530 : vector<16xf32>
        %select_n3A_1583 = arith.select %lt3A_1582, %select_n3A_1579, %select_n3A_1530 : vector<16xi1>, vector<16xf32>
        %select_n3A_1584 = arith.select %lt3A_1582, %select_n3A_1530, %select_n3A_1579 : vector<16xi1>, vector<16xf32>
        %select_n3A_1585 = arith.select %lt3A_1582, %select_n3A_1581, %select_n3A_1532 : vector<16xi1>, vector<16xi32>
        %select_n3A_1586 = arith.select %lt3A_1582, %select_n3A_1532, %select_n3A_1581 : vector<16xi1>, vector<16xi32>
        %lt3A_1587 = arith.cmpf olt, %select_n3A_1584, %select_n3A_1535 : vector<16xf32>
        %select_n3A_1588 = arith.select %lt3A_1587, %select_n3A_1584, %select_n3A_1535 : vector<16xi1>, vector<16xf32>
        %select_n3A_1589 = arith.select %lt3A_1587, %select_n3A_1535, %select_n3A_1584 : vector<16xi1>, vector<16xf32>
        %select_n3A_1590 = arith.select %lt3A_1587, %select_n3A_1586, %select_n3A_1537 : vector<16xi1>, vector<16xi32>
        %select_n3A_1591 = arith.select %lt3A_1587, %select_n3A_1537, %select_n3A_1586 : vector<16xi1>, vector<16xi32>
        %slice3A_1592 = vector.extract_strided_slice %get3A_792 {offsets = [15], sizes = [1], strides = [1]} : vector<16xf32> to vector<1xf32>
        %squeeze3A_1593 = vector.extract %slice3A_1592[0] : f32 from vector<1xf32>
        %mul3A_1594 = vector.broadcast %squeeze3A_1593 : f32 to vector<16xf32>
        %mul3A_1595 = arith.mulf %sub3A_37, %mul3A_1594 : vector<16xf32>
        %slice3A_1596 = vector.extract_strided_slice %get3A_795 {offsets = [15], sizes = [1], strides = [1]} : vector<16xf32> to vector<1xf32>
        %squeeze3A_1597 = vector.extract %slice3A_1596[0] : f32 from vector<1xf32>
        %mul3A_1598 = vector.broadcast %squeeze3A_1597 : f32 to vector<16xf32>
        %mul3A_1599 = arith.mulf %sub3A_42, %mul3A_1598 : vector<16xf32>
        %add3A_1600 = arith.addf %mul3A_1595, %mul3A_1599 : vector<16xf32>
        %slice3A_1601 = vector.extract_strided_slice %get3A_798 {offsets = [15], sizes = [1], strides = [1]} : vector<16xf32> to vector<1xf32>
        %squeeze3A_1602 = vector.extract %slice3A_1601[0] : f32 from vector<1xf32>
        %mul3A_1603 = vector.broadcast %squeeze3A_1602 : f32 to vector<16xf32>
        %mul3A_1604 = arith.mulf %sub3A_47, %mul3A_1603 : vector<16xf32>
        %add3A_1605 = arith.addf %add3A_1600, %mul3A_1604 : vector<16xf32>
        %slice3A_1606 = vector.extract_strided_slice %get3A_801 {offsets = [15], sizes = [1], strides = [1]} : vector<16xf32> to vector<1xf32>
        %squeeze3A_1607 = vector.extract %slice3A_1606[0] : f32 from vector<1xf32>
        %add3A_1608 = vector.broadcast %squeeze3A_1607 : f32 to vector<16xf32>
        %add3A_1609 = arith.addf %add3A_52, %add3A_1608 : vector<16xf32>
        %mul3A_1610 = arith.constant 2.000000e+00 : f32
        %mul3A_1611 = vector.broadcast %mul3A_1610 : f32 to vector<16xf32>
        %mul3A_1612 = arith.mulf %mul3A_1611, %add3A_1605 : vector<16xf32>
        %sub3A_1613 = arith.subf %add3A_1609, %mul3A_1612 : vector<16xf32>
        %max3A_1614 = arith.constant 0.000000e+00 : f32
        %max3A_1615 = vector.broadcast %max3A_1614 : f32 to vector<16xf32>
        %max3A_1616 = arith.maximumf %sub3A_1613, %max3A_1615 : vector<16xf32>
        %add3A_1617 = arith.constant 15 : i32
        %add3A_1618 = arith.addi %mul3A_789, %add3A_1617 : i32
        %broadcast_in_dim3A_1619 = vector.broadcast %add3A_1618 : i32 to vector<16xi32>
        %lt3A_1620 = arith.cmpf olt, %max3A_1616, %select_n3A_1568 : vector<16xf32>
        %select_n3A_1621 = arith.select %lt3A_1620, %max3A_1616, %select_n3A_1568 : vector<16xi1>, vector<16xf32>
        %select_n3A_1622 = arith.select %lt3A_1620, %select_n3A_1568, %max3A_1616 : vector<16xi1>, vector<16xf32>
        %select_n3A_1623 = arith.select %lt3A_1620, %broadcast_in_dim3A_1619, %select_n3A_1570 : vector<16xi1>, vector<16xi32>
        %select_n3A_1624 = arith.select %lt3A_1620, %select_n3A_1570, %broadcast_in_dim3A_1619 : vector<16xi1>, vector<16xi32>
        %lt3A_1625 = arith.cmpf olt, %select_n3A_1622, %select_n3A_1573 : vector<16xf32>
        %select_n3A_1626 = arith.select %lt3A_1625, %select_n3A_1622, %select_n3A_1573 : vector<16xi1>, vector<16xf32>
        %select_n3A_1627 = arith.select %lt3A_1625, %select_n3A_1573, %select_n3A_1622 : vector<16xi1>, vector<16xf32>
        %select_n3A_1628 = arith.select %lt3A_1625, %select_n3A_1624, %select_n3A_1575 : vector<16xi1>, vector<16xi32>
        %select_n3A_1629 = arith.select %lt3A_1625, %select_n3A_1575, %select_n3A_1624 : vector<16xi1>, vector<16xi32>
        %lt3A_1630 = arith.cmpf olt, %select_n3A_1627, %select_n3A_1578 : vector<16xf32>
        %select_n3A_1631 = arith.select %lt3A_1630, %select_n3A_1627, %select_n3A_1578 : vector<16xi1>, vector<16xf32>
        %select_n3A_1632 = arith.select %lt3A_1630, %select_n3A_1578, %select_n3A_1627 : vector<16xi1>, vector<16xf32>
        %select_n3A_1633 = arith.select %lt3A_1630, %select_n3A_1629, %select_n3A_1580 : vector<16xi1>, vector<16xi32>
        %select_n3A_1634 = arith.select %lt3A_1630, %select_n3A_1580, %select_n3A_1629 : vector<16xi1>, vector<16xi32>
        %lt3A_1635 = arith.cmpf olt, %select_n3A_1632, %select_n3A_1583 : vector<16xf32>
        %select_n3A_1636 = arith.select %lt3A_1635, %select_n3A_1632, %select_n3A_1583 : vector<16xi1>, vector<16xf32>
        %select_n3A_1637 = arith.select %lt3A_1635, %select_n3A_1583, %select_n3A_1632 : vector<16xi1>, vector<16xf32>
        %select_n3A_1638 = arith.select %lt3A_1635, %select_n3A_1634, %select_n3A_1585 : vector<16xi1>, vector<16xi32>
        %select_n3A_1639 = arith.select %lt3A_1635, %select_n3A_1585, %select_n3A_1634 : vector<16xi1>, vector<16xi32>
        %lt3A_1640 = arith.cmpf olt, %select_n3A_1637, %select_n3A_1588 : vector<16xf32>
        %select_n3A_1641 = arith.select %lt3A_1640, %select_n3A_1637, %select_n3A_1588 : vector<16xi1>, vector<16xf32>
        %select_n3A_1642 = arith.select %lt3A_1640, %select_n3A_1588, %select_n3A_1637 : vector<16xi1>, vector<16xf32>
        %select_n3A_1643 = arith.select %lt3A_1640, %select_n3A_1639, %select_n3A_1590 : vector<16xi1>, vector<16xi32>
        %select_n3A_1644 = arith.select %lt3A_1640, %select_n3A_1590, %select_n3A_1639 : vector<16xi1>, vector<16xi32>
        scf.yield %select_n3A_1621, %select_n3A_1626, %select_n3A_1631, %select_n3A_1636, %select_n3A_1641, %select_n3A_1623, %select_n3A_1628, %select_n3A_1633, %select_n3A_1638, %select_n3A_1643 : vector<16xf32>, vector<16xf32>, vector<16xf32>, vector<16xf32>, vector<16xf32>, vector<16xi32>, vector<16xi32>, vector<16xi32>, vector<16xi32>, vector<16xi32>
      }
      %scan3A_61 = arith.constant 256 : i32
      %add3A_62 = vector.broadcast %mul3A_4 : i32 to vector<16xi32>
      %add3A_63 = arith.addi %scan3A_60#5, %add3A_62 : vector<16xi32>
      %dma_start3A = arith.constant 0 : i32
      %dma_start3A_64 = arith.constant 0 : i32
      %dma_start3A_65 = tpu.memref_slice %arg40[%dma_start3A, %dma_start3A_64] : memref<16x16xf32, #tpu.memory_space<vmem>> -> memref<1x16xf32, #tpu.memory_space<vmem>>
      %dma_start3A_66 = tpu.memref_squeeze %dma_start3A_65 : memref<1x16xf32, #tpu.memory_space<vmem>> -> memref<16xf32, #tpu.memory_space<vmem>>
      %dma_start3A_67 = arith.constant 0 : i32
      %dma_start3A_68 = tpu.memref_slice %arg5[%dma_start3A_67] : memref<8192xf32, #tpu.memory_space<hbm>> -> memref<8192xf32, #tpu.memory_space<hbm>>
      tpu.enqueue_indirect_dma source(%dma_start3A_68 : memref<8192xf32, #tpu.memory_space<hbm>>) target(%dma_start3A_66 : memref<16xf32, #tpu.memory_space<vmem>>) offsets(%add3A_63 : vector<16xi32>) semaphore(%arg41 : memref<!tpu.dma_semaphore, #tpu.memory_space<semaphore_mem>>)
      %dma_start3A_69 = arith.constant 1 : i32
      %dma_start3A_70 = arith.constant 0 : i32
      %dma_start3A_71 = tpu.memref_slice %arg40[%dma_start3A_69, %dma_start3A_70] : memref<16x16xf32, #tpu.memory_space<vmem>> -> memref<1x16xf32, #tpu.memory_space<vmem>>
      %dma_start3A_72 = tpu.memref_squeeze %dma_start3A_71 : memref<1x16xf32, #tpu.memory_space<vmem>> -> memref<16xf32, #tpu.memory_space<vmem>>
      %dma_start3A_73 = arith.constant 0 : i32
      %dma_start3A_74 = tpu.memref_slice %arg6[%dma_start3A_73] : memref<8192xf32, #tpu.memory_space<hbm>> -> memref<8192xf32, #tpu.memory_space<hbm>>
      tpu.enqueue_indirect_dma source(%dma_start3A_74 : memref<8192xf32, #tpu.memory_space<hbm>>) target(%dma_start3A_72 : memref<16xf32, #tpu.memory_space<vmem>>) offsets(%add3A_63 : vector<16xi32>) semaphore(%arg41 : memref<!tpu.dma_semaphore, #tpu.memory_space<semaphore_mem>>)
      %dma_start3A_75 = arith.constant 2 : i32
      %dma_start3A_76 = arith.constant 0 : i32
      %dma_start3A_77 = tpu.memref_slice %arg40[%dma_start3A_75, %dma_start3A_76] : memref<16x16xf32, #tpu.memory_space<vmem>> -> memref<1x16xf32, #tpu.memory_space<vmem>>
      %dma_start3A_78 = tpu.memref_squeeze %dma_start3A_77 : memref<1x16xf32, #tpu.memory_space<vmem>> -> memref<16xf32, #tpu.memory_space<vmem>>
      %dma_start3A_79 = arith.constant 0 : i32
      %dma_start3A_80 = tpu.memref_slice %arg7[%dma_start3A_79] : memref<8192xf32, #tpu.memory_space<hbm>> -> memref<8192xf32, #tpu.memory_space<hbm>>
      tpu.enqueue_indirect_dma source(%dma_start3A_80 : memref<8192xf32, #tpu.memory_space<hbm>>) target(%dma_start3A_78 : memref<16xf32, #tpu.memory_space<vmem>>) offsets(%add3A_63 : vector<16xi32>) semaphore(%arg41 : memref<!tpu.dma_semaphore, #tpu.memory_space<semaphore_mem>>)
      %add3A_81 = vector.broadcast %mul3A_4 : i32 to vector<16xi32>
      %add3A_82 = arith.addi %scan3A_60#6, %add3A_81 : vector<16xi32>
      %dma_start3A_83 = arith.constant 3 : i32
      %dma_start3A_84 = arith.constant 0 : i32
      %dma_start3A_85 = tpu.memref_slice %arg40[%dma_start3A_83, %dma_start3A_84] : memref<16x16xf32, #tpu.memory_space<vmem>> -> memref<1x16xf32, #tpu.memory_space<vmem>>
      %dma_start3A_86 = tpu.memref_squeeze %dma_start3A_85 : memref<1x16xf32, #tpu.memory_space<vmem>> -> memref<16xf32, #tpu.memory_space<vmem>>
      %dma_start3A_87 = arith.constant 0 : i32
      %dma_start3A_88 = tpu.memref_slice %arg5[%dma_start3A_87] : memref<8192xf32, #tpu.memory_space<hbm>> -> memref<8192xf32, #tpu.memory_space<hbm>>
      tpu.enqueue_indirect_dma source(%dma_start3A_88 : memref<8192xf32, #tpu.memory_space<hbm>>) target(%dma_start3A_86 : memref<16xf32, #tpu.memory_space<vmem>>) offsets(%add3A_82 : vector<16xi32>) semaphore(%arg41 : memref<!tpu.dma_semaphore, #tpu.memory_space<semaphore_mem>>)
      %dma_start3A_89 = arith.constant 4 : i32
      %dma_start3A_90 = arith.constant 0 : i32
      %dma_start3A_91 = tpu.memref_slice %arg40[%dma_start3A_89, %dma_start3A_90] : memref<16x16xf32, #tpu.memory_space<vmem>> -> memref<1x16xf32, #tpu.memory_space<vmem>>
      %dma_start3A_92 = tpu.memref_squeeze %dma_start3A_91 : memref<1x16xf32, #tpu.memory_space<vmem>> -> memref<16xf32, #tpu.memory_space<vmem>>
      %dma_start3A_93 = arith.constant 0 : i32
      %dma_start3A_94 = tpu.memref_slice %arg6[%dma_start3A_93] : memref<8192xf32, #tpu.memory_space<hbm>> -> memref<8192xf32, #tpu.memory_space<hbm>>
      tpu.enqueue_indirect_dma source(%dma_start3A_94 : memref<8192xf32, #tpu.memory_space<hbm>>) target(%dma_start3A_92 : memref<16xf32, #tpu.memory_space<vmem>>) offsets(%add3A_82 : vector<16xi32>) semaphore(%arg41 : memref<!tpu.dma_semaphore, #tpu.memory_space<semaphore_mem>>)
      %dma_start3A_95 = arith.constant 5 : i32
      %dma_start3A_96 = arith.constant 0 : i32
      %dma_start3A_97 = tpu.memref_slice %arg40[%dma_start3A_95, %dma_start3A_96] : memref<16x16xf32, #tpu.memory_space<vmem>> -> memref<1x16xf32, #tpu.memory_space<vmem>>
      %dma_start3A_98 = tpu.memref_squeeze %dma_start3A_97 : memref<1x16xf32, #tpu.memory_space<vmem>> -> memref<16xf32, #tpu.memory_space<vmem>>
      %dma_start3A_99 = arith.constant 0 : i32
      %dma_start3A_100 = tpu.memref_slice %arg7[%dma_start3A_99] : memref<8192xf32, #tpu.memory_space<hbm>> -> memref<8192xf32, #tpu.memory_space<hbm>>
      tpu.enqueue_indirect_dma source(%dma_start3A_100 : memref<8192xf32, #tpu.memory_space<hbm>>) target(%dma_start3A_98 : memref<16xf32, #tpu.memory_space<vmem>>) offsets(%add3A_82 : vector<16xi32>) semaphore(%arg41 : memref<!tpu.dma_semaphore, #tpu.memory_space<semaphore_mem>>)
      %add3A_101 = vector.broadcast %mul3A_4 : i32 to vector<16xi32>
      %add3A_102 = arith.addi %scan3A_60#7, %add3A_101 : vector<16xi32>
      %dma_start3A_103 = arith.constant 6 : i32
      %dma_start3A_104 = arith.constant 0 : i32
      %dma_start3A_105 = tpu.memref_slice %arg40[%dma_start3A_103, %dma_start3A_104] : memref<16x16xf32, #tpu.memory_space<vmem>> -> memref<1x16xf32, #tpu.memory_space<vmem>>
      %dma_start3A_106 = tpu.memref_squeeze %dma_start3A_105 : memref<1x16xf32, #tpu.memory_space<vmem>> -> memref<16xf32, #tpu.memory_space<vmem>>
      %dma_start3A_107 = arith.constant 0 : i32
      %dma_start3A_108 = tpu.memref_slice %arg5[%dma_start3A_107] : memref<8192xf32, #tpu.memory_space<hbm>> -> memref<8192xf32, #tpu.memory_space<hbm>>
      tpu.enqueue_indirect_dma source(%dma_start3A_108 : memref<8192xf32, #tpu.memory_space<hbm>>) target(%dma_start3A_106 : memref<16xf32, #tpu.memory_space<vmem>>) offsets(%add3A_102 : vector<16xi32>) semaphore(%arg41 : memref<!tpu.dma_semaphore, #tpu.memory_space<semaphore_mem>>)
      %dma_start3A_109 = arith.constant 7 : i32
      %dma_start3A_110 = arith.constant 0 : i32
      %dma_start3A_111 = tpu.memref_slice %arg40[%dma_start3A_109, %dma_start3A_110] : memref<16x16xf32, #tpu.memory_space<vmem>> -> memref<1x16xf32, #tpu.memory_space<vmem>>
      %dma_start3A_112 = tpu.memref_squeeze %dma_start3A_111 : memref<1x16xf32, #tpu.memory_space<vmem>> -> memref<16xf32, #tpu.memory_space<vmem>>
      %dma_start3A_113 = arith.constant 0 : i32
      %dma_start3A_114 = tpu.memref_slice %arg6[%dma_start3A_113] : memref<8192xf32, #tpu.memory_space<hbm>> -> memref<8192xf32, #tpu.memory_space<hbm>>
      tpu.enqueue_indirect_dma source(%dma_start3A_114 : memref<8192xf32, #tpu.memory_space<hbm>>) target(%dma_start3A_112 : memref<16xf32, #tpu.memory_space<vmem>>) offsets(%add3A_102 : vector<16xi32>) semaphore(%arg41 : memref<!tpu.dma_semaphore, #tpu.memory_space<semaphore_mem>>)
      %dma_start3A_115 = arith.constant 8 : i32
      %dma_start3A_116 = arith.constant 0 : i32
      %dma_start3A_117 = tpu.memref_slice %arg40[%dma_start3A_115, %dma_start3A_116] : memref<16x16xf32, #tpu.memory_space<vmem>> -> memref<1x16xf32, #tpu.memory_space<vmem>>
      %dma_start3A_118 = tpu.memref_squeeze %dma_start3A_117 : memref<1x16xf32, #tpu.memory_space<vmem>> -> memref<16xf32, #tpu.memory_space<vmem>>
      %dma_start3A_119 = arith.constant 0 : i32
      %dma_start3A_120 = tpu.memref_slice %arg7[%dma_start3A_119] : memref<8192xf32, #tpu.memory_space<hbm>> -> memref<8192xf32, #tpu.memory_space<hbm>>
      tpu.enqueue_indirect_dma source(%dma_start3A_120 : memref<8192xf32, #tpu.memory_space<hbm>>) target(%dma_start3A_118 : memref<16xf32, #tpu.memory_space<vmem>>) offsets(%add3A_102 : vector<16xi32>) semaphore(%arg41 : memref<!tpu.dma_semaphore, #tpu.memory_space<semaphore_mem>>)
      %add3A_121 = vector.broadcast %mul3A_4 : i32 to vector<16xi32>
      %add3A_122 = arith.addi %scan3A_60#8, %add3A_121 : vector<16xi32>
      %dma_start3A_123 = arith.constant 9 : i32
      %dma_start3A_124 = arith.constant 0 : i32
      %dma_start3A_125 = tpu.memref_slice %arg40[%dma_start3A_123, %dma_start3A_124] : memref<16x16xf32, #tpu.memory_space<vmem>> -> memref<1x16xf32, #tpu.memory_space<vmem>>
      %dma_start3A_126 = tpu.memref_squeeze %dma_start3A_125 : memref<1x16xf32, #tpu.memory_space<vmem>> -> memref<16xf32, #tpu.memory_space<vmem>>
      %dma_start3A_127 = arith.constant 0 : i32
      %dma_start3A_128 = tpu.memref_slice %arg5[%dma_start3A_127] : memref<8192xf32, #tpu.memory_space<hbm>> -> memref<8192xf32, #tpu.memory_space<hbm>>
      tpu.enqueue_indirect_dma source(%dma_start3A_128 : memref<8192xf32, #tpu.memory_space<hbm>>) target(%dma_start3A_126 : memref<16xf32, #tpu.memory_space<vmem>>) offsets(%add3A_122 : vector<16xi32>) semaphore(%arg41 : memref<!tpu.dma_semaphore, #tpu.memory_space<semaphore_mem>>)
      %dma_start3A_129 = arith.constant 10 : i32
      %dma_start3A_130 = arith.constant 0 : i32
      %dma_start3A_131 = tpu.memref_slice %arg40[%dma_start3A_129, %dma_start3A_130] : memref<16x16xf32, #tpu.memory_space<vmem>> -> memref<1x16xf32, #tpu.memory_space<vmem>>
      %dma_start3A_132 = tpu.memref_squeeze %dma_start3A_131 : memref<1x16xf32, #tpu.memory_space<vmem>> -> memref<16xf32, #tpu.memory_space<vmem>>
      %dma_start3A_133 = arith.constant 0 : i32
      %dma_start3A_134 = tpu.memref_slice %arg6[%dma_start3A_133] : memref<8192xf32, #tpu.memory_space<hbm>> -> memref<8192xf32, #tpu.memory_space<hbm>>
      tpu.enqueue_indirect_dma source(%dma_start3A_134 : memref<8192xf32, #tpu.memory_space<hbm>>) target(%dma_start3A_132 : memref<16xf32, #tpu.memory_space<vmem>>) offsets(%add3A_122 : vector<16xi32>) semaphore(%arg41 : memref<!tpu.dma_semaphore, #tpu.memory_space<semaphore_mem>>)
      %dma_start3A_135 = arith.constant 11 : i32
      %dma_start3A_136 = arith.constant 0 : i32
      %dma_start3A_137 = tpu.memref_slice %arg40[%dma_start3A_135, %dma_start3A_136] : memref<16x16xf32, #tpu.memory_space<vmem>> -> memref<1x16xf32, #tpu.memory_space<vmem>>
      %dma_start3A_138 = tpu.memref_squeeze %dma_start3A_137 : memref<1x16xf32, #tpu.memory_space<vmem>> -> memref<16xf32, #tpu.memory_space<vmem>>
      %dma_start3A_139 = arith.constant 0 : i32
      %dma_start3A_140 = tpu.memref_slice %arg7[%dma_start3A_139] : memref<8192xf32, #tpu.memory_space<hbm>> -> memref<8192xf32, #tpu.memory_space<hbm>>
      tpu.enqueue_indirect_dma source(%dma_start3A_140 : memref<8192xf32, #tpu.memory_space<hbm>>) target(%dma_start3A_138 : memref<16xf32, #tpu.memory_space<vmem>>) offsets(%add3A_122 : vector<16xi32>) semaphore(%arg41 : memref<!tpu.dma_semaphore, #tpu.memory_space<semaphore_mem>>)
      %add3A_141 = vector.broadcast %mul3A_4 : i32 to vector<16xi32>
      %add3A_142 = arith.addi %scan3A_60#9, %add3A_141 : vector<16xi32>
      %dma_start3A_143 = arith.constant 12 : i32
      %dma_start3A_144 = arith.constant 0 : i32
      %dma_start3A_145 = tpu.memref_slice %arg40[%dma_start3A_143, %dma_start3A_144] : memref<16x16xf32, #tpu.memory_space<vmem>> -> memref<1x16xf32, #tpu.memory_space<vmem>>
      %dma_start3A_146 = tpu.memref_squeeze %dma_start3A_145 : memref<1x16xf32, #tpu.memory_space<vmem>> -> memref<16xf32, #tpu.memory_space<vmem>>
      %dma_start3A_147 = arith.constant 0 : i32
      %dma_start3A_148 = tpu.memref_slice %arg5[%dma_start3A_147] : memref<8192xf32, #tpu.memory_space<hbm>> -> memref<8192xf32, #tpu.memory_space<hbm>>
      tpu.enqueue_indirect_dma source(%dma_start3A_148 : memref<8192xf32, #tpu.memory_space<hbm>>) target(%dma_start3A_146 : memref<16xf32, #tpu.memory_space<vmem>>) offsets(%add3A_142 : vector<16xi32>) semaphore(%arg41 : memref<!tpu.dma_semaphore, #tpu.memory_space<semaphore_mem>>)
      %dma_start3A_149 = arith.constant 13 : i32
      %dma_start3A_150 = arith.constant 0 : i32
      %dma_start3A_151 = tpu.memref_slice %arg40[%dma_start3A_149, %dma_start3A_150] : memref<16x16xf32, #tpu.memory_space<vmem>> -> memref<1x16xf32, #tpu.memory_space<vmem>>
      %dma_start3A_152 = tpu.memref_squeeze %dma_start3A_151 : memref<1x16xf32, #tpu.memory_space<vmem>> -> memref<16xf32, #tpu.memory_space<vmem>>
      %dma_start3A_153 = arith.constant 0 : i32
      %dma_start3A_154 = tpu.memref_slice %arg6[%dma_start3A_153] : memref<8192xf32, #tpu.memory_space<hbm>> -> memref<8192xf32, #tpu.memory_space<hbm>>
      tpu.enqueue_indirect_dma source(%dma_start3A_154 : memref<8192xf32, #tpu.memory_space<hbm>>) target(%dma_start3A_152 : memref<16xf32, #tpu.memory_space<vmem>>) offsets(%add3A_142 : vector<16xi32>) semaphore(%arg41 : memref<!tpu.dma_semaphore, #tpu.memory_space<semaphore_mem>>)
      %dma_start3A_155 = arith.constant 14 : i32
      %dma_start3A_156 = arith.constant 0 : i32
      %dma_start3A_157 = tpu.memref_slice %arg40[%dma_start3A_155, %dma_start3A_156] : memref<16x16xf32, #tpu.memory_space<vmem>> -> memref<1x16xf32, #tpu.memory_space<vmem>>
      %dma_start3A_158 = tpu.memref_squeeze %dma_start3A_157 : memref<1x16xf32, #tpu.memory_space<vmem>> -> memref<16xf32, #tpu.memory_space<vmem>>
      %dma_start3A_159 = arith.constant 0 : i32
      %dma_start3A_160 = tpu.memref_slice %arg7[%dma_start3A_159] : memref<8192xf32, #tpu.memory_space<hbm>> -> memref<8192xf32, #tpu.memory_space<hbm>>
      tpu.enqueue_indirect_dma source(%dma_start3A_160 : memref<8192xf32, #tpu.memory_space<hbm>>) target(%dma_start3A_158 : memref<16xf32, #tpu.memory_space<vmem>>) offsets(%add3A_142 : vector<16xi32>) semaphore(%arg41 : memref<!tpu.dma_semaphore, #tpu.memory_space<semaphore_mem>>)
      %dma_wait3A = arith.constant 0 : i32
      %dma_wait3A_161 = arith.constant 0 : i32
      %dma_wait3A_162 = tpu.memref_slice %arg40[%dma_wait3A, %dma_wait3A_161] : memref<16x16xf32, #tpu.memory_space<vmem>> -> memref<1x16xf32, #tpu.memory_space<vmem>>
      %dma_wait3A_163 = tpu.memref_squeeze %dma_wait3A_162 : memref<1x16xf32, #tpu.memory_space<vmem>> -> memref<16xf32, #tpu.memory_space<vmem>>
      %dma_wait3A_164 = arith.constant 0 : i32
      %dma_wait3A_165 = tpu.memref_slice %arg5[%dma_wait3A_164] : memref<8192xf32, #tpu.memory_space<hbm>> -> memref<8192xf32, #tpu.memory_space<hbm>>
      tpu.wait_indirect_dma semaphore(%arg41 : memref<!tpu.dma_semaphore, #tpu.memory_space<semaphore_mem>>) src(%dma_wait3A_165 : memref<8192xf32, #tpu.memory_space<hbm>>) dst(%dma_wait3A_163 : memref<16xf32, #tpu.memory_space<vmem>>)
      %dma_wait3A_166 = arith.constant 1 : i32
      %dma_wait3A_167 = arith.constant 0 : i32
      %dma_wait3A_168 = tpu.memref_slice %arg40[%dma_wait3A_166, %dma_wait3A_167] : memref<16x16xf32, #tpu.memory_space<vmem>> -> memref<1x16xf32, #tpu.memory_space<vmem>>
      %dma_wait3A_169 = tpu.memref_squeeze %dma_wait3A_168 : memref<1x16xf32, #tpu.memory_space<vmem>> -> memref<16xf32, #tpu.memory_space<vmem>>
      %dma_wait3A_170 = arith.constant 0 : i32
      %dma_wait3A_171 = tpu.memref_slice %arg6[%dma_wait3A_170] : memref<8192xf32, #tpu.memory_space<hbm>> -> memref<8192xf32, #tpu.memory_space<hbm>>
      tpu.wait_indirect_dma semaphore(%arg41 : memref<!tpu.dma_semaphore, #tpu.memory_space<semaphore_mem>>) src(%dma_wait3A_171 : memref<8192xf32, #tpu.memory_space<hbm>>) dst(%dma_wait3A_169 : memref<16xf32, #tpu.memory_space<vmem>>)
      %dma_wait3A_172 = arith.constant 2 : i32
      %dma_wait3A_173 = arith.constant 0 : i32
      %dma_wait3A_174 = tpu.memref_slice %arg40[%dma_wait3A_172, %dma_wait3A_173] : memref<16x16xf32, #tpu.memory_space<vmem>> -> memref<1x16xf32, #tpu.memory_space<vmem>>
      %dma_wait3A_175 = tpu.memref_squeeze %dma_wait3A_174 : memref<1x16xf32, #tpu.memory_space<vmem>> -> memref<16xf32, #tpu.memory_space<vmem>>
      %dma_wait3A_176 = arith.constant 0 : i32
      %dma_wait3A_177 = tpu.memref_slice %arg7[%dma_wait3A_176] : memref<8192xf32, #tpu.memory_space<hbm>> -> memref<8192xf32, #tpu.memory_space<hbm>>
      tpu.wait_indirect_dma semaphore(%arg41 : memref<!tpu.dma_semaphore, #tpu.memory_space<semaphore_mem>>) src(%dma_wait3A_177 : memref<8192xf32, #tpu.memory_space<hbm>>) dst(%dma_wait3A_175 : memref<16xf32, #tpu.memory_space<vmem>>)
      %dma_wait3A_178 = arith.constant 3 : i32
      %dma_wait3A_179 = arith.constant 0 : i32
      %dma_wait3A_180 = tpu.memref_slice %arg40[%dma_wait3A_178, %dma_wait3A_179] : memref<16x16xf32, #tpu.memory_space<vmem>> -> memref<1x16xf32, #tpu.memory_space<vmem>>
      %dma_wait3A_181 = tpu.memref_squeeze %dma_wait3A_180 : memref<1x16xf32, #tpu.memory_space<vmem>> -> memref<16xf32, #tpu.memory_space<vmem>>
      %dma_wait3A_182 = arith.constant 0 : i32
      %dma_wait3A_183 = tpu.memref_slice %arg5[%dma_wait3A_182] : memref<8192xf32, #tpu.memory_space<hbm>> -> memref<8192xf32, #tpu.memory_space<hbm>>
      tpu.wait_indirect_dma semaphore(%arg41 : memref<!tpu.dma_semaphore, #tpu.memory_space<semaphore_mem>>) src(%dma_wait3A_183 : memref<8192xf32, #tpu.memory_space<hbm>>) dst(%dma_wait3A_181 : memref<16xf32, #tpu.memory_space<vmem>>)
      %dma_wait3A_184 = arith.constant 4 : i32
      %dma_wait3A_185 = arith.constant 0 : i32
      %dma_wait3A_186 = tpu.memref_slice %arg40[%dma_wait3A_184, %dma_wait3A_185] : memref<16x16xf32, #tpu.memory_space<vmem>> -> memref<1x16xf32, #tpu.memory_space<vmem>>
      %dma_wait3A_187 = tpu.memref_squeeze %dma_wait3A_186 : memref<1x16xf32, #tpu.memory_space<vmem>> -> memref<16xf32, #tpu.memory_space<vmem>>
      %dma_wait3A_188 = arith.constant 0 : i32
      %dma_wait3A_189 = tpu.memref_slice %arg6[%dma_wait3A_188] : memref<8192xf32, #tpu.memory_space<hbm>> -> memref<8192xf32, #tpu.memory_space<hbm>>
      tpu.wait_indirect_dma semaphore(%arg41 : memref<!tpu.dma_semaphore, #tpu.memory_space<semaphore_mem>>) src(%dma_wait3A_189 : memref<8192xf32, #tpu.memory_space<hbm>>) dst(%dma_wait3A_187 : memref<16xf32, #tpu.memory_space<vmem>>)
      %dma_wait3A_190 = arith.constant 5 : i32
      %dma_wait3A_191 = arith.constant 0 : i32
      %dma_wait3A_192 = tpu.memref_slice %arg40[%dma_wait3A_190, %dma_wait3A_191] : memref<16x16xf32, #tpu.memory_space<vmem>> -> memref<1x16xf32, #tpu.memory_space<vmem>>
      %dma_wait3A_193 = tpu.memref_squeeze %dma_wait3A_192 : memref<1x16xf32, #tpu.memory_space<vmem>> -> memref<16xf32, #tpu.memory_space<vmem>>
      %dma_wait3A_194 = arith.constant 0 : i32
      %dma_wait3A_195 = tpu.memref_slice %arg7[%dma_wait3A_194] : memref<8192xf32, #tpu.memory_space<hbm>> -> memref<8192xf32, #tpu.memory_space<hbm>>
      tpu.wait_indirect_dma semaphore(%arg41 : memref<!tpu.dma_semaphore, #tpu.memory_space<semaphore_mem>>) src(%dma_wait3A_195 : memref<8192xf32, #tpu.memory_space<hbm>>) dst(%dma_wait3A_193 : memref<16xf32, #tpu.memory_space<vmem>>)
      %dma_wait3A_196 = arith.constant 6 : i32
      %dma_wait3A_197 = arith.constant 0 : i32
      %dma_wait3A_198 = tpu.memref_slice %arg40[%dma_wait3A_196, %dma_wait3A_197] : memref<16x16xf32, #tpu.memory_space<vmem>> -> memref<1x16xf32, #tpu.memory_space<vmem>>
      %dma_wait3A_199 = tpu.memref_squeeze %dma_wait3A_198 : memref<1x16xf32, #tpu.memory_space<vmem>> -> memref<16xf32, #tpu.memory_space<vmem>>
      %dma_wait3A_200 = arith.constant 0 : i32
      %dma_wait3A_201 = tpu.memref_slice %arg5[%dma_wait3A_200] : memref<8192xf32, #tpu.memory_space<hbm>> -> memref<8192xf32, #tpu.memory_space<hbm>>
      tpu.wait_indirect_dma semaphore(%arg41 : memref<!tpu.dma_semaphore, #tpu.memory_space<semaphore_mem>>) src(%dma_wait3A_201 : memref<8192xf32, #tpu.memory_space<hbm>>) dst(%dma_wait3A_199 : memref<16xf32, #tpu.memory_space<vmem>>)
      %dma_wait3A_202 = arith.constant 7 : i32
      %dma_wait3A_203 = arith.constant 0 : i32
      %dma_wait3A_204 = tpu.memref_slice %arg40[%dma_wait3A_202, %dma_wait3A_203] : memref<16x16xf32, #tpu.memory_space<vmem>> -> memref<1x16xf32, #tpu.memory_space<vmem>>
      %dma_wait3A_205 = tpu.memref_squeeze %dma_wait3A_204 : memref<1x16xf32, #tpu.memory_space<vmem>> -> memref<16xf32, #tpu.memory_space<vmem>>
      %dma_wait3A_206 = arith.constant 0 : i32
      %dma_wait3A_207 = tpu.memref_slice %arg6[%dma_wait3A_206] : memref<8192xf32, #tpu.memory_space<hbm>> -> memref<8192xf32, #tpu.memory_space<hbm>>
      tpu.wait_indirect_dma semaphore(%arg41 : memref<!tpu.dma_semaphore, #tpu.memory_space<semaphore_mem>>) src(%dma_wait3A_207 : memref<8192xf32, #tpu.memory_space<hbm>>) dst(%dma_wait3A_205 : memref<16xf32, #tpu.memory_space<vmem>>)
      %dma_wait3A_208 = arith.constant 8 : i32
      %dma_wait3A_209 = arith.constant 0 : i32
      %dma_wait3A_210 = tpu.memref_slice %arg40[%dma_wait3A_208, %dma_wait3A_209] : memref<16x16xf32, #tpu.memory_space<vmem>> -> memref<1x16xf32, #tpu.memory_space<vmem>>
      %dma_wait3A_211 = tpu.memref_squeeze %dma_wait3A_210 : memref<1x16xf32, #tpu.memory_space<vmem>> -> memref<16xf32, #tpu.memory_space<vmem>>
      %dma_wait3A_212 = arith.constant 0 : i32
      %dma_wait3A_213 = tpu.memref_slice %arg7[%dma_wait3A_212] : memref<8192xf32, #tpu.memory_space<hbm>> -> memref<8192xf32, #tpu.memory_space<hbm>>
      tpu.wait_indirect_dma semaphore(%arg41 : memref<!tpu.dma_semaphore, #tpu.memory_space<semaphore_mem>>) src(%dma_wait3A_213 : memref<8192xf32, #tpu.memory_space<hbm>>) dst(%dma_wait3A_211 : memref<16xf32, #tpu.memory_space<vmem>>)
      %dma_wait3A_214 = arith.constant 9 : i32
      %dma_wait3A_215 = arith.constant 0 : i32
      %dma_wait3A_216 = tpu.memref_slice %arg40[%dma_wait3A_214, %dma_wait3A_215] : memref<16x16xf32, #tpu.memory_space<vmem>> -> memref<1x16xf32, #tpu.memory_space<vmem>>
      %dma_wait3A_217 = tpu.memref_squeeze %dma_wait3A_216 : memref<1x16xf32, #tpu.memory_space<vmem>> -> memref<16xf32, #tpu.memory_space<vmem>>
      %dma_wait3A_218 = arith.constant 0 : i32
      %dma_wait3A_219 = tpu.memref_slice %arg5[%dma_wait3A_218] : memref<8192xf32, #tpu.memory_space<hbm>> -> memref<8192xf32, #tpu.memory_space<hbm>>
      tpu.wait_indirect_dma semaphore(%arg41 : memref<!tpu.dma_semaphore, #tpu.memory_space<semaphore_mem>>) src(%dma_wait3A_219 : memref<8192xf32, #tpu.memory_space<hbm>>) dst(%dma_wait3A_217 : memref<16xf32, #tpu.memory_space<vmem>>)
      %dma_wait3A_220 = arith.constant 10 : i32
      %dma_wait3A_221 = arith.constant 0 : i32
      %dma_wait3A_222 = tpu.memref_slice %arg40[%dma_wait3A_220, %dma_wait3A_221] : memref<16x16xf32, #tpu.memory_space<vmem>> -> memref<1x16xf32, #tpu.memory_space<vmem>>
      %dma_wait3A_223 = tpu.memref_squeeze %dma_wait3A_222 : memref<1x16xf32, #tpu.memory_space<vmem>> -> memref<16xf32, #tpu.memory_space<vmem>>
      %dma_wait3A_224 = arith.constant 0 : i32
      %dma_wait3A_225 = tpu.memref_slice %arg6[%dma_wait3A_224] : memref<8192xf32, #tpu.memory_space<hbm>> -> memref<8192xf32, #tpu.memory_space<hbm>>
      tpu.wait_indirect_dma semaphore(%arg41 : memref<!tpu.dma_semaphore, #tpu.memory_space<semaphore_mem>>) src(%dma_wait3A_225 : memref<8192xf32, #tpu.memory_space<hbm>>) dst(%dma_wait3A_223 : memref<16xf32, #tpu.memory_space<vmem>>)
      %dma_wait3A_226 = arith.constant 11 : i32
      %dma_wait3A_227 = arith.constant 0 : i32
      %dma_wait3A_228 = tpu.memref_slice %arg40[%dma_wait3A_226, %dma_wait3A_227] : memref<16x16xf32, #tpu.memory_space<vmem>> -> memref<1x16xf32, #tpu.memory_space<vmem>>
      %dma_wait3A_229 = tpu.memref_squeeze %dma_wait3A_228 : memref<1x16xf32, #tpu.memory_space<vmem>> -> memref<16xf32, #tpu.memory_space<vmem>>
      %dma_wait3A_230 = arith.constant 0 : i32
      %dma_wait3A_231 = tpu.memref_slice %arg7[%dma_wait3A_230] : memref<8192xf32, #tpu.memory_space<hbm>> -> memref<8192xf32, #tpu.memory_space<hbm>>
      tpu.wait_indirect_dma semaphore(%arg41 : memref<!tpu.dma_semaphore, #tpu.memory_space<semaphore_mem>>) src(%dma_wait3A_231 : memref<8192xf32, #tpu.memory_space<hbm>>) dst(%dma_wait3A_229 : memref<16xf32, #tpu.memory_space<vmem>>)
      %dma_wait3A_232 = arith.constant 12 : i32
      %dma_wait3A_233 = arith.constant 0 : i32
      %dma_wait3A_234 = tpu.memref_slice %arg40[%dma_wait3A_232, %dma_wait3A_233] : memref<16x16xf32, #tpu.memory_space<vmem>> -> memref<1x16xf32, #tpu.memory_space<vmem>>
      %dma_wait3A_235 = tpu.memref_squeeze %dma_wait3A_234 : memref<1x16xf32, #tpu.memory_space<vmem>> -> memref<16xf32, #tpu.memory_space<vmem>>
      %dma_wait3A_236 = arith.constant 0 : i32
      %dma_wait3A_237 = tpu.memref_slice %arg5[%dma_wait3A_236] : memref<8192xf32, #tpu.memory_space<hbm>> -> memref<8192xf32, #tpu.memory_space<hbm>>
      tpu.wait_indirect_dma semaphore(%arg41 : memref<!tpu.dma_semaphore, #tpu.memory_space<semaphore_mem>>) src(%dma_wait3A_237 : memref<8192xf32, #tpu.memory_space<hbm>>) dst(%dma_wait3A_235 : memref<16xf32, #tpu.memory_space<vmem>>)
      %dma_wait3A_238 = arith.constant 13 : i32
      %dma_wait3A_239 = arith.constant 0 : i32
      %dma_wait3A_240 = tpu.memref_slice %arg40[%dma_wait3A_238, %dma_wait3A_239] : memref<16x16xf32, #tpu.memory_space<vmem>> -> memref<1x16xf32, #tpu.memory_space<vmem>>
      %dma_wait3A_241 = tpu.memref_squeeze %dma_wait3A_240 : memref<1x16xf32, #tpu.memory_space<vmem>> -> memref<16xf32, #tpu.memory_space<vmem>>
      %dma_wait3A_242 = arith.constant 0 : i32
      %dma_wait3A_243 = tpu.memref_slice %arg6[%dma_wait3A_242] : memref<8192xf32, #tpu.memory_space<hbm>> -> memref<8192xf32, #tpu.memory_space<hbm>>
      tpu.wait_indirect_dma semaphore(%arg41 : memref<!tpu.dma_semaphore, #tpu.memory_space<semaphore_mem>>) src(%dma_wait3A_243 : memref<8192xf32, #tpu.memory_space<hbm>>) dst(%dma_wait3A_241 : memref<16xf32, #tpu.memory_space<vmem>>)
      %dma_wait3A_244 = arith.constant 14 : i32
      %dma_wait3A_245 = arith.constant 0 : i32
      %dma_wait3A_246 = tpu.memref_slice %arg40[%dma_wait3A_244, %dma_wait3A_245] : memref<16x16xf32, #tpu.memory_space<vmem>> -> memref<1x16xf32, #tpu.memory_space<vmem>>
      %dma_wait3A_247 = tpu.memref_squeeze %dma_wait3A_246 : memref<1x16xf32, #tpu.memory_space<vmem>> -> memref<16xf32, #tpu.memory_space<vmem>>
      %dma_wait3A_248 = arith.constant 0 : i32
      %dma_wait3A_249 = tpu.memref_slice %arg7[%dma_wait3A_248] : memref<8192xf32, #tpu.memory_space<hbm>> -> memref<8192xf32, #tpu.memory_space<hbm>>
      tpu.wait_indirect_dma semaphore(%arg41 : memref<!tpu.dma_semaphore, #tpu.memory_space<semaphore_mem>>) src(%dma_wait3A_249 : memref<8192xf32, #tpu.memory_space<hbm>>) dst(%dma_wait3A_247 : memref<16xf32, #tpu.memory_space<vmem>>)
      %add3A_250 = arith.constant 9.99999993E-9 : f32
      %add3A_251 = vector.broadcast %add3A_250 : f32 to vector<16xf32>
      %add3A_252 = arith.addf %scan3A_60#0, %add3A_251 : vector<16xf32>
      %div3A = arith.constant 1.000000e+00 : f32
      %div3A_253 = vector.broadcast %div3A : f32 to vector<16xf32>
      %div3A_254 = arith.divf %div3A_253, %add3A_252 : vector<16xf32>
      %add3A_255 = arith.constant 9.99999993E-9 : f32
      %add3A_256 = vector.broadcast %add3A_255 : f32 to vector<16xf32>
      %add3A_257 = arith.addf %scan3A_60#1, %add3A_256 : vector<16xf32>
      %div3A_258 = arith.constant 1.000000e+00 : f32
      %div3A_259 = vector.broadcast %div3A_258 : f32 to vector<16xf32>
      %div3A_260 = arith.divf %div3A_259, %add3A_257 : vector<16xf32>
      %add3A_261 = arith.constant 9.99999993E-9 : f32
      %add3A_262 = vector.broadcast %add3A_261 : f32 to vector<16xf32>
      %add3A_263 = arith.addf %scan3A_60#2, %add3A_262 : vector<16xf32>
      %div3A_264 = arith.constant 1.000000e+00 : f32
      %div3A_265 = vector.broadcast %div3A_264 : f32 to vector<16xf32>
      %div3A_266 = arith.divf %div3A_265, %add3A_263 : vector<16xf32>
      %add3A_267 = arith.constant 9.99999993E-9 : f32
      %add3A_268 = vector.broadcast %add3A_267 : f32 to vector<16xf32>
      %add3A_269 = arith.addf %scan3A_60#3, %add3A_268 : vector<16xf32>
      %div3A_270 = arith.constant 1.000000e+00 : f32
      %div3A_271 = vector.broadcast %div3A_270 : f32 to vector<16xf32>
      %div3A_272 = arith.divf %div3A_271, %add3A_269 : vector<16xf32>
      %add3A_273 = arith.constant 9.99999993E-9 : f32
      %add3A_274 = vector.broadcast %add3A_273 : f32 to vector<16xf32>
      %add3A_275 = arith.addf %scan3A_60#4, %add3A_274 : vector<16xf32>
      %div3A_276 = arith.constant 1.000000e+00 : f32
      %div3A_277 = vector.broadcast %div3A_276 : f32 to vector<16xf32>
      %div3A_278 = arith.divf %div3A_277, %add3A_275 : vector<16xf32>
      %add3A_279 = arith.addf %div3A_254, %div3A_260 : vector<16xf32>
      %add3A_280 = arith.addf %add3A_279, %div3A_266 : vector<16xf32>
      %add3A_281 = arith.addf %add3A_280, %div3A_272 : vector<16xf32>
      %add3A_282 = arith.addf %add3A_281, %div3A_278 : vector<16xf32>
      %get3A_283 = arith.constant 0 : i32
      %get3A_284 = arith.index_cast %get3A_283 : i32 to index
      %get3A_285 = arith.constant 0 : index
      %get3A_286 = tpu.vector_load %arg40[%get3A_284, %get3A_285] {strides = array<i32>} : memref<16x16xf32, #tpu.memory_space<vmem>>, vector<1x16xf32>,
      %get3A_287 = vector.shape_cast %get3A_286 : vector<1x16xf32> to vector<16xf32>
      %mul3A_288 = arith.mulf %div3A_254, %get3A_287 : vector<16xf32>
      %add3A_289 = arith.constant 0.000000e+00 : f32
      %add3A_290 = vector.broadcast %add3A_289 : f32 to vector<16xf32>
      %add3A_291 = arith.addf %add3A_290, %mul3A_288 : vector<16xf32>
      %get3A_292 = arith.constant 3 : i32
      %get3A_293 = arith.index_cast %get3A_292 : i32 to index
      %get3A_294 = arith.constant 0 : index
      %get3A_295 = tpu.vector_load %arg40[%get3A_293, %get3A_294] {strides = array<i32>} : memref<16x16xf32, #tpu.memory_space<vmem>>, vector<1x16xf32>,
      %get3A_296 = vector.shape_cast %get3A_295 : vector<1x16xf32> to vector<16xf32>
      %mul3A_297 = arith.mulf %div3A_260, %get3A_296 : vector<16xf32>
      %add3A_298 = arith.addf %add3A_291, %mul3A_297 : vector<16xf32>
      %get3A_299 = arith.constant 6 : i32
      %get3A_300 = arith.index_cast %get3A_299 : i32 to index
      %get3A_301 = arith.constant 0 : index
      %get3A_302 = tpu.vector_load %arg40[%get3A_300, %get3A_301] {strides = array<i32>} : memref<16x16xf32, #tpu.memory_space<vmem>>, vector<1x16xf32>,
      %get3A_303 = vector.shape_cast %get3A_302 : vector<1x16xf32> to vector<16xf32>
      %mul3A_304 = arith.mulf %div3A_266, %get3A_303 : vector<16xf32>
      %add3A_305 = arith.addf %add3A_298, %mul3A_304 : vector<16xf32>
      %get3A_306 = arith.constant 9 : i32
      %get3A_307 = arith.index_cast %get3A_306 : i32 to index
      %get3A_308 = arith.constant 0 : index
      %get3A_309 = tpu.vector_load %arg40[%get3A_307, %get3A_308] {strides = array<i32>} : memref<16x16xf32, #tpu.memory_space<vmem>>, vector<1x16xf32>,
      %get3A_310 = vector.shape_cast %get3A_309 : vector<1x16xf32> to vector<16xf32>
      %mul3A_311 = arith.mulf %div3A_272, %get3A_310 : vector<16xf32>
      %add3A_312 = arith.addf %add3A_305, %mul3A_311 : vector<16xf32>
      %get3A_313 = arith.constant 12 : i32
      %get3A_314 = arith.index_cast %get3A_313 : i32 to index
      %get3A_315 = arith.constant 0 : index
      %get3A_316 = tpu.vector_load %arg40[%get3A_314, %get3A_315] {strides = array<i32>} : memref<16x16xf32, #tpu.memory_space<vmem>>, vector<1x16xf32>,
      %get3A_317 = vector.shape_cast %get3A_316 : vector<1x16xf32> to vector<16xf32>
      %mul3A_318 = arith.mulf %div3A_278, %get3A_317 : vector<16xf32>
      %add3A_319 = arith.addf %add3A_312, %mul3A_318 : vector<16xf32>
      %get3A_320 = arith.constant 1 : i32
      %get3A_321 = arith.index_cast %get3A_320 : i32 to index
      %get3A_322 = arith.constant 0 : index
      %get3A_323 = tpu.vector_load %arg40[%get3A_321, %get3A_322] {strides = array<i32>} : memref<16x16xf32, #tpu.memory_space<vmem>>, vector<1x16xf32>,
      %get3A_324 = vector.shape_cast %get3A_323 : vector<1x16xf32> to vector<16xf32>
      %mul3A_325 = arith.mulf %div3A_254, %get3A_324 : vector<16xf32>
      %add3A_326 = arith.constant 0.000000e+00 : f32
      %add3A_327 = vector.broadcast %add3A_326 : f32 to vector<16xf32>
      %add3A_328 = arith.addf %add3A_327, %mul3A_325 : vector<16xf32>
      %get3A_329 = arith.constant 4 : i32
      %get3A_330 = arith.index_cast %get3A_329 : i32 to index
      %get3A_331 = arith.constant 0 : index
      %get3A_332 = tpu.vector_load %arg40[%get3A_330, %get3A_331] {strides = array<i32>} : memref<16x16xf32, #tpu.memory_space<vmem>>, vector<1x16xf32>,
      %get3A_333 = vector.shape_cast %get3A_332 : vector<1x16xf32> to vector<16xf32>
      %mul3A_334 = arith.mulf %div3A_260, %get3A_333 : vector<16xf32>
      %add3A_335 = arith.addf %add3A_328, %mul3A_334 : vector<16xf32>
      %get3A_336 = arith.constant 7 : i32
      %get3A_337 = arith.index_cast %get3A_336 : i32 to index
      %get3A_338 = arith.constant 0 : index
      %get3A_339 = tpu.vector_load %arg40[%get3A_337, %get3A_338] {strides = array<i32>} : memref<16x16xf32, #tpu.memory_space<vmem>>, vector<1x16xf32>,
      %get3A_340 = vector.shape_cast %get3A_339 : vector<1x16xf32> to vector<16xf32>
      %mul3A_341 = arith.mulf %div3A_266, %get3A_340 : vector<16xf32>
      %add3A_342 = arith.addf %add3A_335, %mul3A_341 : vector<16xf32>
      %get3A_343 = arith.constant 10 : i32
      %get3A_344 = arith.index_cast %get3A_343 : i32 to index
      %get3A_345 = arith.constant 0 : index
      %get3A_346 = tpu.vector_load %arg40[%get3A_344, %get3A_345] {strides = array<i32>} : memref<16x16xf32, #tpu.memory_space<vmem>>, vector<1x16xf32>,
      %get3A_347 = vector.shape_cast %get3A_346 : vector<1x16xf32> to vector<16xf32>
      %mul3A_348 = arith.mulf %div3A_272, %get3A_347 : vector<16xf32>
      %add3A_349 = arith.addf %add3A_342, %mul3A_348 : vector<16xf32>
      %get3A_350 = arith.constant 13 : i32
      %get3A_351 = arith.index_cast %get3A_350 : i32 to index
      %get3A_352 = arith.constant 0 : index
      %get3A_353 = tpu.vector_load %arg40[%get3A_351, %get3A_352] {strides = array<i32>} : memref<16x16xf32, #tpu.memory_space<vmem>>, vector<1x16xf32>,
      %get3A_354 = vector.shape_cast %get3A_353 : vector<1x16xf32> to vector<16xf32>
      %mul3A_355 = arith.mulf %div3A_278, %get3A_354 : vector<16xf32>
      %add3A_356 = arith.addf %add3A_349, %mul3A_355 : vector<16xf32>
      %get3A_357 = arith.constant 2 : i32
      %get3A_358 = arith.index_cast %get3A_357 : i32 to index
      %get3A_359 = arith.constant 0 : index
      %get3A_360 = tpu.vector_load %arg40[%get3A_358, %get3A_359] {strides = array<i32>} : memref<16x16xf32, #tpu.memory_space<vmem>>, vector<1x16xf32>,
      %get3A_361 = vector.shape_cast %get3A_360 : vector<1x16xf32> to vector<16xf32>
      %mul3A_362 = arith.mulf %div3A_254, %get3A_361 : vector<16xf32>
      %add3A_363 = arith.constant 0.000000e+00 : f32
      %add3A_364 = vector.broadcast %add3A_363 : f32 to vector<16xf32>
      %add3A_365 = arith.addf %add3A_364, %mul3A_362 : vector<16xf32>
      %get3A_366 = arith.constant 5 : i32
      %get3A_367 = arith.index_cast %get3A_366 : i32 to index
      %get3A_368 = arith.constant 0 : index
      %get3A_369 = tpu.vector_load %arg40[%get3A_367, %get3A_368] {strides = array<i32>} : memref<16x16xf32, #tpu.memory_space<vmem>>, vector<1x16xf32>,
      %get3A_370 = vector.shape_cast %get3A_369 : vector<1x16xf32> to vector<16xf32>
      %mul3A_371 = arith.mulf %div3A_260, %get3A_370 : vector<16xf32>
      %add3A_372 = arith.addf %add3A_365, %mul3A_371 : vector<16xf32>
      %get3A_373 = arith.constant 8 : i32
      %get3A_374 = arith.index_cast %get3A_373 : i32 to index
      %get3A_375 = arith.constant 0 : index
      %get3A_376 = tpu.vector_load %arg40[%get3A_374, %get3A_375] {strides = array<i32>} : memref<16x16xf32, #tpu.memory_space<vmem>>, vector<1x16xf32>,
      %get3A_377 = vector.shape_cast %get3A_376 : vector<1x16xf32> to vector<16xf32>
      %mul3A_378 = arith.mulf %div3A_266, %get3A_377 : vector<16xf32>
      %add3A_379 = arith.addf %add3A_372, %mul3A_378 : vector<16xf32>
      %get3A_380 = arith.constant 11 : i32
      %get3A_381 = arith.index_cast %get3A_380 : i32 to index
      %get3A_382 = arith.constant 0 : index
      %get3A_383 = tpu.vector_load %arg40[%get3A_381, %get3A_382] {strides = array<i32>} : memref<16x16xf32, #tpu.memory_space<vmem>>, vector<1x16xf32>,
      %get3A_384 = vector.shape_cast %get3A_383 : vector<1x16xf32> to vector<16xf32>
      %mul3A_385 = arith.mulf %div3A_272, %get3A_384 : vector<16xf32>
      %add3A_386 = arith.addf %add3A_379, %mul3A_385 : vector<16xf32>
      %get3A_387 = arith.constant 14 : i32
      %get3A_388 = arith.index_cast %get3A_387 : i32 to index
      %get3A_389 = arith.constant 0 : index
      %get3A_390 = tpu.vector_load %arg40[%get3A_388, %get3A_389] {strides = array<i32>} : memref<16x16xf32, #tpu.memory_space<vmem>>, vector<1x16xf32>,
      %get3A_391 = vector.shape_cast %get3A_390 : vector<1x16xf32> to vector<16xf32>
      %mul3A_392 = arith.mulf %div3A_278, %get3A_391 : vector<16xf32>
      %add3A_393 = arith.addf %add3A_386, %mul3A_392 : vector<16xf32>
      %div3A_394 = arith.divf %add3A_319, %add3A_282 : vector<16xf32>
      %sub3A_395 = arith.subf %get3A_23, %div3A_394 : vector<16xf32>
      %div3A_396 = arith.divf %add3A_356, %add3A_282 : vector<16xf32>
      %sub3A_397 = arith.subf %get3A_28, %div3A_396 : vector<16xf32>
      %div3A_398 = arith.divf %add3A_393, %add3A_282 : vector<16xf32>
      %sub3A_399 = arith.subf %get3A_33, %div3A_398 : vector<16xf32>
      %broadcast_in_dim3A_400 = arith.constant 1.000000e+30 : f32
      %broadcast_in_dim3A_401 = vector.broadcast %broadcast_in_dim3A_400 : f32 to vector<16xf32>
      %broadcast_in_dim3A_402 = arith.constant 0 : i32
      %broadcast_in_dim3A_403 = vector.broadcast %broadcast_in_dim3A_402 : i32 to vector<16xi32>
      %scan3A_404 = arith.constant 0 : i32
      %scan3A_405 = arith.constant 256 : i32
      %scan3A_406 = arith.addi %scan3A_404, %scan3A_405 : i32
      %scan3A_407 = arith.constant 1 : i32
      %scan3A_408:10 = scf.for %scan3A_777 = %scan3A_404 to %scan3A_406 step %scan3A_407 iter_args(%scan3A_778 = %broadcast_in_dim3A_401, %scan3A_779 = %broadcast_in_dim3A_401, %scan3A_780 = %broadcast_in_dim3A_401, %scan3A_781 = %broadcast_in_dim3A_401, %scan3A_782 = %broadcast_in_dim3A_401, %scan3A_783 = %broadcast_in_dim3A_403, %scan3A_784 = %broadcast_in_dim3A_403, %scan3A_785 = %broadcast_in_dim3A_403, %scan3A_786 = %broadcast_in_dim3A_403, %scan3A_787 = %broadcast_in_dim3A_403) -> (vector<16xf32>, vector<16xf32>, vector<16xf32>, vector<16xf32>, vector<16xf32>, vector<16xi32>, vector<16xi32>, vector<16xi32>, vector<16xi32>, vector<16xi32>)  : i32 {
        %mul3A_788 = arith.constant 16 : i32
        %mul3A_789 = arith.muli %scan3A_777, %mul3A_788 : i32
        %get3A_790 = arith.index_cast %mul3A_789 : i32 to index
        %get3A_791 = tpu.vector_load %arg35[%get3A_790] {strides = array<i32>} : memref<4096xf32, #tpu.memory_space<vmem>>, vector<16xf32>,
        %get3A_792 = vector.shape_cast %get3A_791 : vector<16xf32> to vector<16xf32>
        %get3A_793 = arith.index_cast %mul3A_789 : i32 to index
        %get3A_794 = tpu.vector_load %arg36[%get3A_793] {strides = array<i32>} : memref<4096xf32, #tpu.memory_space<vmem>>, vector<16xf32>,
        %get3A_795 = vector.shape_cast %get3A_794 : vector<16xf32> to vector<16xf32>
        %get3A_796 = arith.index_cast %mul3A_789 : i32 to index
        %get3A_797 = tpu.vector_load %arg37[%get3A_796] {strides = array<i32>} : memref<4096xf32, #tpu.memory_space<vmem>>, vector<16xf32>,
        %get3A_798 = vector.shape_cast %get3A_797 : vector<16xf32> to vector<16xf32>
        %get3A_799 = arith.index_cast %mul3A_789 : i32 to index
        %get3A_800 = tpu.vector_load %arg39[%get3A_799] {strides = array<i32>} : memref<4096xf32, #tpu.memory_space<vmem>>, vector<16xf32>,
        %get3A_801 = vector.shape_cast %get3A_800 : vector<16xf32> to vector<16xf32>
        %slice3A = vector.extract_strided_slice %get3A_792 {offsets = [0], sizes = [1], strides = [1]} : vector<16xf32> to vector<1xf32>
        %squeeze3A = vector.extract %slice3A[0] : f32 from vector<1xf32>
        %mul3A_802 = vector.broadcast %squeeze3A : f32 to vector<16xf32>
        %mul3A_803 = arith.mulf %sub3A_37, %mul3A_802 : vector<16xf32>
        %slice3A_804 = vector.extract_strided_slice %get3A_795 {offsets = [0], sizes = [1], strides = [1]} : vector<16xf32> to vector<1xf32>
        %squeeze3A_805 = vector.extract %slice3A_804[0] : f32 from vector<1xf32>
        %mul3A_806 = vector.broadcast %squeeze3A_805 : f32 to vector<16xf32>
        %mul3A_807 = arith.mulf %sub3A_42, %mul3A_806 : vector<16xf32>
        %add3A_808 = arith.addf %mul3A_803, %mul3A_807 : vector<16xf32>
        %slice3A_809 = vector.extract_strided_slice %get3A_798 {offsets = [0], sizes = [1], strides = [1]} : vector<16xf32> to vector<1xf32>
        %squeeze3A_810 = vector.extract %slice3A_809[0] : f32 from vector<1xf32>
        %mul3A_811 = vector.broadcast %squeeze3A_810 : f32 to vector<16xf32>
        %mul3A_812 = arith.mulf %sub3A_47, %mul3A_811 : vector<16xf32>
        %add3A_813 = arith.addf %add3A_808, %mul3A_812 : vector<16xf32>
        %slice3A_814 = vector.extract_strided_slice %get3A_801 {offsets = [0], sizes = [1], strides = [1]} : vector<16xf32> to vector<1xf32>
        %squeeze3A_815 = vector.extract %slice3A_814[0] : f32 from vector<1xf32>
        %add3A_816 = vector.broadcast %squeeze3A_815 : f32 to vector<16xf32>
        %add3A_817 = arith.addf %add3A_52, %add3A_816 : vector<16xf32>
        %mul3A_818 = arith.constant 2.000000e+00 : f32
        %mul3A_819 = vector.broadcast %mul3A_818 : f32 to vector<16xf32>
        %mul3A_820 = arith.mulf %mul3A_819, %add3A_813 : vector<16xf32>
        %sub3A_821 = arith.subf %add3A_817, %mul3A_820 : vector<16xf32>
        %max3A = arith.constant 0.000000e+00 : f32
        %max3A_822 = vector.broadcast %max3A : f32 to vector<16xf32>
        %max3A_823 = arith.maximumf %sub3A_821, %max3A_822 : vector<16xf32>
        %add3A_824 = arith.constant 0 : i32
        %add3A_825 = arith.addi %mul3A_789, %add3A_824 : i32
        %broadcast_in_dim3A_826 = vector.broadcast %add3A_825 : i32 to vector<16xi32>
        %lt3A = arith.cmpf olt, %max3A_823, %scan3A_778 : vector<16xf32>
        %select_n3A = arith.select %lt3A, %max3A_823, %scan3A_778 : vector<16xi1>, vector<16xf32>
        %select_n3A_827 = arith.select %lt3A, %scan3A_778, %max3A_823 : vector<16xi1>, vector<16xf32>
        %select_n3A_828 = arith.select %lt3A, %broadcast_in_dim3A_826, %scan3A_783 : vector<16xi1>, vector<16xi32>
        %select_n3A_829 = arith.select %lt3A, %scan3A_783, %broadcast_in_dim3A_826 : vector<16xi1>, vector<16xi32>
        %lt3A_830 = arith.cmpf olt, %select_n3A_827, %scan3A_779 : vector<16xf32>
        %select_n3A_831 = arith.select %lt3A_830, %select_n3A_827, %scan3A_779 : vector<16xi1>, vector<16xf32>
        %select_n3A_832 = arith.select %lt3A_830, %scan3A_779, %select_n3A_827 : vector<16xi1>, vector<16xf32>
        %select_n3A_833 = arith.select %lt3A_830, %select_n3A_829, %scan3A_784 : vector<16xi1>, vector<16xi32>
        %select_n3A_834 = arith.select %lt3A_830, %scan3A_784, %select_n3A_829 : vector<16xi1>, vector<16xi32>
        %lt3A_835 = arith.cmpf olt, %select_n3A_832, %scan3A_780 : vector<16xf32>
        %select_n3A_836 = arith.select %lt3A_835, %select_n3A_832, %scan3A_780 : vector<16xi1>, vector<16xf32>
        %select_n3A_837 = arith.select %lt3A_835, %scan3A_780, %select_n3A_832 : vector<16xi1>, vector<16xf32>
        %select_n3A_838 = arith.select %lt3A_835, %select_n3A_834, %scan3A_785 : vector<16xi1>, vector<16xi32>
        %select_n3A_839 = arith.select %lt3A_835, %scan3A_785, %select_n3A_834 : vector<16xi1>, vector<16xi32>
        %lt3A_840 = arith.cmpf olt, %select_n3A_837, %scan3A_781 : vector<16xf32>
        %select_n3A_841 = arith.select %lt3A_840, %select_n3A_837, %scan3A_781 : vector<16xi1>, vector<16xf32>
        %select_n3A_842 = arith.select %lt3A_840, %scan3A_781, %select_n3A_837 : vector<16xi1>, vector<16xf32>
        %select_n3A_843 = arith.select %lt3A_840, %select_n3A_839, %scan3A_786 : vector<16xi1>, vector<16xi32>
        %select_n3A_844 = arith.select %lt3A_840, %scan3A_786, %select_n3A_839 : vector<16xi1>, vector<16xi32>
        %lt3A_845 = arith.cmpf olt, %select_n3A_842, %scan3A_782 : vector<16xf32>
        %select_n3A_846 = arith.select %lt3A_845, %select_n3A_842, %scan3A_782 : vector<16xi1>, vector<16xf32>
        %select_n3A_847 = arith.select %lt3A_845, %scan3A_782, %select_n3A_842 : vector<16xi1>, vector<16xf32>
        %select_n3A_848 = arith.select %lt3A_845, %select_n3A_844, %scan3A_787 : vector<16xi1>, vector<16xi32>
        %select_n3A_849 = arith.select %lt3A_845, %scan3A_787, %select_n3A_844 : vector<16xi1>, vector<16xi32>
        %slice3A_850 = vector.extract_strided_slice %get3A_792 {offsets = [1], sizes = [1], strides = [1]} : vector<16xf32> to vector<1xf32>
        %squeeze3A_851 = vector.extract %slice3A_850[0] : f32 from vector<1xf32>
        %mul3A_852 = vector.broadcast %squeeze3A_851 : f32 to vector<16xf32>
        %mul3A_853 = arith.mulf %sub3A_37, %mul3A_852 : vector<16xf32>
        %slice3A_854 = vector.extract_strided_slice %get3A_795 {offsets = [1], sizes = [1], strides = [1]} : vector<16xf32> to vector<1xf32>
        %squeeze3A_855 = vector.extract %slice3A_854[0] : f32 from vector<1xf32>
        %mul3A_856 = vector.broadcast %squeeze3A_855 : f32 to vector<16xf32>
        %mul3A_857 = arith.mulf %sub3A_42, %mul3A_856 : vector<16xf32>
        %add3A_858 = arith.addf %mul3A_853, %mul3A_857 : vector<16xf32>
        %slice3A_859 = vector.extract_strided_slice %get3A_798 {offsets = [1], sizes = [1], strides = [1]} : vector<16xf32> to vector<1xf32>
        %squeeze3A_860 = vector.extract %slice3A_859[0] : f32 from vector<1xf32>
        %mul3A_861 = vector.broadcast %squeeze3A_860 : f32 to vector<16xf32>
        %mul3A_862 = arith.mulf %sub3A_47, %mul3A_861 : vector<16xf32>
        %add3A_863 = arith.addf %add3A_858, %mul3A_862 : vector<16xf32>
        %slice3A_864 = vector.extract_strided_slice %get3A_801 {offsets = [1], sizes = [1], strides = [1]} : vector<16xf32> to vector<1xf32>
        %squeeze3A_865 = vector.extract %slice3A_864[0] : f32 from vector<1xf32>
        %add3A_866 = vector.broadcast %squeeze3A_865 : f32 to vector<16xf32>
        %add3A_867 = arith.addf %add3A_52, %add3A_866 : vector<16xf32>
        %mul3A_868 = arith.constant 2.000000e+00 : f32
        %mul3A_869 = vector.broadcast %mul3A_868 : f32 to vector<16xf32>
        %mul3A_870 = arith.mulf %mul3A_869, %add3A_863 : vector<16xf32>
        %sub3A_871 = arith.subf %add3A_867, %mul3A_870 : vector<16xf32>
        %max3A_872 = arith.constant 0.000000e+00 : f32
        %max3A_873 = vector.broadcast %max3A_872 : f32 to vector<16xf32>
        %max3A_874 = arith.maximumf %sub3A_871, %max3A_873 : vector<16xf32>
        %add3A_875 = arith.constant 1 : i32
        %add3A_876 = arith.addi %mul3A_789, %add3A_875 : i32
        %broadcast_in_dim3A_877 = vector.broadcast %add3A_876 : i32 to vector<16xi32>
        %lt3A_878 = arith.cmpf olt, %max3A_874, %select_n3A : vector<16xf32>
        %select_n3A_879 = arith.select %lt3A_878, %max3A_874, %select_n3A : vector<16xi1>, vector<16xf32>
        %select_n3A_880 = arith.select %lt3A_878, %select_n3A, %max3A_874 : vector<16xi1>, vector<16xf32>
        %select_n3A_881 = arith.select %lt3A_878, %broadcast_in_dim3A_877, %select_n3A_828 : vector<16xi1>, vector<16xi32>
        %select_n3A_882 = arith.select %lt3A_878, %select_n3A_828, %broadcast_in_dim3A_877 : vector<16xi1>, vector<16xi32>
        %lt3A_883 = arith.cmpf olt, %select_n3A_880, %select_n3A_831 : vector<16xf32>
        %select_n3A_884 = arith.select %lt3A_883, %select_n3A_880, %select_n3A_831 : vector<16xi1>, vector<16xf32>
        %select_n3A_885 = arith.select %lt3A_883, %select_n3A_831, %select_n3A_880 : vector<16xi1>, vector<16xf32>
        %select_n3A_886 = arith.select %lt3A_883, %select_n3A_882, %select_n3A_833 : vector<16xi1>, vector<16xi32>
        %select_n3A_887 = arith.select %lt3A_883, %select_n3A_833, %select_n3A_882 : vector<16xi1>, vector<16xi32>
        %lt3A_888 = arith.cmpf olt, %select_n3A_885, %select_n3A_836 : vector<16xf32>
        %select_n3A_889 = arith.select %lt3A_888, %select_n3A_885, %select_n3A_836 : vector<16xi1>, vector<16xf32>
        %select_n3A_890 = arith.select %lt3A_888, %select_n3A_836, %select_n3A_885 : vector<16xi1>, vector<16xf32>
        %select_n3A_891 = arith.select %lt3A_888, %select_n3A_887, %select_n3A_838 : vector<16xi1>, vector<16xi32>
        %select_n3A_892 = arith.select %lt3A_888, %select_n3A_838, %select_n3A_887 : vector<16xi1>, vector<16xi32>
        %lt3A_893 = arith.cmpf olt, %select_n3A_890, %select_n3A_841 : vector<16xf32>
        %select_n3A_894 = arith.select %lt3A_893, %select_n3A_890, %select_n3A_841 : vector<16xi1>, vector<16xf32>
        %select_n3A_895 = arith.select %lt3A_893, %select_n3A_841, %select_n3A_890 : vector<16xi1>, vector<16xf32>
        %select_n3A_896 = arith.select %lt3A_893, %select_n3A_892, %select_n3A_843 : vector<16xi1>, vector<16xi32>
        %select_n3A_897 = arith.select %lt3A_893, %select_n3A_843, %select_n3A_892 : vector<16xi1>, vector<16xi32>
        %lt3A_898 = arith.cmpf olt, %select_n3A_895, %select_n3A_846 : vector<16xf32>
        %select_n3A_899 = arith.select %lt3A_898, %select_n3A_895, %select_n3A_846 : vector<16xi1>, vector<16xf32>
        %select_n3A_900 = arith.select %lt3A_898, %select_n3A_846, %select_n3A_895 : vector<16xi1>, vector<16xf32>
        %select_n3A_901 = arith.select %lt3A_898, %select_n3A_897, %select_n3A_848 : vector<16xi1>, vector<16xi32>
        %select_n3A_902 = arith.select %lt3A_898, %select_n3A_848, %select_n3A_897 : vector<16xi1>, vector<16xi32>
        %slice3A_903 = vector.extract_strided_slice %get3A_792 {offsets = [2], sizes = [1], strides = [1]} : vector<16xf32> to vector<1xf32>
        %squeeze3A_904 = vector.extract %slice3A_903[0] : f32 from vector<1xf32>
        %mul3A_905 = vector.broadcast %squeeze3A_904 : f32 to vector<16xf32>
        %mul3A_906 = arith.mulf %sub3A_37, %mul3A_905 : vector<16xf32>
        %slice3A_907 = vector.extract_strided_slice %get3A_795 {offsets = [2], sizes = [1], strides = [1]} : vector<16xf32> to vector<1xf32>
        %squeeze3A_908 = vector.extract %slice3A_907[0] : f32 from vector<1xf32>
        %mul3A_909 = vector.broadcast %squeeze3A_908 : f32 to vector<16xf32>
        %mul3A_910 = arith.mulf %sub3A_42, %mul3A_909 : vector<16xf32>
        %add3A_911 = arith.addf %mul3A_906, %mul3A_910 : vector<16xf32>
        %slice3A_912 = vector.extract_strided_slice %get3A_798 {offsets = [2], sizes = [1], strides = [1]} : vector<16xf32> to vector<1xf32>
        %squeeze3A_913 = vector.extract %slice3A_912[0] : f32 from vector<1xf32>
        %mul3A_914 = vector.broadcast %squeeze3A_913 : f32 to vector<16xf32>
        %mul3A_915 = arith.mulf %sub3A_47, %mul3A_914 : vector<16xf32>
        %add3A_916 = arith.addf %add3A_911, %mul3A_915 : vector<16xf32>
        %slice3A_917 = vector.extract_strided_slice %get3A_801 {offsets = [2], sizes = [1], strides = [1]} : vector<16xf32> to vector<1xf32>
        %squeeze3A_918 = vector.extract %slice3A_917[0] : f32 from vector<1xf32>
        %add3A_919 = vector.broadcast %squeeze3A_918 : f32 to vector<16xf32>
        %add3A_920 = arith.addf %add3A_52, %add3A_919 : vector<16xf32>
        %mul3A_921 = arith.constant 2.000000e+00 : f32
        %mul3A_922 = vector.broadcast %mul3A_921 : f32 to vector<16xf32>
        %mul3A_923 = arith.mulf %mul3A_922, %add3A_916 : vector<16xf32>
        %sub3A_924 = arith.subf %add3A_920, %mul3A_923 : vector<16xf32>
        %max3A_925 = arith.constant 0.000000e+00 : f32
        %max3A_926 = vector.broadcast %max3A_925 : f32 to vector<16xf32>
        %max3A_927 = arith.maximumf %sub3A_924, %max3A_926 : vector<16xf32>
        %add3A_928 = arith.constant 2 : i32
        %add3A_929 = arith.addi %mul3A_789, %add3A_928 : i32
        %broadcast_in_dim3A_930 = vector.broadcast %add3A_929 : i32 to vector<16xi32>
        %lt3A_931 = arith.cmpf olt, %max3A_927, %select_n3A_879 : vector<16xf32>
        %select_n3A_932 = arith.select %lt3A_931, %max3A_927, %select_n3A_879 : vector<16xi1>, vector<16xf32>
        %select_n3A_933 = arith.select %lt3A_931, %select_n3A_879, %max3A_927 : vector<16xi1>, vector<16xf32>
        %select_n3A_934 = arith.select %lt3A_931, %broadcast_in_dim3A_930, %select_n3A_881 : vector<16xi1>, vector<16xi32>
        %select_n3A_935 = arith.select %lt3A_931, %select_n3A_881, %broadcast_in_dim3A_930 : vector<16xi1>, vector<16xi32>
        %lt3A_936 = arith.cmpf olt, %select_n3A_933, %select_n3A_884 : vector<16xf32>
        %select_n3A_937 = arith.select %lt3A_936, %select_n3A_933, %select_n3A_884 : vector<16xi1>, vector<16xf32>
        %select_n3A_938 = arith.select %lt3A_936, %select_n3A_884, %select_n3A_933 : vector<16xi1>, vector<16xf32>
        %select_n3A_939 = arith.select %lt3A_936, %select_n3A_935, %select_n3A_886 : vector<16xi1>, vector<16xi32>
        %select_n3A_940 = arith.select %lt3A_936, %select_n3A_886, %select_n3A_935 : vector<16xi1>, vector<16xi32>
        %lt3A_941 = arith.cmpf olt, %select_n3A_938, %select_n3A_889 : vector<16xf32>
        %select_n3A_942 = arith.select %lt3A_941, %select_n3A_938, %select_n3A_889 : vector<16xi1>, vector<16xf32>
        %select_n3A_943 = arith.select %lt3A_941, %select_n3A_889, %select_n3A_938 : vector<16xi1>, vector<16xf32>
        %select_n3A_944 = arith.select %lt3A_941, %select_n3A_940, %select_n3A_891 : vector<16xi1>, vector<16xi32>
        %select_n3A_945 = arith.select %lt3A_941, %select_n3A_891, %select_n3A_940 : vector<16xi1>, vector<16xi32>
        %lt3A_946 = arith.cmpf olt, %select_n3A_943, %select_n3A_894 : vector<16xf32>
        %select_n3A_947 = arith.select %lt3A_946, %select_n3A_943, %select_n3A_894 : vector<16xi1>, vector<16xf32>
        %select_n3A_948 = arith.select %lt3A_946, %select_n3A_894, %select_n3A_943 : vector<16xi1>, vector<16xf32>
        %select_n3A_949 = arith.select %lt3A_946, %select_n3A_945, %select_n3A_896 : vector<16xi1>, vector<16xi32>
        %select_n3A_950 = arith.select %lt3A_946, %select_n3A_896, %select_n3A_945 : vector<16xi1>, vector<16xi32>
        %lt3A_951 = arith.cmpf olt, %select_n3A_948, %select_n3A_899 : vector<16xf32>
        %select_n3A_952 = arith.select %lt3A_951, %select_n3A_948, %select_n3A_899 : vector<16xi1>, vector<16xf32>
        %select_n3A_953 = arith.select %lt3A_951, %select_n3A_899, %select_n3A_948 : vector<16xi1>, vector<16xf32>
        %select_n3A_954 = arith.select %lt3A_951, %select_n3A_950, %select_n3A_901 : vector<16xi1>, vector<16xi32>
        %select_n3A_955 = arith.select %lt3A_951, %select_n3A_901, %select_n3A_950 : vector<16xi1>, vector<16xi32>
        %slice3A_956 = vector.extract_strided_slice %get3A_792 {offsets = [3], sizes = [1], strides = [1]} : vector<16xf32> to vector<1xf32>
        %squeeze3A_957 = vector.extract %slice3A_956[0] : f32 from vector<1xf32>
        %mul3A_958 = vector.broadcast %squeeze3A_957 : f32 to vector<16xf32>
        %mul3A_959 = arith.mulf %sub3A_37, %mul3A_958 : vector<16xf32>
        %slice3A_960 = vector.extract_strided_slice %get3A_795 {offsets = [3], sizes = [1], strides = [1]} : vector<16xf32> to vector<1xf32>
        %squeeze3A_961 = vector.extract %slice3A_960[0] : f32 from vector<1xf32>
        %mul3A_962 = vector.broadcast %squeeze3A_961 : f32 to vector<16xf32>
        %mul3A_963 = arith.mulf %sub3A_42, %mul3A_962 : vector<16xf32>
        %add3A_964 = arith.addf %mul3A_959, %mul3A_963 : vector<16xf32>
        %slice3A_965 = vector.extract_strided_slice %get3A_798 {offsets = [3], sizes = [1], strides = [1]} : vector<16xf32> to vector<1xf32>
        %squeeze3A_966 = vector.extract %slice3A_965[0] : f32 from vector<1xf32>
        %mul3A_967 = vector.broadcast %squeeze3A_966 : f32 to vector<16xf32>
        %mul3A_968 = arith.mulf %sub3A_47, %mul3A_967 : vector<16xf32>
        %add3A_969 = arith.addf %add3A_964, %mul3A_968 : vector<16xf32>
        %slice3A_970 = vector.extract_strided_slice %get3A_801 {offsets = [3], sizes = [1], strides = [1]} : vector<16xf32> to vector<1xf32>
        %squeeze3A_971 = vector.extract %slice3A_970[0] : f32 from vector<1xf32>
        %add3A_972 = vector.broadcast %squeeze3A_971 : f32 to vector<16xf32>
        %add3A_973 = arith.addf %add3A_52, %add3A_972 : vector<16xf32>
        %mul3A_974 = arith.constant 2.000000e+00 : f32
        %mul3A_975 = vector.broadcast %mul3A_974 : f32 to vector<16xf32>
        %mul3A_976 = arith.mulf %mul3A_975, %add3A_969 : vector<16xf32>
        %sub3A_977 = arith.subf %add3A_973, %mul3A_976 : vector<16xf32>
        %max3A_978 = arith.constant 0.000000e+00 : f32
        %max3A_979 = vector.broadcast %max3A_978 : f32 to vector<16xf32>
        %max3A_980 = arith.maximumf %sub3A_977, %max3A_979 : vector<16xf32>
        %add3A_981 = arith.constant 3 : i32
        %add3A_982 = arith.addi %mul3A_789, %add3A_981 : i32
        %broadcast_in_dim3A_983 = vector.broadcast %add3A_982 : i32 to vector<16xi32>
        %lt3A_984 = arith.cmpf olt, %max3A_980, %select_n3A_932 : vector<16xf32>
        %select_n3A_985 = arith.select %lt3A_984, %max3A_980, %select_n3A_932 : vector<16xi1>, vector<16xf32>
        %select_n3A_986 = arith.select %lt3A_984, %select_n3A_932, %max3A_980 : vector<16xi1>, vector<16xf32>
        %select_n3A_987 = arith.select %lt3A_984, %broadcast_in_dim3A_983, %select_n3A_934 : vector<16xi1>, vector<16xi32>
        %select_n3A_988 = arith.select %lt3A_984, %select_n3A_934, %broadcast_in_dim3A_983 : vector<16xi1>, vector<16xi32>
        %lt3A_989 = arith.cmpf olt, %select_n3A_986, %select_n3A_937 : vector<16xf32>
        %select_n3A_990 = arith.select %lt3A_989, %select_n3A_986, %select_n3A_937 : vector<16xi1>, vector<16xf32>
        %select_n3A_991 = arith.select %lt3A_989, %select_n3A_937, %select_n3A_986 : vector<16xi1>, vector<16xf32>
        %select_n3A_992 = arith.select %lt3A_989, %select_n3A_988, %select_n3A_939 : vector<16xi1>, vector<16xi32>
        %select_n3A_993 = arith.select %lt3A_989, %select_n3A_939, %select_n3A_988 : vector<16xi1>, vector<16xi32>
        %lt3A_994 = arith.cmpf olt, %select_n3A_991, %select_n3A_942 : vector<16xf32>
        %select_n3A_995 = arith.select %lt3A_994, %select_n3A_991, %select_n3A_942 : vector<16xi1>, vector<16xf32>
        %select_n3A_996 = arith.select %lt3A_994, %select_n3A_942, %select_n3A_991 : vector<16xi1>, vector<16xf32>
        %select_n3A_997 = arith.select %lt3A_994, %select_n3A_993, %select_n3A_944 : vector<16xi1>, vector<16xi32>
        %select_n3A_998 = arith.select %lt3A_994, %select_n3A_944, %select_n3A_993 : vector<16xi1>, vector<16xi32>
        %lt3A_999 = arith.cmpf olt, %select_n3A_996, %select_n3A_947 : vector<16xf32>
        %select_n3A_1000 = arith.select %lt3A_999, %select_n3A_996, %select_n3A_947 : vector<16xi1>, vector<16xf32>
        %select_n3A_1001 = arith.select %lt3A_999, %select_n3A_947, %select_n3A_996 : vector<16xi1>, vector<16xf32>
        %select_n3A_1002 = arith.select %lt3A_999, %select_n3A_998, %select_n3A_949 : vector<16xi1>, vector<16xi32>
        %select_n3A_1003 = arith.select %lt3A_999, %select_n3A_949, %select_n3A_998 : vector<16xi1>, vector<16xi32>
        %lt3A_1004 = arith.cmpf olt, %select_n3A_1001, %select_n3A_952 : vector<16xf32>
        %select_n3A_1005 = arith.select %lt3A_1004, %select_n3A_1001, %select_n3A_952 : vector<16xi1>, vector<16xf32>
        %select_n3A_1006 = arith.select %lt3A_1004, %select_n3A_952, %select_n3A_1001 : vector<16xi1>, vector<16xf32>
        %select_n3A_1007 = arith.select %lt3A_1004, %select_n3A_1003, %select_n3A_954 : vector<16xi1>, vector<16xi32>
        %select_n3A_1008 = arith.select %lt3A_1004, %select_n3A_954, %select_n3A_1003 : vector<16xi1>, vector<16xi32>
        %slice3A_1009 = vector.extract_strided_slice %get3A_792 {offsets = [4], sizes = [1], strides = [1]} : vector<16xf32> to vector<1xf32>
        %squeeze3A_1010 = vector.extract %slice3A_1009[0] : f32 from vector<1xf32>
        %mul3A_1011 = vector.broadcast %squeeze3A_1010 : f32 to vector<16xf32>
        %mul3A_1012 = arith.mulf %sub3A_37, %mul3A_1011 : vector<16xf32>
        %slice3A_1013 = vector.extract_strided_slice %get3A_795 {offsets = [4], sizes = [1], strides = [1]} : vector<16xf32> to vector<1xf32>
        %squeeze3A_1014 = vector.extract %slice3A_1013[0] : f32 from vector<1xf32>
        %mul3A_1015 = vector.broadcast %squeeze3A_1014 : f32 to vector<16xf32>
        %mul3A_1016 = arith.mulf %sub3A_42, %mul3A_1015 : vector<16xf32>
        %add3A_1017 = arith.addf %mul3A_1012, %mul3A_1016 : vector<16xf32>
        %slice3A_1018 = vector.extract_strided_slice %get3A_798 {offsets = [4], sizes = [1], strides = [1]} : vector<16xf32> to vector<1xf32>
        %squeeze3A_1019 = vector.extract %slice3A_1018[0] : f32 from vector<1xf32>
        %mul3A_1020 = vector.broadcast %squeeze3A_1019 : f32 to vector<16xf32>
        %mul3A_1021 = arith.mulf %sub3A_47, %mul3A_1020 : vector<16xf32>
        %add3A_1022 = arith.addf %add3A_1017, %mul3A_1021 : vector<16xf32>
        %slice3A_1023 = vector.extract_strided_slice %get3A_801 {offsets = [4], sizes = [1], strides = [1]} : vector<16xf32> to vector<1xf32>
        %squeeze3A_1024 = vector.extract %slice3A_1023[0] : f32 from vector<1xf32>
        %add3A_1025 = vector.broadcast %squeeze3A_1024 : f32 to vector<16xf32>
        %add3A_1026 = arith.addf %add3A_52, %add3A_1025 : vector<16xf32>
        %mul3A_1027 = arith.constant 2.000000e+00 : f32
        %mul3A_1028 = vector.broadcast %mul3A_1027 : f32 to vector<16xf32>
        %mul3A_1029 = arith.mulf %mul3A_1028, %add3A_1022 : vector<16xf32>
        %sub3A_1030 = arith.subf %add3A_1026, %mul3A_1029 : vector<16xf32>
        %max3A_1031 = arith.constant 0.000000e+00 : f32
        %max3A_1032 = vector.broadcast %max3A_1031 : f32 to vector<16xf32>
        %max3A_1033 = arith.maximumf %sub3A_1030, %max3A_1032 : vector<16xf32>
        %add3A_1034 = arith.constant 4 : i32
        %add3A_1035 = arith.addi %mul3A_789, %add3A_1034 : i32
        %broadcast_in_dim3A_1036 = vector.broadcast %add3A_1035 : i32 to vector<16xi32>
        %lt3A_1037 = arith.cmpf olt, %max3A_1033, %select_n3A_985 : vector<16xf32>
        %select_n3A_1038 = arith.select %lt3A_1037, %max3A_1033, %select_n3A_985 : vector<16xi1>, vector<16xf32>
        %select_n3A_1039 = arith.select %lt3A_1037, %select_n3A_985, %max3A_1033 : vector<16xi1>, vector<16xf32>
        %select_n3A_1040 = arith.select %lt3A_1037, %broadcast_in_dim3A_1036, %select_n3A_987 : vector<16xi1>, vector<16xi32>
        %select_n3A_1041 = arith.select %lt3A_1037, %select_n3A_987, %broadcast_in_dim3A_1036 : vector<16xi1>, vector<16xi32>
        %lt3A_1042 = arith.cmpf olt, %select_n3A_1039, %select_n3A_990 : vector<16xf32>
        %select_n3A_1043 = arith.select %lt3A_1042, %select_n3A_1039, %select_n3A_990 : vector<16xi1>, vector<16xf32>
        %select_n3A_1044 = arith.select %lt3A_1042, %select_n3A_990, %select_n3A_1039 : vector<16xi1>, vector<16xf32>
        %select_n3A_1045 = arith.select %lt3A_1042, %select_n3A_1041, %select_n3A_992 : vector<16xi1>, vector<16xi32>
        %select_n3A_1046 = arith.select %lt3A_1042, %select_n3A_992, %select_n3A_1041 : vector<16xi1>, vector<16xi32>
        %lt3A_1047 = arith.cmpf olt, %select_n3A_1044, %select_n3A_995 : vector<16xf32>
        %select_n3A_1048 = arith.select %lt3A_1047, %select_n3A_1044, %select_n3A_995 : vector<16xi1>, vector<16xf32>
        %select_n3A_1049 = arith.select %lt3A_1047, %select_n3A_995, %select_n3A_1044 : vector<16xi1>, vector<16xf32>
        %select_n3A_1050 = arith.select %lt3A_1047, %select_n3A_1046, %select_n3A_997 : vector<16xi1>, vector<16xi32>
        %select_n3A_1051 = arith.select %lt3A_1047, %select_n3A_997, %select_n3A_1046 : vector<16xi1>, vector<16xi32>
        %lt3A_1052 = arith.cmpf olt, %select_n3A_1049, %select_n3A_1000 : vector<16xf32>
        %select_n3A_1053 = arith.select %lt3A_1052, %select_n3A_1049, %select_n3A_1000 : vector<16xi1>, vector<16xf32>
        %select_n3A_1054 = arith.select %lt3A_1052, %select_n3A_1000, %select_n3A_1049 : vector<16xi1>, vector<16xf32>
        %select_n3A_1055 = arith.select %lt3A_1052, %select_n3A_1051, %select_n3A_1002 : vector<16xi1>, vector<16xi32>
        %select_n3A_1056 = arith.select %lt3A_1052, %select_n3A_1002, %select_n3A_1051 : vector<16xi1>, vector<16xi32>
        %lt3A_1057 = arith.cmpf olt, %select_n3A_1054, %select_n3A_1005 : vector<16xf32>
        %select_n3A_1058 = arith.select %lt3A_1057, %select_n3A_1054, %select_n3A_1005 : vector<16xi1>, vector<16xf32>
        %select_n3A_1059 = arith.select %lt3A_1057, %select_n3A_1005, %select_n3A_1054 : vector<16xi1>, vector<16xf32>
        %select_n3A_1060 = arith.select %lt3A_1057, %select_n3A_1056, %select_n3A_1007 : vector<16xi1>, vector<16xi32>
        %select_n3A_1061 = arith.select %lt3A_1057, %select_n3A_1007, %select_n3A_1056 : vector<16xi1>, vector<16xi32>
        %slice3A_1062 = vector.extract_strided_slice %get3A_792 {offsets = [5], sizes = [1], strides = [1]} : vector<16xf32> to vector<1xf32>
        %squeeze3A_1063 = vector.extract %slice3A_1062[0] : f32 from vector<1xf32>
        %mul3A_1064 = vector.broadcast %squeeze3A_1063 : f32 to vector<16xf32>
        %mul3A_1065 = arith.mulf %sub3A_37, %mul3A_1064 : vector<16xf32>
        %slice3A_1066 = vector.extract_strided_slice %get3A_795 {offsets = [5], sizes = [1], strides = [1]} : vector<16xf32> to vector<1xf32>
        %squeeze3A_1067 = vector.extract %slice3A_1066[0] : f32 from vector<1xf32>
        %mul3A_1068 = vector.broadcast %squeeze3A_1067 : f32 to vector<16xf32>
        %mul3A_1069 = arith.mulf %sub3A_42, %mul3A_1068 : vector<16xf32>
        %add3A_1070 = arith.addf %mul3A_1065, %mul3A_1069 : vector<16xf32>
        %slice3A_1071 = vector.extract_strided_slice %get3A_798 {offsets = [5], sizes = [1], strides = [1]} : vector<16xf32> to vector<1xf32>
        %squeeze3A_1072 = vector.extract %slice3A_1071[0] : f32 from vector<1xf32>
        %mul3A_1073 = vector.broadcast %squeeze3A_1072 : f32 to vector<16xf32>
        %mul3A_1074 = arith.mulf %sub3A_47, %mul3A_1073 : vector<16xf32>
        %add3A_1075 = arith.addf %add3A_1070, %mul3A_1074 : vector<16xf32>
        %slice3A_1076 = vector.extract_strided_slice %get3A_801 {offsets = [5], sizes = [1], strides = [1]} : vector<16xf32> to vector<1xf32>
        %squeeze3A_1077 = vector.extract %slice3A_1076[0] : f32 from vector<1xf32>
        %add3A_1078 = vector.broadcast %squeeze3A_1077 : f32 to vector<16xf32>
        %add3A_1079 = arith.addf %add3A_52, %add3A_1078 : vector<16xf32>
        %mul3A_1080 = arith.constant 2.000000e+00 : f32
        %mul3A_1081 = vector.broadcast %mul3A_1080 : f32 to vector<16xf32>
        %mul3A_1082 = arith.mulf %mul3A_1081, %add3A_1075 : vector<16xf32>
        %sub3A_1083 = arith.subf %add3A_1079, %mul3A_1082 : vector<16xf32>
        %max3A_1084 = arith.constant 0.000000e+00 : f32
        %max3A_1085 = vector.broadcast %max3A_1084 : f32 to vector<16xf32>
        %max3A_1086 = arith.maximumf %sub3A_1083, %max3A_1085 : vector<16xf32>
        %add3A_1087 = arith.constant 5 : i32
        %add3A_1088 = arith.addi %mul3A_789, %add3A_1087 : i32
        %broadcast_in_dim3A_1089 = vector.broadcast %add3A_1088 : i32 to vector<16xi32>
        %lt3A_1090 = arith.cmpf olt, %max3A_1086, %select_n3A_1038 : vector<16xf32>
        %select_n3A_1091 = arith.select %lt3A_1090, %max3A_1086, %select_n3A_1038 : vector<16xi1>, vector<16xf32>
        %select_n3A_1092 = arith.select %lt3A_1090, %select_n3A_1038, %max3A_1086 : vector<16xi1>, vector<16xf32>
        %select_n3A_1093 = arith.select %lt3A_1090, %broadcast_in_dim3A_1089, %select_n3A_1040 : vector<16xi1>, vector<16xi32>
        %select_n3A_1094 = arith.select %lt3A_1090, %select_n3A_1040, %broadcast_in_dim3A_1089 : vector<16xi1>, vector<16xi32>
        %lt3A_1095 = arith.cmpf olt, %select_n3A_1092, %select_n3A_1043 : vector<16xf32>
        %select_n3A_1096 = arith.select %lt3A_1095, %select_n3A_1092, %select_n3A_1043 : vector<16xi1>, vector<16xf32>
        %select_n3A_1097 = arith.select %lt3A_1095, %select_n3A_1043, %select_n3A_1092 : vector<16xi1>, vector<16xf32>
        %select_n3A_1098 = arith.select %lt3A_1095, %select_n3A_1094, %select_n3A_1045 : vector<16xi1>, vector<16xi32>
        %select_n3A_1099 = arith.select %lt3A_1095, %select_n3A_1045, %select_n3A_1094 : vector<16xi1>, vector<16xi32>
        %lt3A_1100 = arith.cmpf olt, %select_n3A_1097, %select_n3A_1048 : vector<16xf32>
        %select_n3A_1101 = arith.select %lt3A_1100, %select_n3A_1097, %select_n3A_1048 : vector<16xi1>, vector<16xf32>
        %select_n3A_1102 = arith.select %lt3A_1100, %select_n3A_1048, %select_n3A_1097 : vector<16xi1>, vector<16xf32>
        %select_n3A_1103 = arith.select %lt3A_1100, %select_n3A_1099, %select_n3A_1050 : vector<16xi1>, vector<16xi32>
        %select_n3A_1104 = arith.select %lt3A_1100, %select_n3A_1050, %select_n3A_1099 : vector<16xi1>, vector<16xi32>
        %lt3A_1105 = arith.cmpf olt, %select_n3A_1102, %select_n3A_1053 : vector<16xf32>
        %select_n3A_1106 = arith.select %lt3A_1105, %select_n3A_1102, %select_n3A_1053 : vector<16xi1>, vector<16xf32>
        %select_n3A_1107 = arith.select %lt3A_1105, %select_n3A_1053, %select_n3A_1102 : vector<16xi1>, vector<16xf32>
        %select_n3A_1108 = arith.select %lt3A_1105, %select_n3A_1104, %select_n3A_1055 : vector<16xi1>, vector<16xi32>
        %select_n3A_1109 = arith.select %lt3A_1105, %select_n3A_1055, %select_n3A_1104 : vector<16xi1>, vector<16xi32>
        %lt3A_1110 = arith.cmpf olt, %select_n3A_1107, %select_n3A_1058 : vector<16xf32>
        %select_n3A_1111 = arith.select %lt3A_1110, %select_n3A_1107, %select_n3A_1058 : vector<16xi1>, vector<16xf32>
        %select_n3A_1112 = arith.select %lt3A_1110, %select_n3A_1058, %select_n3A_1107 : vector<16xi1>, vector<16xf32>
        %select_n3A_1113 = arith.select %lt3A_1110, %select_n3A_1109, %select_n3A_1060 : vector<16xi1>, vector<16xi32>
        %select_n3A_1114 = arith.select %lt3A_1110, %select_n3A_1060, %select_n3A_1109 : vector<16xi1>, vector<16xi32>
        %slice3A_1115 = vector.extract_strided_slice %get3A_792 {offsets = [6], sizes = [1], strides = [1]} : vector<16xf32> to vector<1xf32>
        %squeeze3A_1116 = vector.extract %slice3A_1115[0] : f32 from vector<1xf32>
        %mul3A_1117 = vector.broadcast %squeeze3A_1116 : f32 to vector<16xf32>
        %mul3A_1118 = arith.mulf %sub3A_37, %mul3A_1117 : vector<16xf32>
        %slice3A_1119 = vector.extract_strided_slice %get3A_795 {offsets = [6], sizes = [1], strides = [1]} : vector<16xf32> to vector<1xf32>
        %squeeze3A_1120 = vector.extract %slice3A_1119[0] : f32 from vector<1xf32>
        %mul3A_1121 = vector.broadcast %squeeze3A_1120 : f32 to vector<16xf32>
        %mul3A_1122 = arith.mulf %sub3A_42, %mul3A_1121 : vector<16xf32>
        %add3A_1123 = arith.addf %mul3A_1118, %mul3A_1122 : vector<16xf32>
        %slice3A_1124 = vector.extract_strided_slice %get3A_798 {offsets = [6], sizes = [1], strides = [1]} : vector<16xf32> to vector<1xf32>
        %squeeze3A_1125 = vector.extract %slice3A_1124[0] : f32 from vector<1xf32>
        %mul3A_1126 = vector.broadcast %squeeze3A_1125 : f32 to vector<16xf32>
        %mul3A_1127 = arith.mulf %sub3A_47, %mul3A_1126 : vector<16xf32>
        %add3A_1128 = arith.addf %add3A_1123, %mul3A_1127 : vector<16xf32>
        %slice3A_1129 = vector.extract_strided_slice %get3A_801 {offsets = [6], sizes = [1], strides = [1]} : vector<16xf32> to vector<1xf32>
        %squeeze3A_1130 = vector.extract %slice3A_1129[0] : f32 from vector<1xf32>
        %add3A_1131 = vector.broadcast %squeeze3A_1130 : f32 to vector<16xf32>
        %add3A_1132 = arith.addf %add3A_52, %add3A_1131 : vector<16xf32>
        %mul3A_1133 = arith.constant 2.000000e+00 : f32
        %mul3A_1134 = vector.broadcast %mul3A_1133 : f32 to vector<16xf32>
        %mul3A_1135 = arith.mulf %mul3A_1134, %add3A_1128 : vector<16xf32>
        %sub3A_1136 = arith.subf %add3A_1132, %mul3A_1135 : vector<16xf32>
        %max3A_1137 = arith.constant 0.000000e+00 : f32
        %max3A_1138 = vector.broadcast %max3A_1137 : f32 to vector<16xf32>
        %max3A_1139 = arith.maximumf %sub3A_1136, %max3A_1138 : vector<16xf32>
        %add3A_1140 = arith.constant 6 : i32
        %add3A_1141 = arith.addi %mul3A_789, %add3A_1140 : i32
        %broadcast_in_dim3A_1142 = vector.broadcast %add3A_1141 : i32 to vector<16xi32>
        %lt3A_1143 = arith.cmpf olt, %max3A_1139, %select_n3A_1091 : vector<16xf32>
        %select_n3A_1144 = arith.select %lt3A_1143, %max3A_1139, %select_n3A_1091 : vector<16xi1>, vector<16xf32>
        %select_n3A_1145 = arith.select %lt3A_1143, %select_n3A_1091, %max3A_1139 : vector<16xi1>, vector<16xf32>
        %select_n3A_1146 = arith.select %lt3A_1143, %broadcast_in_dim3A_1142, %select_n3A_1093 : vector<16xi1>, vector<16xi32>
        %select_n3A_1147 = arith.select %lt3A_1143, %select_n3A_1093, %broadcast_in_dim3A_1142 : vector<16xi1>, vector<16xi32>
        %lt3A_1148 = arith.cmpf olt, %select_n3A_1145, %select_n3A_1096 : vector<16xf32>
        %select_n3A_1149 = arith.select %lt3A_1148, %select_n3A_1145, %select_n3A_1096 : vector<16xi1>, vector<16xf32>
        %select_n3A_1150 = arith.select %lt3A_1148, %select_n3A_1096, %select_n3A_1145 : vector<16xi1>, vector<16xf32>
        %select_n3A_1151 = arith.select %lt3A_1148, %select_n3A_1147, %select_n3A_1098 : vector<16xi1>, vector<16xi32>
        %select_n3A_1152 = arith.select %lt3A_1148, %select_n3A_1098, %select_n3A_1147 : vector<16xi1>, vector<16xi32>
        %lt3A_1153 = arith.cmpf olt, %select_n3A_1150, %select_n3A_1101 : vector<16xf32>
        %select_n3A_1154 = arith.select %lt3A_1153, %select_n3A_1150, %select_n3A_1101 : vector<16xi1>, vector<16xf32>
        %select_n3A_1155 = arith.select %lt3A_1153, %select_n3A_1101, %select_n3A_1150 : vector<16xi1>, vector<16xf32>
        %select_n3A_1156 = arith.select %lt3A_1153, %select_n3A_1152, %select_n3A_1103 : vector<16xi1>, vector<16xi32>
        %select_n3A_1157 = arith.select %lt3A_1153, %select_n3A_1103, %select_n3A_1152 : vector<16xi1>, vector<16xi32>
        %lt3A_1158 = arith.cmpf olt, %select_n3A_1155, %select_n3A_1106 : vector<16xf32>
        %select_n3A_1159 = arith.select %lt3A_1158, %select_n3A_1155, %select_n3A_1106 : vector<16xi1>, vector<16xf32>
        %select_n3A_1160 = arith.select %lt3A_1158, %select_n3A_1106, %select_n3A_1155 : vector<16xi1>, vector<16xf32>
        %select_n3A_1161 = arith.select %lt3A_1158, %select_n3A_1157, %select_n3A_1108 : vector<16xi1>, vector<16xi32>
        %select_n3A_1162 = arith.select %lt3A_1158, %select_n3A_1108, %select_n3A_1157 : vector<16xi1>, vector<16xi32>
        %lt3A_1163 = arith.cmpf olt, %select_n3A_1160, %select_n3A_1111 : vector<16xf32>
        %select_n3A_1164 = arith.select %lt3A_1163, %select_n3A_1160, %select_n3A_1111 : vector<16xi1>, vector<16xf32>
        %select_n3A_1165 = arith.select %lt3A_1163, %select_n3A_1111, %select_n3A_1160 : vector<16xi1>, vector<16xf32>
        %select_n3A_1166 = arith.select %lt3A_1163, %select_n3A_1162, %select_n3A_1113 : vector<16xi1>, vector<16xi32>
        %select_n3A_1167 = arith.select %lt3A_1163, %select_n3A_1113, %select_n3A_1162 : vector<16xi1>, vector<16xi32>
        %slice3A_1168 = vector.extract_strided_slice %get3A_792 {offsets = [7], sizes = [1], strides = [1]} : vector<16xf32> to vector<1xf32>
        %squeeze3A_1169 = vector.extract %slice3A_1168[0] : f32 from vector<1xf32>
        %mul3A_1170 = vector.broadcast %squeeze3A_1169 : f32 to vector<16xf32>
        %mul3A_1171 = arith.mulf %sub3A_37, %mul3A_1170 : vector<16xf32>
        %slice3A_1172 = vector.extract_strided_slice %get3A_795 {offsets = [7], sizes = [1], strides = [1]} : vector<16xf32> to vector<1xf32>
        %squeeze3A_1173 = vector.extract %slice3A_1172[0] : f32 from vector<1xf32>
        %mul3A_1174 = vector.broadcast %squeeze3A_1173 : f32 to vector<16xf32>
        %mul3A_1175 = arith.mulf %sub3A_42, %mul3A_1174 : vector<16xf32>
        %add3A_1176 = arith.addf %mul3A_1171, %mul3A_1175 : vector<16xf32>
        %slice3A_1177 = vector.extract_strided_slice %get3A_798 {offsets = [7], sizes = [1], strides = [1]} : vector<16xf32> to vector<1xf32>
        %squeeze3A_1178 = vector.extract %slice3A_1177[0] : f32 from vector<1xf32>
        %mul3A_1179 = vector.broadcast %squeeze3A_1178 : f32 to vector<16xf32>
        %mul3A_1180 = arith.mulf %sub3A_47, %mul3A_1179 : vector<16xf32>
        %add3A_1181 = arith.addf %add3A_1176, %mul3A_1180 : vector<16xf32>
        %slice3A_1182 = vector.extract_strided_slice %get3A_801 {offsets = [7], sizes = [1], strides = [1]} : vector<16xf32> to vector<1xf32>
        %squeeze3A_1183 = vector.extract %slice3A_1182[0] : f32 from vector<1xf32>
        %add3A_1184 = vector.broadcast %squeeze3A_1183 : f32 to vector<16xf32>
        %add3A_1185 = arith.addf %add3A_52, %add3A_1184 : vector<16xf32>
        %mul3A_1186 = arith.constant 2.000000e+00 : f32
        %mul3A_1187 = vector.broadcast %mul3A_1186 : f32 to vector<16xf32>
        %mul3A_1188 = arith.mulf %mul3A_1187, %add3A_1181 : vector<16xf32>
        %sub3A_1189 = arith.subf %add3A_1185, %mul3A_1188 : vector<16xf32>
        %max3A_1190 = arith.constant 0.000000e+00 : f32
        %max3A_1191 = vector.broadcast %max3A_1190 : f32 to vector<16xf32>
        %max3A_1192 = arith.maximumf %sub3A_1189, %max3A_1191 : vector<16xf32>
        %add3A_1193 = arith.constant 7 : i32
        %add3A_1194 = arith.addi %mul3A_789, %add3A_1193 : i32
        %broadcast_in_dim3A_1195 = vector.broadcast %add3A_1194 : i32 to vector<16xi32>
        %lt3A_1196 = arith.cmpf olt, %max3A_1192, %select_n3A_1144 : vector<16xf32>
        %select_n3A_1197 = arith.select %lt3A_1196, %max3A_1192, %select_n3A_1144 : vector<16xi1>, vector<16xf32>
        %select_n3A_1198 = arith.select %lt3A_1196, %select_n3A_1144, %max3A_1192 : vector<16xi1>, vector<16xf32>
        %select_n3A_1199 = arith.select %lt3A_1196, %broadcast_in_dim3A_1195, %select_n3A_1146 : vector<16xi1>, vector<16xi32>
        %select_n3A_1200 = arith.select %lt3A_1196, %select_n3A_1146, %broadcast_in_dim3A_1195 : vector<16xi1>, vector<16xi32>
        %lt3A_1201 = arith.cmpf olt, %select_n3A_1198, %select_n3A_1149 : vector<16xf32>
        %select_n3A_1202 = arith.select %lt3A_1201, %select_n3A_1198, %select_n3A_1149 : vector<16xi1>, vector<16xf32>
        %select_n3A_1203 = arith.select %lt3A_1201, %select_n3A_1149, %select_n3A_1198 : vector<16xi1>, vector<16xf32>
        %select_n3A_1204 = arith.select %lt3A_1201, %select_n3A_1200, %select_n3A_1151 : vector<16xi1>, vector<16xi32>
        %select_n3A_1205 = arith.select %lt3A_1201, %select_n3A_1151, %select_n3A_1200 : vector<16xi1>, vector<16xi32>
        %lt3A_1206 = arith.cmpf olt, %select_n3A_1203, %select_n3A_1154 : vector<16xf32>
        %select_n3A_1207 = arith.select %lt3A_1206, %select_n3A_1203, %select_n3A_1154 : vector<16xi1>, vector<16xf32>
        %select_n3A_1208 = arith.select %lt3A_1206, %select_n3A_1154, %select_n3A_1203 : vector<16xi1>, vector<16xf32>
        %select_n3A_1209 = arith.select %lt3A_1206, %select_n3A_1205, %select_n3A_1156 : vector<16xi1>, vector<16xi32>
        %select_n3A_1210 = arith.select %lt3A_1206, %select_n3A_1156, %select_n3A_1205 : vector<16xi1>, vector<16xi32>
        %lt3A_1211 = arith.cmpf olt, %select_n3A_1208, %select_n3A_1159 : vector<16xf32>
        %select_n3A_1212 = arith.select %lt3A_1211, %select_n3A_1208, %select_n3A_1159 : vector<16xi1>, vector<16xf32>
        %select_n3A_1213 = arith.select %lt3A_1211, %select_n3A_1159, %select_n3A_1208 : vector<16xi1>, vector<16xf32>
        %select_n3A_1214 = arith.select %lt3A_1211, %select_n3A_1210, %select_n3A_1161 : vector<16xi1>, vector<16xi32>
        %select_n3A_1215 = arith.select %lt3A_1211, %select_n3A_1161, %select_n3A_1210 : vector<16xi1>, vector<16xi32>
        %lt3A_1216 = arith.cmpf olt, %select_n3A_1213, %select_n3A_1164 : vector<16xf32>
        %select_n3A_1217 = arith.select %lt3A_1216, %select_n3A_1213, %select_n3A_1164 : vector<16xi1>, vector<16xf32>
        %select_n3A_1218 = arith.select %lt3A_1216, %select_n3A_1164, %select_n3A_1213 : vector<16xi1>, vector<16xf32>
        %select_n3A_1219 = arith.select %lt3A_1216, %select_n3A_1215, %select_n3A_1166 : vector<16xi1>, vector<16xi32>
        %select_n3A_1220 = arith.select %lt3A_1216, %select_n3A_1166, %select_n3A_1215 : vector<16xi1>, vector<16xi32>
        %slice3A_1221 = vector.extract_strided_slice %get3A_792 {offsets = [8], sizes = [1], strides = [1]} : vector<16xf32> to vector<1xf32>
        %squeeze3A_1222 = vector.extract %slice3A_1221[0] : f32 from vector<1xf32>
        %mul3A_1223 = vector.broadcast %squeeze3A_1222 : f32 to vector<16xf32>
        %mul3A_1224 = arith.mulf %sub3A_37, %mul3A_1223 : vector<16xf32>
        %slice3A_1225 = vector.extract_strided_slice %get3A_795 {offsets = [8], sizes = [1], strides = [1]} : vector<16xf32> to vector<1xf32>
        %squeeze3A_1226 = vector.extract %slice3A_1225[0] : f32 from vector<1xf32>
        %mul3A_1227 = vector.broadcast %squeeze3A_1226 : f32 to vector<16xf32>
        %mul3A_1228 = arith.mulf %sub3A_42, %mul3A_1227 : vector<16xf32>
        %add3A_1229 = arith.addf %mul3A_1224, %mul3A_1228 : vector<16xf32>
        %slice3A_1230 = vector.extract_strided_slice %get3A_798 {offsets = [8], sizes = [1], strides = [1]} : vector<16xf32> to vector<1xf32>
        %squeeze3A_1231 = vector.extract %slice3A_1230[0] : f32 from vector<1xf32>
        %mul3A_1232 = vector.broadcast %squeeze3A_1231 : f32 to vector<16xf32>
        %mul3A_1233 = arith.mulf %sub3A_47, %mul3A_1232 : vector<16xf32>
        %add3A_1234 = arith.addf %add3A_1229, %mul3A_1233 : vector<16xf32>
        %slice3A_1235 = vector.extract_strided_slice %get3A_801 {offsets = [8], sizes = [1], strides = [1]} : vector<16xf32> to vector<1xf32>
        %squeeze3A_1236 = vector.extract %slice3A_1235[0] : f32 from vector<1xf32>
        %add3A_1237 = vector.broadcast %squeeze3A_1236 : f32 to vector<16xf32>
        %add3A_1238 = arith.addf %add3A_52, %add3A_1237 : vector<16xf32>
        %mul3A_1239 = arith.constant 2.000000e+00 : f32
        %mul3A_1240 = vector.broadcast %mul3A_1239 : f32 to vector<16xf32>
        %mul3A_1241 = arith.mulf %mul3A_1240, %add3A_1234 : vector<16xf32>
        %sub3A_1242 = arith.subf %add3A_1238, %mul3A_1241 : vector<16xf32>
        %max3A_1243 = arith.constant 0.000000e+00 : f32
        %max3A_1244 = vector.broadcast %max3A_1243 : f32 to vector<16xf32>
        %max3A_1245 = arith.maximumf %sub3A_1242, %max3A_1244 : vector<16xf32>
        %add3A_1246 = arith.constant 8 : i32
        %add3A_1247 = arith.addi %mul3A_789, %add3A_1246 : i32
        %broadcast_in_dim3A_1248 = vector.broadcast %add3A_1247 : i32 to vector<16xi32>
        %lt3A_1249 = arith.cmpf olt, %max3A_1245, %select_n3A_1197 : vector<16xf32>
        %select_n3A_1250 = arith.select %lt3A_1249, %max3A_1245, %select_n3A_1197 : vector<16xi1>, vector<16xf32>
        %select_n3A_1251 = arith.select %lt3A_1249, %select_n3A_1197, %max3A_1245 : vector<16xi1>, vector<16xf32>
        %select_n3A_1252 = arith.select %lt3A_1249, %broadcast_in_dim3A_1248, %select_n3A_1199 : vector<16xi1>, vector<16xi32>
        %select_n3A_1253 = arith.select %lt3A_1249, %select_n3A_1199, %broadcast_in_dim3A_1248 : vector<16xi1>, vector<16xi32>
        %lt3A_1254 = arith.cmpf olt, %select_n3A_1251, %select_n3A_1202 : vector<16xf32>
        %select_n3A_1255 = arith.select %lt3A_1254, %select_n3A_1251, %select_n3A_1202 : vector<16xi1>, vector<16xf32>
        %select_n3A_1256 = arith.select %lt3A_1254, %select_n3A_1202, %select_n3A_1251 : vector<16xi1>, vector<16xf32>
        %select_n3A_1257 = arith.select %lt3A_1254, %select_n3A_1253, %select_n3A_1204 : vector<16xi1>, vector<16xi32>
        %select_n3A_1258 = arith.select %lt3A_1254, %select_n3A_1204, %select_n3A_1253 : vector<16xi1>, vector<16xi32>
        %lt3A_1259 = arith.cmpf olt, %select_n3A_1256, %select_n3A_1207 : vector<16xf32>
        %select_n3A_1260 = arith.select %lt3A_1259, %select_n3A_1256, %select_n3A_1207 : vector<16xi1>, vector<16xf32>
        %select_n3A_1261 = arith.select %lt3A_1259, %select_n3A_1207, %select_n3A_1256 : vector<16xi1>, vector<16xf32>
        %select_n3A_1262 = arith.select %lt3A_1259, %select_n3A_1258, %select_n3A_1209 : vector<16xi1>, vector<16xi32>
        %select_n3A_1263 = arith.select %lt3A_1259, %select_n3A_1209, %select_n3A_1258 : vector<16xi1>, vector<16xi32>
        %lt3A_1264 = arith.cmpf olt, %select_n3A_1261, %select_n3A_1212 : vector<16xf32>
        %select_n3A_1265 = arith.select %lt3A_1264, %select_n3A_1261, %select_n3A_1212 : vector<16xi1>, vector<16xf32>
        %select_n3A_1266 = arith.select %lt3A_1264, %select_n3A_1212, %select_n3A_1261 : vector<16xi1>, vector<16xf32>
        %select_n3A_1267 = arith.select %lt3A_1264, %select_n3A_1263, %select_n3A_1214 : vector<16xi1>, vector<16xi32>
        %select_n3A_1268 = arith.select %lt3A_1264, %select_n3A_1214, %select_n3A_1263 : vector<16xi1>, vector<16xi32>
        %lt3A_1269 = arith.cmpf olt, %select_n3A_1266, %select_n3A_1217 : vector<16xf32>
        %select_n3A_1270 = arith.select %lt3A_1269, %select_n3A_1266, %select_n3A_1217 : vector<16xi1>, vector<16xf32>
        %select_n3A_1271 = arith.select %lt3A_1269, %select_n3A_1217, %select_n3A_1266 : vector<16xi1>, vector<16xf32>
        %select_n3A_1272 = arith.select %lt3A_1269, %select_n3A_1268, %select_n3A_1219 : vector<16xi1>, vector<16xi32>
        %select_n3A_1273 = arith.select %lt3A_1269, %select_n3A_1219, %select_n3A_1268 : vector<16xi1>, vector<16xi32>
        %slice3A_1274 = vector.extract_strided_slice %get3A_792 {offsets = [9], sizes = [1], strides = [1]} : vector<16xf32> to vector<1xf32>
        %squeeze3A_1275 = vector.extract %slice3A_1274[0] : f32 from vector<1xf32>
        %mul3A_1276 = vector.broadcast %squeeze3A_1275 : f32 to vector<16xf32>
        %mul3A_1277 = arith.mulf %sub3A_37, %mul3A_1276 : vector<16xf32>
        %slice3A_1278 = vector.extract_strided_slice %get3A_795 {offsets = [9], sizes = [1], strides = [1]} : vector<16xf32> to vector<1xf32>
        %squeeze3A_1279 = vector.extract %slice3A_1278[0] : f32 from vector<1xf32>
        %mul3A_1280 = vector.broadcast %squeeze3A_1279 : f32 to vector<16xf32>
        %mul3A_1281 = arith.mulf %sub3A_42, %mul3A_1280 : vector<16xf32>
        %add3A_1282 = arith.addf %mul3A_1277, %mul3A_1281 : vector<16xf32>
        %slice3A_1283 = vector.extract_strided_slice %get3A_798 {offsets = [9], sizes = [1], strides = [1]} : vector<16xf32> to vector<1xf32>
        %squeeze3A_1284 = vector.extract %slice3A_1283[0] : f32 from vector<1xf32>
        %mul3A_1285 = vector.broadcast %squeeze3A_1284 : f32 to vector<16xf32>
        %mul3A_1286 = arith.mulf %sub3A_47, %mul3A_1285 : vector<16xf32>
        %add3A_1287 = arith.addf %add3A_1282, %mul3A_1286 : vector<16xf32>
        %slice3A_1288 = vector.extract_strided_slice %get3A_801 {offsets = [9], sizes = [1], strides = [1]} : vector<16xf32> to vector<1xf32>
        %squeeze3A_1289 = vector.extract %slice3A_1288[0] : f32 from vector<1xf32>
        %add3A_1290 = vector.broadcast %squeeze3A_1289 : f32 to vector<16xf32>
        %add3A_1291 = arith.addf %add3A_52, %add3A_1290 : vector<16xf32>
        %mul3A_1292 = arith.constant 2.000000e+00 : f32
        %mul3A_1293 = vector.broadcast %mul3A_1292 : f32 to vector<16xf32>
        %mul3A_1294 = arith.mulf %mul3A_1293, %add3A_1287 : vector<16xf32>
        %sub3A_1295 = arith.subf %add3A_1291, %mul3A_1294 : vector<16xf32>
        %max3A_1296 = arith.constant 0.000000e+00 : f32
        %max3A_1297 = vector.broadcast %max3A_1296 : f32 to vector<16xf32>
        %max3A_1298 = arith.maximumf %sub3A_1295, %max3A_1297 : vector<16xf32>
        %add3A_1299 = arith.constant 9 : i32
        %add3A_1300 = arith.addi %mul3A_789, %add3A_1299 : i32
        %broadcast_in_dim3A_1301 = vector.broadcast %add3A_1300 : i32 to vector<16xi32>
        %lt3A_1302 = arith.cmpf olt, %max3A_1298, %select_n3A_1250 : vector<16xf32>
        %select_n3A_1303 = arith.select %lt3A_1302, %max3A_1298, %select_n3A_1250 : vector<16xi1>, vector<16xf32>
        %select_n3A_1304 = arith.select %lt3A_1302, %select_n3A_1250, %max3A_1298 : vector<16xi1>, vector<16xf32>
        %select_n3A_1305 = arith.select %lt3A_1302, %broadcast_in_dim3A_1301, %select_n3A_1252 : vector<16xi1>, vector<16xi32>
        %select_n3A_1306 = arith.select %lt3A_1302, %select_n3A_1252, %broadcast_in_dim3A_1301 : vector<16xi1>, vector<16xi32>
        %lt3A_1307 = arith.cmpf olt, %select_n3A_1304, %select_n3A_1255 : vector<16xf32>
        %select_n3A_1308 = arith.select %lt3A_1307, %select_n3A_1304, %select_n3A_1255 : vector<16xi1>, vector<16xf32>
        %select_n3A_1309 = arith.select %lt3A_1307, %select_n3A_1255, %select_n3A_1304 : vector<16xi1>, vector<16xf32>
        %select_n3A_1310 = arith.select %lt3A_1307, %select_n3A_1306, %select_n3A_1257 : vector<16xi1>, vector<16xi32>
        %select_n3A_1311 = arith.select %lt3A_1307, %select_n3A_1257, %select_n3A_1306 : vector<16xi1>, vector<16xi32>
        %lt3A_1312 = arith.cmpf olt, %select_n3A_1309, %select_n3A_1260 : vector<16xf32>
        %select_n3A_1313 = arith.select %lt3A_1312, %select_n3A_1309, %select_n3A_1260 : vector<16xi1>, vector<16xf32>
        %select_n3A_1314 = arith.select %lt3A_1312, %select_n3A_1260, %select_n3A_1309 : vector<16xi1>, vector<16xf32>
        %select_n3A_1315 = arith.select %lt3A_1312, %select_n3A_1311, %select_n3A_1262 : vector<16xi1>, vector<16xi32>
        %select_n3A_1316 = arith.select %lt3A_1312, %select_n3A_1262, %select_n3A_1311 : vector<16xi1>, vector<16xi32>
        %lt3A_1317 = arith.cmpf olt, %select_n3A_1314, %select_n3A_1265 : vector<16xf32>
        %select_n3A_1318 = arith.select %lt3A_1317, %select_n3A_1314, %select_n3A_1265 : vector<16xi1>, vector<16xf32>
        %select_n3A_1319 = arith.select %lt3A_1317, %select_n3A_1265, %select_n3A_1314 : vector<16xi1>, vector<16xf32>
        %select_n3A_1320 = arith.select %lt3A_1317, %select_n3A_1316, %select_n3A_1267 : vector<16xi1>, vector<16xi32>
        %select_n3A_1321 = arith.select %lt3A_1317, %select_n3A_1267, %select_n3A_1316 : vector<16xi1>, vector<16xi32>
        %lt3A_1322 = arith.cmpf olt, %select_n3A_1319, %select_n3A_1270 : vector<16xf32>
        %select_n3A_1323 = arith.select %lt3A_1322, %select_n3A_1319, %select_n3A_1270 : vector<16xi1>, vector<16xf32>
        %select_n3A_1324 = arith.select %lt3A_1322, %select_n3A_1270, %select_n3A_1319 : vector<16xi1>, vector<16xf32>
        %select_n3A_1325 = arith.select %lt3A_1322, %select_n3A_1321, %select_n3A_1272 : vector<16xi1>, vector<16xi32>
        %select_n3A_1326 = arith.select %lt3A_1322, %select_n3A_1272, %select_n3A_1321 : vector<16xi1>, vector<16xi32>
        %slice3A_1327 = vector.extract_strided_slice %get3A_792 {offsets = [10], sizes = [1], strides = [1]} : vector<16xf32> to vector<1xf32>
        %squeeze3A_1328 = vector.extract %slice3A_1327[0] : f32 from vector<1xf32>
        %mul3A_1329 = vector.broadcast %squeeze3A_1328 : f32 to vector<16xf32>
        %mul3A_1330 = arith.mulf %sub3A_37, %mul3A_1329 : vector<16xf32>
        %slice3A_1331 = vector.extract_strided_slice %get3A_795 {offsets = [10], sizes = [1], strides = [1]} : vector<16xf32> to vector<1xf32>
        %squeeze3A_1332 = vector.extract %slice3A_1331[0] : f32 from vector<1xf32>
        %mul3A_1333 = vector.broadcast %squeeze3A_1332 : f32 to vector<16xf32>
        %mul3A_1334 = arith.mulf %sub3A_42, %mul3A_1333 : vector<16xf32>
        %add3A_1335 = arith.addf %mul3A_1330, %mul3A_1334 : vector<16xf32>
        %slice3A_1336 = vector.extract_strided_slice %get3A_798 {offsets = [10], sizes = [1], strides = [1]} : vector<16xf32> to vector<1xf32>
        %squeeze3A_1337 = vector.extract %slice3A_1336[0] : f32 from vector<1xf32>
        %mul3A_1338 = vector.broadcast %squeeze3A_1337 : f32 to vector<16xf32>
        %mul3A_1339 = arith.mulf %sub3A_47, %mul3A_1338 : vector<16xf32>
        %add3A_1340 = arith.addf %add3A_1335, %mul3A_1339 : vector<16xf32>
        %slice3A_1341 = vector.extract_strided_slice %get3A_801 {offsets = [10], sizes = [1], strides = [1]} : vector<16xf32> to vector<1xf32>
        %squeeze3A_1342 = vector.extract %slice3A_1341[0] : f32 from vector<1xf32>
        %add3A_1343 = vector.broadcast %squeeze3A_1342 : f32 to vector<16xf32>
        %add3A_1344 = arith.addf %add3A_52, %add3A_1343 : vector<16xf32>
        %mul3A_1345 = arith.constant 2.000000e+00 : f32
        %mul3A_1346 = vector.broadcast %mul3A_1345 : f32 to vector<16xf32>
        %mul3A_1347 = arith.mulf %mul3A_1346, %add3A_1340 : vector<16xf32>
        %sub3A_1348 = arith.subf %add3A_1344, %mul3A_1347 : vector<16xf32>
        %max3A_1349 = arith.constant 0.000000e+00 : f32
        %max3A_1350 = vector.broadcast %max3A_1349 : f32 to vector<16xf32>
        %max3A_1351 = arith.maximumf %sub3A_1348, %max3A_1350 : vector<16xf32>
        %add3A_1352 = arith.constant 10 : i32
        %add3A_1353 = arith.addi %mul3A_789, %add3A_1352 : i32
        %broadcast_in_dim3A_1354 = vector.broadcast %add3A_1353 : i32 to vector<16xi32>
        %lt3A_1355 = arith.cmpf olt, %max3A_1351, %select_n3A_1303 : vector<16xf32>
        %select_n3A_1356 = arith.select %lt3A_1355, %max3A_1351, %select_n3A_1303 : vector<16xi1>, vector<16xf32>
        %select_n3A_1357 = arith.select %lt3A_1355, %select_n3A_1303, %max3A_1351 : vector<16xi1>, vector<16xf32>
        %select_n3A_1358 = arith.select %lt3A_1355, %broadcast_in_dim3A_1354, %select_n3A_1305 : vector<16xi1>, vector<16xi32>
        %select_n3A_1359 = arith.select %lt3A_1355, %select_n3A_1305, %broadcast_in_dim3A_1354 : vector<16xi1>, vector<16xi32>
        %lt3A_1360 = arith.cmpf olt, %select_n3A_1357, %select_n3A_1308 : vector<16xf32>
        %select_n3A_1361 = arith.select %lt3A_1360, %select_n3A_1357, %select_n3A_1308 : vector<16xi1>, vector<16xf32>
        %select_n3A_1362 = arith.select %lt3A_1360, %select_n3A_1308, %select_n3A_1357 : vector<16xi1>, vector<16xf32>
        %select_n3A_1363 = arith.select %lt3A_1360, %select_n3A_1359, %select_n3A_1310 : vector<16xi1>, vector<16xi32>
        %select_n3A_1364 = arith.select %lt3A_1360, %select_n3A_1310, %select_n3A_1359 : vector<16xi1>, vector<16xi32>
        %lt3A_1365 = arith.cmpf olt, %select_n3A_1362, %select_n3A_1313 : vector<16xf32>
        %select_n3A_1366 = arith.select %lt3A_1365, %select_n3A_1362, %select_n3A_1313 : vector<16xi1>, vector<16xf32>
        %select_n3A_1367 = arith.select %lt3A_1365, %select_n3A_1313, %select_n3A_1362 : vector<16xi1>, vector<16xf32>
        %select_n3A_1368 = arith.select %lt3A_1365, %select_n3A_1364, %select_n3A_1315 : vector<16xi1>, vector<16xi32>
        %select_n3A_1369 = arith.select %lt3A_1365, %select_n3A_1315, %select_n3A_1364 : vector<16xi1>, vector<16xi32>
        %lt3A_1370 = arith.cmpf olt, %select_n3A_1367, %select_n3A_1318 : vector<16xf32>
        %select_n3A_1371 = arith.select %lt3A_1370, %select_n3A_1367, %select_n3A_1318 : vector<16xi1>, vector<16xf32>
        %select_n3A_1372 = arith.select %lt3A_1370, %select_n3A_1318, %select_n3A_1367 : vector<16xi1>, vector<16xf32>
        %select_n3A_1373 = arith.select %lt3A_1370, %select_n3A_1369, %select_n3A_1320 : vector<16xi1>, vector<16xi32>
        %select_n3A_1374 = arith.select %lt3A_1370, %select_n3A_1320, %select_n3A_1369 : vector<16xi1>, vector<16xi32>
        %lt3A_1375 = arith.cmpf olt, %select_n3A_1372, %select_n3A_1323 : vector<16xf32>
        %select_n3A_1376 = arith.select %lt3A_1375, %select_n3A_1372, %select_n3A_1323 : vector<16xi1>, vector<16xf32>
        %select_n3A_1377 = arith.select %lt3A_1375, %select_n3A_1323, %select_n3A_1372 : vector<16xi1>, vector<16xf32>
        %select_n3A_1378 = arith.select %lt3A_1375, %select_n3A_1374, %select_n3A_1325 : vector<16xi1>, vector<16xi32>
        %select_n3A_1379 = arith.select %lt3A_1375, %select_n3A_1325, %select_n3A_1374 : vector<16xi1>, vector<16xi32>
        %slice3A_1380 = vector.extract_strided_slice %get3A_792 {offsets = [11], sizes = [1], strides = [1]} : vector<16xf32> to vector<1xf32>
        %squeeze3A_1381 = vector.extract %slice3A_1380[0] : f32 from vector<1xf32>
        %mul3A_1382 = vector.broadcast %squeeze3A_1381 : f32 to vector<16xf32>
        %mul3A_1383 = arith.mulf %sub3A_37, %mul3A_1382 : vector<16xf32>
        %slice3A_1384 = vector.extract_strided_slice %get3A_795 {offsets = [11], sizes = [1], strides = [1]} : vector<16xf32> to vector<1xf32>
        %squeeze3A_1385 = vector.extract %slice3A_1384[0] : f32 from vector<1xf32>
        %mul3A_1386 = vector.broadcast %squeeze3A_1385 : f32 to vector<16xf32>
        %mul3A_1387 = arith.mulf %sub3A_42, %mul3A_1386 : vector<16xf32>
        %add3A_1388 = arith.addf %mul3A_1383, %mul3A_1387 : vector<16xf32>
        %slice3A_1389 = vector.extract_strided_slice %get3A_798 {offsets = [11], sizes = [1], strides = [1]} : vector<16xf32> to vector<1xf32>
        %squeeze3A_1390 = vector.extract %slice3A_1389[0] : f32 from vector<1xf32>
        %mul3A_1391 = vector.broadcast %squeeze3A_1390 : f32 to vector<16xf32>
        %mul3A_1392 = arith.mulf %sub3A_47, %mul3A_1391 : vector<16xf32>
        %add3A_1393 = arith.addf %add3A_1388, %mul3A_1392 : vector<16xf32>
        %slice3A_1394 = vector.extract_strided_slice %get3A_801 {offsets = [11], sizes = [1], strides = [1]} : vector<16xf32> to vector<1xf32>
        %squeeze3A_1395 = vector.extract %slice3A_1394[0] : f32 from vector<1xf32>
        %add3A_1396 = vector.broadcast %squeeze3A_1395 : f32 to vector<16xf32>
        %add3A_1397 = arith.addf %add3A_52, %add3A_1396 : vector<16xf32>
        %mul3A_1398 = arith.constant 2.000000e+00 : f32
        %mul3A_1399 = vector.broadcast %mul3A_1398 : f32 to vector<16xf32>
        %mul3A_1400 = arith.mulf %mul3A_1399, %add3A_1393 : vector<16xf32>
        %sub3A_1401 = arith.subf %add3A_1397, %mul3A_1400 : vector<16xf32>
        %max3A_1402 = arith.constant 0.000000e+00 : f32
        %max3A_1403 = vector.broadcast %max3A_1402 : f32 to vector<16xf32>
        %max3A_1404 = arith.maximumf %sub3A_1401, %max3A_1403 : vector<16xf32>
        %add3A_1405 = arith.constant 11 : i32
        %add3A_1406 = arith.addi %mul3A_789, %add3A_1405 : i32
        %broadcast_in_dim3A_1407 = vector.broadcast %add3A_1406 : i32 to vector<16xi32>
        %lt3A_1408 = arith.cmpf olt, %max3A_1404, %select_n3A_1356 : vector<16xf32>
        %select_n3A_1409 = arith.select %lt3A_1408, %max3A_1404, %select_n3A_1356 : vector<16xi1>, vector<16xf32>
        %select_n3A_1410 = arith.select %lt3A_1408, %select_n3A_1356, %max3A_1404 : vector<16xi1>, vector<16xf32>
        %select_n3A_1411 = arith.select %lt3A_1408, %broadcast_in_dim3A_1407, %select_n3A_1358 : vector<16xi1>, vector<16xi32>
        %select_n3A_1412 = arith.select %lt3A_1408, %select_n3A_1358, %broadcast_in_dim3A_1407 : vector<16xi1>, vector<16xi32>
        %lt3A_1413 = arith.cmpf olt, %select_n3A_1410, %select_n3A_1361 : vector<16xf32>
        %select_n3A_1414 = arith.select %lt3A_1413, %select_n3A_1410, %select_n3A_1361 : vector<16xi1>, vector<16xf32>
        %select_n3A_1415 = arith.select %lt3A_1413, %select_n3A_1361, %select_n3A_1410 : vector<16xi1>, vector<16xf32>
        %select_n3A_1416 = arith.select %lt3A_1413, %select_n3A_1412, %select_n3A_1363 : vector<16xi1>, vector<16xi32>
        %select_n3A_1417 = arith.select %lt3A_1413, %select_n3A_1363, %select_n3A_1412 : vector<16xi1>, vector<16xi32>
        %lt3A_1418 = arith.cmpf olt, %select_n3A_1415, %select_n3A_1366 : vector<16xf32>
        %select_n3A_1419 = arith.select %lt3A_1418, %select_n3A_1415, %select_n3A_1366 : vector<16xi1>, vector<16xf32>
        %select_n3A_1420 = arith.select %lt3A_1418, %select_n3A_1366, %select_n3A_1415 : vector<16xi1>, vector<16xf32>
        %select_n3A_1421 = arith.select %lt3A_1418, %select_n3A_1417, %select_n3A_1368 : vector<16xi1>, vector<16xi32>
        %select_n3A_1422 = arith.select %lt3A_1418, %select_n3A_1368, %select_n3A_1417 : vector<16xi1>, vector<16xi32>
        %lt3A_1423 = arith.cmpf olt, %select_n3A_1420, %select_n3A_1371 : vector<16xf32>
        %select_n3A_1424 = arith.select %lt3A_1423, %select_n3A_1420, %select_n3A_1371 : vector<16xi1>, vector<16xf32>
        %select_n3A_1425 = arith.select %lt3A_1423, %select_n3A_1371, %select_n3A_1420 : vector<16xi1>, vector<16xf32>
        %select_n3A_1426 = arith.select %lt3A_1423, %select_n3A_1422, %select_n3A_1373 : vector<16xi1>, vector<16xi32>
        %select_n3A_1427 = arith.select %lt3A_1423, %select_n3A_1373, %select_n3A_1422 : vector<16xi1>, vector<16xi32>
        %lt3A_1428 = arith.cmpf olt, %select_n3A_1425, %select_n3A_1376 : vector<16xf32>
        %select_n3A_1429 = arith.select %lt3A_1428, %select_n3A_1425, %select_n3A_1376 : vector<16xi1>, vector<16xf32>
        %select_n3A_1430 = arith.select %lt3A_1428, %select_n3A_1376, %select_n3A_1425 : vector<16xi1>, vector<16xf32>
        %select_n3A_1431 = arith.select %lt3A_1428, %select_n3A_1427, %select_n3A_1378 : vector<16xi1>, vector<16xi32>
        %select_n3A_1432 = arith.select %lt3A_1428, %select_n3A_1378, %select_n3A_1427 : vector<16xi1>, vector<16xi32>
        %slice3A_1433 = vector.extract_strided_slice %get3A_792 {offsets = [12], sizes = [1], strides = [1]} : vector<16xf32> to vector<1xf32>
        %squeeze3A_1434 = vector.extract %slice3A_1433[0] : f32 from vector<1xf32>
        %mul3A_1435 = vector.broadcast %squeeze3A_1434 : f32 to vector<16xf32>
        %mul3A_1436 = arith.mulf %sub3A_37, %mul3A_1435 : vector<16xf32>
        %slice3A_1437 = vector.extract_strided_slice %get3A_795 {offsets = [12], sizes = [1], strides = [1]} : vector<16xf32> to vector<1xf32>
        %squeeze3A_1438 = vector.extract %slice3A_1437[0] : f32 from vector<1xf32>
        %mul3A_1439 = vector.broadcast %squeeze3A_1438 : f32 to vector<16xf32>
        %mul3A_1440 = arith.mulf %sub3A_42, %mul3A_1439 : vector<16xf32>
        %add3A_1441 = arith.addf %mul3A_1436, %mul3A_1440 : vector<16xf32>
        %slice3A_1442 = vector.extract_strided_slice %get3A_798 {offsets = [12], sizes = [1], strides = [1]} : vector<16xf32> to vector<1xf32>
        %squeeze3A_1443 = vector.extract %slice3A_1442[0] : f32 from vector<1xf32>
        %mul3A_1444 = vector.broadcast %squeeze3A_1443 : f32 to vector<16xf32>
        %mul3A_1445 = arith.mulf %sub3A_47, %mul3A_1444 : vector<16xf32>
        %add3A_1446 = arith.addf %add3A_1441, %mul3A_1445 : vector<16xf32>
        %slice3A_1447 = vector.extract_strided_slice %get3A_801 {offsets = [12], sizes = [1], strides = [1]} : vector<16xf32> to vector<1xf32>
        %squeeze3A_1448 = vector.extract %slice3A_1447[0] : f32 from vector<1xf32>
        %add3A_1449 = vector.broadcast %squeeze3A_1448 : f32 to vector<16xf32>
        %add3A_1450 = arith.addf %add3A_52, %add3A_1449 : vector<16xf32>
        %mul3A_1451 = arith.constant 2.000000e+00 : f32
        %mul3A_1452 = vector.broadcast %mul3A_1451 : f32 to vector<16xf32>
        %mul3A_1453 = arith.mulf %mul3A_1452, %add3A_1446 : vector<16xf32>
        %sub3A_1454 = arith.subf %add3A_1450, %mul3A_1453 : vector<16xf32>
        %max3A_1455 = arith.constant 0.000000e+00 : f32
        %max3A_1456 = vector.broadcast %max3A_1455 : f32 to vector<16xf32>
        %max3A_1457 = arith.maximumf %sub3A_1454, %max3A_1456 : vector<16xf32>
        %add3A_1458 = arith.constant 12 : i32
        %add3A_1459 = arith.addi %mul3A_789, %add3A_1458 : i32
        %broadcast_in_dim3A_1460 = vector.broadcast %add3A_1459 : i32 to vector<16xi32>
        %lt3A_1461 = arith.cmpf olt, %max3A_1457, %select_n3A_1409 : vector<16xf32>
        %select_n3A_1462 = arith.select %lt3A_1461, %max3A_1457, %select_n3A_1409 : vector<16xi1>, vector<16xf32>
        %select_n3A_1463 = arith.select %lt3A_1461, %select_n3A_1409, %max3A_1457 : vector<16xi1>, vector<16xf32>
        %select_n3A_1464 = arith.select %lt3A_1461, %broadcast_in_dim3A_1460, %select_n3A_1411 : vector<16xi1>, vector<16xi32>
        %select_n3A_1465 = arith.select %lt3A_1461, %select_n3A_1411, %broadcast_in_dim3A_1460 : vector<16xi1>, vector<16xi32>
        %lt3A_1466 = arith.cmpf olt, %select_n3A_1463, %select_n3A_1414 : vector<16xf32>
        %select_n3A_1467 = arith.select %lt3A_1466, %select_n3A_1463, %select_n3A_1414 : vector<16xi1>, vector<16xf32>
        %select_n3A_1468 = arith.select %lt3A_1466, %select_n3A_1414, %select_n3A_1463 : vector<16xi1>, vector<16xf32>
        %select_n3A_1469 = arith.select %lt3A_1466, %select_n3A_1465, %select_n3A_1416 : vector<16xi1>, vector<16xi32>
        %select_n3A_1470 = arith.select %lt3A_1466, %select_n3A_1416, %select_n3A_1465 : vector<16xi1>, vector<16xi32>
        %lt3A_1471 = arith.cmpf olt, %select_n3A_1468, %select_n3A_1419 : vector<16xf32>
        %select_n3A_1472 = arith.select %lt3A_1471, %select_n3A_1468, %select_n3A_1419 : vector<16xi1>, vector<16xf32>
        %select_n3A_1473 = arith.select %lt3A_1471, %select_n3A_1419, %select_n3A_1468 : vector<16xi1>, vector<16xf32>
        %select_n3A_1474 = arith.select %lt3A_1471, %select_n3A_1470, %select_n3A_1421 : vector<16xi1>, vector<16xi32>
        %select_n3A_1475 = arith.select %lt3A_1471, %select_n3A_1421, %select_n3A_1470 : vector<16xi1>, vector<16xi32>
        %lt3A_1476 = arith.cmpf olt, %select_n3A_1473, %select_n3A_1424 : vector<16xf32>
        %select_n3A_1477 = arith.select %lt3A_1476, %select_n3A_1473, %select_n3A_1424 : vector<16xi1>, vector<16xf32>
        %select_n3A_1478 = arith.select %lt3A_1476, %select_n3A_1424, %select_n3A_1473 : vector<16xi1>, vector<16xf32>
        %select_n3A_1479 = arith.select %lt3A_1476, %select_n3A_1475, %select_n3A_1426 : vector<16xi1>, vector<16xi32>
        %select_n3A_1480 = arith.select %lt3A_1476, %select_n3A_1426, %select_n3A_1475 : vector<16xi1>, vector<16xi32>
        %lt3A_1481 = arith.cmpf olt, %select_n3A_1478, %select_n3A_1429 : vector<16xf32>
        %select_n3A_1482 = arith.select %lt3A_1481, %select_n3A_1478, %select_n3A_1429 : vector<16xi1>, vector<16xf32>
        %select_n3A_1483 = arith.select %lt3A_1481, %select_n3A_1429, %select_n3A_1478 : vector<16xi1>, vector<16xf32>
        %select_n3A_1484 = arith.select %lt3A_1481, %select_n3A_1480, %select_n3A_1431 : vector<16xi1>, vector<16xi32>
        %select_n3A_1485 = arith.select %lt3A_1481, %select_n3A_1431, %select_n3A_1480 : vector<16xi1>, vector<16xi32>
        %slice3A_1486 = vector.extract_strided_slice %get3A_792 {offsets = [13], sizes = [1], strides = [1]} : vector<16xf32> to vector<1xf32>
        %squeeze3A_1487 = vector.extract %slice3A_1486[0] : f32 from vector<1xf32>
        %mul3A_1488 = vector.broadcast %squeeze3A_1487 : f32 to vector<16xf32>
        %mul3A_1489 = arith.mulf %sub3A_37, %mul3A_1488 : vector<16xf32>
        %slice3A_1490 = vector.extract_strided_slice %get3A_795 {offsets = [13], sizes = [1], strides = [1]} : vector<16xf32> to vector<1xf32>
        %squeeze3A_1491 = vector.extract %slice3A_1490[0] : f32 from vector<1xf32>
        %mul3A_1492 = vector.broadcast %squeeze3A_1491 : f32 to vector<16xf32>
        %mul3A_1493 = arith.mulf %sub3A_42, %mul3A_1492 : vector<16xf32>
        %add3A_1494 = arith.addf %mul3A_1489, %mul3A_1493 : vector<16xf32>
        %slice3A_1495 = vector.extract_strided_slice %get3A_798 {offsets = [13], sizes = [1], strides = [1]} : vector<16xf32> to vector<1xf32>
        %squeeze3A_1496 = vector.extract %slice3A_1495[0] : f32 from vector<1xf32>
        %mul3A_1497 = vector.broadcast %squeeze3A_1496 : f32 to vector<16xf32>
        %mul3A_1498 = arith.mulf %sub3A_47, %mul3A_1497 : vector<16xf32>
        %add3A_1499 = arith.addf %add3A_1494, %mul3A_1498 : vector<16xf32>
        %slice3A_1500 = vector.extract_strided_slice %get3A_801 {offsets = [13], sizes = [1], strides = [1]} : vector<16xf32> to vector<1xf32>
        %squeeze3A_1501 = vector.extract %slice3A_1500[0] : f32 from vector<1xf32>
        %add3A_1502 = vector.broadcast %squeeze3A_1501 : f32 to vector<16xf32>
        %add3A_1503 = arith.addf %add3A_52, %add3A_1502 : vector<16xf32>
        %mul3A_1504 = arith.constant 2.000000e+00 : f32
        %mul3A_1505 = vector.broadcast %mul3A_1504 : f32 to vector<16xf32>
        %mul3A_1506 = arith.mulf %mul3A_1505, %add3A_1499 : vector<16xf32>
        %sub3A_1507 = arith.subf %add3A_1503, %mul3A_1506 : vector<16xf32>
        %max3A_1508 = arith.constant 0.000000e+00 : f32
        %max3A_1509 = vector.broadcast %max3A_1508 : f32 to vector<16xf32>
        %max3A_1510 = arith.maximumf %sub3A_1507, %max3A_1509 : vector<16xf32>
        %add3A_1511 = arith.constant 13 : i32
        %add3A_1512 = arith.addi %mul3A_789, %add3A_1511 : i32
        %broadcast_in_dim3A_1513 = vector.broadcast %add3A_1512 : i32 to vector<16xi32>
        %lt3A_1514 = arith.cmpf olt, %max3A_1510, %select_n3A_1462 : vector<16xf32>
        %select_n3A_1515 = arith.select %lt3A_1514, %max3A_1510, %select_n3A_1462 : vector<16xi1>, vector<16xf32>
        %select_n3A_1516 = arith.select %lt3A_1514, %select_n3A_1462, %max3A_1510 : vector<16xi1>, vector<16xf32>
        %select_n3A_1517 = arith.select %lt3A_1514, %broadcast_in_dim3A_1513, %select_n3A_1464 : vector<16xi1>, vector<16xi32>
        %select_n3A_1518 = arith.select %lt3A_1514, %select_n3A_1464, %broadcast_in_dim3A_1513 : vector<16xi1>, vector<16xi32>
        %lt3A_1519 = arith.cmpf olt, %select_n3A_1516, %select_n3A_1467 : vector<16xf32>
        %select_n3A_1520 = arith.select %lt3A_1519, %select_n3A_1516, %select_n3A_1467 : vector<16xi1>, vector<16xf32>
        %select_n3A_1521 = arith.select %lt3A_1519, %select_n3A_1467, %select_n3A_1516 : vector<16xi1>, vector<16xf32>
        %select_n3A_1522 = arith.select %lt3A_1519, %select_n3A_1518, %select_n3A_1469 : vector<16xi1>, vector<16xi32>
        %select_n3A_1523 = arith.select %lt3A_1519, %select_n3A_1469, %select_n3A_1518 : vector<16xi1>, vector<16xi32>
        %lt3A_1524 = arith.cmpf olt, %select_n3A_1521, %select_n3A_1472 : vector<16xf32>
        %select_n3A_1525 = arith.select %lt3A_1524, %select_n3A_1521, %select_n3A_1472 : vector<16xi1>, vector<16xf32>
        %select_n3A_1526 = arith.select %lt3A_1524, %select_n3A_1472, %select_n3A_1521 : vector<16xi1>, vector<16xf32>
        %select_n3A_1527 = arith.select %lt3A_1524, %select_n3A_1523, %select_n3A_1474 : vector<16xi1>, vector<16xi32>
        %select_n3A_1528 = arith.select %lt3A_1524, %select_n3A_1474, %select_n3A_1523 : vector<16xi1>, vector<16xi32>
        %lt3A_1529 = arith.cmpf olt, %select_n3A_1526, %select_n3A_1477 : vector<16xf32>
        %select_n3A_1530 = arith.select %lt3A_1529, %select_n3A_1526, %select_n3A_1477 : vector<16xi1>, vector<16xf32>
        %select_n3A_1531 = arith.select %lt3A_1529, %select_n3A_1477, %select_n3A_1526 : vector<16xi1>, vector<16xf32>
        %select_n3A_1532 = arith.select %lt3A_1529, %select_n3A_1528, %select_n3A_1479 : vector<16xi1>, vector<16xi32>
        %select_n3A_1533 = arith.select %lt3A_1529, %select_n3A_1479, %select_n3A_1528 : vector<16xi1>, vector<16xi32>
        %lt3A_1534 = arith.cmpf olt, %select_n3A_1531, %select_n3A_1482 : vector<16xf32>
        %select_n3A_1535 = arith.select %lt3A_1534, %select_n3A_1531, %select_n3A_1482 : vector<16xi1>, vector<16xf32>
        %select_n3A_1536 = arith.select %lt3A_1534, %select_n3A_1482, %select_n3A_1531 : vector<16xi1>, vector<16xf32>
        %select_n3A_1537 = arith.select %lt3A_1534, %select_n3A_1533, %select_n3A_1484 : vector<16xi1>, vector<16xi32>
        %select_n3A_1538 = arith.select %lt3A_1534, %select_n3A_1484, %select_n3A_1533 : vector<16xi1>, vector<16xi32>
        %slice3A_1539 = vector.extract_strided_slice %get3A_792 {offsets = [14], sizes = [1], strides = [1]} : vector<16xf32> to vector<1xf32>
        %squeeze3A_1540 = vector.extract %slice3A_1539[0] : f32 from vector<1xf32>
        %mul3A_1541 = vector.broadcast %squeeze3A_1540 : f32 to vector<16xf32>
        %mul3A_1542 = arith.mulf %sub3A_37, %mul3A_1541 : vector<16xf32>
        %slice3A_1543 = vector.extract_strided_slice %get3A_795 {offsets = [14], sizes = [1], strides = [1]} : vector<16xf32> to vector<1xf32>
        %squeeze3A_1544 = vector.extract %slice3A_1543[0] : f32 from vector<1xf32>
        %mul3A_1545 = vector.broadcast %squeeze3A_1544 : f32 to vector<16xf32>
        %mul3A_1546 = arith.mulf %sub3A_42, %mul3A_1545 : vector<16xf32>
        %add3A_1547 = arith.addf %mul3A_1542, %mul3A_1546 : vector<16xf32>
        %slice3A_1548 = vector.extract_strided_slice %get3A_798 {offsets = [14], sizes = [1], strides = [1]} : vector<16xf32> to vector<1xf32>
        %squeeze3A_1549 = vector.extract %slice3A_1548[0] : f32 from vector<1xf32>
        %mul3A_1550 = vector.broadcast %squeeze3A_1549 : f32 to vector<16xf32>
        %mul3A_1551 = arith.mulf %sub3A_47, %mul3A_1550 : vector<16xf32>
        %add3A_1552 = arith.addf %add3A_1547, %mul3A_1551 : vector<16xf32>
        %slice3A_1553 = vector.extract_strided_slice %get3A_801 {offsets = [14], sizes = [1], strides = [1]} : vector<16xf32> to vector<1xf32>
        %squeeze3A_1554 = vector.extract %slice3A_1553[0] : f32 from vector<1xf32>
        %add3A_1555 = vector.broadcast %squeeze3A_1554 : f32 to vector<16xf32>
        %add3A_1556 = arith.addf %add3A_52, %add3A_1555 : vector<16xf32>
        %mul3A_1557 = arith.constant 2.000000e+00 : f32
        %mul3A_1558 = vector.broadcast %mul3A_1557 : f32 to vector<16xf32>
        %mul3A_1559 = arith.mulf %mul3A_1558, %add3A_1552 : vector<16xf32>
        %sub3A_1560 = arith.subf %add3A_1556, %mul3A_1559 : vector<16xf32>
        %max3A_1561 = arith.constant 0.000000e+00 : f32
        %max3A_1562 = vector.broadcast %max3A_1561 : f32 to vector<16xf32>
        %max3A_1563 = arith.maximumf %sub3A_1560, %max3A_1562 : vector<16xf32>
        %add3A_1564 = arith.constant 14 : i32
        %add3A_1565 = arith.addi %mul3A_789, %add3A_1564 : i32
        %broadcast_in_dim3A_1566 = vector.broadcast %add3A_1565 : i32 to vector<16xi32>
        %lt3A_1567 = arith.cmpf olt, %max3A_1563, %select_n3A_1515 : vector<16xf32>
        %select_n3A_1568 = arith.select %lt3A_1567, %max3A_1563, %select_n3A_1515 : vector<16xi1>, vector<16xf32>
        %select_n3A_1569 = arith.select %lt3A_1567, %select_n3A_1515, %max3A_1563 : vector<16xi1>, vector<16xf32>
        %select_n3A_1570 = arith.select %lt3A_1567, %broadcast_in_dim3A_1566, %select_n3A_1517 : vector<16xi1>, vector<16xi32>
        %select_n3A_1571 = arith.select %lt3A_1567, %select_n3A_1517, %broadcast_in_dim3A_1566 : vector<16xi1>, vector<16xi32>
        %lt3A_1572 = arith.cmpf olt, %select_n3A_1569, %select_n3A_1520 : vector<16xf32>
        %select_n3A_1573 = arith.select %lt3A_1572, %select_n3A_1569, %select_n3A_1520 : vector<16xi1>, vector<16xf32>
        %select_n3A_1574 = arith.select %lt3A_1572, %select_n3A_1520, %select_n3A_1569 : vector<16xi1>, vector<16xf32>
        %select_n3A_1575 = arith.select %lt3A_1572, %select_n3A_1571, %select_n3A_1522 : vector<16xi1>, vector<16xi32>
        %select_n3A_1576 = arith.select %lt3A_1572, %select_n3A_1522, %select_n3A_1571 : vector<16xi1>, vector<16xi32>
        %lt3A_1577 = arith.cmpf olt, %select_n3A_1574, %select_n3A_1525 : vector<16xf32>
        %select_n3A_1578 = arith.select %lt3A_1577, %select_n3A_1574, %select_n3A_1525 : vector<16xi1>, vector<16xf32>
        %select_n3A_1579 = arith.select %lt3A_1577, %select_n3A_1525, %select_n3A_1574 : vector<16xi1>, vector<16xf32>
        %select_n3A_1580 = arith.select %lt3A_1577, %select_n3A_1576, %select_n3A_1527 : vector<16xi1>, vector<16xi32>
        %select_n3A_1581 = arith.select %lt3A_1577, %select_n3A_1527, %select_n3A_1576 : vector<16xi1>, vector<16xi32>
        %lt3A_1582 = arith.cmpf olt, %select_n3A_1579, %select_n3A_1530 : vector<16xf32>
        %select_n3A_1583 = arith.select %lt3A_1582, %select_n3A_1579, %select_n3A_1530 : vector<16xi1>, vector<16xf32>
        %select_n3A_1584 = arith.select %lt3A_1582, %select_n3A_1530, %select_n3A_1579 : vector<16xi1>, vector<16xf32>
        %select_n3A_1585 = arith.select %lt3A_1582, %select_n3A_1581, %select_n3A_1532 : vector<16xi1>, vector<16xi32>
        %select_n3A_1586 = arith.select %lt3A_1582, %select_n3A_1532, %select_n3A_1581 : vector<16xi1>, vector<16xi32>
        %lt3A_1587 = arith.cmpf olt, %select_n3A_1584, %select_n3A_1535 : vector<16xf32>
        %select_n3A_1588 = arith.select %lt3A_1587, %select_n3A_1584, %select_n3A_1535 : vector<16xi1>, vector<16xf32>
        %select_n3A_1589 = arith.select %lt3A_1587, %select_n3A_1535, %select_n3A_1584 : vector<16xi1>, vector<16xf32>
        %select_n3A_1590 = arith.select %lt3A_1587, %select_n3A_1586, %select_n3A_1537 : vector<16xi1>, vector<16xi32>
        %select_n3A_1591 = arith.select %lt3A_1587, %select_n3A_1537, %select_n3A_1586 : vector<16xi1>, vector<16xi32>
        %slice3A_1592 = vector.extract_strided_slice %get3A_792 {offsets = [15], sizes = [1], strides = [1]} : vector<16xf32> to vector<1xf32>
        %squeeze3A_1593 = vector.extract %slice3A_1592[0] : f32 from vector<1xf32>
        %mul3A_1594 = vector.broadcast %squeeze3A_1593 : f32 to vector<16xf32>
        %mul3A_1595 = arith.mulf %sub3A_37, %mul3A_1594 : vector<16xf32>
        %slice3A_1596 = vector.extract_strided_slice %get3A_795 {offsets = [15], sizes = [1], strides = [1]} : vector<16xf32> to vector<1xf32>
        %squeeze3A_1597 = vector.extract %slice3A_1596[0] : f32 from vector<1xf32>
        %mul3A_1598 = vector.broadcast %squeeze3A_1597 : f32 to vector<16xf32>
        %mul3A_1599 = arith.mulf %sub3A_42, %mul3A_1598 : vector<16xf32>
        %add3A_1600 = arith.addf %mul3A_1595, %mul3A_1599 : vector<16xf32>
        %slice3A_1601 = vector.extract_strided_slice %get3A_798 {offsets = [15], sizes = [1], strides = [1]} : vector<16xf32> to vector<1xf32>
        %squeeze3A_1602 = vector.extract %slice3A_1601[0] : f32 from vector<1xf32>
        %mul3A_1603 = vector.broadcast %squeeze3A_1602 : f32 to vector<16xf32>
        %mul3A_1604 = arith.mulf %sub3A_47, %mul3A_1603 : vector<16xf32>
        %add3A_1605 = arith.addf %add3A_1600, %mul3A_1604 : vector<16xf32>
        %slice3A_1606 = vector.extract_strided_slice %get3A_801 {offsets = [15], sizes = [1], strides = [1]} : vector<16xf32> to vector<1xf32>
        %squeeze3A_1607 = vector.extract %slice3A_1606[0] : f32 from vector<1xf32>
        %add3A_1608 = vector.broadcast %squeeze3A_1607 : f32 to vector<16xf32>
        %add3A_1609 = arith.addf %add3A_52, %add3A_1608 : vector<16xf32>
        %mul3A_1610 = arith.constant 2.000000e+00 : f32
        %mul3A_1611 = vector.broadcast %mul3A_1610 : f32 to vector<16xf32>
        %mul3A_1612 = arith.mulf %mul3A_1611, %add3A_1605 : vector<16xf32>
        %sub3A_1613 = arith.subf %add3A_1609, %mul3A_1612 : vector<16xf32>
        %max3A_1614 = arith.constant 0.000000e+00 : f32
        %max3A_1615 = vector.broadcast %max3A_1614 : f32 to vector<16xf32>
        %max3A_1616 = arith.maximumf %sub3A_1613, %max3A_1615 : vector<16xf32>
        %add3A_1617 = arith.constant 15 : i32
        %add3A_1618 = arith.addi %mul3A_789, %add3A_1617 : i32
        %broadcast_in_dim3A_1619 = vector.broadcast %add3A_1618 : i32 to vector<16xi32>
        %lt3A_1620 = arith.cmpf olt, %max3A_1616, %select_n3A_1568 : vector<16xf32>
        %select_n3A_1621 = arith.select %lt3A_1620, %max3A_1616, %select_n3A_1568 : vector<16xi1>, vector<16xf32>
        %select_n3A_1622 = arith.select %lt3A_1620, %select_n3A_1568, %max3A_1616 : vector<16xi1>, vector<16xf32>
        %select_n3A_1623 = arith.select %lt3A_1620, %broadcast_in_dim3A_1619, %select_n3A_1570 : vector<16xi1>, vector<16xi32>
        %select_n3A_1624 = arith.select %lt3A_1620, %select_n3A_1570, %broadcast_in_dim3A_1619 : vector<16xi1>, vector<16xi32>
        %lt3A_1625 = arith.cmpf olt, %select_n3A_1622, %select_n3A_1573 : vector<16xf32>
        %select_n3A_1626 = arith.select %lt3A_1625, %select_n3A_1622, %select_n3A_1573 : vector<16xi1>, vector<16xf32>
        %select_n3A_1627 = arith.select %lt3A_1625, %select_n3A_1573, %select_n3A_1622 : vector<16xi1>, vector<16xf32>
        %select_n3A_1628 = arith.select %lt3A_1625, %select_n3A_1624, %select_n3A_1575 : vector<16xi1>, vector<16xi32>
        %select_n3A_1629 = arith.select %lt3A_1625, %select_n3A_1575, %select_n3A_1624 : vector<16xi1>, vector<16xi32>
        %lt3A_1630 = arith.cmpf olt, %select_n3A_1627, %select_n3A_1578 : vector<16xf32>
        %select_n3A_1631 = arith.select %lt3A_1630, %select_n3A_1627, %select_n3A_1578 : vector<16xi1>, vector<16xf32>
        %select_n3A_1632 = arith.select %lt3A_1630, %select_n3A_1578, %select_n3A_1627 : vector<16xi1>, vector<16xf32>
        %select_n3A_1633 = arith.select %lt3A_1630, %select_n3A_1629, %select_n3A_1580 : vector<16xi1>, vector<16xi32>
        %select_n3A_1634 = arith.select %lt3A_1630, %select_n3A_1580, %select_n3A_1629 : vector<16xi1>, vector<16xi32>
        %lt3A_1635 = arith.cmpf olt, %select_n3A_1632, %select_n3A_1583 : vector<16xf32>
        %select_n3A_1636 = arith.select %lt3A_1635, %select_n3A_1632, %select_n3A_1583 : vector<16xi1>, vector<16xf32>
        %select_n3A_1637 = arith.select %lt3A_1635, %select_n3A_1583, %select_n3A_1632 : vector<16xi1>, vector<16xf32>
        %select_n3A_1638 = arith.select %lt3A_1635, %select_n3A_1634, %select_n3A_1585 : vector<16xi1>, vector<16xi32>
        %select_n3A_1639 = arith.select %lt3A_1635, %select_n3A_1585, %select_n3A_1634 : vector<16xi1>, vector<16xi32>
        %lt3A_1640 = arith.cmpf olt, %select_n3A_1637, %select_n3A_1588 : vector<16xf32>
        %select_n3A_1641 = arith.select %lt3A_1640, %select_n3A_1637, %select_n3A_1588 : vector<16xi1>, vector<16xf32>
        %select_n3A_1642 = arith.select %lt3A_1640, %select_n3A_1588, %select_n3A_1637 : vector<16xi1>, vector<16xf32>
        %select_n3A_1643 = arith.select %lt3A_1640, %select_n3A_1639, %select_n3A_1590 : vector<16xi1>, vector<16xi32>
        %select_n3A_1644 = arith.select %lt3A_1640, %select_n3A_1590, %select_n3A_1639 : vector<16xi1>, vector<16xi32>
        scf.yield %select_n3A_1621, %select_n3A_1626, %select_n3A_1631, %select_n3A_1636, %select_n3A_1641, %select_n3A_1623, %select_n3A_1628, %select_n3A_1633, %select_n3A_1638, %select_n3A_1643 : vector<16xf32>, vector<16xf32>, vector<16xf32>, vector<16xf32>, vector<16xf32>, vector<16xi32>, vector<16xi32>, vector<16xi32>, vector<16xi32>, vector<16xi32>
      }
      %scan3A_409 = arith.constant 256 : i32
      %add3A_410 = vector.broadcast %mul3A_4 : i32 to vector<16xi32>
      %add3A_411 = arith.addi %scan3A_408#5, %add3A_410 : vector<16xi32>
      %dma_start3A_412 = arith.constant 0 : i32
      %dma_start3A_413 = arith.constant 0 : i32
      %dma_start3A_414 = tpu.memref_slice %arg40[%dma_start3A_412, %dma_start3A_413] : memref<16x16xf32, #tpu.memory_space<vmem>> -> memref<1x16xf32, #tpu.memory_space<vmem>>
      %dma_start3A_415 = tpu.memref_squeeze %dma_start3A_414 : memref<1x16xf32, #tpu.memory_space<vmem>> -> memref<16xf32, #tpu.memory_space<vmem>>
      %dma_start3A_416 = arith.constant 0 : i32
      %dma_start3A_417 = tpu.memref_slice %arg8[%dma_start3A_416] : memref<8192xf32, #tpu.memory_space<hbm>> -> memref<8192xf32, #tpu.memory_space<hbm>>
      tpu.enqueue_indirect_dma source(%dma_start3A_417 : memref<8192xf32, #tpu.memory_space<hbm>>) target(%dma_start3A_415 : memref<16xf32, #tpu.memory_space<vmem>>) offsets(%add3A_411 : vector<16xi32>) semaphore(%arg41 : memref<!tpu.dma_semaphore, #tpu.memory_space<semaphore_mem>>)
      %dma_start3A_418 = arith.constant 1 : i32
      %dma_start3A_419 = arith.constant 0 : i32
      %dma_start3A_420 = tpu.memref_slice %arg40[%dma_start3A_418, %dma_start3A_419] : memref<16x16xf32, #tpu.memory_space<vmem>> -> memref<1x16xf32, #tpu.memory_space<vmem>>
      %dma_start3A_421 = tpu.memref_squeeze %dma_start3A_420 : memref<1x16xf32, #tpu.memory_space<vmem>> -> memref<16xf32, #tpu.memory_space<vmem>>
      %dma_start3A_422 = arith.constant 0 : i32
      %dma_start3A_423 = tpu.memref_slice %arg9[%dma_start3A_422] : memref<8192xf32, #tpu.memory_space<hbm>> -> memref<8192xf32, #tpu.memory_space<hbm>>
      tpu.enqueue_indirect_dma source(%dma_start3A_423 : memref<8192xf32, #tpu.memory_space<hbm>>) target(%dma_start3A_421 : memref<16xf32, #tpu.memory_space<vmem>>) offsets(%add3A_411 : vector<16xi32>) semaphore(%arg41 : memref<!tpu.dma_semaphore, #tpu.memory_space<semaphore_mem>>)
      %dma_start3A_424 = arith.constant 2 : i32
      %dma_start3A_425 = arith.constant 0 : i32
      %dma_start3A_426 = tpu.memref_slice %arg40[%dma_start3A_424, %dma_start3A_425] : memref<16x16xf32, #tpu.memory_space<vmem>> -> memref<1x16xf32, #tpu.memory_space<vmem>>
      %dma_start3A_427 = tpu.memref_squeeze %dma_start3A_426 : memref<1x16xf32, #tpu.memory_space<vmem>> -> memref<16xf32, #tpu.memory_space<vmem>>
      %dma_start3A_428 = arith.constant 0 : i32
      %dma_start3A_429 = tpu.memref_slice %arg10[%dma_start3A_428] : memref<8192xf32, #tpu.memory_space<hbm>> -> memref<8192xf32, #tpu.memory_space<hbm>>
      tpu.enqueue_indirect_dma source(%dma_start3A_429 : memref<8192xf32, #tpu.memory_space<hbm>>) target(%dma_start3A_427 : memref<16xf32, #tpu.memory_space<vmem>>) offsets(%add3A_411 : vector<16xi32>) semaphore(%arg41 : memref<!tpu.dma_semaphore, #tpu.memory_space<semaphore_mem>>)
      %add3A_430 = vector.broadcast %mul3A_4 : i32 to vector<16xi32>
      %add3A_431 = arith.addi %scan3A_408#6, %add3A_430 : vector<16xi32>
      %dma_start3A_432 = arith.constant 3 : i32
      %dma_start3A_433 = arith.constant 0 : i32
      %dma_start3A_434 = tpu.memref_slice %arg40[%dma_start3A_432, %dma_start3A_433] : memref<16x16xf32, #tpu.memory_space<vmem>> -> memref<1x16xf32, #tpu.memory_space<vmem>>
      %dma_start3A_435 = tpu.memref_squeeze %dma_start3A_434 : memref<1x16xf32, #tpu.memory_space<vmem>> -> memref<16xf32, #tpu.memory_space<vmem>>
      %dma_start3A_436 = arith.constant 0 : i32
      %dma_start3A_437 = tpu.memref_slice %arg8[%dma_start3A_436] : memref<8192xf32, #tpu.memory_space<hbm>> -> memref<8192xf32, #tpu.memory_space<hbm>>
      tpu.enqueue_indirect_dma source(%dma_start3A_437 : memref<8192xf32, #tpu.memory_space<hbm>>) target(%dma_start3A_435 : memref<16xf32, #tpu.memory_space<vmem>>) offsets(%add3A_431 : vector<16xi32>) semaphore(%arg41 : memref<!tpu.dma_semaphore, #tpu.memory_space<semaphore_mem>>)
      %dma_start3A_438 = arith.constant 4 : i32
      %dma_start3A_439 = arith.constant 0 : i32
      %dma_start3A_440 = tpu.memref_slice %arg40[%dma_start3A_438, %dma_start3A_439] : memref<16x16xf32, #tpu.memory_space<vmem>> -> memref<1x16xf32, #tpu.memory_space<vmem>>
      %dma_start3A_441 = tpu.memref_squeeze %dma_start3A_440 : memref<1x16xf32, #tpu.memory_space<vmem>> -> memref<16xf32, #tpu.memory_space<vmem>>
      %dma_start3A_442 = arith.constant 0 : i32
      %dma_start3A_443 = tpu.memref_slice %arg9[%dma_start3A_442] : memref<8192xf32, #tpu.memory_space<hbm>> -> memref<8192xf32, #tpu.memory_space<hbm>>
      tpu.enqueue_indirect_dma source(%dma_start3A_443 : memref<8192xf32, #tpu.memory_space<hbm>>) target(%dma_start3A_441 : memref<16xf32, #tpu.memory_space<vmem>>) offsets(%add3A_431 : vector<16xi32>) semaphore(%arg41 : memref<!tpu.dma_semaphore, #tpu.memory_space<semaphore_mem>>)
      %dma_start3A_444 = arith.constant 5 : i32
      %dma_start3A_445 = arith.constant 0 : i32
      %dma_start3A_446 = tpu.memref_slice %arg40[%dma_start3A_444, %dma_start3A_445] : memref<16x16xf32, #tpu.memory_space<vmem>> -> memref<1x16xf32, #tpu.memory_space<vmem>>
      %dma_start3A_447 = tpu.memref_squeeze %dma_start3A_446 : memref<1x16xf32, #tpu.memory_space<vmem>> -> memref<16xf32, #tpu.memory_space<vmem>>
      %dma_start3A_448 = arith.constant 0 : i32
      %dma_start3A_449 = tpu.memref_slice %arg10[%dma_start3A_448] : memref<8192xf32, #tpu.memory_space<hbm>> -> memref<8192xf32, #tpu.memory_space<hbm>>
      tpu.enqueue_indirect_dma source(%dma_start3A_449 : memref<8192xf32, #tpu.memory_space<hbm>>) target(%dma_start3A_447 : memref<16xf32, #tpu.memory_space<vmem>>) offsets(%add3A_431 : vector<16xi32>) semaphore(%arg41 : memref<!tpu.dma_semaphore, #tpu.memory_space<semaphore_mem>>)
      %add3A_450 = vector.broadcast %mul3A_4 : i32 to vector<16xi32>
      %add3A_451 = arith.addi %scan3A_408#7, %add3A_450 : vector<16xi32>
      %dma_start3A_452 = arith.constant 6 : i32
      %dma_start3A_453 = arith.constant 0 : i32
      %dma_start3A_454 = tpu.memref_slice %arg40[%dma_start3A_452, %dma_start3A_453] : memref<16x16xf32, #tpu.memory_space<vmem>> -> memref<1x16xf32, #tpu.memory_space<vmem>>
      %dma_start3A_455 = tpu.memref_squeeze %dma_start3A_454 : memref<1x16xf32, #tpu.memory_space<vmem>> -> memref<16xf32, #tpu.memory_space<vmem>>
      %dma_start3A_456 = arith.constant 0 : i32
      %dma_start3A_457 = tpu.memref_slice %arg8[%dma_start3A_456] : memref<8192xf32, #tpu.memory_space<hbm>> -> memref<8192xf32, #tpu.memory_space<hbm>>
      tpu.enqueue_indirect_dma source(%dma_start3A_457 : memref<8192xf32, #tpu.memory_space<hbm>>) target(%dma_start3A_455 : memref<16xf32, #tpu.memory_space<vmem>>) offsets(%add3A_451 : vector<16xi32>) semaphore(%arg41 : memref<!tpu.dma_semaphore, #tpu.memory_space<semaphore_mem>>)
      %dma_start3A_458 = arith.constant 7 : i32
      %dma_start3A_459 = arith.constant 0 : i32
      %dma_start3A_460 = tpu.memref_slice %arg40[%dma_start3A_458, %dma_start3A_459] : memref<16x16xf32, #tpu.memory_space<vmem>> -> memref<1x16xf32, #tpu.memory_space<vmem>>
      %dma_start3A_461 = tpu.memref_squeeze %dma_start3A_460 : memref<1x16xf32, #tpu.memory_space<vmem>> -> memref<16xf32, #tpu.memory_space<vmem>>
      %dma_start3A_462 = arith.constant 0 : i32
      %dma_start3A_463 = tpu.memref_slice %arg9[%dma_start3A_462] : memref<8192xf32, #tpu.memory_space<hbm>> -> memref<8192xf32, #tpu.memory_space<hbm>>
      tpu.enqueue_indirect_dma source(%dma_start3A_463 : memref<8192xf32, #tpu.memory_space<hbm>>) target(%dma_start3A_461 : memref<16xf32, #tpu.memory_space<vmem>>) offsets(%add3A_451 : vector<16xi32>) semaphore(%arg41 : memref<!tpu.dma_semaphore, #tpu.memory_space<semaphore_mem>>)
      %dma_start3A_464 = arith.constant 8 : i32
      %dma_start3A_465 = arith.constant 0 : i32
      %dma_start3A_466 = tpu.memref_slice %arg40[%dma_start3A_464, %dma_start3A_465] : memref<16x16xf32, #tpu.memory_space<vmem>> -> memref<1x16xf32, #tpu.memory_space<vmem>>
      %dma_start3A_467 = tpu.memref_squeeze %dma_start3A_466 : memref<1x16xf32, #tpu.memory_space<vmem>> -> memref<16xf32, #tpu.memory_space<vmem>>
      %dma_start3A_468 = arith.constant 0 : i32
      %dma_start3A_469 = tpu.memref_slice %arg10[%dma_start3A_468] : memref<8192xf32, #tpu.memory_space<hbm>> -> memref<8192xf32, #tpu.memory_space<hbm>>
      tpu.enqueue_indirect_dma source(%dma_start3A_469 : memref<8192xf32, #tpu.memory_space<hbm>>) target(%dma_start3A_467 : memref<16xf32, #tpu.memory_space<vmem>>) offsets(%add3A_451 : vector<16xi32>) semaphore(%arg41 : memref<!tpu.dma_semaphore, #tpu.memory_space<semaphore_mem>>)
      %add3A_470 = vector.broadcast %mul3A_4 : i32 to vector<16xi32>
      %add3A_471 = arith.addi %scan3A_408#8, %add3A_470 : vector<16xi32>
      %dma_start3A_472 = arith.constant 9 : i32
      %dma_start3A_473 = arith.constant 0 : i32
      %dma_start3A_474 = tpu.memref_slice %arg40[%dma_start3A_472, %dma_start3A_473] : memref<16x16xf32, #tpu.memory_space<vmem>> -> memref<1x16xf32, #tpu.memory_space<vmem>>
      %dma_start3A_475 = tpu.memref_squeeze %dma_start3A_474 : memref<1x16xf32, #tpu.memory_space<vmem>> -> memref<16xf32, #tpu.memory_space<vmem>>
      %dma_start3A_476 = arith.constant 0 : i32
      %dma_start3A_477 = tpu.memref_slice %arg8[%dma_start3A_476] : memref<8192xf32, #tpu.memory_space<hbm>> -> memref<8192xf32, #tpu.memory_space<hbm>>
      tpu.enqueue_indirect_dma source(%dma_start3A_477 : memref<8192xf32, #tpu.memory_space<hbm>>) target(%dma_start3A_475 : memref<16xf32, #tpu.memory_space<vmem>>) offsets(%add3A_471 : vector<16xi32>) semaphore(%arg41 : memref<!tpu.dma_semaphore, #tpu.memory_space<semaphore_mem>>)
      %dma_start3A_478 = arith.constant 10 : i32
      %dma_start3A_479 = arith.constant 0 : i32
      %dma_start3A_480 = tpu.memref_slice %arg40[%dma_start3A_478, %dma_start3A_479] : memref<16x16xf32, #tpu.memory_space<vmem>> -> memref<1x16xf32, #tpu.memory_space<vmem>>
      %dma_start3A_481 = tpu.memref_squeeze %dma_start3A_480 : memref<1x16xf32, #tpu.memory_space<vmem>> -> memref<16xf32, #tpu.memory_space<vmem>>
      %dma_start3A_482 = arith.constant 0 : i32
      %dma_start3A_483 = tpu.memref_slice %arg9[%dma_start3A_482] : memref<8192xf32, #tpu.memory_space<hbm>> -> memref<8192xf32, #tpu.memory_space<hbm>>
      tpu.enqueue_indirect_dma source(%dma_start3A_483 : memref<8192xf32, #tpu.memory_space<hbm>>) target(%dma_start3A_481 : memref<16xf32, #tpu.memory_space<vmem>>) offsets(%add3A_471 : vector<16xi32>) semaphore(%arg41 : memref<!tpu.dma_semaphore, #tpu.memory_space<semaphore_mem>>)
      %dma_start3A_484 = arith.constant 11 : i32
      %dma_start3A_485 = arith.constant 0 : i32
      %dma_start3A_486 = tpu.memref_slice %arg40[%dma_start3A_484, %dma_start3A_485] : memref<16x16xf32, #tpu.memory_space<vmem>> -> memref<1x16xf32, #tpu.memory_space<vmem>>
      %dma_start3A_487 = tpu.memref_squeeze %dma_start3A_486 : memref<1x16xf32, #tpu.memory_space<vmem>> -> memref<16xf32, #tpu.memory_space<vmem>>
      %dma_start3A_488 = arith.constant 0 : i32
      %dma_start3A_489 = tpu.memref_slice %arg10[%dma_start3A_488] : memref<8192xf32, #tpu.memory_space<hbm>> -> memref<8192xf32, #tpu.memory_space<hbm>>
      tpu.enqueue_indirect_dma source(%dma_start3A_489 : memref<8192xf32, #tpu.memory_space<hbm>>) target(%dma_start3A_487 : memref<16xf32, #tpu.memory_space<vmem>>) offsets(%add3A_471 : vector<16xi32>) semaphore(%arg41 : memref<!tpu.dma_semaphore, #tpu.memory_space<semaphore_mem>>)
      %add3A_490 = vector.broadcast %mul3A_4 : i32 to vector<16xi32>
      %add3A_491 = arith.addi %scan3A_408#9, %add3A_490 : vector<16xi32>
      %dma_start3A_492 = arith.constant 12 : i32
      %dma_start3A_493 = arith.constant 0 : i32
      %dma_start3A_494 = tpu.memref_slice %arg40[%dma_start3A_492, %dma_start3A_493] : memref<16x16xf32, #tpu.memory_space<vmem>> -> memref<1x16xf32, #tpu.memory_space<vmem>>
      %dma_start3A_495 = tpu.memref_squeeze %dma_start3A_494 : memref<1x16xf32, #tpu.memory_space<vmem>> -> memref<16xf32, #tpu.memory_space<vmem>>
      %dma_start3A_496 = arith.constant 0 : i32
      %dma_start3A_497 = tpu.memref_slice %arg8[%dma_start3A_496] : memref<8192xf32, #tpu.memory_space<hbm>> -> memref<8192xf32, #tpu.memory_space<hbm>>
      tpu.enqueue_indirect_dma source(%dma_start3A_497 : memref<8192xf32, #tpu.memory_space<hbm>>) target(%dma_start3A_495 : memref<16xf32, #tpu.memory_space<vmem>>) offsets(%add3A_491 : vector<16xi32>) semaphore(%arg41 : memref<!tpu.dma_semaphore, #tpu.memory_space<semaphore_mem>>)
      %dma_start3A_498 = arith.constant 13 : i32
      %dma_start3A_499 = arith.constant 0 : i32
      %dma_start3A_500 = tpu.memref_slice %arg40[%dma_start3A_498, %dma_start3A_499] : memref<16x16xf32, #tpu.memory_space<vmem>> -> memref<1x16xf32, #tpu.memory_space<vmem>>
      %dma_start3A_501 = tpu.memref_squeeze %dma_start3A_500 : memref<1x16xf32, #tpu.memory_space<vmem>> -> memref<16xf32, #tpu.memory_space<vmem>>
      %dma_start3A_502 = arith.constant 0 : i32
      %dma_start3A_503 = tpu.memref_slice %arg9[%dma_start3A_502] : memref<8192xf32, #tpu.memory_space<hbm>> -> memref<8192xf32, #tpu.memory_space<hbm>>
      tpu.enqueue_indirect_dma source(%dma_start3A_503 : memref<8192xf32, #tpu.memory_space<hbm>>) target(%dma_start3A_501 : memref<16xf32, #tpu.memory_space<vmem>>) offsets(%add3A_491 : vector<16xi32>) semaphore(%arg41 : memref<!tpu.dma_semaphore, #tpu.memory_space<semaphore_mem>>)
      %dma_start3A_504 = arith.constant 14 : i32
      %dma_start3A_505 = arith.constant 0 : i32
      %dma_start3A_506 = tpu.memref_slice %arg40[%dma_start3A_504, %dma_start3A_505] : memref<16x16xf32, #tpu.memory_space<vmem>> -> memref<1x16xf32, #tpu.memory_space<vmem>>
      %dma_start3A_507 = tpu.memref_squeeze %dma_start3A_506 : memref<1x16xf32, #tpu.memory_space<vmem>> -> memref<16xf32, #tpu.memory_space<vmem>>
      %dma_start3A_508 = arith.constant 0 : i32
      %dma_start3A_509 = tpu.memref_slice %arg10[%dma_start3A_508] : memref<8192xf32, #tpu.memory_space<hbm>> -> memref<8192xf32, #tpu.memory_space<hbm>>
      tpu.enqueue_indirect_dma source(%dma_start3A_509 : memref<8192xf32, #tpu.memory_space<hbm>>) target(%dma_start3A_507 : memref<16xf32, #tpu.memory_space<vmem>>) offsets(%add3A_491 : vector<16xi32>) semaphore(%arg41 : memref<!tpu.dma_semaphore, #tpu.memory_space<semaphore_mem>>)
      %dma_wait3A_510 = arith.constant 0 : i32
      %dma_wait3A_511 = arith.constant 0 : i32
      %dma_wait3A_512 = tpu.memref_slice %arg40[%dma_wait3A_510, %dma_wait3A_511] : memref<16x16xf32, #tpu.memory_space<vmem>> -> memref<1x16xf32, #tpu.memory_space<vmem>>
      %dma_wait3A_513 = tpu.memref_squeeze %dma_wait3A_512 : memref<1x16xf32, #tpu.memory_space<vmem>> -> memref<16xf32, #tpu.memory_space<vmem>>
      %dma_wait3A_514 = arith.constant 0 : i32
      %dma_wait3A_515 = tpu.memref_slice %arg8[%dma_wait3A_514] : memref<8192xf32, #tpu.memory_space<hbm>> -> memref<8192xf32, #tpu.memory_space<hbm>>
      tpu.wait_indirect_dma semaphore(%arg41 : memref<!tpu.dma_semaphore, #tpu.memory_space<semaphore_mem>>) src(%dma_wait3A_515 : memref<8192xf32, #tpu.memory_space<hbm>>) dst(%dma_wait3A_513 : memref<16xf32, #tpu.memory_space<vmem>>)
      %dma_wait3A_516 = arith.constant 1 : i32
      %dma_wait3A_517 = arith.constant 0 : i32
      %dma_wait3A_518 = tpu.memref_slice %arg40[%dma_wait3A_516, %dma_wait3A_517] : memref<16x16xf32, #tpu.memory_space<vmem>> -> memref<1x16xf32, #tpu.memory_space<vmem>>
      %dma_wait3A_519 = tpu.memref_squeeze %dma_wait3A_518 : memref<1x16xf32, #tpu.memory_space<vmem>> -> memref<16xf32, #tpu.memory_space<vmem>>
      %dma_wait3A_520 = arith.constant 0 : i32
      %dma_wait3A_521 = tpu.memref_slice %arg9[%dma_wait3A_520] : memref<8192xf32, #tpu.memory_space<hbm>> -> memref<8192xf32, #tpu.memory_space<hbm>>
      tpu.wait_indirect_dma semaphore(%arg41 : memref<!tpu.dma_semaphore, #tpu.memory_space<semaphore_mem>>) src(%dma_wait3A_521 : memref<8192xf32, #tpu.memory_space<hbm>>) dst(%dma_wait3A_519 : memref<16xf32, #tpu.memory_space<vmem>>)
      %dma_wait3A_522 = arith.constant 2 : i32
      %dma_wait3A_523 = arith.constant 0 : i32
      %dma_wait3A_524 = tpu.memref_slice %arg40[%dma_wait3A_522, %dma_wait3A_523] : memref<16x16xf32, #tpu.memory_space<vmem>> -> memref<1x16xf32, #tpu.memory_space<vmem>>
      %dma_wait3A_525 = tpu.memref_squeeze %dma_wait3A_524 : memref<1x16xf32, #tpu.memory_space<vmem>> -> memref<16xf32, #tpu.memory_space<vmem>>
      %dma_wait3A_526 = arith.constant 0 : i32
      %dma_wait3A_527 = tpu.memref_slice %arg10[%dma_wait3A_526] : memref<8192xf32, #tpu.memory_space<hbm>> -> memref<8192xf32, #tpu.memory_space<hbm>>
      tpu.wait_indirect_dma semaphore(%arg41 : memref<!tpu.dma_semaphore, #tpu.memory_space<semaphore_mem>>) src(%dma_wait3A_527 : memref<8192xf32, #tpu.memory_space<hbm>>) dst(%dma_wait3A_525 : memref<16xf32, #tpu.memory_space<vmem>>)
      %dma_wait3A_528 = arith.constant 3 : i32
      %dma_wait3A_529 = arith.constant 0 : i32
      %dma_wait3A_530 = tpu.memref_slice %arg40[%dma_wait3A_528, %dma_wait3A_529] : memref<16x16xf32, #tpu.memory_space<vmem>> -> memref<1x16xf32, #tpu.memory_space<vmem>>
      %dma_wait3A_531 = tpu.memref_squeeze %dma_wait3A_530 : memref<1x16xf32, #tpu.memory_space<vmem>> -> memref<16xf32, #tpu.memory_space<vmem>>
      %dma_wait3A_532 = arith.constant 0 : i32
      %dma_wait3A_533 = tpu.memref_slice %arg8[%dma_wait3A_532] : memref<8192xf32, #tpu.memory_space<hbm>> -> memref<8192xf32, #tpu.memory_space<hbm>>
      tpu.wait_indirect_dma semaphore(%arg41 : memref<!tpu.dma_semaphore, #tpu.memory_space<semaphore_mem>>) src(%dma_wait3A_533 : memref<8192xf32, #tpu.memory_space<hbm>>) dst(%dma_wait3A_531 : memref<16xf32, #tpu.memory_space<vmem>>)
      %dma_wait3A_534 = arith.constant 4 : i32
      %dma_wait3A_535 = arith.constant 0 : i32
      %dma_wait3A_536 = tpu.memref_slice %arg40[%dma_wait3A_534, %dma_wait3A_535] : memref<16x16xf32, #tpu.memory_space<vmem>> -> memref<1x16xf32, #tpu.memory_space<vmem>>
      %dma_wait3A_537 = tpu.memref_squeeze %dma_wait3A_536 : memref<1x16xf32, #tpu.memory_space<vmem>> -> memref<16xf32, #tpu.memory_space<vmem>>
      %dma_wait3A_538 = arith.constant 0 : i32
      %dma_wait3A_539 = tpu.memref_slice %arg9[%dma_wait3A_538] : memref<8192xf32, #tpu.memory_space<hbm>> -> memref<8192xf32, #tpu.memory_space<hbm>>
      tpu.wait_indirect_dma semaphore(%arg41 : memref<!tpu.dma_semaphore, #tpu.memory_space<semaphore_mem>>) src(%dma_wait3A_539 : memref<8192xf32, #tpu.memory_space<hbm>>) dst(%dma_wait3A_537 : memref<16xf32, #tpu.memory_space<vmem>>)
      %dma_wait3A_540 = arith.constant 5 : i32
      %dma_wait3A_541 = arith.constant 0 : i32
      %dma_wait3A_542 = tpu.memref_slice %arg40[%dma_wait3A_540, %dma_wait3A_541] : memref<16x16xf32, #tpu.memory_space<vmem>> -> memref<1x16xf32, #tpu.memory_space<vmem>>
      %dma_wait3A_543 = tpu.memref_squeeze %dma_wait3A_542 : memref<1x16xf32, #tpu.memory_space<vmem>> -> memref<16xf32, #tpu.memory_space<vmem>>
      %dma_wait3A_544 = arith.constant 0 : i32
      %dma_wait3A_545 = tpu.memref_slice %arg10[%dma_wait3A_544] : memref<8192xf32, #tpu.memory_space<hbm>> -> memref<8192xf32, #tpu.memory_space<hbm>>
      tpu.wait_indirect_dma semaphore(%arg41 : memref<!tpu.dma_semaphore, #tpu.memory_space<semaphore_mem>>) src(%dma_wait3A_545 : memref<8192xf32, #tpu.memory_space<hbm>>) dst(%dma_wait3A_543 : memref<16xf32, #tpu.memory_space<vmem>>)
      %dma_wait3A_546 = arith.constant 6 : i32
      %dma_wait3A_547 = arith.constant 0 : i32
      %dma_wait3A_548 = tpu.memref_slice %arg40[%dma_wait3A_546, %dma_wait3A_547] : memref<16x16xf32, #tpu.memory_space<vmem>> -> memref<1x16xf32, #tpu.memory_space<vmem>>
      %dma_wait3A_549 = tpu.memref_squeeze %dma_wait3A_548 : memref<1x16xf32, #tpu.memory_space<vmem>> -> memref<16xf32, #tpu.memory_space<vmem>>
      %dma_wait3A_550 = arith.constant 0 : i32
      %dma_wait3A_551 = tpu.memref_slice %arg8[%dma_wait3A_550] : memref<8192xf32, #tpu.memory_space<hbm>> -> memref<8192xf32, #tpu.memory_space<hbm>>
      tpu.wait_indirect_dma semaphore(%arg41 : memref<!tpu.dma_semaphore, #tpu.memory_space<semaphore_mem>>) src(%dma_wait3A_551 : memref<8192xf32, #tpu.memory_space<hbm>>) dst(%dma_wait3A_549 : memref<16xf32, #tpu.memory_space<vmem>>)
      %dma_wait3A_552 = arith.constant 7 : i32
      %dma_wait3A_553 = arith.constant 0 : i32
      %dma_wait3A_554 = tpu.memref_slice %arg40[%dma_wait3A_552, %dma_wait3A_553] : memref<16x16xf32, #tpu.memory_space<vmem>> -> memref<1x16xf32, #tpu.memory_space<vmem>>
      %dma_wait3A_555 = tpu.memref_squeeze %dma_wait3A_554 : memref<1x16xf32, #tpu.memory_space<vmem>> -> memref<16xf32, #tpu.memory_space<vmem>>
      %dma_wait3A_556 = arith.constant 0 : i32
      %dma_wait3A_557 = tpu.memref_slice %arg9[%dma_wait3A_556] : memref<8192xf32, #tpu.memory_space<hbm>> -> memref<8192xf32, #tpu.memory_space<hbm>>
      tpu.wait_indirect_dma semaphore(%arg41 : memref<!tpu.dma_semaphore, #tpu.memory_space<semaphore_mem>>) src(%dma_wait3A_557 : memref<8192xf32, #tpu.memory_space<hbm>>) dst(%dma_wait3A_555 : memref<16xf32, #tpu.memory_space<vmem>>)
      %dma_wait3A_558 = arith.constant 8 : i32
      %dma_wait3A_559 = arith.constant 0 : i32
      %dma_wait3A_560 = tpu.memref_slice %arg40[%dma_wait3A_558, %dma_wait3A_559] : memref<16x16xf32, #tpu.memory_space<vmem>> -> memref<1x16xf32, #tpu.memory_space<vmem>>
      %dma_wait3A_561 = tpu.memref_squeeze %dma_wait3A_560 : memref<1x16xf32, #tpu.memory_space<vmem>> -> memref<16xf32, #tpu.memory_space<vmem>>
      %dma_wait3A_562 = arith.constant 0 : i32
      %dma_wait3A_563 = tpu.memref_slice %arg10[%dma_wait3A_562] : memref<8192xf32, #tpu.memory_space<hbm>> -> memref<8192xf32, #tpu.memory_space<hbm>>
      tpu.wait_indirect_dma semaphore(%arg41 : memref<!tpu.dma_semaphore, #tpu.memory_space<semaphore_mem>>) src(%dma_wait3A_563 : memref<8192xf32, #tpu.memory_space<hbm>>) dst(%dma_wait3A_561 : memref<16xf32, #tpu.memory_space<vmem>>)
      %dma_wait3A_564 = arith.constant 9 : i32
      %dma_wait3A_565 = arith.constant 0 : i32
      %dma_wait3A_566 = tpu.memref_slice %arg40[%dma_wait3A_564, %dma_wait3A_565] : memref<16x16xf32, #tpu.memory_space<vmem>> -> memref<1x16xf32, #tpu.memory_space<vmem>>
      %dma_wait3A_567 = tpu.memref_squeeze %dma_wait3A_566 : memref<1x16xf32, #tpu.memory_space<vmem>> -> memref<16xf32, #tpu.memory_space<vmem>>
      %dma_wait3A_568 = arith.constant 0 : i32
      %dma_wait3A_569 = tpu.memref_slice %arg8[%dma_wait3A_568] : memref<8192xf32, #tpu.memory_space<hbm>> -> memref<8192xf32, #tpu.memory_space<hbm>>
      tpu.wait_indirect_dma semaphore(%arg41 : memref<!tpu.dma_semaphore, #tpu.memory_space<semaphore_mem>>) src(%dma_wait3A_569 : memref<8192xf32, #tpu.memory_space<hbm>>) dst(%dma_wait3A_567 : memref<16xf32, #tpu.memory_space<vmem>>)
      %dma_wait3A_570 = arith.constant 10 : i32
      %dma_wait3A_571 = arith.constant 0 : i32
      %dma_wait3A_572 = tpu.memref_slice %arg40[%dma_wait3A_570, %dma_wait3A_571] : memref<16x16xf32, #tpu.memory_space<vmem>> -> memref<1x16xf32, #tpu.memory_space<vmem>>
      %dma_wait3A_573 = tpu.memref_squeeze %dma_wait3A_572 : memref<1x16xf32, #tpu.memory_space<vmem>> -> memref<16xf32, #tpu.memory_space<vmem>>
      %dma_wait3A_574 = arith.constant 0 : i32
      %dma_wait3A_575 = tpu.memref_slice %arg9[%dma_wait3A_574] : memref<8192xf32, #tpu.memory_space<hbm>> -> memref<8192xf32, #tpu.memory_space<hbm>>
      tpu.wait_indirect_dma semaphore(%arg41 : memref<!tpu.dma_semaphore, #tpu.memory_space<semaphore_mem>>) src(%dma_wait3A_575 : memref<8192xf32, #tpu.memory_space<hbm>>) dst(%dma_wait3A_573 : memref<16xf32, #tpu.memory_space<vmem>>)
      %dma_wait3A_576 = arith.constant 11 : i32
      %dma_wait3A_577 = arith.constant 0 : i32
      %dma_wait3A_578 = tpu.memref_slice %arg40[%dma_wait3A_576, %dma_wait3A_577] : memref<16x16xf32, #tpu.memory_space<vmem>> -> memref<1x16xf32, #tpu.memory_space<vmem>>
      %dma_wait3A_579 = tpu.memref_squeeze %dma_wait3A_578 : memref<1x16xf32, #tpu.memory_space<vmem>> -> memref<16xf32, #tpu.memory_space<vmem>>
      %dma_wait3A_580 = arith.constant 0 : i32
      %dma_wait3A_581 = tpu.memref_slice %arg10[%dma_wait3A_580] : memref<8192xf32, #tpu.memory_space<hbm>> -> memref<8192xf32, #tpu.memory_space<hbm>>
      tpu.wait_indirect_dma semaphore(%arg41 : memref<!tpu.dma_semaphore, #tpu.memory_space<semaphore_mem>>) src(%dma_wait3A_581 : memref<8192xf32, #tpu.memory_space<hbm>>) dst(%dma_wait3A_579 : memref<16xf32, #tpu.memory_space<vmem>>)
      %dma_wait3A_582 = arith.constant 12 : i32
      %dma_wait3A_583 = arith.constant 0 : i32
      %dma_wait3A_584 = tpu.memref_slice %arg40[%dma_wait3A_582, %dma_wait3A_583] : memref<16x16xf32, #tpu.memory_space<vmem>> -> memref<1x16xf32, #tpu.memory_space<vmem>>
      %dma_wait3A_585 = tpu.memref_squeeze %dma_wait3A_584 : memref<1x16xf32, #tpu.memory_space<vmem>> -> memref<16xf32, #tpu.memory_space<vmem>>
      %dma_wait3A_586 = arith.constant 0 : i32
      %dma_wait3A_587 = tpu.memref_slice %arg8[%dma_wait3A_586] : memref<8192xf32, #tpu.memory_space<hbm>> -> memref<8192xf32, #tpu.memory_space<hbm>>
      tpu.wait_indirect_dma semaphore(%arg41 : memref<!tpu.dma_semaphore, #tpu.memory_space<semaphore_mem>>) src(%dma_wait3A_587 : memref<8192xf32, #tpu.memory_space<hbm>>) dst(%dma_wait3A_585 : memref<16xf32, #tpu.memory_space<vmem>>)
      %dma_wait3A_588 = arith.constant 13 : i32
      %dma_wait3A_589 = arith.constant 0 : i32
      %dma_wait3A_590 = tpu.memref_slice %arg40[%dma_wait3A_588, %dma_wait3A_589] : memref<16x16xf32, #tpu.memory_space<vmem>> -> memref<1x16xf32, #tpu.memory_space<vmem>>
      %dma_wait3A_591 = tpu.memref_squeeze %dma_wait3A_590 : memref<1x16xf32, #tpu.memory_space<vmem>> -> memref<16xf32, #tpu.memory_space<vmem>>
      %dma_wait3A_592 = arith.constant 0 : i32
      %dma_wait3A_593 = tpu.memref_slice %arg9[%dma_wait3A_592] : memref<8192xf32, #tpu.memory_space<hbm>> -> memref<8192xf32, #tpu.memory_space<hbm>>
      tpu.wait_indirect_dma semaphore(%arg41 : memref<!tpu.dma_semaphore, #tpu.memory_space<semaphore_mem>>) src(%dma_wait3A_593 : memref<8192xf32, #tpu.memory_space<hbm>>) dst(%dma_wait3A_591 : memref<16xf32, #tpu.memory_space<vmem>>)
      %dma_wait3A_594 = arith.constant 14 : i32
      %dma_wait3A_595 = arith.constant 0 : i32
      %dma_wait3A_596 = tpu.memref_slice %arg40[%dma_wait3A_594, %dma_wait3A_595] : memref<16x16xf32, #tpu.memory_space<vmem>> -> memref<1x16xf32, #tpu.memory_space<vmem>>
      %dma_wait3A_597 = tpu.memref_squeeze %dma_wait3A_596 : memref<1x16xf32, #tpu.memory_space<vmem>> -> memref<16xf32, #tpu.memory_space<vmem>>
      %dma_wait3A_598 = arith.constant 0 : i32
      %dma_wait3A_599 = tpu.memref_slice %arg10[%dma_wait3A_598] : memref<8192xf32, #tpu.memory_space<hbm>> -> memref<8192xf32, #tpu.memory_space<hbm>>
      tpu.wait_indirect_dma semaphore(%arg41 : memref<!tpu.dma_semaphore, #tpu.memory_space<semaphore_mem>>) src(%dma_wait3A_599 : memref<8192xf32, #tpu.memory_space<hbm>>) dst(%dma_wait3A_597 : memref<16xf32, #tpu.memory_space<vmem>>)
      %add3A_600 = arith.constant 9.99999993E-9 : f32
      %add3A_601 = vector.broadcast %add3A_600 : f32 to vector<16xf32>
      %add3A_602 = arith.addf %scan3A_408#0, %add3A_601 : vector<16xf32>
      %div3A_603 = arith.constant 1.000000e+00 : f32
      %div3A_604 = vector.broadcast %div3A_603 : f32 to vector<16xf32>
      %div3A_605 = arith.divf %div3A_604, %add3A_602 : vector<16xf32>
      %add3A_606 = arith.constant 9.99999993E-9 : f32
      %add3A_607 = vector.broadcast %add3A_606 : f32 to vector<16xf32>
      %add3A_608 = arith.addf %scan3A_408#1, %add3A_607 : vector<16xf32>
      %div3A_609 = arith.constant 1.000000e+00 : f32
      %div3A_610 = vector.broadcast %div3A_609 : f32 to vector<16xf32>
      %div3A_611 = arith.divf %div3A_610, %add3A_608 : vector<16xf32>
      %add3A_612 = arith.constant 9.99999993E-9 : f32
      %add3A_613 = vector.broadcast %add3A_612 : f32 to vector<16xf32>
      %add3A_614 = arith.addf %scan3A_408#2, %add3A_613 : vector<16xf32>
      %div3A_615 = arith.constant 1.000000e+00 : f32
      %div3A_616 = vector.broadcast %div3A_615 : f32 to vector<16xf32>
      %div3A_617 = arith.divf %div3A_616, %add3A_614 : vector<16xf32>
      %add3A_618 = arith.constant 9.99999993E-9 : f32
      %add3A_619 = vector.broadcast %add3A_618 : f32 to vector<16xf32>
      %add3A_620 = arith.addf %scan3A_408#3, %add3A_619 : vector<16xf32>
      %div3A_621 = arith.constant 1.000000e+00 : f32
      %div3A_622 = vector.broadcast %div3A_621 : f32 to vector<16xf32>
      %div3A_623 = arith.divf %div3A_622, %add3A_620 : vector<16xf32>
      %add3A_624 = arith.constant 9.99999993E-9 : f32
      %add3A_625 = vector.broadcast %add3A_624 : f32 to vector<16xf32>
      %add3A_626 = arith.addf %scan3A_408#4, %add3A_625 : vector<16xf32>
      %div3A_627 = arith.constant 1.000000e+00 : f32
      %div3A_628 = vector.broadcast %div3A_627 : f32 to vector<16xf32>
      %div3A_629 = arith.divf %div3A_628, %add3A_626 : vector<16xf32>
      %add3A_630 = arith.addf %div3A_605, %div3A_611 : vector<16xf32>
      %add3A_631 = arith.addf %add3A_630, %div3A_617 : vector<16xf32>
      %add3A_632 = arith.addf %add3A_631, %div3A_623 : vector<16xf32>
      %add3A_633 = arith.addf %add3A_632, %div3A_629 : vector<16xf32>
      %get3A_634 = arith.constant 0 : i32
      %get3A_635 = arith.index_cast %get3A_634 : i32 to index
      %get3A_636 = arith.constant 0 : index
      %get3A_637 = tpu.vector_load %arg40[%get3A_635, %get3A_636] {strides = array<i32>} : memref<16x16xf32, #tpu.memory_space<vmem>>, vector<1x16xf32>,
      %get3A_638 = vector.shape_cast %get3A_637 : vector<1x16xf32> to vector<16xf32>
      %mul3A_639 = arith.mulf %div3A_605, %get3A_638 : vector<16xf32>
      %add3A_640 = arith.constant 0.000000e+00 : f32
      %add3A_641 = vector.broadcast %add3A_640 : f32 to vector<16xf32>
      %add3A_642 = arith.addf %add3A_641, %mul3A_639 : vector<16xf32>
      %get3A_643 = arith.constant 3 : i32
      %get3A_644 = arith.index_cast %get3A_643 : i32 to index
      %get3A_645 = arith.constant 0 : index
      %get3A_646 = tpu.vector_load %arg40[%get3A_644, %get3A_645] {strides = array<i32>} : memref<16x16xf32, #tpu.memory_space<vmem>>, vector<1x16xf32>,
      %get3A_647 = vector.shape_cast %get3A_646 : vector<1x16xf32> to vector<16xf32>
      %mul3A_648 = arith.mulf %div3A_611, %get3A_647 : vector<16xf32>
      %add3A_649 = arith.addf %add3A_642, %mul3A_648 : vector<16xf32>
      %get3A_650 = arith.constant 6 : i32
      %get3A_651 = arith.index_cast %get3A_650 : i32 to index
      %get3A_652 = arith.constant 0 : index
      %get3A_653 = tpu.vector_load %arg40[%get3A_651, %get3A_652] {strides = array<i32>} : memref<16x16xf32, #tpu.memory_space<vmem>>, vector<1x16xf32>,
      %get3A_654 = vector.shape_cast %get3A_653 : vector<1x16xf32> to vector<16xf32>
      %mul3A_655 = arith.mulf %div3A_617, %get3A_654 : vector<16xf32>
      %add3A_656 = arith.addf %add3A_649, %mul3A_655 : vector<16xf32>
      %get3A_657 = arith.constant 9 : i32
      %get3A_658 = arith.index_cast %get3A_657 : i32 to index
      %get3A_659 = arith.constant 0 : index
      %get3A_660 = tpu.vector_load %arg40[%get3A_658, %get3A_659] {strides = array<i32>} : memref<16x16xf32, #tpu.memory_space<vmem>>, vector<1x16xf32>,
      %get3A_661 = vector.shape_cast %get3A_660 : vector<1x16xf32> to vector<16xf32>
      %mul3A_662 = arith.mulf %div3A_623, %get3A_661 : vector<16xf32>
      %add3A_663 = arith.addf %add3A_656, %mul3A_662 : vector<16xf32>
      %get3A_664 = arith.constant 12 : i32
      %get3A_665 = arith.index_cast %get3A_664 : i32 to index
      %get3A_666 = arith.constant 0 : index
      %get3A_667 = tpu.vector_load %arg40[%get3A_665, %get3A_666] {strides = array<i32>} : memref<16x16xf32, #tpu.memory_space<vmem>>, vector<1x16xf32>,
      %get3A_668 = vector.shape_cast %get3A_667 : vector<1x16xf32> to vector<16xf32>
      %mul3A_669 = arith.mulf %div3A_629, %get3A_668 : vector<16xf32>
      %add3A_670 = arith.addf %add3A_663, %mul3A_669 : vector<16xf32>
      %get3A_671 = arith.constant 1 : i32
      %get3A_672 = arith.index_cast %get3A_671 : i32 to index
      %get3A_673 = arith.constant 0 : index
      %get3A_674 = tpu.vector_load %arg40[%get3A_672, %get3A_673] {strides = array<i32>} : memref<16x16xf32, #tpu.memory_space<vmem>>, vector<1x16xf32>,
      %get3A_675 = vector.shape_cast %get3A_674 : vector<1x16xf32> to vector<16xf32>
      %mul3A_676 = arith.mulf %div3A_605, %get3A_675 : vector<16xf32>
      %add3A_677 = arith.constant 0.000000e+00 : f32
      %add3A_678 = vector.broadcast %add3A_677 : f32 to vector<16xf32>
      %add3A_679 = arith.addf %add3A_678, %mul3A_676 : vector<16xf32>
      %get3A_680 = arith.constant 4 : i32
      %get3A_681 = arith.index_cast %get3A_680 : i32 to index
      %get3A_682 = arith.constant 0 : index
      %get3A_683 = tpu.vector_load %arg40[%get3A_681, %get3A_682] {strides = array<i32>} : memref<16x16xf32, #tpu.memory_space<vmem>>, vector<1x16xf32>,
      %get3A_684 = vector.shape_cast %get3A_683 : vector<1x16xf32> to vector<16xf32>
      %mul3A_685 = arith.mulf %div3A_611, %get3A_684 : vector<16xf32>
      %add3A_686 = arith.addf %add3A_679, %mul3A_685 : vector<16xf32>
      %get3A_687 = arith.constant 7 : i32
      %get3A_688 = arith.index_cast %get3A_687 : i32 to index
      %get3A_689 = arith.constant 0 : index
      %get3A_690 = tpu.vector_load %arg40[%get3A_688, %get3A_689] {strides = array<i32>} : memref<16x16xf32, #tpu.memory_space<vmem>>, vector<1x16xf32>,
      %get3A_691 = vector.shape_cast %get3A_690 : vector<1x16xf32> to vector<16xf32>
      %mul3A_692 = arith.mulf %div3A_617, %get3A_691 : vector<16xf32>
      %add3A_693 = arith.addf %add3A_686, %mul3A_692 : vector<16xf32>
      %get3A_694 = arith.constant 10 : i32
      %get3A_695 = arith.index_cast %get3A_694 : i32 to index
      %get3A_696 = arith.constant 0 : index
      %get3A_697 = tpu.vector_load %arg40[%get3A_695, %get3A_696] {strides = array<i32>} : memref<16x16xf32, #tpu.memory_space<vmem>>, vector<1x16xf32>,
      %get3A_698 = vector.shape_cast %get3A_697 : vector<1x16xf32> to vector<16xf32>
      %mul3A_699 = arith.mulf %div3A_623, %get3A_698 : vector<16xf32>
      %add3A_700 = arith.addf %add3A_693, %mul3A_699 : vector<16xf32>
      %get3A_701 = arith.constant 13 : i32
      %get3A_702 = arith.index_cast %get3A_701 : i32 to index
      %get3A_703 = arith.constant 0 : index
      %get3A_704 = tpu.vector_load %arg40[%get3A_702, %get3A_703] {strides = array<i32>} : memref<16x16xf32, #tpu.memory_space<vmem>>, vector<1x16xf32>,
      %get3A_705 = vector.shape_cast %get3A_704 : vector<1x16xf32> to vector<16xf32>
      %mul3A_706 = arith.mulf %div3A_629, %get3A_705 : vector<16xf32>
      %add3A_707 = arith.addf %add3A_700, %mul3A_706 : vector<16xf32>
      %get3A_708 = arith.constant 2 : i32
      %get3A_709 = arith.index_cast %get3A_708 : i32 to index
      %get3A_710 = arith.constant 0 : index
      %get3A_711 = tpu.vector_load %arg40[%get3A_709, %get3A_710] {strides = array<i32>} : memref<16x16xf32, #tpu.memory_space<vmem>>, vector<1x16xf32>,
      %get3A_712 = vector.shape_cast %get3A_711 : vector<1x16xf32> to vector<16xf32>
      %mul3A_713 = arith.mulf %div3A_605, %get3A_712 : vector<16xf32>
      %add3A_714 = arith.constant 0.000000e+00 : f32
      %add3A_715 = vector.broadcast %add3A_714 : f32 to vector<16xf32>
      %add3A_716 = arith.addf %add3A_715, %mul3A_713 : vector<16xf32>
      %get3A_717 = arith.constant 5 : i32
      %get3A_718 = arith.index_cast %get3A_717 : i32 to index
      %get3A_719 = arith.constant 0 : index
      %get3A_720 = tpu.vector_load %arg40[%get3A_718, %get3A_719] {strides = array<i32>} : memref<16x16xf32, #tpu.memory_space<vmem>>, vector<1x16xf32>,
      %get3A_721 = vector.shape_cast %get3A_720 : vector<1x16xf32> to vector<16xf32>
      %mul3A_722 = arith.mulf %div3A_611, %get3A_721 : vector<16xf32>
      %add3A_723 = arith.addf %add3A_716, %mul3A_722 : vector<16xf32>
      %get3A_724 = arith.constant 8 : i32
      %get3A_725 = arith.index_cast %get3A_724 : i32 to index
      %get3A_726 = arith.constant 0 : index
      %get3A_727 = tpu.vector_load %arg40[%get3A_725, %get3A_726] {strides = array<i32>} : memref<16x16xf32, #tpu.memory_space<vmem>>, vector<1x16xf32>,
      %get3A_728 = vector.shape_cast %get3A_727 : vector<1x16xf32> to vector<16xf32>
      %mul3A_729 = arith.mulf %div3A_617, %get3A_728 : vector<16xf32>
      %add3A_730 = arith.addf %add3A_723, %mul3A_729 : vector<16xf32>
      %get3A_731 = arith.constant 11 : i32
      %get3A_732 = arith.index_cast %get3A_731 : i32 to index
      %get3A_733 = arith.constant 0 : index
      %get3A_734 = tpu.vector_load %arg40[%get3A_732, %get3A_733] {strides = array<i32>} : memref<16x16xf32, #tpu.memory_space<vmem>>, vector<1x16xf32>,
      %get3A_735 = vector.shape_cast %get3A_734 : vector<1x16xf32> to vector<16xf32>
      %mul3A_736 = arith.mulf %div3A_623, %get3A_735 : vector<16xf32>
      %add3A_737 = arith.addf %add3A_730, %mul3A_736 : vector<16xf32>
      %get3A_738 = arith.constant 14 : i32
      %get3A_739 = arith.index_cast %get3A_738 : i32 to index
      %get3A_740 = arith.constant 0 : index
      %get3A_741 = tpu.vector_load %arg40[%get3A_739, %get3A_740] {strides = array<i32>} : memref<16x16xf32, #tpu.memory_space<vmem>>, vector<1x16xf32>,
      %get3A_742 = vector.shape_cast %get3A_741 : vector<1x16xf32> to vector<16xf32>
      %mul3A_743 = arith.mulf %div3A_629, %get3A_742 : vector<16xf32>
      %add3A_744 = arith.addf %add3A_737, %mul3A_743 : vector<16xf32>
      %div3A_745 = arith.divf %add3A_670, %add3A_633 : vector<16xf32>
      %sub3A_746 = arith.subf %get3A_23, %div3A_745 : vector<16xf32>
      %div3A_747 = arith.divf %add3A_707, %add3A_633 : vector<16xf32>
      %sub3A_748 = arith.subf %get3A_28, %div3A_747 : vector<16xf32>
      %div3A_749 = arith.divf %add3A_744, %add3A_633 : vector<16xf32>
      %sub3A_750 = arith.subf %get3A_33, %div3A_749 : vector<16xf32>
      %mul3A_751 = arith.constant 16 : i32
      %mul3A_752 = arith.muli %scan3A_18, %mul3A_751 : i32
      %swap3A = arith.index_cast %mul3A_752 : i32 to index
      %swap3A_753 = tpu.vector_load %arg26[%swap3A] {strides = array<i32>} : memref<768xf32, #tpu.memory_space<vmem>>, vector<16xf32>,
      %swap3A_754 = vector.shape_cast %swap3A_753 : vector<16xf32> to vector<16xf32>
      %swap3A_755 = vector.shape_cast %sub3A_395 : vector<16xf32> to vector<16xf32>
      tpu.vector_store %arg26[%swap3A], %swap3A_755 {strides = array<i32>} : memref<768xf32, #tpu.memory_space<vmem>>, vector<16xf32>,
      %swap3A_756 = arith.index_cast %mul3A_752 : i32 to index
      %swap3A_757 = tpu.vector_load %arg27[%swap3A_756] {strides = array<i32>} : memref<768xf32, #tpu.memory_space<vmem>>, vector<16xf32>,
      %swap3A_758 = vector.shape_cast %swap3A_757 : vector<16xf32> to vector<16xf32>
      %swap3A_759 = vector.shape_cast %sub3A_397 : vector<16xf32> to vector<16xf32>
      tpu.vector_store %arg27[%swap3A_756], %swap3A_759 {strides = array<i32>} : memref<768xf32, #tpu.memory_space<vmem>>, vector<16xf32>,
      %swap3A_760 = arith.index_cast %mul3A_752 : i32 to index
      %swap3A_761 = tpu.vector_load %arg28[%swap3A_760] {strides = array<i32>} : memref<768xf32, #tpu.memory_space<vmem>>, vector<16xf32>,
      %swap3A_762 = vector.shape_cast %swap3A_761 : vector<16xf32> to vector<16xf32>
      %swap3A_763 = vector.shape_cast %sub3A_399 : vector<16xf32> to vector<16xf32>
      tpu.vector_store %arg28[%swap3A_760], %swap3A_763 {strides = array<i32>} : memref<768xf32, #tpu.memory_space<vmem>>, vector<16xf32>,
      %swap3A_764 = arith.index_cast %mul3A_752 : i32 to index
      %swap3A_765 = tpu.vector_load %arg29[%swap3A_764] {strides = array<i32>} : memref<768xf32, #tpu.memory_space<vmem>>, vector<16xf32>,
      %swap3A_766 = vector.shape_cast %swap3A_765 : vector<16xf32> to vector<16xf32>
      %swap3A_767 = vector.shape_cast %sub3A_746 : vector<16xf32> to vector<16xf32>
      tpu.vector_store %arg29[%swap3A_764], %swap3A_767 {strides = array<i32>} : memref<768xf32, #tpu.memory_space<vmem>>, vector<16xf32>,
      %swap3A_768 = arith.index_cast %mul3A_752 : i32 to index
      %swap3A_769 = tpu.vector_load %arg30[%swap3A_768] {strides = array<i32>} : memref<768xf32, #tpu.memory_space<vmem>>, vector<16xf32>,
      %swap3A_770 = vector.shape_cast %swap3A_769 : vector<16xf32> to vector<16xf32>
      %swap3A_771 = vector.shape_cast %sub3A_748 : vector<16xf32> to vector<16xf32>
      tpu.vector_store %arg30[%swap3A_768], %swap3A_771 {strides = array<i32>} : memref<768xf32, #tpu.memory_space<vmem>>, vector<16xf32>,
      %swap3A_772 = arith.index_cast %mul3A_752 : i32 to index
      %swap3A_773 = tpu.vector_load %arg31[%swap3A_772] {strides = array<i32>} : memref<768xf32, #tpu.memory_space<vmem>>, vector<16xf32>,
      %swap3A_774 = vector.shape_cast %swap3A_773 : vector<16xf32> to vector<16xf32>
      %swap3A_775 = vector.shape_cast %sub3A_750 : vector<16xf32> to vector<16xf32>
      tpu.vector_store %arg31[%swap3A_772], %swap3A_775 {strides = array<i32>} : memref<768xf32, #tpu.memory_space<vmem>>, vector<16xf32>,
      %scan3A_776 = arith.constant 0 : i32
      scf.yield %scan3A_776 : i32
    }
    %scan3A_17 = arith.constant 48 : i32
    "tpu.region"() ({
      %run_scoped3A = tpu.sem_alloc : memref<!tpu.dma_semaphore, #tpu.memory_space<semaphore_mem>>
      %dma_start3A = tpu.memref_slice %arg11[%add3A] : memref<24576xf32, #tpu.memory_space<hbm>> -> memref<768xf32, #tpu.memory_space<hbm>>
      %dma_start3A_18 = tpu.memref_slice %arg11[%add3A] : memref<24576xf32, #tpu.memory_space<hbm>> -> memref<768xf32, #tpu.memory_space<hbm>>
      tpu.enqueue_dma source(%arg26 : memref<768xf32, #tpu.memory_space<vmem>>) target(%dma_start3A_18 : memref<768xf32, #tpu.memory_space<hbm>>) target_semaphore(%run_scoped3A : memref<!tpu.dma_semaphore, #tpu.memory_space<semaphore_mem>>)
      %dma_wait3A = tpu.memref_slice %arg11[%add3A] : memref<24576xf32, #tpu.memory_space<hbm>> -> memref<768xf32, #tpu.memory_space<hbm>>
      %dma_wait3A_19 = tpu.memref_slice %arg11[%add3A] : memref<24576xf32, #tpu.memory_space<hbm>> -> memref<768xf32, #tpu.memory_space<hbm>>
      tpu.wait_dma2 semaphore(%run_scoped3A : memref<!tpu.dma_semaphore, #tpu.memory_space<semaphore_mem>>) src(%arg26 : memref<768xf32, #tpu.memory_space<vmem>>) dst(%dma_wait3A_19 : memref<768xf32, #tpu.memory_space<hbm>>)
      tpu.yield
    }) : () -> ()
    "tpu.region"() ({
      %run_scoped3A = tpu.sem_alloc : memref<!tpu.dma_semaphore, #tpu.memory_space<semaphore_mem>>
      %dma_start3A = tpu.memref_slice %arg12[%add3A] : memref<24576xf32, #tpu.memory_space<hbm>> -> memref<768xf32, #tpu.memory_space<hbm>>
      %dma_start3A_18 = tpu.memref_slice %arg12[%add3A] : memref<24576xf32, #tpu.memory_space<hbm>> -> memref<768xf32, #tpu.memory_space<hbm>>
      tpu.enqueue_dma source(%arg27 : memref<768xf32, #tpu.memory_space<vmem>>) target(%dma_start3A_18 : memref<768xf32, #tpu.memory_space<hbm>>) target_semaphore(%run_scoped3A : memref<!tpu.dma_semaphore, #tpu.memory_space<semaphore_mem>>)
      %dma_wait3A = tpu.memref_slice %arg12[%add3A] : memref<24576xf32, #tpu.memory_space<hbm>> -> memref<768xf32, #tpu.memory_space<hbm>>
      %dma_wait3A_19 = tpu.memref_slice %arg12[%add3A] : memref<24576xf32, #tpu.memory_space<hbm>> -> memref<768xf32, #tpu.memory_space<hbm>>
      tpu.wait_dma2 semaphore(%run_scoped3A : memref<!tpu.dma_semaphore, #tpu.memory_space<semaphore_mem>>) src(%arg27 : memref<768xf32, #tpu.memory_space<vmem>>) dst(%dma_wait3A_19 : memref<768xf32, #tpu.memory_space<hbm>>)
      tpu.yield
    }) : () -> ()
    "tpu.region"() ({
      %run_scoped3A = tpu.sem_alloc : memref<!tpu.dma_semaphore, #tpu.memory_space<semaphore_mem>>
      %dma_start3A = tpu.memref_slice %arg13[%add3A] : memref<24576xf32, #tpu.memory_space<hbm>> -> memref<768xf32, #tpu.memory_space<hbm>>
      %dma_start3A_18 = tpu.memref_slice %arg13[%add3A] : memref<24576xf32, #tpu.memory_space<hbm>> -> memref<768xf32, #tpu.memory_space<hbm>>
      tpu.enqueue_dma source(%arg28 : memref<768xf32, #tpu.memory_space<vmem>>) target(%dma_start3A_18 : memref<768xf32, #tpu.memory_space<hbm>>) target_semaphore(%run_scoped3A : memref<!tpu.dma_semaphore, #tpu.memory_space<semaphore_mem>>)
      %dma_wait3A = tpu.memref_slice %arg13[%add3A] : memref<24576xf32, #tpu.memory_space<hbm>> -> memref<768xf32, #tpu.memory_space<hbm>>
      %dma_wait3A_19 = tpu.memref_slice %arg13[%add3A] : memref<24576xf32, #tpu.memory_space<hbm>> -> memref<768xf32, #tpu.memory_space<hbm>>
      tpu.wait_dma2 semaphore(%run_scoped3A : memref<!tpu.dma_semaphore, #tpu.memory_space<semaphore_mem>>) src(%arg28 : memref<768xf32, #tpu.memory_space<vmem>>) dst(%dma_wait3A_19 : memref<768xf32, #tpu.memory_space<hbm>>)
      tpu.yield
    }) : () -> ()
    "tpu.region"() ({
      %run_scoped3A = tpu.sem_alloc : memref<!tpu.dma_semaphore, #tpu.memory_space<semaphore_mem>>
      %dma_start3A = tpu.memref_slice %arg14[%add3A] : memref<24576xf32, #tpu.memory_space<hbm>> -> memref<768xf32, #tpu.memory_space<hbm>>
      %dma_start3A_18 = tpu.memref_slice %arg14[%add3A] : memref<24576xf32, #tpu.memory_space<hbm>> -> memref<768xf32, #tpu.memory_space<hbm>>
      tpu.enqueue_dma source(%arg29 : memref<768xf32, #tpu.memory_space<vmem>>) target(%dma_start3A_18 : memref<768xf32, #tpu.memory_space<hbm>>) target_semaphore(%run_scoped3A : memref<!tpu.dma_semaphore, #tpu.memory_space<semaphore_mem>>)
      %dma_wait3A = tpu.memref_slice %arg14[%add3A] : memref<24576xf32, #tpu.memory_space<hbm>> -> memref<768xf32, #tpu.memory_space<hbm>>
      %dma_wait3A_19 = tpu.memref_slice %arg14[%add3A] : memref<24576xf32, #tpu.memory_space<hbm>> -> memref<768xf32, #tpu.memory_space<hbm>>
      tpu.wait_dma2 semaphore(%run_scoped3A : memref<!tpu.dma_semaphore, #tpu.memory_space<semaphore_mem>>) src(%arg29 : memref<768xf32, #tpu.memory_space<vmem>>) dst(%dma_wait3A_19 : memref<768xf32, #tpu.memory_space<hbm>>)
      tpu.yield
    }) : () -> ()
    "tpu.region"() ({
      %run_scoped3A = tpu.sem_alloc : memref<!tpu.dma_semaphore, #tpu.memory_space<semaphore_mem>>
      %dma_start3A = tpu.memref_slice %arg15[%add3A] : memref<24576xf32, #tpu.memory_space<hbm>> -> memref<768xf32, #tpu.memory_space<hbm>>
      %dma_start3A_18 = tpu.memref_slice %arg15[%add3A] : memref<24576xf32, #tpu.memory_space<hbm>> -> memref<768xf32, #tpu.memory_space<hbm>>
      tpu.enqueue_dma source(%arg30 : memref<768xf32, #tpu.memory_space<vmem>>) target(%dma_start3A_18 : memref<768xf32, #tpu.memory_space<hbm>>) target_semaphore(%run_scoped3A : memref<!tpu.dma_semaphore, #tpu.memory_space<semaphore_mem>>)
      %dma_wait3A = tpu.memref_slice %arg15[%add3A] : memref<24576xf32, #tpu.memory_space<hbm>> -> memref<768xf32, #tpu.memory_space<hbm>>
      %dma_wait3A_19 = tpu.memref_slice %arg15[%add3A] : memref<24576xf32, #tpu.memory_space<hbm>> -> memref<768xf32, #tpu.memory_space<hbm>>
      tpu.wait_dma2 semaphore(%run_scoped3A : memref<!tpu.dma_semaphore, #tpu.memory_space<semaphore_mem>>) src(%arg30 : memref<768xf32, #tpu.memory_space<vmem>>) dst(%dma_wait3A_19 : memref<768xf32, #tpu.memory_space<hbm>>)
      tpu.yield
    }) : () -> ()
    "tpu.region"() ({
      %run_scoped3A = tpu.sem_alloc : memref<!tpu.dma_semaphore, #tpu.memory_space<semaphore_mem>>
      %dma_start3A = tpu.memref_slice %arg16[%add3A] : memref<24576xf32, #tpu.memory_space<hbm>> -> memref<768xf32, #tpu.memory_space<hbm>>
      %dma_start3A_18 = tpu.memref_slice %arg16[%add3A] : memref<24576xf32, #tpu.memory_space<hbm>> -> memref<768xf32, #tpu.memory_space<hbm>>
      tpu.enqueue_dma source(%arg31 : memref<768xf32, #tpu.memory_space<vmem>>) target(%dma_start3A_18 : memref<768xf32, #tpu.memory_space<hbm>>) target_semaphore(%run_scoped3A : memref<!tpu.dma_semaphore, #tpu.memory_space<semaphore_mem>>)
      %dma_wait3A = tpu.memref_slice %arg16[%add3A] : memref<24576xf32, #tpu.memory_space<hbm>> -> memref<768xf32, #tpu.memory_space<hbm>>
      %dma_wait3A_19 = tpu.memref_slice %arg16[%add3A] : memref<24576xf32, #tpu.memory_space<hbm>> -> memref<768xf32, #tpu.memory_space<hbm>>
      tpu.wait_dma2 semaphore(%run_scoped3A : memref<!tpu.dma_semaphore, #tpu.memory_space<semaphore_mem>>) src(%arg31 : memref<768xf32, #tpu.memory_space<vmem>>) dst(%dma_wait3A_19 : memref<768xf32, #tpu.memory_space<hbm>>)
      tpu.yield
    }) : () -> ()
    return
  }
}

module attributes {stable_mosaic.version = 14 : i64} {
  func.func @_body(%arg0: i32, %arg1: i32, %arg2: memref<1x1x256x8xf32, #tpu.memory_space<vmem>>, %arg3: memref<1x8x4096xf32, #tpu.memory_space<vmem>>, %arg4: memref<1x4096x8xf32, #tpu.memory_space<vmem>>, %arg5: memref<1x8x4096xf32, #tpu.memory_space<vmem>>, %arg6: memref<1x4096x8xf32, #tpu.memory_space<vmem>>, %arg7: memref<1x1x256x1xf32, #tpu.memory_space<vmem>>) attributes {dimension_semantics = [#tpu.dimension_semantics<arbitrary>, #tpu.dimension_semantics<arbitrary>], iteration_bounds = array<i64: 2, 128>, scalar_prefetch = 0 : i64, scratch_operands = 0 : i64, tpu.core_type = #tpu.core_type<tc>, window_params = [{transform_indices = @transform_0, window_bounds = array<i64: 1, 1, 256, 8>}, {transform_indices = @transform_1, window_bounds = array<i64: 1, 8, 4096>}, {transform_indices = @transform_2, window_bounds = array<i64: 1, 4096, 8>}, {transform_indices = @transform_3, window_bounds = array<i64: 1, 8, 4096>}, {transform_indices = @transform_4, window_bounds = array<i64: 1, 4096, 8>}, {transform_indices = @transform_5, window_bounds = array<i64: 1, 1, 256, 1>}]} {
    %get3A = arith.constant 0 : index
    %get3A_0 = arith.constant 0 : index
    %get3A_1 = arith.constant 0 : index
    %get3A_2 = arith.constant 0 : index
    %get3A_3 = vector.load %arg2[%get3A, %get3A_0, %get3A_1, %get3A_2] : memref<1x1x256x8xf32, #tpu.memory_space<vmem>>, vector<1x1x256x8xf32>
    %get3A_4 = vector.shape_cast %get3A_3 : vector<1x1x256x8xf32> to vector<256x8xf32>
    %mul3A = arith.mulf %get3A_4, %get3A_4 : vector<256x8xf32>
    %reduce_sum3A = arith.constant dense<0.000000e+00> : vector<256xf32>
    %reduce_sum3A_5 = vector.multi_reduction <add>, %mul3A, %reduce_sum3A [1] : vector<256x8xf32> to vector<256xf32>
    %broadcast_in_dim3A = vector.shape_cast %reduce_sum3A_5 : vector<256xf32> to vector<256x1xf32>
    %get3A_6 = arith.constant 0 : index
    %get3A_7 = arith.constant 0 : index
    %get3A_8 = arith.constant 0 : index
    %get3A_9 = vector.load %arg3[%get3A_6, %get3A_7, %get3A_8] : memref<1x8x4096xf32, #tpu.memory_space<vmem>>, vector<1x8x4096xf32>
    %get3A_10 = vector.shape_cast %get3A_9 : vector<1x8x4096xf32> to vector<8x4096xf32>
    %get3A_11 = arith.constant 0 : index
    %get3A_12 = arith.constant 0 : index
    %get3A_13 = arith.constant 0 : index
    %get3A_14 = vector.load %arg4[%get3A_11, %get3A_12, %get3A_13] : memref<1x4096x8xf32, #tpu.memory_space<vmem>>, vector<1x4096x8xf32>
    %get3A_15 = vector.shape_cast %get3A_14 : vector<1x4096x8xf32> to vector<4096x8xf32>
    %mul3A_16 = arith.mulf %get3A_10, %get3A_10 : vector<8x4096xf32>
    %reduce_sum3A_17 = arith.constant dense<0.000000e+00> : vector<4096xf32>
    %reduce_sum3A_18 = vector.multi_reduction <add>, %mul3A_16, %reduce_sum3A_17 [0] : vector<8x4096xf32> to vector<4096xf32>
    %broadcast_in_dim3A_19 = vector.shape_cast %reduce_sum3A_18 : vector<4096xf32> to vector<1x4096xf32>
    %add3A = vector.broadcast %broadcast_in_dim3A : vector<256x1xf32> to vector<256x4096xf32>
    %add3A_20 = vector.broadcast %broadcast_in_dim3A_19 : vector<1x4096xf32> to vector<256x4096xf32>
    %add3A_21 = arith.addf %add3A, %add3A_20 : vector<256x4096xf32>
    %dot_general3A = arith.constant dense<0.000000e+00> : vector<256x4096xf32>
    %dot_general3A_22 = tpu.matmul %get3A_4, %get3A_10, %dot_general3A {dimension_numbers = #tpu.dot_dimension_numbers<[1], [0], [0], [1], [0, 0, 1, 1], [], []>, transpose_lhs_hint = false} : vector<256x8xf32>, vector<8x4096xf32>, vector<256x4096xf32> -> vector<256x4096xf32>
    %mul3A_23 = arith.constant 2.000000e+00 : f32
    %mul3A_24 = vector.broadcast %mul3A_23 : f32 to vector<256x4096xf32>
    %mul3A_25 = arith.mulf %mul3A_24, %dot_general3A_22 : vector<256x4096xf32>
    %sub3A = arith.subf %add3A_21, %mul3A_25 : vector<256x4096xf32>
    %max3A = arith.constant 0.000000e+00 : f32
    %max3A_26 = vector.broadcast %max3A : f32 to vector<256x4096xf32>
    %max3A_27 = arith.maximumf %sub3A, %max3A_26 : vector<256x4096xf32>
    %broadcast_in_dim3A_28 = arith.constant 0.000000e+00 : f32
    %broadcast_in_dim3A_29 = vector.broadcast %broadcast_in_dim3A_28 : f32 to vector<256x4096xf32>
    %broadcast_in_dim3A_30 = arith.constant 0.000000e+00 : f32
    %broadcast_in_dim3A_31 = vector.broadcast %broadcast_in_dim3A_30 : f32 to vector<256x1xf32>
    %broadcast_in_dim3A_32 = arith.constant 5.000000e+00 : f32
    %broadcast_in_dim3A_33 = vector.broadcast %broadcast_in_dim3A_32 : f32 to vector<256x1xf32>
    %reduce_min3A = arith.constant dense<0x7F800000> : vector<256xf32>
    %reduce_min3A_34 = vector.multi_reduction <minimumf>, %max3A_27, %reduce_min3A [1] : vector<256x4096xf32> to vector<256xf32>
    %broadcast_in_dim3A_35 = vector.shape_cast %reduce_min3A_34 : vector<256xf32> to vector<256x1xf32>
    %eq3A = vector.broadcast %broadcast_in_dim3A_35 : vector<256x1xf32> to vector<256x4096xf32>
    %eq3A_36 = arith.cmpf oeq, %max3A_27, %eq3A : vector<256x4096xf32>
    %convert_element_type3A = arith.extui %eq3A_36 : vector<256x4096xi1> to vector<256x4096xi32>
    %convert_element_type3A_37 = arith.sitofp %convert_element_type3A : vector<256x4096xi32> to vector<256x4096xf32>
    %reduce_sum3A_38 = arith.constant dense<0.000000e+00> : vector<256xf32>
    %reduce_sum3A_39 = vector.multi_reduction <add>, %convert_element_type3A_37, %reduce_sum3A_38 [1] : vector<256x4096xf32> to vector<256xf32>
    %broadcast_in_dim3A_40 = vector.shape_cast %reduce_sum3A_39 : vector<256xf32> to vector<256x1xf32>
    %min3A = arith.minimumf %broadcast_in_dim3A_40, %broadcast_in_dim3A_33 : vector<256x1xf32>
    %add3A_41 = arith.constant 9.99999993E-9 : f32
    %add3A_42 = vector.broadcast %add3A_41 : f32 to vector<256x1xf32>
    %add3A_43 = arith.addf %broadcast_in_dim3A_35, %add3A_42 : vector<256x1xf32>
    %div3A = arith.divf %min3A, %add3A_43 : vector<256x1xf32>
    %div3A_44 = arith.divf %div3A, %broadcast_in_dim3A_40 : vector<256x1xf32>
    %mul3A_45 = vector.broadcast %div3A_44 : vector<256x1xf32> to vector<256x4096xf32>
    %mul3A_46 = arith.mulf %convert_element_type3A_37, %mul3A_45 : vector<256x4096xf32>
    %add3A_47 = arith.addf %broadcast_in_dim3A_29, %mul3A_46 : vector<256x4096xf32>
    %add3A_48 = arith.addf %broadcast_in_dim3A_31, %div3A : vector<256x1xf32>
    %sub3A_49 = arith.subf %broadcast_in_dim3A_33, %min3A : vector<256x1xf32>
    %mul3A_50 = arith.constant 1.000000e+30 : f32
    %mul3A_51 = vector.broadcast %mul3A_50 : f32 to vector<256x4096xf32>
    %mul3A_52 = arith.mulf %convert_element_type3A_37, %mul3A_51 : vector<256x4096xf32>
    %add3A_53 = arith.addf %max3A_27, %mul3A_52 : vector<256x4096xf32>
    %reduce_min3A_54 = arith.constant dense<0x7F800000> : vector<256xf32>
    %reduce_min3A_55 = vector.multi_reduction <minimumf>, %add3A_53, %reduce_min3A_54 [1] : vector<256x4096xf32> to vector<256xf32>
    %broadcast_in_dim3A_56 = vector.shape_cast %reduce_min3A_55 : vector<256xf32> to vector<256x1xf32>
    %eq3A_57 = vector.broadcast %broadcast_in_dim3A_56 : vector<256x1xf32> to vector<256x4096xf32>
    %eq3A_58 = arith.cmpf oeq, %add3A_53, %eq3A_57 : vector<256x4096xf32>
    %convert_element_type3A_59 = arith.extui %eq3A_58 : vector<256x4096xi1> to vector<256x4096xi32>
    %convert_element_type3A_60 = arith.sitofp %convert_element_type3A_59 : vector<256x4096xi32> to vector<256x4096xf32>
    %min3A_61 = arith.constant 1.000000e+00 : f32
    %min3A_62 = vector.broadcast %min3A_61 : f32 to vector<256x1xf32>
    %min3A_63 = arith.minimumf %sub3A_49, %min3A_62 : vector<256x1xf32>
    %add3A_64 = arith.constant 9.99999993E-9 : f32
    %add3A_65 = vector.broadcast %add3A_64 : f32 to vector<256x1xf32>
    %add3A_66 = arith.addf %broadcast_in_dim3A_56, %add3A_65 : vector<256x1xf32>
    %div3A_67 = arith.divf %min3A_63, %add3A_66 : vector<256x1xf32>
    %mul3A_68 = vector.broadcast %div3A_67 : vector<256x1xf32> to vector<256x4096xf32>
    %mul3A_69 = arith.mulf %convert_element_type3A_60, %mul3A_68 : vector<256x4096xf32>
    %add3A_70 = arith.addf %add3A_47, %mul3A_69 : vector<256x4096xf32>
    %add3A_71 = arith.addf %add3A_48, %div3A_67 : vector<256x1xf32>
    %sub3A_72 = arith.subf %sub3A_49, %min3A_63 : vector<256x1xf32>
    %mul3A_73 = arith.constant 1.000000e+30 : f32
    %mul3A_74 = vector.broadcast %mul3A_73 : f32 to vector<256x4096xf32>
    %mul3A_75 = arith.mulf %convert_element_type3A_60, %mul3A_74 : vector<256x4096xf32>
    %add3A_76 = arith.addf %add3A_53, %mul3A_75 : vector<256x4096xf32>
    %reduce_min3A_77 = arith.constant dense<0x7F800000> : vector<256xf32>
    %reduce_min3A_78 = vector.multi_reduction <minimumf>, %add3A_76, %reduce_min3A_77 [1] : vector<256x4096xf32> to vector<256xf32>
    %broadcast_in_dim3A_79 = vector.shape_cast %reduce_min3A_78 : vector<256xf32> to vector<256x1xf32>
    %eq3A_80 = vector.broadcast %broadcast_in_dim3A_79 : vector<256x1xf32> to vector<256x4096xf32>
    %eq3A_81 = arith.cmpf oeq, %add3A_76, %eq3A_80 : vector<256x4096xf32>
    %convert_element_type3A_82 = arith.extui %eq3A_81 : vector<256x4096xi1> to vector<256x4096xi32>
    %convert_element_type3A_83 = arith.sitofp %convert_element_type3A_82 : vector<256x4096xi32> to vector<256x4096xf32>
    %min3A_84 = arith.constant 1.000000e+00 : f32
    %min3A_85 = vector.broadcast %min3A_84 : f32 to vector<256x1xf32>
    %min3A_86 = arith.minimumf %sub3A_72, %min3A_85 : vector<256x1xf32>
    %add3A_87 = arith.constant 9.99999993E-9 : f32
    %add3A_88 = vector.broadcast %add3A_87 : f32 to vector<256x1xf32>
    %add3A_89 = arith.addf %broadcast_in_dim3A_79, %add3A_88 : vector<256x1xf32>
    %div3A_90 = arith.divf %min3A_86, %add3A_89 : vector<256x1xf32>
    %mul3A_91 = vector.broadcast %div3A_90 : vector<256x1xf32> to vector<256x4096xf32>
    %mul3A_92 = arith.mulf %convert_element_type3A_83, %mul3A_91 : vector<256x4096xf32>
    %add3A_93 = arith.addf %add3A_70, %mul3A_92 : vector<256x4096xf32>
    %add3A_94 = arith.addf %add3A_71, %div3A_90 : vector<256x1xf32>
    %sub3A_95 = arith.subf %sub3A_72, %min3A_86 : vector<256x1xf32>
    %mul3A_96 = arith.constant 1.000000e+30 : f32
    %mul3A_97 = vector.broadcast %mul3A_96 : f32 to vector<256x4096xf32>
    %mul3A_98 = arith.mulf %convert_element_type3A_83, %mul3A_97 : vector<256x4096xf32>
    %add3A_99 = arith.addf %add3A_76, %mul3A_98 : vector<256x4096xf32>
    %reduce_min3A_100 = arith.constant dense<0x7F800000> : vector<256xf32>
    %reduce_min3A_101 = vector.multi_reduction <minimumf>, %add3A_99, %reduce_min3A_100 [1] : vector<256x4096xf32> to vector<256xf32>
    %broadcast_in_dim3A_102 = vector.shape_cast %reduce_min3A_101 : vector<256xf32> to vector<256x1xf32>
    %eq3A_103 = vector.broadcast %broadcast_in_dim3A_102 : vector<256x1xf32> to vector<256x4096xf32>
    %eq3A_104 = arith.cmpf oeq, %add3A_99, %eq3A_103 : vector<256x4096xf32>
    %convert_element_type3A_105 = arith.extui %eq3A_104 : vector<256x4096xi1> to vector<256x4096xi32>
    %convert_element_type3A_106 = arith.sitofp %convert_element_type3A_105 : vector<256x4096xi32> to vector<256x4096xf32>
    %min3A_107 = arith.constant 1.000000e+00 : f32
    %min3A_108 = vector.broadcast %min3A_107 : f32 to vector<256x1xf32>
    %min3A_109 = arith.minimumf %sub3A_95, %min3A_108 : vector<256x1xf32>
    %add3A_110 = arith.constant 9.99999993E-9 : f32
    %add3A_111 = vector.broadcast %add3A_110 : f32 to vector<256x1xf32>
    %add3A_112 = arith.addf %broadcast_in_dim3A_102, %add3A_111 : vector<256x1xf32>
    %div3A_113 = arith.divf %min3A_109, %add3A_112 : vector<256x1xf32>
    %mul3A_114 = vector.broadcast %div3A_113 : vector<256x1xf32> to vector<256x4096xf32>
    %mul3A_115 = arith.mulf %convert_element_type3A_106, %mul3A_114 : vector<256x4096xf32>
    %add3A_116 = arith.addf %add3A_93, %mul3A_115 : vector<256x4096xf32>
    %add3A_117 = arith.addf %add3A_94, %div3A_113 : vector<256x1xf32>
    %sub3A_118 = arith.subf %sub3A_95, %min3A_109 : vector<256x1xf32>
    %mul3A_119 = arith.constant 1.000000e+30 : f32
    %mul3A_120 = vector.broadcast %mul3A_119 : f32 to vector<256x4096xf32>
    %mul3A_121 = arith.mulf %convert_element_type3A_106, %mul3A_120 : vector<256x4096xf32>
    %add3A_122 = arith.addf %add3A_99, %mul3A_121 : vector<256x4096xf32>
    %reduce_min3A_123 = arith.constant dense<0x7F800000> : vector<256xf32>
    %reduce_min3A_124 = vector.multi_reduction <minimumf>, %add3A_122, %reduce_min3A_123 [1] : vector<256x4096xf32> to vector<256xf32>
    %broadcast_in_dim3A_125 = vector.shape_cast %reduce_min3A_124 : vector<256xf32> to vector<256x1xf32>
    %eq3A_126 = vector.broadcast %broadcast_in_dim3A_125 : vector<256x1xf32> to vector<256x4096xf32>
    %eq3A_127 = arith.cmpf oeq, %add3A_122, %eq3A_126 : vector<256x4096xf32>
    %convert_element_type3A_128 = arith.extui %eq3A_127 : vector<256x4096xi1> to vector<256x4096xi32>
    %convert_element_type3A_129 = arith.sitofp %convert_element_type3A_128 : vector<256x4096xi32> to vector<256x4096xf32>
    %min3A_130 = arith.constant 1.000000e+00 : f32
    %min3A_131 = vector.broadcast %min3A_130 : f32 to vector<256x1xf32>
    %min3A_132 = arith.minimumf %sub3A_118, %min3A_131 : vector<256x1xf32>
    %add3A_133 = arith.constant 9.99999993E-9 : f32
    %add3A_134 = vector.broadcast %add3A_133 : f32 to vector<256x1xf32>
    %add3A_135 = arith.addf %broadcast_in_dim3A_125, %add3A_134 : vector<256x1xf32>
    %div3A_136 = arith.divf %min3A_132, %add3A_135 : vector<256x1xf32>
    %mul3A_137 = vector.broadcast %div3A_136 : vector<256x1xf32> to vector<256x4096xf32>
    %mul3A_138 = arith.mulf %convert_element_type3A_129, %mul3A_137 : vector<256x4096xf32>
    %add3A_139 = arith.addf %add3A_116, %mul3A_138 : vector<256x4096xf32>
    %add3A_140 = arith.addf %add3A_117, %div3A_136 : vector<256x1xf32>
    %dot_general3A_141 = arith.constant dense<0.000000e+00> : vector<256x8xf32>
    %dot_general3A_142 = tpu.matmul %add3A_139, %get3A_15, %dot_general3A_141 {dimension_numbers = #tpu.dot_dimension_numbers<[1], [0], [0], [1], [0, 0, 1, 1], [], []>, transpose_lhs_hint = false} : vector<256x4096xf32>, vector<4096x8xf32>, vector<256x8xf32> -> vector<256x8xf32>
    %div3A_143 = vector.broadcast %add3A_140 : vector<256x1xf32> to vector<256x8xf32>
    %div3A_144 = arith.divf %dot_general3A_142, %div3A_143 : vector<256x8xf32>
    %sub3A_145 = arith.subf %get3A_4, %div3A_144 : vector<256x8xf32>
    %add3A_146 = arith.constant 1.000000e-10 : f32
    %add3A_147 = vector.broadcast %add3A_146 : f32 to vector<256x8xf32>
    %add3A_148 = arith.addf %sub3A_145, %add3A_147 : vector<256x8xf32>
    %integer_pow3A = arith.mulf %add3A_148, %add3A_148 : vector<256x8xf32>
    %reduce_sum3A_149 = arith.constant dense<0.000000e+00> : vector<256xf32>
    %reduce_sum3A_150 = vector.multi_reduction <add>, %integer_pow3A, %reduce_sum3A_149 [1] : vector<256x8xf32> to vector<256xf32>
    %broadcast_in_dim3A_151 = vector.shape_cast %reduce_sum3A_150 : vector<256xf32> to vector<256x1xf32>
    %sqrt3A = math.sqrt %broadcast_in_dim3A_151 : vector<256x1xf32>
    %get3A_152 = arith.constant 0 : index
    %get3A_153 = arith.constant 0 : index
    %get3A_154 = arith.constant 0 : index
    %get3A_155 = vector.load %arg5[%get3A_152, %get3A_153, %get3A_154] : memref<1x8x4096xf32, #tpu.memory_space<vmem>>, vector<1x8x4096xf32>
    %get3A_156 = vector.shape_cast %get3A_155 : vector<1x8x4096xf32> to vector<8x4096xf32>
    %get3A_157 = arith.constant 0 : index
    %get3A_158 = arith.constant 0 : index
    %get3A_159 = arith.constant 0 : index
    %get3A_160 = vector.load %arg6[%get3A_157, %get3A_158, %get3A_159] : memref<1x4096x8xf32, #tpu.memory_space<vmem>>, vector<1x4096x8xf32>
    %get3A_161 = vector.shape_cast %get3A_160 : vector<1x4096x8xf32> to vector<4096x8xf32>
    %mul3A_162 = arith.mulf %get3A_156, %get3A_156 : vector<8x4096xf32>
    %reduce_sum3A_163 = arith.constant dense<0.000000e+00> : vector<4096xf32>
    %reduce_sum3A_164 = vector.multi_reduction <add>, %mul3A_162, %reduce_sum3A_163 [0] : vector<8x4096xf32> to vector<4096xf32>
    %broadcast_in_dim3A_165 = vector.shape_cast %reduce_sum3A_164 : vector<4096xf32> to vector<1x4096xf32>
    %add3A_166 = vector.broadcast %broadcast_in_dim3A : vector<256x1xf32> to vector<256x4096xf32>
    %add3A_167 = vector.broadcast %broadcast_in_dim3A_165 : vector<1x4096xf32> to vector<256x4096xf32>
    %add3A_168 = arith.addf %add3A_166, %add3A_167 : vector<256x4096xf32>
    %dot_general3A_169 = arith.constant dense<0.000000e+00> : vector<256x4096xf32>
    %dot_general3A_170 = tpu.matmul %get3A_4, %get3A_156, %dot_general3A_169 {dimension_numbers = #tpu.dot_dimension_numbers<[1], [0], [0], [1], [0, 0, 1, 1], [], []>, transpose_lhs_hint = false} : vector<256x8xf32>, vector<8x4096xf32>, vector<256x4096xf32> -> vector<256x4096xf32>
    %mul3A_171 = arith.constant 2.000000e+00 : f32
    %mul3A_172 = vector.broadcast %mul3A_171 : f32 to vector<256x4096xf32>
    %mul3A_173 = arith.mulf %mul3A_172, %dot_general3A_170 : vector<256x4096xf32>
    %sub3A_174 = arith.subf %add3A_168, %mul3A_173 : vector<256x4096xf32>
    %max3A_175 = arith.constant 0.000000e+00 : f32
    %max3A_176 = vector.broadcast %max3A_175 : f32 to vector<256x4096xf32>
    %max3A_177 = arith.maximumf %sub3A_174, %max3A_176 : vector<256x4096xf32>
    %broadcast_in_dim3A_178 = arith.constant 0.000000e+00 : f32
    %broadcast_in_dim3A_179 = vector.broadcast %broadcast_in_dim3A_178 : f32 to vector<256x4096xf32>
    %broadcast_in_dim3A_180 = arith.constant 0.000000e+00 : f32
    %broadcast_in_dim3A_181 = vector.broadcast %broadcast_in_dim3A_180 : f32 to vector<256x1xf32>
    %broadcast_in_dim3A_182 = arith.constant 5.000000e+00 : f32
    %broadcast_in_dim3A_183 = vector.broadcast %broadcast_in_dim3A_182 : f32 to vector<256x1xf32>
    %reduce_min3A_184 = arith.constant dense<0x7F800000> : vector<256xf32>
    %reduce_min3A_185 = vector.multi_reduction <minimumf>, %max3A_177, %reduce_min3A_184 [1] : vector<256x4096xf32> to vector<256xf32>
    %broadcast_in_dim3A_186 = vector.shape_cast %reduce_min3A_185 : vector<256xf32> to vector<256x1xf32>
    %eq3A_187 = vector.broadcast %broadcast_in_dim3A_186 : vector<256x1xf32> to vector<256x4096xf32>
    %eq3A_188 = arith.cmpf oeq, %max3A_177, %eq3A_187 : vector<256x4096xf32>
    %convert_element_type3A_189 = arith.extui %eq3A_188 : vector<256x4096xi1> to vector<256x4096xi32>
    %convert_element_type3A_190 = arith.sitofp %convert_element_type3A_189 : vector<256x4096xi32> to vector<256x4096xf32>
    %reduce_sum3A_191 = arith.constant dense<0.000000e+00> : vector<256xf32>
    %reduce_sum3A_192 = vector.multi_reduction <add>, %convert_element_type3A_190, %reduce_sum3A_191 [1] : vector<256x4096xf32> to vector<256xf32>
    %broadcast_in_dim3A_193 = vector.shape_cast %reduce_sum3A_192 : vector<256xf32> to vector<256x1xf32>
    %min3A_194 = arith.minimumf %broadcast_in_dim3A_193, %broadcast_in_dim3A_183 : vector<256x1xf32>
    %add3A_195 = arith.constant 9.99999993E-9 : f32
    %add3A_196 = vector.broadcast %add3A_195 : f32 to vector<256x1xf32>
    %add3A_197 = arith.addf %broadcast_in_dim3A_186, %add3A_196 : vector<256x1xf32>
    %div3A_198 = arith.divf %min3A_194, %add3A_197 : vector<256x1xf32>
    %div3A_199 = arith.divf %div3A_198, %broadcast_in_dim3A_193 : vector<256x1xf32>
    %mul3A_200 = vector.broadcast %div3A_199 : vector<256x1xf32> to vector<256x4096xf32>
    %mul3A_201 = arith.mulf %convert_element_type3A_190, %mul3A_200 : vector<256x4096xf32>
    %add3A_202 = arith.addf %broadcast_in_dim3A_179, %mul3A_201 : vector<256x4096xf32>
    %add3A_203 = arith.addf %broadcast_in_dim3A_181, %div3A_198 : vector<256x1xf32>
    %sub3A_204 = arith.subf %broadcast_in_dim3A_183, %min3A_194 : vector<256x1xf32>
    %mul3A_205 = arith.constant 1.000000e+30 : f32
    %mul3A_206 = vector.broadcast %mul3A_205 : f32 to vector<256x4096xf32>
    %mul3A_207 = arith.mulf %convert_element_type3A_190, %mul3A_206 : vector<256x4096xf32>
    %add3A_208 = arith.addf %max3A_177, %mul3A_207 : vector<256x4096xf32>
    %reduce_min3A_209 = arith.constant dense<0x7F800000> : vector<256xf32>
    %reduce_min3A_210 = vector.multi_reduction <minimumf>, %add3A_208, %reduce_min3A_209 [1] : vector<256x4096xf32> to vector<256xf32>
    %broadcast_in_dim3A_211 = vector.shape_cast %reduce_min3A_210 : vector<256xf32> to vector<256x1xf32>
    %eq3A_212 = vector.broadcast %broadcast_in_dim3A_211 : vector<256x1xf32> to vector<256x4096xf32>
    %eq3A_213 = arith.cmpf oeq, %add3A_208, %eq3A_212 : vector<256x4096xf32>
    %convert_element_type3A_214 = arith.extui %eq3A_213 : vector<256x4096xi1> to vector<256x4096xi32>
    %convert_element_type3A_215 = arith.sitofp %convert_element_type3A_214 : vector<256x4096xi32> to vector<256x4096xf32>
    %min3A_216 = arith.constant 1.000000e+00 : f32
    %min3A_217 = vector.broadcast %min3A_216 : f32 to vector<256x1xf32>
    %min3A_218 = arith.minimumf %sub3A_204, %min3A_217 : vector<256x1xf32>
    %add3A_219 = arith.constant 9.99999993E-9 : f32
    %add3A_220 = vector.broadcast %add3A_219 : f32 to vector<256x1xf32>
    %add3A_221 = arith.addf %broadcast_in_dim3A_211, %add3A_220 : vector<256x1xf32>
    %div3A_222 = arith.divf %min3A_218, %add3A_221 : vector<256x1xf32>
    %mul3A_223 = vector.broadcast %div3A_222 : vector<256x1xf32> to vector<256x4096xf32>
    %mul3A_224 = arith.mulf %convert_element_type3A_215, %mul3A_223 : vector<256x4096xf32>
    %add3A_225 = arith.addf %add3A_202, %mul3A_224 : vector<256x4096xf32>
    %add3A_226 = arith.addf %add3A_203, %div3A_222 : vector<256x1xf32>
    %sub3A_227 = arith.subf %sub3A_204, %min3A_218 : vector<256x1xf32>
    %mul3A_228 = arith.constant 1.000000e+30 : f32
    %mul3A_229 = vector.broadcast %mul3A_228 : f32 to vector<256x4096xf32>
    %mul3A_230 = arith.mulf %convert_element_type3A_215, %mul3A_229 : vector<256x4096xf32>
    %add3A_231 = arith.addf %add3A_208, %mul3A_230 : vector<256x4096xf32>
    %reduce_min3A_232 = arith.constant dense<0x7F800000> : vector<256xf32>
    %reduce_min3A_233 = vector.multi_reduction <minimumf>, %add3A_231, %reduce_min3A_232 [1] : vector<256x4096xf32> to vector<256xf32>
    %broadcast_in_dim3A_234 = vector.shape_cast %reduce_min3A_233 : vector<256xf32> to vector<256x1xf32>
    %eq3A_235 = vector.broadcast %broadcast_in_dim3A_234 : vector<256x1xf32> to vector<256x4096xf32>
    %eq3A_236 = arith.cmpf oeq, %add3A_231, %eq3A_235 : vector<256x4096xf32>
    %convert_element_type3A_237 = arith.extui %eq3A_236 : vector<256x4096xi1> to vector<256x4096xi32>
    %convert_element_type3A_238 = arith.sitofp %convert_element_type3A_237 : vector<256x4096xi32> to vector<256x4096xf32>
    %min3A_239 = arith.constant 1.000000e+00 : f32
    %min3A_240 = vector.broadcast %min3A_239 : f32 to vector<256x1xf32>
    %min3A_241 = arith.minimumf %sub3A_227, %min3A_240 : vector<256x1xf32>
    %add3A_242 = arith.constant 9.99999993E-9 : f32
    %add3A_243 = vector.broadcast %add3A_242 : f32 to vector<256x1xf32>
    %add3A_244 = arith.addf %broadcast_in_dim3A_234, %add3A_243 : vector<256x1xf32>
    %div3A_245 = arith.divf %min3A_241, %add3A_244 : vector<256x1xf32>
    %mul3A_246 = vector.broadcast %div3A_245 : vector<256x1xf32> to vector<256x4096xf32>
    %mul3A_247 = arith.mulf %convert_element_type3A_238, %mul3A_246 : vector<256x4096xf32>
    %add3A_248 = arith.addf %add3A_225, %mul3A_247 : vector<256x4096xf32>
    %add3A_249 = arith.addf %add3A_226, %div3A_245 : vector<256x1xf32>
    %sub3A_250 = arith.subf %sub3A_227, %min3A_241 : vector<256x1xf32>
    %mul3A_251 = arith.constant 1.000000e+30 : f32
    %mul3A_252 = vector.broadcast %mul3A_251 : f32 to vector<256x4096xf32>
    %mul3A_253 = arith.mulf %convert_element_type3A_238, %mul3A_252 : vector<256x4096xf32>
    %add3A_254 = arith.addf %add3A_231, %mul3A_253 : vector<256x4096xf32>
    %reduce_min3A_255 = arith.constant dense<0x7F800000> : vector<256xf32>
    %reduce_min3A_256 = vector.multi_reduction <minimumf>, %add3A_254, %reduce_min3A_255 [1] : vector<256x4096xf32> to vector<256xf32>
    %broadcast_in_dim3A_257 = vector.shape_cast %reduce_min3A_256 : vector<256xf32> to vector<256x1xf32>
    %eq3A_258 = vector.broadcast %broadcast_in_dim3A_257 : vector<256x1xf32> to vector<256x4096xf32>
    %eq3A_259 = arith.cmpf oeq, %add3A_254, %eq3A_258 : vector<256x4096xf32>
    %convert_element_type3A_260 = arith.extui %eq3A_259 : vector<256x4096xi1> to vector<256x4096xi32>
    %convert_element_type3A_261 = arith.sitofp %convert_element_type3A_260 : vector<256x4096xi32> to vector<256x4096xf32>
    %min3A_262 = arith.constant 1.000000e+00 : f32
    %min3A_263 = vector.broadcast %min3A_262 : f32 to vector<256x1xf32>
    %min3A_264 = arith.minimumf %sub3A_250, %min3A_263 : vector<256x1xf32>
    %add3A_265 = arith.constant 9.99999993E-9 : f32
    %add3A_266 = vector.broadcast %add3A_265 : f32 to vector<256x1xf32>
    %add3A_267 = arith.addf %broadcast_in_dim3A_257, %add3A_266 : vector<256x1xf32>
    %div3A_268 = arith.divf %min3A_264, %add3A_267 : vector<256x1xf32>
    %mul3A_269 = vector.broadcast %div3A_268 : vector<256x1xf32> to vector<256x4096xf32>
    %mul3A_270 = arith.mulf %convert_element_type3A_261, %mul3A_269 : vector<256x4096xf32>
    %add3A_271 = arith.addf %add3A_248, %mul3A_270 : vector<256x4096xf32>
    %add3A_272 = arith.addf %add3A_249, %div3A_268 : vector<256x1xf32>
    %sub3A_273 = arith.subf %sub3A_250, %min3A_264 : vector<256x1xf32>
    %mul3A_274 = arith.constant 1.000000e+30 : f32
    %mul3A_275 = vector.broadcast %mul3A_274 : f32 to vector<256x4096xf32>
    %mul3A_276 = arith.mulf %convert_element_type3A_261, %mul3A_275 : vector<256x4096xf32>
    %add3A_277 = arith.addf %add3A_254, %mul3A_276 : vector<256x4096xf32>
    %reduce_min3A_278 = arith.constant dense<0x7F800000> : vector<256xf32>
    %reduce_min3A_279 = vector.multi_reduction <minimumf>, %add3A_277, %reduce_min3A_278 [1] : vector<256x4096xf32> to vector<256xf32>
    %broadcast_in_dim3A_280 = vector.shape_cast %reduce_min3A_279 : vector<256xf32> to vector<256x1xf32>
    %eq3A_281 = vector.broadcast %broadcast_in_dim3A_280 : vector<256x1xf32> to vector<256x4096xf32>
    %eq3A_282 = arith.cmpf oeq, %add3A_277, %eq3A_281 : vector<256x4096xf32>
    %convert_element_type3A_283 = arith.extui %eq3A_282 : vector<256x4096xi1> to vector<256x4096xi32>
    %convert_element_type3A_284 = arith.sitofp %convert_element_type3A_283 : vector<256x4096xi32> to vector<256x4096xf32>
    %min3A_285 = arith.constant 1.000000e+00 : f32
    %min3A_286 = vector.broadcast %min3A_285 : f32 to vector<256x1xf32>
    %min3A_287 = arith.minimumf %sub3A_273, %min3A_286 : vector<256x1xf32>
    %add3A_288 = arith.constant 9.99999993E-9 : f32
    %add3A_289 = vector.broadcast %add3A_288 : f32 to vector<256x1xf32>
    %add3A_290 = arith.addf %broadcast_in_dim3A_280, %add3A_289 : vector<256x1xf32>
    %div3A_291 = arith.divf %min3A_287, %add3A_290 : vector<256x1xf32>
    %mul3A_292 = vector.broadcast %div3A_291 : vector<256x1xf32> to vector<256x4096xf32>
    %mul3A_293 = arith.mulf %convert_element_type3A_284, %mul3A_292 : vector<256x4096xf32>
    %add3A_294 = arith.addf %add3A_271, %mul3A_293 : vector<256x4096xf32>
    %add3A_295 = arith.addf %add3A_272, %div3A_291 : vector<256x1xf32>
    %dot_general3A_296 = arith.constant dense<0.000000e+00> : vector<256x8xf32>
    %dot_general3A_297 = tpu.matmul %add3A_294, %get3A_161, %dot_general3A_296 {dimension_numbers = #tpu.dot_dimension_numbers<[1], [0], [0], [1], [0, 0, 1, 1], [], []>, transpose_lhs_hint = false} : vector<256x4096xf32>, vector<4096x8xf32>, vector<256x8xf32> -> vector<256x8xf32>
    %div3A_298 = vector.broadcast %add3A_295 : vector<256x1xf32> to vector<256x8xf32>
    %div3A_299 = arith.divf %dot_general3A_297, %div3A_298 : vector<256x8xf32>
    %sub3A_300 = arith.subf %get3A_4, %div3A_299 : vector<256x8xf32>
    %add3A_301 = arith.constant 1.000000e-10 : f32
    %add3A_302 = vector.broadcast %add3A_301 : f32 to vector<256x8xf32>
    %add3A_303 = arith.addf %sub3A_300, %add3A_302 : vector<256x8xf32>
    %integer_pow3A_304 = arith.mulf %add3A_303, %add3A_303 : vector<256x8xf32>
    %reduce_sum3A_305 = arith.constant dense<0.000000e+00> : vector<256xf32>
    %reduce_sum3A_306 = vector.multi_reduction <add>, %integer_pow3A_304, %reduce_sum3A_305 [1] : vector<256x8xf32> to vector<256xf32>
    %broadcast_in_dim3A_307 = vector.shape_cast %reduce_sum3A_306 : vector<256xf32> to vector<256x1xf32>
    %sqrt3A_308 = math.sqrt %broadcast_in_dim3A_307 : vector<256x1xf32>
    %sub3A_309 = arith.subf %sqrt3A, %sqrt3A_308 : vector<256x1xf32>
    %abs3A = math.absf %sub3A_309 : vector<256x1xf32>
    %sub3A_310 = arith.subf %sub3A_300, %sub3A_145 : vector<256x8xf32>
    %abs3A_311 = math.absf %sub3A_310 : vector<256x8xf32>
    %reduce_sum3A_312 = arith.constant dense<0.000000e+00> : vector<256xf32>
    %reduce_sum3A_313 = vector.multi_reduction <add>, %abs3A_311, %reduce_sum3A_312 [1] : vector<256x8xf32> to vector<256xf32>
    %broadcast_in_dim3A_314 = vector.shape_cast %reduce_sum3A_313 : vector<256xf32> to vector<256x1xf32>
    %add3A_315 = arith.addf %abs3A, %broadcast_in_dim3A_314 : vector<256x1xf32>
    %neg3A = arith.constant 0.000000e+00 : f32
    %neg3A_316 = vector.broadcast %neg3A : f32 to vector<256x1xf32>
    %neg3A_317 = arith.subf %neg3A_316, %add3A_315 : vector<256x1xf32>
    %mul3A_318 = arith.constant 3.000000e+00 : f32
    %mul3A_319 = vector.broadcast %mul3A_318 : f32 to vector<256x1xf32>
    %mul3A_320 = arith.mulf %neg3A_317, %mul3A_319 : vector<256x1xf32>
    %exp3A = math.exp %mul3A_320 : vector<256x1xf32>
    %mul3A_321 = arith.mulf %add3A_315, %exp3A : vector<256x1xf32>
    %swap3A = arith.constant 0 : index
    %swap3A_322 = arith.constant 0 : index
    %swap3A_323 = arith.constant 0 : index
    %swap3A_324 = arith.constant 0 : index
    %swap3A_325 = vector.load %arg7[%swap3A, %swap3A_322, %swap3A_323, %swap3A_324] : memref<1x1x256x1xf32, #tpu.memory_space<vmem>>, vector<1x1x256x1xf32>
    %swap3A_326 = vector.shape_cast %swap3A_325 : vector<1x1x256x1xf32> to vector<256x1xf32>
    %swap3A_327 = vector.shape_cast %mul3A_321 : vector<256x1xf32> to vector<1x1x256x1xf32>
    tpu.vector_store %arg7[%swap3A, %swap3A_322, %swap3A_323, %swap3A_324], %swap3A_327 {strides = array<i32>} : memref<1x1x256x1xf32, #tpu.memory_space<vmem>>, vector<1x1x256x1xf32>,
    return
  }
  func.func @transform_0(%arg0: i32, %arg1: i32) -> (i32, i32, i32, i32) {
    %c0_i32 = arith.constant 0 : i32
    %c0_i32_0 = arith.constant 0 : i32
    %c0_i32_1 = arith.constant 0 : i32
    return %arg0, %arg1, %c0_i32, %c0_i32_0 : i32, i32, i32, i32
  }
  func.func @transform_1(%arg0: i32, %arg1: i32) -> (i32, i32, i32) {
    %c0_i32 = arith.constant 0 : i32
    %c0_i32_0 = arith.constant 0 : i32
    %c0_i32_1 = arith.constant 0 : i32
    return %arg0, %c0_i32, %c0_i32_0 : i32, i32, i32
  }
  func.func @transform_2(%arg0: i32, %arg1: i32) -> (i32, i32, i32) {
    %c0_i32 = arith.constant 0 : i32
    %c0_i32_0 = arith.constant 0 : i32
    %c0_i32_1 = arith.constant 0 : i32
    return %arg0, %c0_i32, %c0_i32_0 : i32, i32, i32
  }
  func.func @transform_3(%arg0: i32, %arg1: i32) -> (i32, i32, i32) {
    %c0_i32 = arith.constant 0 : i32
    %c0_i32_0 = arith.constant 0 : i32
    %c0_i32_1 = arith.constant 0 : i32
    return %arg0, %c0_i32, %c0_i32_0 : i32, i32, i32
  }
  func.func @transform_4(%arg0: i32, %arg1: i32) -> (i32, i32, i32) {
    %c0_i32 = arith.constant 0 : i32
    %c0_i32_0 = arith.constant 0 : i32
    %c0_i32_1 = arith.constant 0 : i32
    return %arg0, %c0_i32, %c0_i32_0 : i32, i32, i32
  }
  func.func @transform_5(%arg0: i32, %arg1: i32) -> (i32, i32, i32, i32) {
    %c0_i32 = arith.constant 0 : i32
    %c0_i32_0 = arith.constant 0 : i32
    %c0_i32_1 = arith.constant 0 : i32
    return %arg0, %arg1, %c0_i32, %c0_i32_0 : i32, i32, i32, i32
  }
}

module attributes {stable_mosaic.version = 14 : i64} {
  func.func @_tail_body(%arg0: i32, %arg1: memref<1x8x128xf32, #tpu.memory_space<vmem>>, %arg2: memref<1x8x128xf32, #tpu.memory_space<vmem>>, %arg3: memref<1x8x128xf32, #tpu.memory_space<vmem>>, %arg4: memref<1x8x128xf32, #tpu.memory_space<vmem>>, %arg5: memref<1x8x128xf32, #tpu.memory_space<vmem>>, %arg6: memref<1x8x128xf32, #tpu.memory_space<vmem>>, %arg7: memref<1x8x128xf32, #tpu.memory_space<vmem>>) attributes {dimension_semantics = [#tpu.dimension_semantics<arbitrary>], iteration_bounds = array<i64: 24>, scalar_prefetch = 0 : i64, scratch_operands = 0 : i64, tpu.core_type = #tpu.core_type<tc>, window_params = [{transform_indices = @transform_0, window_bounds = array<i64: 1, 8, 128>}, {transform_indices = @transform_1, window_bounds = array<i64: 1, 8, 128>}, {transform_indices = @transform_2, window_bounds = array<i64: 1, 8, 128>}, {transform_indices = @transform_3, window_bounds = array<i64: 1, 8, 128>}, {transform_indices = @transform_4, window_bounds = array<i64: 1, 8, 128>}, {transform_indices = @transform_5, window_bounds = array<i64: 1, 8, 128>}, {transform_indices = @transform_6, window_bounds = array<i64: 1, 8, 128>}]} {
    %get3A = arith.constant 0 : index
    %get3A_0 = arith.constant 0 : index
    %get3A_1 = arith.constant 0 : index
    %get3A_2 = vector.load %arg1[%get3A, %get3A_0, %get3A_1] : memref<1x8x128xf32, #tpu.memory_space<vmem>>, vector<1x8x128xf32>
    %get3A_3 = vector.shape_cast %get3A_2 : vector<1x8x128xf32> to vector<8x128xf32>
    %get3A_4 = arith.constant 0 : index
    %get3A_5 = arith.constant 0 : index
    %get3A_6 = arith.constant 0 : index
    %get3A_7 = vector.load %arg2[%get3A_4, %get3A_5, %get3A_6] : memref<1x8x128xf32, #tpu.memory_space<vmem>>, vector<1x8x128xf32>
    %get3A_8 = vector.shape_cast %get3A_7 : vector<1x8x128xf32> to vector<8x128xf32>
    %get3A_9 = arith.constant 0 : index
    %get3A_10 = arith.constant 0 : index
    %get3A_11 = arith.constant 0 : index
    %get3A_12 = vector.load %arg3[%get3A_9, %get3A_10, %get3A_11] : memref<1x8x128xf32, #tpu.memory_space<vmem>>, vector<1x8x128xf32>
    %get3A_13 = vector.shape_cast %get3A_12 : vector<1x8x128xf32> to vector<8x128xf32>
    %get3A_14 = arith.constant 0 : index
    %get3A_15 = arith.constant 0 : index
    %get3A_16 = arith.constant 0 : index
    %get3A_17 = vector.load %arg4[%get3A_14, %get3A_15, %get3A_16] : memref<1x8x128xf32, #tpu.memory_space<vmem>>, vector<1x8x128xf32>
    %get3A_18 = vector.shape_cast %get3A_17 : vector<1x8x128xf32> to vector<8x128xf32>
    %get3A_19 = arith.constant 0 : index
    %get3A_20 = arith.constant 0 : index
    %get3A_21 = arith.constant 0 : index
    %get3A_22 = vector.load %arg5[%get3A_19, %get3A_20, %get3A_21] : memref<1x8x128xf32, #tpu.memory_space<vmem>>, vector<1x8x128xf32>
    %get3A_23 = vector.shape_cast %get3A_22 : vector<1x8x128xf32> to vector<8x128xf32>
    %get3A_24 = arith.constant 0 : index
    %get3A_25 = arith.constant 0 : index
    %get3A_26 = arith.constant 0 : index
    %get3A_27 = vector.load %arg6[%get3A_24, %get3A_25, %get3A_26] : memref<1x8x128xf32, #tpu.memory_space<vmem>>, vector<1x8x128xf32>
    %get3A_28 = vector.shape_cast %get3A_27 : vector<1x8x128xf32> to vector<8x128xf32>
    %add3A = arith.constant 1.000000e-10 : f32
    %add3A_29 = vector.broadcast %add3A : f32 to vector<8x128xf32>
    %add3A_30 = arith.addf %get3A_3, %add3A_29 : vector<8x128xf32>
    %add3A_31 = arith.constant 1.000000e-10 : f32
    %add3A_32 = vector.broadcast %add3A_31 : f32 to vector<8x128xf32>
    %add3A_33 = arith.addf %get3A_8, %add3A_32 : vector<8x128xf32>
    %add3A_34 = arith.constant 1.000000e-10 : f32
    %add3A_35 = vector.broadcast %add3A_34 : f32 to vector<8x128xf32>
    %add3A_36 = arith.addf %get3A_13, %add3A_35 : vector<8x128xf32>
    %mul3A = arith.mulf %add3A_30, %add3A_30 : vector<8x128xf32>
    %mul3A_37 = arith.mulf %add3A_33, %add3A_33 : vector<8x128xf32>
    %add3A_38 = arith.addf %mul3A, %mul3A_37 : vector<8x128xf32>
    %mul3A_39 = arith.mulf %add3A_36, %add3A_36 : vector<8x128xf32>
    %add3A_40 = arith.addf %add3A_38, %mul3A_39 : vector<8x128xf32>
    %sqrt3A = math.sqrt %add3A_40 : vector<8x128xf32>
    %add3A_41 = arith.constant 1.000000e-10 : f32
    %add3A_42 = vector.broadcast %add3A_41 : f32 to vector<8x128xf32>
    %add3A_43 = arith.addf %get3A_18, %add3A_42 : vector<8x128xf32>
    %add3A_44 = arith.constant 1.000000e-10 : f32
    %add3A_45 = vector.broadcast %add3A_44 : f32 to vector<8x128xf32>
    %add3A_46 = arith.addf %get3A_23, %add3A_45 : vector<8x128xf32>
    %add3A_47 = arith.constant 1.000000e-10 : f32
    %add3A_48 = vector.broadcast %add3A_47 : f32 to vector<8x128xf32>
    %add3A_49 = arith.addf %get3A_28, %add3A_48 : vector<8x128xf32>
    %mul3A_50 = arith.mulf %add3A_43, %add3A_43 : vector<8x128xf32>
    %mul3A_51 = arith.mulf %add3A_46, %add3A_46 : vector<8x128xf32>
    %add3A_52 = arith.addf %mul3A_50, %mul3A_51 : vector<8x128xf32>
    %mul3A_53 = arith.mulf %add3A_49, %add3A_49 : vector<8x128xf32>
    %add3A_54 = arith.addf %add3A_52, %mul3A_53 : vector<8x128xf32>
    %sqrt3A_55 = math.sqrt %add3A_54 : vector<8x128xf32>
    %sub3A = arith.subf %sqrt3A, %sqrt3A_55 : vector<8x128xf32>
    %abs3A = math.absf %sub3A : vector<8x128xf32>
    %sub3A_56 = arith.subf %get3A_18, %get3A_3 : vector<8x128xf32>
    %abs3A_57 = math.absf %sub3A_56 : vector<8x128xf32>
    %add3A_58 = arith.addf %abs3A, %abs3A_57 : vector<8x128xf32>
    %sub3A_59 = arith.subf %get3A_23, %get3A_8 : vector<8x128xf32>
    %abs3A_60 = math.absf %sub3A_59 : vector<8x128xf32>
    %add3A_61 = arith.addf %add3A_58, %abs3A_60 : vector<8x128xf32>
    %sub3A_62 = arith.subf %get3A_28, %get3A_13 : vector<8x128xf32>
    %abs3A_63 = math.absf %sub3A_62 : vector<8x128xf32>
    %add3A_64 = arith.addf %add3A_61, %abs3A_63 : vector<8x128xf32>
    %mul3A_65 = arith.constant -3.000000e+00 : f32
    %mul3A_66 = vector.broadcast %mul3A_65 : f32 to vector<8x128xf32>
    %mul3A_67 = arith.mulf %add3A_64, %mul3A_66 : vector<8x128xf32>
    %exp3A = math.exp %mul3A_67 : vector<8x128xf32>
    %mul3A_68 = arith.mulf %add3A_64, %exp3A : vector<8x128xf32>
    %swap3A = arith.constant 0 : index
    %swap3A_69 = arith.constant 0 : index
    %swap3A_70 = arith.constant 0 : index
    %swap3A_71 = vector.load %arg7[%swap3A, %swap3A_69, %swap3A_70] : memref<1x8x128xf32, #tpu.memory_space<vmem>>, vector<1x8x128xf32>
    %swap3A_72 = vector.shape_cast %swap3A_71 : vector<1x8x128xf32> to vector<8x128xf32>
    %swap3A_73 = vector.shape_cast %mul3A_68 : vector<8x128xf32> to vector<1x8x128xf32>
    tpu.vector_store %arg7[%swap3A, %swap3A_69, %swap3A_70], %swap3A_73 {strides = array<i32>} : memref<1x8x128xf32, #tpu.memory_space<vmem>>, vector<1x8x128xf32>,
    return
  }
  func.func @transform_0(%arg0: i32) -> (i32, i32, i32) {
    %c0_i32 = arith.constant 0 : i32
    %c0_i32_0 = arith.constant 0 : i32
    %c0_i32_1 = arith.constant 0 : i32
    return %arg0, %c0_i32, %c0_i32_0 : i32, i32, i32
  }
  func.func @transform_1(%arg0: i32) -> (i32, i32, i32) {
    %c0_i32 = arith.constant 0 : i32
    %c0_i32_0 = arith.constant 0 : i32
    %c0_i32_1 = arith.constant 0 : i32
    return %arg0, %c0_i32, %c0_i32_0 : i32, i32, i32
  }
  func.func @transform_2(%arg0: i32) -> (i32, i32, i32) {
    %c0_i32 = arith.constant 0 : i32
    %c0_i32_0 = arith.constant 0 : i32
    %c0_i32_1 = arith.constant 0 : i32
    return %arg0, %c0_i32, %c0_i32_0 : i32, i32, i32
  }
  func.func @transform_3(%arg0: i32) -> (i32, i32, i32) {
    %c0_i32 = arith.constant 0 : i32
    %c0_i32_0 = arith.constant 0 : i32
    %c0_i32_1 = arith.constant 0 : i32
    return %arg0, %c0_i32, %c0_i32_0 : i32, i32, i32
  }
  func.func @transform_4(%arg0: i32) -> (i32, i32, i32) {
    %c0_i32 = arith.constant 0 : i32
    %c0_i32_0 = arith.constant 0 : i32
    %c0_i32_1 = arith.constant 0 : i32
    return %arg0, %c0_i32, %c0_i32_0 : i32, i32, i32
  }
  func.func @transform_5(%arg0: i32) -> (i32, i32, i32) {
    %c0_i32 = arith.constant 0 : i32
    %c0_i32_0 = arith.constant 0 : i32
    %c0_i32_1 = arith.constant 0 : i32
    return %arg0, %c0_i32, %c0_i32_0 : i32, i32, i32
  }
  func.func @transform_6(%arg0: i32) -> (i32, i32, i32) {
    %c0_i32 = arith.constant 0 : i32
    %c0_i32_0 = arith.constant 0 : i32
    %c0_i32_1 = arith.constant 0 : i32
    return %arg0, %c0_i32, %c0_i32_0 : i32, i32, i32
  }
}

</mosaic_0001>

<sc_bundles>
// kernel: _impl_hybrid.5.cloned.1.call-start
scs
__scs_entry_jumppad:
0x0: {  	(pc) =	sbr.rel $0x88, $3  }
0x1: {  	(tag) =	ssettag $0x0;
	lr =	simm.s32 $0x1  }
0x2: {  	[smem:$0x3F9E] =	sst lr;
	_ =	strace $0xD0000000  }
0x3: {  	_ = 	snop  }
0x4: {  	_ = 	snop  }
0x5: {  	_ = 	snop  }
0x6: {  	_ = 	snop  }
0x7: {  	_ = 	snop  }
__scs_overlays_trampoline_lowered:
0x8: {  	[smem:$0x3FAD] =	sst s0  }
0x9: {  	[smem:$0x3FAE] =	sst s1  }
0xa: {  	[smem:$0x3FAF] =	sst s2  }
0xb: {  	[smem:$0x3FB0] =	sst s3  }
0xc: {  	[smem:$0x3FB1] =	sst s4  }
0xd: {  	[smem:$0x3FB2] =	sst s5  }
0xe: {  	[smem:$0x3FB3] =	sst s6  }
0xf: {  	[smem:$0x3FB4] =	sst s7  }
0x10: {  	[smem:$0x3FB5] =	sst s8  }
0x11: {  	[smem:$0x3FB6] =	sst s9;
	s0 =	simm.s32 @!p0 $0x0  }
0x12: {  	s1 =	sld [smem:$0x3F9C];
	s0 =	simm.s32 @p0 $0x1  }
0x13: {  	[smem:$0x3FB7] =	sst s0;
	s0 =	simm.s32 @!p1 $0x0  }
0x14: {  	s2 =	sld [smem:$0x3F9B];
	s0 =	simm.s32 @p1 $0x1  }
0x15: {  	[smem:$0x3FB8] =	sst s0;
	s0 =	simm.s32 @!p2 $0x0  }
0x16: {  	s3 =	sld [smem:$0x3FDB];
	s0 =	simm.s32 @p2 $0x1  }
0x17: {  	s4 =	simm.s32 $0x1BF5;
	[smem:$0x3FBA] =	sst s0  }
0x18: {  	s0 =	sld [smem:$0x3F9D];
	_ =	swait.ge [sflag:s4], $0x0  }
0x19: {  	s7 =	sld [smem:$0x3F9E]  }
0x1a: {  	s8 =	sadd.s32 $0xFFFFE003, lr  }
0x1b: {  	s9 =	sadd.s32 $0xFFFFFEF7, lr;
	s5 =	simm.s32 $0xFFFFFFFF;
	p2 =	slt.u32 s8, $0xFFFFF086  }
0x1c: {  	p1 =	slt.u32 s9, $0xF7A;
	s5 =	simm.s32 @!p2 $0x0  }
0x1d: {  	s5 =	simm.s32 @p1 $0x1;
	p0 =	seq.s32 s7, s2  }
0x1e: {  	s7 =	smul.u32 @!p0 $0xF7A, s2;
	p2 =	seq.s32 @!p0 s5, $0x0  }
0x1f: {  	s9 =	smul.u32 $0xF7A, s1;
	s8 =	simm.s32 @!p0 $0x1BF5;
	p2 =	por !p2, p0  }
0x20: {  	[sflag:s8] =	ssyncset.s32 @!p0 $0xFFFFF086;
	s6 =	sadd.s32 @!p0 s3, s7;
	s7 =	simm.s32 @!p0 $0x108  }
0x21: {  	s3 =	sadd.s32 s3, s9;
	s6 =	sadd.s32 @!p0 $0x88, s6;
	s7 =	simm.s32 @p2 $0x1082  }
0x22: {  	[simem:s7], [sflag:s8] =	dma.local @!p0 [hbm:s6], $0xF7A  }
0x23: {  	s9 =	sor.u32 $0xD0000000, s2;
	s6 =	simm.s32 $0x108;
	_ =	swait.ge @!p0 [sflag:s8], $0x0  }
0x24: {  	s3 =	sadd.s32 $0x88, s3;
	s6 =	simm.s32 @!p1 $0x1082;
	[sflag:s4] =	ssyncset.s32 $0xFFFFF086  }
0x25: {  	[simem:s6], [sflag:s4] =	dma.local [hbm:s3], $0xF7A  }
0x26: {  	[smem:$0x3F9E] =	sst s1;
	(tag) =	ssettag s2;
	_ =	strace s9  }
0x27: {  	s1 =	sld [smem:$0x3FAE]  }
0x28: {  	s2 =	sld [smem:$0x3FAF]  }
0x29: {  	s4 =	sld [smem:$0x3FB1]  }
0x2a: {  	p0 =	seq.s32 s5, $0x0;
	s5 =	sld [smem:$0x3FB2]  }
0x2b: {  	s6 =	sld [smem:$0x3FB3]  }
0x2c: {  	s7 =	sld [smem:$0x3FB4]  }
0x2d: {  	s3 =	simm.s32 $0x108;
	s8 =	sld [smem:$0x3FB5]  }
0x2e: {  	s3 =	simm.s32 @!p0 $0x1082;
	s9 =	sld [smem:$0x3FB6]  }
0x2f: {  	lr =	sadd.s32 s0, s3;
	s0 =	sld [smem:$0x3FAD]  }
0x30: {  	s3 =	sld [smem:$0x3FB0]  }
0x31: {  	[smem:$0x3FB9] =	sst s10  }
0x32: {  	s10 =	sld [smem:$0x3FB7];
	_ =	sdelay $0x3  }
0x33: {  	p0 =	seq.s32 s10, $0x1;
	s10 =	sld [smem:$0x3FB9];
	_ =	sdelay $0x3  }
0x34: {  	[smem:$0x3FB9] =	sst s10  }
0x35: {  	s10 =	sld [smem:$0x3FB8];
	_ =	sdelay $0x3  }
0x36: {  	p1 =	seq.s32 s10, $0x1;
	s10 =	sld [smem:$0x3FB9];
	_ =	sdelay $0x3  }
0x37: {  	[smem:$0x3FB9] =	sst s10  }
0x38: {  	s10 =	sld [smem:$0x3FBA]  }
0x39: {  	_ = 	snop;
	(pc) =	sbr.ind lr, $3  }
0x3a: {  	_ = 	snop  }
0x3b: {  	_ = 	snop  }
0x3c: {  	p2 =	seq.s32 s10, $0x1;
	s10 =	sld [smem:$0x3FB9]  }
0x3d: {  	_ =	shalt  }
0x3e: {  	_ =	shalt  }
0x3f: {  	_ =	shalt  }
0x40: {  	_ =	shalt  }
0x41: {  	_ =	shalt  }
0x42: {  	_ =	shalt  }
0x43: {  	_ =	shalt  }
0x44: {  	_ =	shalt  }
0x45: {  	_ =	shalt  }
0x46: {  	_ =	shalt  }
0x47: {  	_ =	shalt  }
0x48: {  	_ =	shalt  }
0x49: {  	_ =	shalt  }
0x4a: {  	_ =	shalt  }
0x4b: {  	_ =	shalt  }
0x4c: {  	_ =	shalt  }
0x4d: {  	_ =	shalt  }
0x4e: {  	_ =	shalt  }
0x4f: {  	_ =	shalt  }
0x50: {  	_ =	shalt  }
0x51: {  	_ =	shalt  }
0x52: {  	_ =	shalt  }
0x53: {  	_ =	shalt  }
0x54: {  	_ =	shalt  }
0x55: {  	_ =	shalt  }
0x56: {  	_ =	shalt  }
0x57: {  	_ =	shalt  }
0x58: {  	_ =	shalt  }
0x59: {  	_ =	shalt  }
0x5a: {  	_ =	shalt  }
0x5b: {  	_ =	shalt  }
0x5c: {  	_ =	shalt  }
0x5d: {  	_ =	shalt  }
0x5e: {  	_ =	shalt  }
0x5f: {  	_ =	shalt  }
0x60: {  	_ =	shalt  }
0x61: {  	_ =	shalt  }
0x62: {  	_ =	shalt  }
0x63: {  	_ =	shalt  }
0x64: {  	_ =	shalt  }
0x65: {  	_ =	shalt  }
0x66: {  	_ =	shalt  }
0x67: {  	_ =	shalt  }
0x68: {  	_ =	shalt  }
0x69: {  	_ =	shalt  }
0x6a: {  	_ =	shalt  }
0x6b: {  	_ =	shalt  }
0x6c: {  	_ =	shalt  }
0x6d: {  	_ =	shalt  }
0x6e: {  	_ =	shalt  }
0x6f: {  	_ =	shalt  }
0x70: {  	_ =	shalt  }
0x71: {  	_ =	shalt  }
0x72: {  	_ =	shalt  }
0x73: {  	_ =	shalt  }
0x74: {  	_ =	shalt  }
0x75: {  	_ =	shalt  }
0x76: {  	_ =	shalt  }
0x77: {  	_ =	shalt  }
0x78: {  	_ =	shalt  }
0x79: {  	_ =	shalt  }
0x7a: {  	_ =	shalt  }
0x7b: {  	_ =	shalt  }
0x7c: {  	_ =	shalt  }
0x7d: {  	_ =	shalt  }
0x7e: {  	_ =	shalt  }
0x7f: {  	_ =	shalt  }
0x80: {  	_ =	shalt  }
0x81: {  	_ =	shalt  }
0x82: {  	_ =	shalt  }
0x83: {  	_ =	shalt  }
0x84: {  	_ =	shalt  }
0x85: {  	_ =	shalt  }
0x86: {  	_ =	shalt  }
0x87: {  	_ =	shalt  }
.Lfunc_end0:
.L_simem_size_0:
called_computation_lowered:
.L_overlay_start_0:
0x88: {  	s2 =	sld [smem:$0x3FD9]  }
0x89: {  	s3 =	sld [smem:$0x3FFE];
	_ =	sdelay $0x1  }
0x8a: {  	s1 =	srdreg.scid  }
0x8b: {  	s0 =	sand.u32 $0x1, s1  }
0x8c: {  	s16 =	sshll.u32 s0, $0xA;
	s2 =	sadd.s32 s3, s2  }
0x8d: {  	s2 =	sadd.s32 s2, s16  }
0x8e: {  	[smem:$0x3FC5] =	sst s2  }
0x8f: {  	_ = 	snop  }
0x90: {  	(tm) =	ssettm $0x1  }
0x91: {  	s17 =	sld [smem:$0x3FFB];
	_ =	sdelay $0x3  }
0x92: {  	_ =	strace s17  }
0x93: {  	s2 =	sld [smem:$0x3FFC];
	_ =	sdelay $0x3  }
0x94: {  	_ =	strace s2  }
0x95: {  	s2 =	sld [smem:$0x3FFD];
	_ =	sdelay $0x3  }
0x96: {  	_ =	strace s2  }
0x97: {  	_ =	strace $0x8FFFFFFF  }
0x98: {  	s18 =	sld [smem:$0x3FDB];
	_ =	sdelay $0x1  }
0x99: {  	s19 =	simm.s32 $_scs_section_size  }
0x9a: {  	s4 =	simm.s32 $_size__tile_overlayer_lowered;
	s5 =	simm.s32 $_tile_overlayer_lowered  }
0x9b: {  	s22 =	simm.s32 $0x1BFF;
	s21 =	sshll.u32 s5, $0x1;
	s2 =	sadd.s32 s19, s18  }
0x9c: {  	s6 =	simm.s32 $0x0;
	s20 =	sshll.u32 s4, $0x1;
	s4 =	sadd.s32 s21, s2  }
0x9d: {  	[timem:s6], [sflag:s22] =	dma.local [hbm:s4], s20  }
0x9e: {  	_ =	swait.ge [sflag:s22], s20  }
0x9f: {  	s3 =	ssub.s32 $0x0, s20;
	[sflag:s22] =	ssyncset.done $0x0  }
0xa0: {  	[sflag:s22] =	ssyncadd.s32 s3;
	_ =	sdelay $0x1  }
0xa1: {  	s23 =	simm.s32 $0x1B8B  }
0xa2: {  	_ =	swait.ge [sflag:s23], $0x1  }
0xa3: {  	[sflag:s23] =	ssyncset.done $0x0  }
0xa4: {  	s25 =	simm.s32 $0x1B8E;
	s24 =	sld [smem:$0x3FFE];
	[sflag:s23] =	ssyncadd.s32 $0xFFFFFFFF  }
0xa5: {  	s26 =	simm.s32 $execute0_lowered;
	[smem:$0x3FD2] =	sst s25  }
0xa6: {  	s4 =	sshll.u32 s26, $0x1;
	_ =	strace $0x80000046;
	[dreg:$0x1] =	wrdreg $0xFFFFFFFF  }
0xa7: {  	s28 =	simm.s32 $_size_execute0_lowered;
	s2 =	sadd.s32 s2, s4;
	[dreg:$0x0] =	wrdreg $0x0  }
0xa8: {  	s4 =	sshll.u32 s28, $0x1;
	[dreg:$0x2] =	wrdreg s2  }
0xa9: {  	[dreg:$0x3] =	wrdreg s4  }
0xaa: {  	[dreg:$0x4] =	wrdreg $0xC0  }
0xab: {  	_ =	task [dreg:s6], $0x5FFFF  }
0xac: {  	[dreg:$0x1] =	wrdreg $0xFFFFFFFF  }
0xad: {  	[dreg:$0x0] =	wrdreg $0x60  }
0xae: {  	[dreg:$0x2] =	wrdreg s24  }
0xaf: {  	[dreg:$0x3] =	wrdreg $0x9  }
0xb0: {  	_ =	task.clear_ibuf [dreg:s6], $0x4FFFF;
	_ =	strace $0x90000046  }
0xb1: {  	s29 =	simm.s32 $0x9;
	_ =	strace $0x80000048  }
0xb2: {  	_ =	swait.ge [sflag:s29], $0x1  }
0xb3: {  	[sflag:s29] =	ssyncadd.s32 $0xFFFFFFFF  }
0xb4: {  	_ =	strace $0x90000048  }
0xb5: {  	_ =	sfence  }
0xb6: {  	s30 =	sld [smem:$0x0];
	_ =	sdelay $0x2  }
0xb7: {  	s31 =	sshll.u32 s1, $0xD;
	s1 =	sshrl.u32 s1, $0x2  }
0xb8: {  	s3 =	sand.u32 $0x4000, s31;
	s1 =	sadd.s32 s1, s30  }
0xb9: {  	s0 =	sor.u32 s3, s0;
	s1 =	sshll.u32 s1, $0x11  }
0xba: {  	s0 =	sor.u32 s1, s0  }
0xbb: {  	s0 =	sadd.s32 $0x8F2B, s0  }
0xbc: {  	[sflag:s0] =	ssyncadd.remote.s32 $0x1  }
0xbd: {  	_ =	sfence.sel $0xFFFF  }
0xbe: {  	[dreg:$0x0] =	wrdreg $0xFFFFFFFF;
	(pc) =	sbr.abs _section_cstart, $3  }
0xbf: {  	[dreg:$0x1] =	wrdreg $0xFFFFFFFF  }
0xc0: {  	_ =	task.clear_ibuf [dreg:s6], $0x2FFFF;
	_ =	strace $0x9FFFFFFF  }
0xc1: {  	(tm) =	ssettm $0x7FFFFFFF  }
tec
execute0_lowered:
.L_overlay_start_1:
0x0: {  	(tag) =	ssettag $0x1  }
0x1: {  	s0 =	rddreg [dreg:$0x0]  }
0x2: {  	s1 =	srdreg.scid;
	s2 =	simm.s32 $0x0;
	s3 =	stileid.u32  }
0x3: {  	s28 =	simm.s32 $0xFB00;
	s29 =	simm.s32 $0xFB80;
	s30 =	simm.s32 $0xFC00  }
0x4: {  	s31 =	simm.s32 $0xFC80;
	s1 =	sand.u32 $0x1, s1;
	s8 =	smul.u32 $0x300, s3  }
0x5: {  	[smem:$0x7FF] =	sst s2;
	s3 =	sadd.s32 $0x3000, s0;
	s7 =	smul.u32 $0x3000, s1  }
0x6: {  	s10 =	ssub.s32 $0x2, s1;
	s18 =	sshll.u32 s1, $0xC;
	s1 =	sshll.u32 s1, $0x9  }
0x7: {  	s4 =	sadd.s32 $0x2C00, s0;
	s5 =	sadd.s32 $0x2800, s0;
	s15 =	sadd.s32 s3, s1  }
0x8: {  	_ =	strace $0x80000047;
	s16 =	sadd.s32 s4, s1;
	[dreg:$0x5] =	wrdreg s15  }
0x9: {  	s6 =	sadd.s32 $0x2400, s0;
	s17 =	sadd.s32 s5, s1;
	[dreg:$0x6] =	wrdreg s16  }
0xa: {  	s11 =	sshrl.u32 s10, $0x1;
	s19 =	sadd.s32 s6, s1;
	[dreg:$0x7] =	wrdreg s17  }
0xb: {  	s8 =	sadd.s32 s8, s7;
	s7 =	sadd.s32 $0x2000, s0;
	[dreg:$0x8] =	wrdreg s19  }
0xc: {  	s9 =	sshrl.u32 s8, $0x3;
	s8 =	sadd.s32 $0x1C00, s0;
	s20 =	sadd.s32 s7, s1  }
0xd: {  	s0 =	sadd.s32 s9, s0;
	[dreg:$0x9] =	wrdreg s20;
	s1 =	sadd.s32 s8, s1  }
0xe: {  	s19 =	simm.s32 $0x2;
	s12 =	sadd.s32 $0xC400, s0;
	[dreg:$0xa] =	wrdreg s1  }
0xf: {  	s15 =	simm.s32 $0x10180;
	s13 =	sadd.s32 $0xB800, s0;
	[dreg:$0x2] =	wrdreg s12  }
0x10: {  	s16 =	simm.s32 $0x10200;
	s14 =	sadd.s32 $0xAC00, s0;
	[dreg:$0x3] =	wrdreg s13  }
0x11: {  	s17 =	simm.s32 $0x1;
	s21 =	sadd.s32 $0xD000, s0;
	[dreg:$0x4] =	wrdreg s14  }
0x12: {  	s9 =	ssub.s32 s10, s11;
	s22 =	sadd.s32 $0xDC00, s0;
	[dreg:$0xb] =	wrdreg s21  }
0x13: {  	s10 =	simm.s32 $0xFF00;
	s23 =	sadd.s32 $0xE800, s0;
	[dreg:$0xc] =	wrdreg s22  }
0x14: {  	s11 =	simm.s32 $0xFF80;
	s24 =	sadd.s32 $0xF400, s0;
	[dreg:$0xd] =	wrdreg s23  }
0x15: {  	s20 =	simm.s32 $0x0;
	s25 =	sadd.s32 $0x10000, s0;
	[dreg:$0xe] =	wrdreg s24  }
0x16: {  	s0 =	sadd.s32 $0x10C00, s0;
	s26 =	smax.u32 s9, $0x1;
	[dreg:$0xf] =	wrdreg s25  }
0x17: {  	s1 =	simm.s32 $0xFD80;
	s9 =	simm.s32 $0xFE80;
	[dreg:$0x10] =	wrdreg s0  }
0x18: {  	[dreg:$0x11] =	wrdreg s26;
	s0 =	simm.s32 $0xFD00;
	s26 =	simm.s32 $0xFE00  }
0x19: {  	v0 =	vmov s18;
	s12 =	simm.s32 $0x10000;
	s13 =	simm.s32 $0x10080;
	s14 =	simm.s32 $0x10100  }
.LBB2_1:
0x1a: {  	[dreg:$0x12] =	wrdreg s20  }
0x1b: {  	s18 =	rddreg [dreg:$0x2]  }
0x1c: {  	[tilespmem:s2], [sflag:$0x2] =	stream.linear.gather [hbm4b:s18+s2], $0x300, $0x38;
	[tilespmem:$0x10300] =	vst v63  }
0x1d: {  	_ =	swait.ge [sflag:s19], $0x300  }
0x1e: {  	[sflag:s19] =	ssyncset.done $0x0  }
0x1f: {  	s23 =	simm.s32 $0x300;
	s22 =	rddreg [dreg:$0x3];
	[sflag:s19] =	ssyncadd.s32 $0xFFFFFD00  }
0x20: {  	[tilespmem:s23], [sflag:$0x2] =	stream.linear.gather [hbm4b:s22+s2], $0x300, $0x38;
	[tilespmem:$0x10300] =	vst v63  }
0x21: {  	_ =	swait.ge [sflag:s19], $0x300  }
0x22: {  	[sflag:s19] =	ssyncset.done $0x0  }
0x23: {  	s25 =	simm.s32 $0x600;
	s24 =	rddreg [dreg:$0x4];
	[sflag:s19] =	ssyncadd.s32 $0xFFFFFD00  }
0x24: {  	[tilespmem:s25], [sflag:$0x2] =	stream.linear.gather [hbm4b:s24+s2], $0x300, $0x38;
	[tilespmem:$0x10300] =	vst v63  }
0x25: {  	_ =	swait.ge [sflag:s19], $0x300  }
0x26: {  	[sflag:s19] =	ssyncset.done $0x0  }
0x27: {  	s21 =	simm.s32 $0x900;
	s20 =	rddreg [dreg:$0x5];
	[sflag:s19] =	ssyncadd.s32 $0xFFFFFD00  }
0x28: {  	[tilespmem:s21], [sflag:$0x2] =	stream.linear.gather [hbm4b:s20+s2], $0x1000, $0x38;
	[tilespmem:$0x10300] =	vst v63  }
0x29: {  	_ =	swait.ge [sflag:s19], $0x1000  }
0x2a: {  	[sflag:s19] =	ssyncset.done $0x0  }
0x2b: {  	s23 =	simm.s32 $0x1900;
	s22 =	rddreg [dreg:$0x6];
	[sflag:s19] =	ssyncadd.s32 $0xFFFFF000  }
0x2c: {  	[tilespmem:s23], [sflag:$0x2] =	stream.linear.gather [hbm4b:s22+s2], $0x1000, $0x38;
	[tilespmem:$0x10300] =	vst v63  }
0x2d: {  	_ =	swait.ge [sflag:s19], $0x1000  }
0x2e: {  	[sflag:s19] =	ssyncset.done $0x0  }
0x2f: {  	s25 =	simm.s32 $0x2900;
	s24 =	rddreg [dreg:$0x7];
	[sflag:s19] =	ssyncadd.s32 $0xFFFFF000  }
0x30: {  	[tilespmem:s25], [sflag:$0x2] =	stream.linear.gather [hbm4b:s24+s2], $0x1000, $0x38;
	[tilespmem:$0x10300] =	vst v63  }
0x31: {  	_ =	swait.ge [sflag:s19], $0x1000  }
0x32: {  	[sflag:s19] =	ssyncset.done $0x0  }
0x33: {  	s21 =	simm.s32 $0x3900;
	s20 =	rddreg [dreg:$0x8];
	[sflag:s19] =	ssyncadd.s32 $0xFFFFF000  }
0x34: {  	[tilespmem:s21], [sflag:$0x2] =	stream.linear.gather [hbm4b:s20+s2], $0x1000, $0x38;
	[tilespmem:$0x10300] =	vst v63  }
0x35: {  	_ =	swait.ge [sflag:s19], $0x1000  }
0x36: {  	[sflag:s19] =	ssyncset.done $0x0  }
0x37: {  	s23 =	simm.s32 $0x4900;
	s22 =	rddreg [dreg:$0x9];
	[sflag:s19] =	ssyncadd.s32 $0xFFFFF000  }
0x38: {  	[tilespmem:s23], [sflag:$0x2] =	stream.linear.gather [hbm4b:s22+s2], $0x1000, $0x38;
	[tilespmem:$0x10300] =	vst v63  }
0x39: {  	_ =	swait.ge [sflag:s19], $0x1000  }
0x3a: {  	[sflag:s19] =	ssyncset.done $0x0  }
0x3b: {  	s25 =	simm.s32 $0x5900;
	s24 =	rddreg [dreg:$0xa];
	[sflag:s19] =	ssyncadd.s32 $0xFFFFF000  }
0x3c: {  	[tilespmem:s25], [sflag:$0x2] =	stream.linear.gather [hbm4b:s24+s2], $0x1000, $0x38;
	[tilespmem:$0x10300] =	vst v63  }
0x3d: {  	_ =	swait.ge [sflag:s19], $0x1000  }
0x3e: {  	[sflag:s19] =	ssyncset.done $0x0  }
0x3f: {  	[sflag:s19] =	ssyncadd.s32 $0xFFFFF000;
	s19 =	simm.s32 $0x0  }
0x40: {  	v3 =	vld [tilespmem:s19+$0x4900]  }
0x41: {  	v4 =	vld [tilespmem:s19+$0x1900]  }
0x42: {  	v7 =	vld [tilespmem:s19+$0x900]  }
0x43: {  	v9 =	vld [tilespmem:s19+$0x2900]  }
0x44: {  	v10 =	vld [tilespmem:s19+$0x5900];
	_ =	sdelay $0x2  }
0x45: {  	v8 =	vmul.f32 $6.553700000e+04, v7;
	v12 =	vmul.f32 $6.553700000e+04, v4  }
0x46: {  	s18 =	simm.s32 $0x10;
	v11 =	vld [tilespmem:s19+$0x3900];
	v13 =	vmul.f32 $6.553700000e+04, v9;
	v14 =	vmul.f32 $6.553700000e+04, v3  }
0x47: {  	v1 =	vld [tilespmem:s18+$0x4900];
	v15 =	vmul.f32 $6.553700000e+04, v10;
	v5 =	vmul.f32 v10, v10;
	v17 =	vsub.f32 v8, v7  }
0x48: {  	v2 =	vld [tilespmem:s18+$0x5900];
	v20 =	vmul.f32 v4, v4;
	v18 =	vsub.f32 v12, v4;
	v19 =	vsub.f32 v13, v9  }
0x49: {  	v6 =	vld [tilespmem:s18+$0x1900];
	v7 =	vmul.f32 v7, v7;
	v10 =	vsub.f32 v15, v10;
	v17 =	vsub.f32 v8, v17  }
0x4a: {  	v9 =	vmul.f32 v9, v9;
	v8 =	vld [tilespmem:s18+$0x900];
	v12 =	vsub.f32 v12, v18;
	v13 =	vsub.f32 v13, v19  }
0x4b: {  	v4 =	vld [tilespmem:s18+$0x2900];
	v18 =	vmul.f32 $6.553700000e+04, v11;
	v7 =	vadd.f32 v20, v7;
	v10 =	vsub.f32 v15, v10;
	[tilespmem:s19+$0x7B00] =	vst v17  }
0x4c: {  	v16 =	vmul.f32 v3, v3;
	v17 =	vmul.f32 v11, v11;
	[tilespmem:s19+$0x8B00] =	vst v12;
	v12 =	vsub.f32 v14, v3  }
0x4d: {  	v19 =	vsub.f32 v18, v11;
	v3 =	vmul.f32 v1, v1;
	[tilespmem:s19+$0x9B00] =	vst v13;
	v13 =	vadd.f32 v9, v7  }
0x4e: {  	v7 =	vmul.f32 $6.553700000e+04, v1;
	v9 =	vmul.f32 $6.553700000e+04, v2;
	v11 =	vld [tilespmem:s18+$0x3900];
	v15 =	vsub.f32 v14, v12  }
0x4f: {  	s20 =	simm.s32 $0x80;
	[tilespmem:s19+$0xCB00] =	vst v10;
	v14 =	vsub.f32 v18, v19;
	v16 =	vadd.f32 v16, v17;
	v10 =	vmovc v2;
	v12 =	vmul.f32 $6.553700000e+04, v8  }
.LBB2_2:
0x50: {  	s21 =	sshra.s32 s20, $0x2;
	p0 =	sne.s32 s20, $0x3FC0;
	s20 =	sadd.s32 $0x40, s20;
	v17 =	vmul.f32 $6.553700000e+04, v6;
	v18 =	vmul.f32 $6.553700000e+04, v4;
	[tilespmem:s19+$0xBB00] =	vst v15  }
0x51: {  	v15 =	vld [tilespmem:s21+$0x4900];
	v19 =	vsub.f32 v12, v8;
	[tilespmem:s19+$0xDB00] =	vst v13;
	v13 =	vadd.f32 v5, v16;
	v5 =	vmul.f32 v10, v2  }
0x52: {  	v21 =	vmul.f32 v6, v6;
	v10 =	vld [tilespmem:s21+$0x5900];
	v16 =	vsub.f32 v17, v6;
	v20 =	vsub.f32 v18, v4;
	[tilespmem:s19+$0xAB00] =	vst v14  }
0x53: {  	v14 =	vmul.f32 v8, v8;
	v6 =	vld [tilespmem:s21+$0x1900];
	v12 =	vsub.f32 v12, v19;
	v19 =	vmul.f32 v11, v11;
	[tilespmem:s19+$0xEB00] =	vst v13;
	s19 =	smov.u32 s18;
	s18 =	smov.u32 s21  }
0x54: {  	v8 =	vld [tilespmem:s18+$0x900];
	v13 =	vsub.f32 v17, v16;
	v16 =	vsub.f32 v18, v20;
	v17 =	vmul.f32 $6.553700000e+04, v11  }
.Ltmp0:
0x55: {  	v22 =	vsub.f32 v9, v2;
	[tilespmem:s19+$0x7B00] =	vst v12;
	v12 =	vadd.f32 v21, v14;
	v14 =	vmul.f32 v4, v4;
	v4 =	vld [tilespmem:s18+$0x2900];
	(pc) =	sbr.rel @p0 .LBB2_2-.Ltmp0, $4  }
0x56: {  	v20 =	vsub.f32 v7, v1;
	[tilespmem:s19+$0x8B00] =	vst v13;
	v18 =	vsub.f32 v17, v11;
	v1 =	vmov v15  }
0x57: {  	v21 =	vmul.f32 v15, v1;
	[tilespmem:s19+$0x9B00] =	vst v16;
	v16 =	vsub.f32 v9, v22;
	v13 =	vadd.f32 v14, v12  }
0x58: {  	v9 =	vmul.f32 $6.553700000e+04, v10;
	v15 =	vsub.f32 v7, v20;
	v7 =	vmul.f32 $6.553700000e+04, v1;
	v2 =	vmovc v10;
	v11 =	vld [tilespmem:s18+$0x3900]  }
0x59: {  	v14 =	vsub.f32 v17, v18;
	v12 =	vmul.f32 $6.553700000e+04, v8;
	[tilespmem:s19+$0xCB00] =	vst v16;
	v16 =	vadd.f32 v3, v19;
	v3 =	vmovc v21  }
0x5a: {  	v17 =	vmul.f32 $6.553700000e+04, v6;
	v18 =	vmul.f32 $6.553700000e+04, v4;
	[tilespmem:s19+$0xBB00] =	vst v15;
	v57 =	vsub.f32 v9, v2  }
0x5b: {  	[tilespmem:s19+$0xDB00] =	vst v13;
	v53 =	vmul.f32 v6, v6;
	v1 =	vsub.f32 v7, v1;
	v5 =	vadd.f32 v5, v16  }
0x5c: {  	v54 =	vmul.f32 v8, v8;
	v50 =	vsub.f32 v12, v8;
	[tilespmem:s19+$0xAB00] =	vst v14;
	v61 =	vsub.f32 v9, v57  }
0x5d: {  	v60 =	vmul.f32 v4, v4;
	v51 =	vsub.f32 v17, v6;
	v1 =	vsub.f32 v7, v1;
	[tilespmem:s19+$0xEB00] =	vst v5  }
0x5e: {  	v52 =	vsub.f32 v18, v4;
	v12 =	vsub.f32 v12, v50;
	v59 =	vmul.f32 $6.553700000e+04, v11;
	[tilespmem:s18+$0xCB00] =	vst v61  }
0x5f: {  	v6 =	vadd.f32 v53, v54;
	v55 =	vmul.f32 v11, v11;
	v56 =	vsub.f32 v17, v51;
	[tilespmem:s18+$0xBB00] =	vst v1  }
0x60: {  	v58 =	vsub.f32 v18, v52;
	[tilespmem:s18+$0x7B00] =	vst v12;
	v62 =	vsub.f32 v59, v11  }
0x61: {  	v2 =	vmul.f32 v10, v2;
	v4 =	vadd.f32 v60, v6;
	v3 =	vadd.f32 v3, v55;
	[tilespmem:s18+$0x8B00] =	vst v56  }
0x62: {  	[tilespmem:s18+$0x9B00] =	vst v58;
	v63 =	vsub.f32 v59, v62  }
0x63: {  	[tilespmem:s18+$0xDB00] =	vst v4;
	v1 =	vadd.f32 v2, v3  }
0x64: {  	[tilespmem:s18+$0xAB00] =	vst v63  }
0x65: {  	s19 =	simm.s32 $0x0;
	[tilespmem:s18+$0xEB00] =	vst v1  }
.LBB2_4:
0x66: {  	s20 =	sshll.u32 s19, $0x4  }
0x67: {  	v3 =	vld [tilespmem:s20+$0x0]  }
0x68: {  	v2 =	vld [tilespmem:s20+$0x300]  }
0x69: {  	v1 =	vld [tilespmem:s20+$0x600];
	_ =	sdelay $0x3  }
0x6a: {  	v17 =	vimm.s32 $0x0;
	v18 =	vimm.s32 $0x0;
	v4 =	vmul.f32 $6.553700000e+04, v3  }
0x6b: {  	v19 =	vimm.s32 $0x0;
	v5 =	vmul.f32 $6.553700000e+04, v2;
	v6 =	vmul.f32 $6.553700000e+04, v1  }
0x6c: {  	v20 =	vimm.s32 $0x0;
	v7 =	vmul.f32 v3, v3;
	v8 =	vmul.f32 v2, v2  }
0x6d: {  	v21 =	vimm.s32 $0x0;
	v9 =	vsub.f32 v4, v3;
	v10 =	vsub.f32 v5, v2  }
0x6e: {  	v11 =	vsub.f32 v6, v1;
	v7 =	vadd.f32 v8, v7;
	v8 =	vmul.f32 v1, v1  }
0x6f: {  	v12 =	vimm.f32 $1.000000020e+30;
	v4 =	vsub.f32 v4, v9;
	v5 =	vsub.f32 v5, v10  }
0x70: {  	s21 =	simm.s32 $0xF;
	s22 =	simm.s32 $0x7B00;
	v6 =	vsub.f32 v6, v11;
	v7 =	vadd.f32 v8, v7;
	v8 =	vimm.f32 $1.000000020e+30  }
0x71: {  	s23 =	simm.s32 $0x8B00;
	s24 =	simm.s32 $0x9B00;
	s18 =	simm.s32 $0xDB00;
	v9 =	vimm.f32 $1.000000020e+30;
	v10 =	vimm.f32 $1.000000020e+30;
	v11 =	vimm.f32 $1.000000020e+30  }
.LBB2_5:
0x72: {  	v16 =	vld [tilespmem:s22+$0x0]  }
0x73: {  	v15 =	vld [tilespmem:s23+$0x0]  }
0x74: {  	v14 =	vld [tilespmem:s24+$0x0];
	_ =	sdelay $0x3  }
0x75: {  	v22 =	vbroadcast v16, $0x0;
	v23 =	vbroadcast v15, $0x0  }
0x76: {  	v13 =	vld [tilespmem:s18+$0x0];
	v24 =	vbroadcast v14, $0x0  }
0x77: {  	v22 =	vmul.f32 v22, v4;
	v23 =	vmul.f32 v23, v5;
	_ =	sdelay $0x1  }
0x78: {  	v22 =	vadd.f32 v23, v22;
	v23 =	vmul.f32 v24, v6;
	_ =	sdelay $0x1  }
0x79: {  	v22 =	vadd.f32 v23, v22;
	v23 =	vbroadcast v13, $0x0;
	_ =	sdelay $0x1  }
0x7a: {  	v23 =	vadd.f32 v23, v7;
	v22 =	vadd.f32 v22, v22;
	_ =	sdelay $0x1  }
0x7b: {  	v22 =	vsub.f32 v23, v22  }
0x7c: {  	v28 =	vbroadcast v15, $0x1;
	v23 =	vbroadcast v16, $0x1  }
0x7d: {  	v25 =	vbroadcast v14, $0x1;
	v22 =	vmax.f32 v22, $0.0e+00  }
0x7e: {  	v24 =	vmul.f32 v28, v5;
	v23 =	vmul.f32 v23, v4;
	vm0 =	vlt.f32 v22, v12  }
0x7f: {  	v26 =	vsel vm0, v22, v12;
	v12 =	vsel vm0, v12, v22  }
0x80: {  	s25 =	sadd.s32 $0xFFFFFFF1, s21;
	v22 =	vadd.f32 v24, v23;
	v23 =	vmul.f32 v25, v6;
	vm1 =	vlt.f32 v12, v11  }
0x81: {  	v29 =	vsel vm0, s25, v21;
	v21 =	vnsel vm0, s25, v21;
	v30 =	vsel vm1, v12, v11  }
0x82: {  	v11 =	vsel vm1, v11, v12;
	v12 =	vadd.f32 v23, v22;
	v22 =	vbroadcast v13, $0x1  }
0x83: {  	v23 =	vsel vm1, v21, v20;
	v20 =	vsel vm1, v20, v21;
	vm11 =	vlt.f32 v11, v10  }
0x84: {  	v21 =	vsel vm11, v10, v11;
	v22 =	vadd.f32 v22, v7;
	v12 =	vadd.f32 v12, v12  }
0x85: {  	v10 =	vsel vm11, v11, v10;
	v11 =	vsel vm11, v20, v19;
	vm12 =	vlt.f32 v21, v9  }
0x86: {  	v19 =	vsel vm11, v19, v20;
	v20 =	vsel vm12, v21, v9;
	v12 =	vsub.f32 v22, v12  }
0x87: {  	v9 =	vsel vm12, v9, v21;
	v21 =	vsel vm12, v19, v18;
	v18 =	vsel vm12, v18, v19  }
0x88: {  	v19 =	vbroadcast v16, $0x2;
	v22 =	vbroadcast v14, $0x2;
	vm13 =	vlt.f32 v9, v8  }
0x89: {  	v12 =	vmax.f32 v12, $0.0e+00;
	v8 =	vsel vm13, v9, v8;
	v9 =	vbroadcast v15, $0x2  }
0x8a: {  	v17 =	vsel vm13, v18, v17;
	v19 =	vmul.f32 v19, v4;
	vm14 =	vlt.f32 v12, v26  }
0x8b: {  	s25 =	sadd.s32 $0xFFFFFFF2, s21;
	v18 =	vsel vm14, v12, v26;
	v12 =	vsel vm14, v26, v12;
	v9 =	vmul.f32 v9, v5  }
0x8c: {  	v31 =	vsel vm14, s25, v29;
	v24 =	vnsel vm14, s25, v29;
	vm15 =	vlt.f32 v12, v30  }
0x8d: {  	v27 =	vsel vm15, v12, v30;
	v9 =	vadd.f32 v9, v19;
	v19 =	vmul.f32 v22, v6  }
0x8e: {  	v12 =	vsel vm15, v30, v12;
	v22 =	vsel vm15, v24, v23;
	v23 =	vsel vm15, v23, v24  }
0x8f: {  	vm4 =	vlt.f32 v12, v10;
	v9 =	vadd.f32 v19, v9;
	v19 =	vbroadcast v13, $0x2  }
0x90: {  	v32 =	vsel vm4, v12, v10;
	v10 =	vsel vm4, v10, v12;
	v12 =	vsel vm4, v23, v11  }
0x91: {  	vm5 =	vlt.f32 v10, v20;
	v19 =	vadd.f32 v19, v7;
	v9 =	vadd.f32 v9, v9  }
0x92: {  	v11 =	vsel vm4, v11, v23;
	v23 =	vsel vm5, v10, v20;
	v10 =	vsel vm5, v20, v10  }
0x93: {  	v20 =	vsel vm5, v11, v21;
	v9 =	vsub.f32 v19, v9;
	v19 =	vbroadcast v16, $0x3  }
0x94: {  	v11 =	vsel vm5, v21, v11;
	v21 =	vbroadcast v15, $0x3;
	vm6 =	vlt.f32 v10, v8  }
0x95: {  	v8 =	vsel vm6, v10, v8;
	v9 =	vmax.f32 v9, $0.0e+00;
	v10 =	vmul.f32 v19, v4  }
0x96: {  	v19 =	vmul.f32 v21, v5;
	v21 =	vbroadcast v14, $0x3;
	vm7 =	vlt.f32 v9, v18  }
0x97: {  	v11 =	vsel vm6, v11, v17;
	v17 =	vsel vm7, v9, v18;
	v9 =	vsel vm7, v18, v9  }
0x98: {  	s25 =	sadd.s32 $0xFFFFFFF3, s21;
	v10 =	vadd.f32 v19, v10;
	v18 =	vmul.f32 v21, v6;
	vm8 =	vlt.f32 v9, v27  }
0x99: {  	v19 =	vsel vm7, s25, v31;
	v21 =	vnsel vm7, s25, v31;
	v33 =	vsel vm8, v9, v27  }
0x9a: {  	v9 =	vsel vm8, v27, v9;
	v10 =	vadd.f32 v18, v10;
	v18 =	vbroadcast v13, $0x3  }
0x9b: {  	v26 =	vsel vm8, v21, v22;
	v21 =	vsel vm8, v22, v21;
	vm9 =	vlt.f32 v9, v32  }
0x9c: {  	v22 =	vsel vm9, v32, v9;
	v18 =	vadd.f32 v18, v7;
	v10 =	vadd.f32 v10, v10  }
0x9d: {  	v9 =	vsel vm9, v9, v32;
	v34 =	vsel vm9, v21, v12;
	vm10 =	vlt.f32 v22, v23  }
0x9e: {  	v12 =	vsel vm9, v12, v21;
	v21 =	vsel vm10, v22, v23;
	v10 =	vsub.f32 v18, v10  }
0x9f: {  	v18 =	vsel vm10, v23, v22;
	v22 =	vsel vm10, v12, v20;
	v12 =	vsel vm10, v20, v12  }
0xa0: {  	v20 =	vbroadcast v16, $0x4;
	vm11 =	vlt.f32 v18, v8;
	v10 =	vmax.f32 v10, $0.0e+00  }
0xa1: {  	v8 =	vsel vm11, v18, v8;
	v18 =	vbroadcast v15, $0x4;
	vm12 =	vlt.f32 v10, v17  }
0xa2: {  	v11 =	vsel vm11, v12, v11;
	v20 =	vmul.f32 v20, v4;
	v12 =	vsel vm12, v10, v17  }
0xa3: {  	s25 =	sadd.s32 $0xFFFFFFF4, s21;
	v10 =	vsel vm12, v17, v10;
	v17 =	vmul.f32 v18, v5;
	v18 =	vbroadcast v14, $0x4  }
0xa4: {  	v23 =	vsel vm12, s25, v19;
	v19 =	vnsel vm12, s25, v19;
	vm13 =	vlt.f32 v10, v33  }
0xa5: {  	v35 =	vsel vm13, v10, v33;
	v17 =	vadd.f32 v17, v20;
	v18 =	vmul.f32 v18, v6  }
0xa6: {  	v10 =	vsel vm13, v33, v10;
	v20 =	vsel vm13, v19, v26;
	v19 =	vsel vm13, v26, v19  }
0xa7: {  	vm14 =	vlt.f32 v10, v9;
	v17 =	vadd.f32 v18, v17;
	v18 =	vbroadcast v13, $0x4  }
0xa8: {  	v25 =	vsel vm14, v10, v9;
	v9 =	vsel vm14, v9, v10;
	v10 =	vsel vm14, v19, v34  }
0xa9: {  	vm15 =	vlt.f32 v9, v21;
	v18 =	vadd.f32 v18, v7;
	v17 =	vadd.f32 v17, v17  }
0xaa: {  	v19 =	vsel vm14, v34, v19;
	v36 =	vsel vm15, v9, v21;
	v9 =	vsel vm15, v21, v9  }
0xab: {  	v21 =	vsel vm15, v19, v22;
	v17 =	vsub.f32 v18, v17;
	v18 =	vbroadcast v16, $0x5  }
0xac: {  	v19 =	vsel vm15, v22, v19;
	v22 =	vbroadcast v15, $0x5;
	vm4 =	vlt.f32 v9, v8  }
0xad: {  	v8 =	vsel vm4, v9, v8;
	v9 =	vmax.f32 v17, $0.0e+00;
	v17 =	vmul.f32 v18, v4  }
0xae: {  	v18 =	vmul.f32 v22, v5;
	v22 =	vbroadcast v14, $0x5;
	vm5 =	vlt.f32 v9, v12  }
0xaf: {  	v11 =	vsel vm4, v19, v11;
	v19 =	vsel vm5, v9, v12;
	v9 =	vsel vm5, v12, v9  }
0xb0: {  	s25 =	sadd.s32 $0xFFFFFFF5, s21;
	v12 =	vadd.f32 v18, v17;
	v17 =	vmul.f32 v22, v6;
	vm6 =	vlt.f32 v9, v35  }
0xb1: {  	v18 =	vsel vm5, s25, v23;
	v22 =	vnsel vm5, s25, v23;
	v23 =	vsel vm6, v9, v35  }
0xb2: {  	v9 =	vsel vm6, v35, v9;
	v12 =	vadd.f32 v17, v12;
	v17 =	vbroadcast v13, $0x5  }
0xb3: {  	v37 =	vsel vm6, v22, v20;
	v20 =	vsel vm6, v20, v22;
	vm7 =	vlt.f32 v9, v25  }
0xb4: {  	v22 =	vsel vm7, v25, v9;
	v17 =	vadd.f32 v17, v7;
	v12 =	vadd.f32 v12, v12  }
0xb5: {  	v9 =	vsel vm7, v9, v25;
	v38 =	vsel vm7, v20, v10;
	vm8 =	vlt.f32 v22, v36  }
0xb6: {  	v10 =	vsel vm7, v10, v20;
	v20 =	vsel vm8, v22, v36;
	v12 =	vsub.f32 v17, v12  }
0xb7: {  	v17 =	vsel vm8, v36, v22;
	v22 =	vsel vm8, v10, v21;
	v10 =	vsel vm8, v21, v10  }
0xb8: {  	v21 =	vbroadcast v16, $0x6;
	vm9 =	vlt.f32 v17, v8;
	v12 =	vmax.f32 v12, $0.0e+00  }
0xb9: {  	v8 =	vsel vm9, v17, v8;
	v17 =	vbroadcast v15, $0x6;
	vm10 =	vlt.f32 v12, v19  }
0xba: {  	v10 =	vsel vm9, v10, v11;
	v21 =	vmul.f32 v21, v4;
	v11 =	vsel vm10, v12, v19  }
0xbb: {  	s25 =	sadd.s32 $0xFFFFFFF6, s21;
	v12 =	vsel vm10, v19, v12;
	v17 =	vmul.f32 v17, v5;
	v19 =	vbroadcast v14, $0x6  }
0xbc: {  	v39 =	vsel vm10, s25, v18;
	v18 =	vnsel vm10, s25, v18;
	vm11 =	vlt.f32 v12, v23  }
0xbd: {  	v40 =	vsel vm11, v12, v23;
	v17 =	vadd.f32 v17, v21;
	v19 =	vmul.f32 v19, v6  }
0xbe: {  	v12 =	vsel vm11, v23, v12;
	v21 =	vsel vm11, v18, v37;
	v18 =	vsel vm11, v37, v18  }
0xbf: {  	vm12 =	vlt.f32 v12, v9;
	v17 =	vadd.f32 v19, v17;
	v19 =	vbroadcast v13, $0x6  }
0xc0: {  	v23 =	vsel vm12, v12, v9;
	v9 =	vsel vm12, v9, v12;
	v12 =	vsel vm12, v18, v38  }
0xc1: {  	vm13 =	vlt.f32 v9, v20;
	v19 =	vadd.f32 v19, v7;
	v17 =	vadd.f32 v17, v17  }
0xc2: {  	v18 =	vsel vm12, v38, v18;
	v41 =	vsel vm13, v9, v20;
	v9 =	vsel vm13, v20, v9  }
0xc3: {  	v20 =	vsel vm13, v18, v22;
	v17 =	vsub.f32 v19, v17;
	v19 =	vbroadcast v16, $0x7  }
0xc4: {  	v18 =	vsel vm13, v22, v18;
	v22 =	vbroadcast v15, $0x7;
	vm14 =	vlt.f32 v9, v8  }
0xc5: {  	v8 =	vsel vm14, v9, v8;
	v9 =	vmax.f32 v17, $0.0e+00;
	v17 =	vmul.f32 v19, v4  }
0xc6: {  	v19 =	vmul.f32 v22, v5;
	v22 =	vbroadcast v14, $0x7;
	vm15 =	vlt.f32 v9, v11  }
0xc7: {  	v10 =	vsel vm14, v18, v10;
	v18 =	vsel vm15, v9, v11;
	v9 =	vsel vm15, v11, v9  }
0xc8: {  	s25 =	sadd.s32 $0xFFFFFFF7, s21;
	v11 =	vadd.f32 v19, v17;
	v17 =	vmul.f32 v22, v6;
	vm4 =	vlt.f32 v9, v40  }
0xc9: {  	v19 =	vsel vm15, s25, v39;
	v22 =	vnsel vm15, s25, v39;
	v42 =	vsel vm4, v9, v40  }
0xca: {  	v9 =	vsel vm4, v40, v9;
	v11 =	vadd.f32 v17, v11;
	v17 =	vbroadcast v13, $0x7  }
0xcb: {  	v43 =	vsel vm4, v22, v21;
	v21 =	vsel vm4, v21, v22;
	vm5 =	vlt.f32 v9, v23  }
0xcc: {  	v22 =	vsel vm5, v23, v9;
	v17 =	vadd.f32 v17, v7;
	v11 =	vadd.f32 v11, v11  }
0xcd: {  	v9 =	vsel vm5, v9, v23;
	v23 =	vsel vm5, v21, v12;
	vm6 =	vlt.f32 v22, v41  }
0xce: {  	v12 =	vsel vm5, v12, v21;
	v21 =	vsel vm6, v22, v41;
	v11 =	vsub.f32 v17, v11  }
0xcf: {  	v17 =	vsel vm6, v41, v22;
	v22 =	vsel vm6, v12, v20;
	v12 =	vsel vm6, v20, v12  }
0xd0: {  	v20 =	vbroadcast v16, $0x8;
	vm7 =	vlt.f32 v17, v8;
	v11 =	vmax.f32 v11, $0.0e+00  }
0xd1: {  	v8 =	vsel vm7, v17, v8;
	v17 =	vbroadcast v15, $0x8;
	vm8 =	vlt.f32 v11, v18  }
0xd2: {  	v10 =	vsel vm7, v12, v10;
	v20 =	vmul.f32 v20, v4;
	v12 =	vsel vm8, v11, v18  }
0xd3: {  	s25 =	sadd.s32 $0xFFFFFFF8, s21;
	v11 =	vsel vm8, v18, v11;
	v17 =	vmul.f32 v17, v5;
	v18 =	vbroadcast v14, $0x8  }
0xd4: {  	v44 =	vsel vm8, s25, v19;
	v19 =	vnsel vm8, s25, v19;
	vm9 =	vlt.f32 v11, v42  }
0xd5: {  	v45 =	vsel vm9, v11, v42;
	v17 =	vadd.f32 v17, v20;
	v18 =	vmul.f32 v18, v6  }
0xd6: {  	v11 =	vsel vm9, v42, v11;
	v20 =	vsel vm9, v19, v43;
	v19 =	vsel vm9, v43, v19  }
0xd7: {  	vm10 =	vlt.f32 v11, v9;
	v17 =	vadd.f32 v18, v17;
	v18 =	vbroadcast v13, $0x8  }
0xd8: {  	v24 =	vsel vm10, v11, v9;
	v9 =	vsel vm10, v9, v11;
	v11 =	vsel vm10, v19, v23  }
0xd9: {  	vm11 =	vlt.f32 v9, v21;
	v18 =	vadd.f32 v18, v7;
	v17 =	vadd.f32 v17, v17  }
0xda: {  	v19 =	vsel vm10, v23, v19;
	v23 =	vsel vm11, v9, v21;
	v9 =	vsel vm11, v21, v9  }
0xdb: {  	v21 =	vsel vm11, v19, v22;
	v17 =	vsub.f32 v18, v17;
	v18 =	vbroadcast v16, $0x9  }
0xdc: {  	v19 =	vsel vm11, v22, v19;
	v22 =	vbroadcast v15, $0x9;
	vm12 =	vlt.f32 v9, v8  }
0xdd: {  	v8 =	vsel vm12, v9, v8;
	v9 =	vmax.f32 v17, $0.0e+00;
	v17 =	vmul.f32 v18, v4  }
0xde: {  	v18 =	vmul.f32 v22, v5;
	v22 =	vbroadcast v14, $0x9;
	vm13 =	vlt.f32 v9, v12  }
0xdf: {  	v10 =	vsel vm12, v19, v10;
	v19 =	vsel vm13, v9, v12;
	v9 =	vsel vm13, v12, v9  }
0xe0: {  	s25 =	sadd.s32 $0xFFFFFFF9, s21;
	v12 =	vadd.f32 v18, v17;
	v17 =	vmul.f32 v22, v6;
	vm14 =	vlt.f32 v9, v45  }
0xe1: {  	v18 =	vsel vm13, s25, v44;
	v22 =	vnsel vm13, s25, v44;
	v46 =	vsel vm14, v9, v45  }
0xe2: {  	v9 =	vsel vm14, v45, v9;
	v12 =	vadd.f32 v17, v12;
	v17 =	vbroadcast v13, $0x9  }
0xe3: {  	v47 =	vsel vm14, v22, v20;
	v20 =	vsel vm14, v20, v22;
	vm15 =	vlt.f32 v9, v24  }
0xe4: {  	v22 =	vsel vm15, v24, v9;
	v17 =	vadd.f32 v17, v7;
	v12 =	vadd.f32 v12, v12  }
0xe5: {  	v9 =	vsel vm15, v9, v24;
	v48 =	vsel vm15, v20, v11;
	vm4 =	vlt.f32 v22, v23  }
0xe6: {  	v11 =	vsel vm15, v11, v20;
	v20 =	vsel vm4, v22, v23;
	v12 =	vsub.f32 v17, v12  }
0xe7: {  	v17 =	vsel vm4, v23, v22;
	v22 =	vsel vm4, v11, v21;
	v11 =	vsel vm4, v21, v11  }
0xe8: {  	v21 =	vbroadcast v16, $0xA;
	vm5 =	vlt.f32 v17, v8;
	v12 =	vmax.f32 v12, $0.0e+00  }
0xe9: {  	v8 =	vsel vm5, v17, v8;
	v17 =	vbroadcast v15, $0xA;
	vm6 =	vlt.f32 v12, v19  }
0xea: {  	v10 =	vsel vm5, v11, v10;
	v21 =	vmul.f32 v21, v4;
	v11 =	vsel vm6, v12, v19  }
0xeb: {  	s25 =	sadd.s32 $0xFFFFFFFA, s21;
	v12 =	vsel vm6, v19, v12;
	v17 =	vmul.f32 v17, v5;
	v19 =	vbroadcast v14, $0xA  }
0xec: {  	v23 =	vsel vm6, s25, v18;
	v18 =	vnsel vm6, s25, v18;
	vm7 =	vlt.f32 v12, v46  }
0xed: {  	v49 =	vsel vm7, v12, v46;
	v17 =	vadd.f32 v17, v21;
	v19 =	vmul.f32 v19, v6  }
0xee: {  	v12 =	vsel vm7, v46, v12;
	v21 =	vsel vm7, v18, v47;
	v18 =	vsel vm7, v47, v18  }
0xef: {  	vm8 =	vlt.f32 v12, v9;
	v17 =	vadd.f32 v19, v17;
	v19 =	vbroadcast v13, $0xA  }
0xf0: {  	v25 =	vsel vm8, v12, v9;
	v9 =	vsel vm8, v9, v12;
	v12 =	vsel vm8, v18, v48  }
0xf1: {  	vm9 =	vlt.f32 v9, v20;
	v19 =	vadd.f32 v19, v7;
	v17 =	vadd.f32 v17, v17  }
0xf2: {  	v18 =	vsel vm8, v48, v18;
	v50 =	vsel vm9, v9, v20;
	v9 =	vsel vm9, v20, v9  }
0xf3: {  	v20 =	vsel vm9, v18, v22;
	v17 =	vsub.f32 v19, v17;
	v19 =	vbroadcast v16, $0xB  }
0xf4: {  	v18 =	vsel vm9, v22, v18;
	v22 =	vbroadcast v15, $0xB;
	vm10 =	vlt.f32 v9, v8  }
0xf5: {  	v8 =	vsel vm10, v9, v8;
	v9 =	vmax.f32 v17, $0.0e+00;
	v17 =	vmul.f32 v19, v4  }
0xf6: {  	v19 =	vmul.f32 v22, v5;
	v22 =	vbroadcast v14, $0xB;
	vm11 =	vlt.f32 v9, v11  }
0xf7: {  	v10 =	vsel vm10, v18, v10;
	v18 =	vsel vm11, v9, v11;
	v9 =	vsel vm11, v11, v9  }
0xf8: {  	s25 =	sadd.s32 $0xFFFFFFFB, s21;
	v11 =	vadd.f32 v19, v17;
	v17 =	vmul.f32 v22, v6;
	vm12 =	vlt.f32 v9, v49  }
0xf9: {  	v19 =	vsel vm11, s25, v23;
	v22 =	vnsel vm11, s25, v23;
	v23 =	vsel vm12, v9, v49  }
0xfa: {  	v9 =	vsel vm12, v49, v9;
	v11 =	vadd.f32 v17, v11;
	v17 =	vbroadcast v13, $0xB  }
0xfb: {  	v51 =	vsel vm12, v22, v21;
	v21 =	vsel vm12, v21, v22;
	vm13 =	vlt.f32 v9, v25  }
0xfc: {  	v22 =	vsel vm13, v25, v9;
	v17 =	vadd.f32 v17, v7;
	v11 =	vadd.f32 v11, v11  }
0xfd: {  	v9 =	vsel vm13, v9, v25;
	v52 =	vsel vm13, v21, v12;
	vm14 =	vlt.f32 v22, v50  }
0xfe: {  	v12 =	vsel vm13, v12, v21;
	v21 =	vsel vm14, v22, v50;
	v11 =	vsub.f32 v17, v11  }
0xff: {  	v17 =	vsel vm14, v50, v22;
	v22 =	vsel vm14, v12, v20;
	v12 =	vsel vm14, v20, v12  }
0x100: {  	v20 =	vbroadcast v16, $0xC;
	vm15 =	vlt.f32 v17, v8;
	v11 =	vmax.f32 v11, $0.0e+00  }
0x101: {  	v8 =	vsel vm15, v17, v8;
	v17 =	vbroadcast v15, $0xC;
	vm4 =	vlt.f32 v11, v18  }
0x102: {  	v10 =	vsel vm15, v12, v10;
	v20 =	vmul.f32 v20, v4;
	v12 =	vsel vm4, v11, v18  }
0x103: {  	s25 =	sadd.s32 $0xFFFFFFFC, s21;
	v11 =	vsel vm4, v18, v11;
	v17 =	vmul.f32 v17, v5;
	v18 =	vbroadcast v14, $0xC  }
0x104: {  	v53 =	vsel vm4, s25, v19;
	v19 =	vnsel vm4, s25, v19;
	vm5 =	vlt.f32 v11, v23  }
0x105: {  	v54 =	vsel vm5, v11, v23;
	v17 =	vadd.f32 v17, v20;
	v18 =	vmul.f32 v18, v6  }
0x106: {  	v11 =	vsel vm5, v23, v11;
	v20 =	vsel vm5, v19, v51;
	v19 =	vsel vm5, v51, v19  }
0x107: {  	vm6 =	vlt.f32 v11, v9;
	v17 =	vadd.f32 v18, v17;
	v18 =	vbroadcast v13, $0xC  }
0x108: {  	v23 =	vsel vm6, v11, v9;
	v9 =	vsel vm6, v9, v11;
	v11 =	vsel vm6, v19, v52  }
0x109: {  	v19 =	vsel vm6, v52, v19;
	vm7 =	vlt.f32 v9, v21;
	v18 =	vadd.f32 v18, v7  }
0x10a: {  	v17 =	vadd.f32 v17, v17;
	v55 =	vsel vm7, v9, v21;
	v9 =	vsel vm7, v21, v9  }
0x10b: {  	v21 =	vsel vm7, v19, v22;
	v19 =	vsel vm7, v22, v19;
	v22 =	vbroadcast v15, $0xD  }
0x10c: {  	vm8 =	vlt.f32 v9, v8;
	v17 =	vsub.f32 v18, v17;
	v18 =	vbroadcast v16, $0xD  }
0x10d: {  	v58 =	vbroadcast v14, $0xE;
	v8 =	vsel vm8, v9, v8;
	v10 =	vsel vm8, v19, v10  }
0x10e: {  	v9 =	vmax.f32 v17, $0.0e+00;
	v17 =	vmul.f32 v18, v4;
	v18 =	vmul.f32 v22, v5  }
0x10f: {  	v22 =	vbroadcast v14, $0xD;
	v14 =	vbroadcast v14, $0xF;
	vm9 =	vlt.f32 v9, v12  }
0x110: {  	s25 =	sadd.s32 $0xFFFFFFFD, s21;
	v19 =	vsel vm9, v9, v12;
	v9 =	vsel vm9, v12, v9;
	v12 =	vadd.f32 v18, v17  }
0x111: {  	v17 =	vmul.f32 v22, v6;
	v18 =	vsel vm9, s25, v53;
	vm10 =	vlt.f32 v9, v54  }
0x112: {  	v22 =	vnsel vm9, s25, v53;
	v14 =	vmul.f32 v14, v6;
	v56 =	vsel vm10, v9, v54  }
0x113: {  	v9 =	vsel vm10, v54, v9;
	v12 =	vadd.f32 v17, v12;
	v17 =	vbroadcast v13, $0xD  }
0x114: {  	v57 =	vsel vm10, v22, v20;
	v20 =	vsel vm10, v20, v22;
	vm11 =	vlt.f32 v9, v23  }
0x115: {  	v22 =	vsel vm11, v23, v9;
	v17 =	vadd.f32 v17, v7;
	v12 =	vadd.f32 v12, v12  }
0x116: {  	v9 =	vsel vm11, v9, v23;
	v23 =	vsel vm11, v20, v11;
	vm12 =	vlt.f32 v22, v55  }
0x117: {  	v11 =	vsel vm11, v11, v20;
	v20 =	vsel vm12, v22, v55;
	v12 =	vsub.f32 v17, v12  }
0x118: {  	v17 =	vsel vm12, v55, v22;
	v22 =	vsel vm12, v11, v21;
	v11 =	vsel vm12, v21, v11  }
0x119: {  	v21 =	vbroadcast v16, $0xE;
	v16 =	vbroadcast v16, $0xF;
	vm13 =	vlt.f32 v17, v8  }
0x11a: {  	v12 =	vmax.f32 v12, $0.0e+00;
	v8 =	vsel vm13, v17, v8;
	v17 =	vbroadcast v15, $0xE  }
0x11b: {  	v10 =	vsel vm13, v11, v10;
	v21 =	vmul.f32 v21, v4;
	vm14 =	vlt.f32 v12, v19  }
0x11c: {  	s25 =	sadd.s32 $0xFFFFFFFE, s21;
	v15 =	vbroadcast v15, $0xF;
	v16 =	vmul.f32 v16, v4;
	v11 =	vsel vm14, v19, v12  }
0x11d: {  	v17 =	vmul.f32 v17, v5;
	v60 =	vnsel vm14, s25, v18;
	vm15 =	vlt.f32 v11, v56  }
0x11e: {  	v12 =	vsel vm14, v12, v19;
	v59 =	vsel vm15, v11, v56;
	v11 =	vsel vm15, v56, v11  }
0x11f: {  	v17 =	vadd.f32 v17, v21;
	v21 =	vmul.f32 v58, v6;
	vm2 =	vlt.f32 v11, v9  }
0x120: {  	v15 =	vmul.f32 v15, v5;
	v18 =	vsel vm14, s25, v18;
	v62 =	vsel vm2, v11, v9  }
0x121: {  	v9 =	vsel vm2, v9, v11;
	v11 =	vadd.f32 v21, v17;
	v17 =	vbroadcast v13, $0xE  }
0x122: {  	v61 =	vsel vm15, v60, v57;
	v24 =	vsel vm15, v57, v60;
	v15 =	vadd.f32 v15, v16  }
0x123: {  	v21 =	vsel vm2, v24, v23;
	v17 =	vadd.f32 v17, v7;
	v11 =	vadd.f32 v11, v11  }
0x124: {  	v14 =	vadd.f32 v14, v15;
	v13 =	vbroadcast v13, $0xF;
	vm4 =	vlt.f32 v9, v20  }
0x125: {  	v23 =	vsel vm2, v23, v24;
	v19 =	vsel vm4, v9, v20;
	v11 =	vsub.f32 v17, v11  }
0x126: {  	v9 =	vsel vm4, v20, v9;
	v13 =	vadd.f32 v13, v7;
	v14 =	vadd.f32 v14, v14  }
0x127: {  	v20 =	vsel vm4, v22, v23;
	vm5 =	vlt.f32 v9, v8;
	v11 =	vmax.f32 v11, $0.0e+00  }
0x128: {  	v8 =	vsel vm5, v9, v8;
	v13 =	vsub.f32 v13, v14;
	vm6 =	vlt.f32 v11, v12  }
0x129: {  	v9 =	vsel vm5, v20, v10;
	v10 =	vsel vm6, v11, v12;
	v11 =	vsel vm6, v12, v11  }
0x12a: {  	s25 =	sadd.s32 $0xFFFFFFFF, s21;
	v17 =	vsel vm4, v23, v22;
	v13 =	vmax.f32 v13, $0.0e+00;
	vm7 =	vlt.f32 v11, v59  }
0x12b: {  	v12 =	vnsel vm6, s25, v18;
	v16 =	vsel vm7, v11, v59;
	v11 =	vsel vm7, v59, v11  }
0x12c: {  	v15 =	vsel vm6, s25, v18;
	v18 =	vsel vm7, v12, v61;
	vm8 =	vlt.f32 v11, v62  }
0x12d: {  	v12 =	vsel vm7, v61, v12;
	v14 =	vsel vm8, v11, v62;
	v11 =	vsel vm8, v62, v11  }
0x12e: {  	vm10 =	vlt.f32 v13, v10;
	v22 =	vsel vm8, v12, v21;
	vm9 =	vlt.f32 v11, v19  }
0x12f: {  	v12 =	vsel vm8, v21, v12;
	v21 =	vsel vm10, s21, v15;
	v23 =	vsel vm9, v11, v19  }
0x130: {  	v11 =	vsel vm9, v19, v11;
	v63 =	vsel vm9, v12, v17;
	v19 =	vsel vm10, v10, v13  }
0x131: {  	v12 =	vsel vm9, v17, v12;
	vm11 =	vlt.f32 v11, v8;
	vm12 =	vlt.f32 v19, v16  }
0x132: {  	v8 =	vsel vm11, v11, v8;
	v17 =	vsel vm11, v12, v9;
	v9 =	vsel vm12, v16, v19  }
0x133: {  	p0 =	sne.s32 s21, $0xFFF;
	v12 =	vsel vm10, v13, v10;
	v10 =	vnsel vm10, s21, v15;
	vm13 =	vlt.f32 v9, v14  }
.Ltmp1:
0x134: {  	v11 =	vsel vm12, v19, v16;
	v20 =	vsel vm12, v10, v18;
	v13 =	vsel vm13, v14, v9;
	(pc) =	sbr.rel @p0 .LBB2_5-.Ltmp1, $4  }
0x135: {  	v15 =	vsel vm12, v18, v10;
	v10 =	vsel vm13, v9, v14;
	vm14 =	vlt.f32 v13, v23  }
0x136: {  	v19 =	vsel vm13, v15, v22;
	v14 =	vsel vm13, v22, v15;
	v15 =	vsel vm14, v23, v13  }
0x137: {  	s22 =	sadd.s32 $0x10, s22;
	s23 =	sadd.s32 $0x10, s23;
	v9 =	vsel vm14, v13, v23;
	v13 =	vsel vm14, v63, v14;
	vm15 =	vlt.f32 v15, v8  }
0x138: {  	s24 =	sadd.s32 $0x10, s24;
	s18 =	sadd.s32 $0x10, s18;
	s21 =	sadd.s32 $0x10, s21;
	v18 =	vsel vm14, v14, v63;
	v8 =	vsel vm15, v15, v8;
	v17 =	vsel vm15, v13, v17  }
0x139: {  	v13 =	vadd.s32 v0, v21;
	_ =	sdelay $0x3  }
0x13a: {  	vm0 =	vmmov $0xffff  }
0x13b: {  	[tilespmem:s28], [sflag:$0x1] =	stream.indirect_vreg.gather [hbm4b:s3+s2], $0x1, v13, vm0, $0xb8;
	[tilespmem:$0x10300] =	vst v63  }
0x13c: {  	v14 =	vadd.s32 v0, v20  }
0x13d: {  	[tilespmem:s29], [sflag:$0x1] =	stream.indirect_vreg.gather [hbm4b:s4+s2], $0x1, v13, vm0, $0xb8;
	[tilespmem:$0x10300] =	vst v63  }
0x13e: {  	_ = 	snop  }
0x13f: {  	[tilespmem:s30], [sflag:$0x1] =	stream.indirect_vreg.gather [hbm4b:s5+s2], $0x1, v13, vm0, $0xb8;
	[tilespmem:$0x10300] =	vst v63  }
0x140: {  	_ = 	snop  }
0x141: {  	[tilespmem:s31], [sflag:$0x1] =	stream.indirect_vreg.gather [hbm4b:s3+s2], $0x1, v14, vm0, $0xb8;
	[tilespmem:$0x10300] =	vst v63  }
0x142: {  	v13 =	vadd.s32 v0, v19  }
0x143: {  	[tilespmem:s0], [sflag:$0x1] =	stream.indirect_vreg.gather [hbm4b:s4+s2], $0x1, v14, vm0, $0xb8;
	[tilespmem:$0x10300] =	vst v63  }
0x144: {  	_ = 	snop  }
0x145: {  	[tilespmem:s1], [sflag:$0x1] =	stream.indirect_vreg.gather [hbm4b:s5+s2], $0x1, v14, vm0, $0xb8;
	[tilespmem:$0x10300] =	vst v63  }
0x146: {  	_ = 	snop  }
0x147: {  	[tilespmem:s26], [sflag:$0x1] =	stream.indirect_vreg.gather [hbm4b:s3+s2], $0x1, v13, vm0, $0xb8;
	[tilespmem:$0x10300] =	vst v63  }
0x148: {  	v14 =	vadd.s32 v0, v18  }
0x149: {  	[tilespmem:s9], [sflag:$0x1] =	stream.indirect_vreg.gather [hbm4b:s4+s2], $0x1, v13, vm0, $0xb8;
	[tilespmem:$0x10300] =	vst v63  }
0x14a: {  	_ = 	snop  }
0x14b: {  	[tilespmem:s10], [sflag:$0x1] =	stream.indirect_vreg.gather [hbm4b:s5+s2], $0x1, v13, vm0, $0xb8;
	[tilespmem:$0x10300] =	vst v63  }
0x14c: {  	_ = 	snop  }
0x14d: {  	[tilespmem:s11], [sflag:$0x1] =	stream.indirect_vreg.gather [hbm4b:s3+s2], $0x1, v14, vm0, $0xb8;
	[tilespmem:$0x10300] =	vst v63  }
0x14e: {  	v13 =	vadd.s32 v0, v17  }
0x14f: {  	[tilespmem:s12], [sflag:$0x1] =	stream.indirect_vreg.gather [hbm4b:s4+s2], $0x1, v14, vm0, $0xb8;
	[tilespmem:$0x10300] =	vst v63  }
0x150: {  	_ = 	snop  }
0x151: {  	[tilespmem:s13], [sflag:$0x1] =	stream.indirect_vreg.gather [hbm4b:s5+s2], $0x1, v14, vm0, $0xb8;
	[tilespmem:$0x10300] =	vst v63  }
0x152: {  	_ = 	snop  }
0x153: {  	[tilespmem:s14], [sflag:$0x1] =	stream.indirect_vreg.gather [hbm4b:s3+s2], $0x1, v13, vm0, $0xb8;
	[tilespmem:$0x10300] =	vst v63  }
0x154: {  	_ = 	snop  }
0x155: {  	[tilespmem:s15], [sflag:$0x1] =	stream.indirect_vreg.gather [hbm4b:s4+s2], $0x1, v13, vm0, $0xb8;
	[tilespmem:$0x10300] =	vst v63  }
0x156: {  	_ = 	snop  }
0x157: {  	[tilespmem:s16], [sflag:$0x1] =	stream.indirect_vreg.gather [hbm4b:s5+s2], $0x1, v13, vm0, $0xb8;
	[tilespmem:$0x10300] =	vst v63  }
0x158: {  	_ =	swait.ge [sflag:s17], $0x10  }
0x159: {  	[sflag:s17] =	ssyncset.done $0x0  }
0x15a: {  	[sflag:s17] =	ssyncadd.s32 $0xFFFFFFF0  }
0x15b: {  	_ =	swait.ge [sflag:s17], $0x10  }
0x15c: {  	[sflag:s17] =	ssyncset.done $0x0  }
0x15d: {  	[sflag:s17] =	ssyncadd.s32 $0xFFFFFFF0  }
0x15e: {  	_ =	swait.ge [sflag:s17], $0x10  }
0x15f: {  	[sflag:s17] =	ssyncset.done $0x0  }
0x160: {  	[sflag:s17] =	ssyncadd.s32 $0xFFFFFFF0  }
0x161: {  	_ =	swait.ge [sflag:s17], $0x10  }
0x162: {  	[sflag:s17] =	ssyncset.done $0x0  }
0x163: {  	[sflag:s17] =	ssyncadd.s32 $0xFFFFFFF0  }
0x164: {  	_ =	swait.ge [sflag:s17], $0x10  }
0x165: {  	[sflag:s17] =	ssyncset.done $0x0  }
0x166: {  	[sflag:s17] =	ssyncadd.s32 $0xFFFFFFF0  }
0x167: {  	_ =	swait.ge [sflag:s17], $0x10  }
0x168: {  	[sflag:s17] =	ssyncset.done $0x0  }
0x169: {  	[sflag:s17] =	ssyncadd.s32 $0xFFFFFFF0  }
0x16a: {  	_ =	swait.ge [sflag:s17], $0x10  }
0x16b: {  	[sflag:s17] =	ssyncset.done $0x0  }
0x16c: {  	[sflag:s17] =	ssyncadd.s32 $0xFFFFFFF0  }
0x16d: {  	_ =	swait.ge [sflag:s17], $0x10  }
0x16e: {  	[sflag:s17] =	ssyncset.done $0x0  }
0x16f: {  	[sflag:s17] =	ssyncadd.s32 $0xFFFFFFF0  }
0x170: {  	_ =	swait.ge [sflag:s17], $0x10  }
0x171: {  	[sflag:s17] =	ssyncset.done $0x0  }
0x172: {  	[sflag:s17] =	ssyncadd.s32 $0xFFFFFFF0  }
0x173: {  	_ =	swait.ge [sflag:s17], $0x10  }
0x174: {  	[sflag:s17] =	ssyncset.done $0x0  }
0x175: {  	[sflag:s17] =	ssyncadd.s32 $0xFFFFFFF0  }
0x176: {  	_ =	swait.ge [sflag:s17], $0x10  }
0x177: {  	[sflag:s17] =	ssyncset.done $0x0  }
0x178: {  	[sflag:s17] =	ssyncadd.s32 $0xFFFFFFF0  }
0x179: {  	_ =	swait.ge [sflag:s17], $0x10  }
0x17a: {  	[sflag:s17] =	ssyncset.done $0x0  }
0x17b: {  	[sflag:s17] =	ssyncadd.s32 $0xFFFFFFF0  }
0x17c: {  	_ =	swait.ge [sflag:s17], $0x10  }
0x17d: {  	[sflag:s17] =	ssyncset.done $0x0  }
0x17e: {  	[sflag:s17] =	ssyncadd.s32 $0xFFFFFFF0  }
0x17f: {  	_ =	swait.ge [sflag:s17], $0x10  }
0x180: {  	[sflag:s17] =	ssyncset.done $0x0  }
0x181: {  	[sflag:s17] =	ssyncadd.s32 $0xFFFFFFF0  }
0x182: {  	_ =	swait.ge [sflag:s17], $0x10  }
0x183: {  	[sflag:s17] =	ssyncset.done $0x0  }
0x184: {  	[sflag:s17] =	ssyncadd.s32 $0xFFFFFFF0  }
0x185: {  	v26 =	vld [tilespmem:$0xFB00]  }
0x186: {  	v25 =	vld [tilespmem:$0xFC80]  }
0x187: {  	v23 =	vld [tilespmem:$0xFE00]  }
0x188: {  	v21 =	vld [tilespmem:$0xFF80]  }
0x189: {  	v15 =	vld [tilespmem:$0x10100]  }
0x18a: {  	v27 =	vld [tilespmem:$0xFB80]  }
0x18b: {  	v24 =	vld [tilespmem:$0xFD00]  }
0x18c: {  	v22 =	vld [tilespmem:$0xFE80]  }
0x18d: {  	v19 =	vld [tilespmem:$0x10000]  }
0x18e: {  	v16 =	vld [tilespmem:$0x10180]  }
0x18f: {  	v20 =	vld [tilespmem:$0xFC00]  }
0x190: {  	v32 =	vimm.f32 $1.000000020e+30;
	v18 =	vld [tilespmem:$0xFD80]  }
0x191: {  	v37 =	vimm.s32 $0x0;
	v38 =	vimm.s32 $0x0;
	v39 =	vimm.s32 $0x0;
	s21 =	simm.s32 $0xF;
	v14 =	vld [tilespmem:$0xFF00]  }
0x192: {  	s22 =	simm.s32 $0xAB00;
	v40 =	vimm.s32 $0x0;
	v41 =	vimm.s32 $0x0;
	v33 =	vimm.f32 $1.000000020e+30;
	s23 =	simm.s32 $0xBB00;
	v13 =	vld [tilespmem:$0x10080]  }
0x193: {  	s24 =	simm.s32 $0xCB00;
	s18 =	simm.s32 $0xEB00;
	v34 =	vimm.f32 $1.000000020e+30;
	v35 =	vimm.f32 $1.000000020e+30;
	v36 =	vimm.f32 $1.000000020e+30;
	v17 =	vld [tilespmem:$0x10200]  }
.LBB2_7:
0x194: {  	v31 =	vld [tilespmem:s22+$0x0]  }
0x195: {  	v30 =	vld [tilespmem:s23+$0x0]  }
0x196: {  	v29 =	vld [tilespmem:s24+$0x0];
	_ =	sdelay $0x3  }
0x197: {  	v42 =	vbroadcast v31, $0x0;
	v43 =	vbroadcast v30, $0x0  }
0x198: {  	v28 =	vld [tilespmem:s18+$0x0];
	v44 =	vbroadcast v29, $0x0  }
0x199: {  	v42 =	vmul.f32 v42, v4;
	v43 =	vmul.f32 v43, v5;
	_ =	sdelay $0x1  }
0x19a: {  	v48 =	vmul.f32 v44, v6;
	v42 =	vadd.f32 v43, v42;
	_ =	sdelay $0x1  }
0x19b: {  	v49 =	vbroadcast v28, $0x0;
	v42 =	vadd.f32 v48, v42;
	_ =	sdelay $0x1  }
0x19c: {  	v43 =	vadd.f32 v49, v7;
	v42 =	vadd.f32 v42, v42  }
0x19d: {  	v50 =	vbroadcast v31, $0x1;
	v51 =	vbroadcast v30, $0x1  }
0x19e: {  	v45 =	vbroadcast v29, $0x1;
	v42 =	vsub.f32 v43, v42  }
0x19f: {  	v44 =	vmul.f32 v51, v5;
	v43 =	vmul.f32 v50, v4  }
0x1a0: {  	v42 =	vmax.f32 v42, $0.0e+00  }
0x1a1: {  	v54 =	vmul.f32 v45, v6;
	v53 =	vadd.f32 v44, v43;
	vm1 =	vlt.f32 v42, v36  }
0x1a2: {  	s25 =	sadd.s32 $0xFFFFFFF1, s21;
	v58 =	vbroadcast v28, $0x1;
	v46 =	vsel vm1, v42, v36;
	v52 =	vsel vm1, v36, v42  }
0x1a3: {  	v44 =	vsel vm1, s25, v41;
	v55 =	vnsel vm1, s25, v41;
	v57 =	vadd.f32 v54, v53  }
0x1a4: {  	v42 =	vadd.f32 v58, v7;
	v53 =	vbroadcast v30, $0x2;
	vm2 =	vlt.f32 v52, v35  }
0x1a5: {  	v45 =	vsel vm2, v52, v35;
	v56 =	vsel vm2, v35, v52;
	v59 =	vsel vm2, v55, v40  }
0x1a6: {  	v60 =	vsel vm2, v40, v55;
	v36 =	vadd.f32 v57, v57;
	vm1 =	vlt.f32 v56, v34  }
0x1a7: {  	v52 =	vbroadcast v31, $0x2;
	v55 =	vbroadcast v29, $0x2;
	v61 =	vsel vm1, v34, v56  }
0x1a8: {  	v62 =	vsel vm1, v56, v34;
	v63 =	vsel vm1, v60, v39;
	v47 =	vsel vm1, v39, v60  }
0x1a9: {  	v36 =	vsub.f32 v42, v36;
	v39 =	vmul.f32 v52, v4;
	vm2 =	vlt.f32 v61, v33  }
0x1aa: {  	v57 =	vmul.f32 v55, v6;
	v48 =	vsel vm2, v61, v33;
	v49 =	vsel vm2, v33, v61  }
0x1ab: {  	v50 =	vsel vm2, v47, v38;
	v51 =	vsel vm2, v38, v47;
	v36 =	vmax.f32 v36, $0.0e+00  }
0x1ac: {  	v33 =	vmul.f32 v53, v5;
	vm1 =	vlt.f32 v49, v32;
	vm2 =	vlt.f32 v36, v46  }
0x1ad: {  	s25 =	sadd.s32 $0xFFFFFFF2, s21;
	v32 =	vsel vm1, v49, v32;
	v37 =	vsel vm1, v51, v37;
	v54 =	vsel vm2, v36, v46  }
0x1ae: {  	v36 =	vsel vm2, v46, v36;
	v56 =	vsel vm2, s25, v44;
	v44 =	vnsel vm2, s25, v44  }
0x1af: {  	v33 =	vadd.f32 v33, v39;
	v51 =	vbroadcast v29, $0x3;
	vm1 =	vlt.f32 v36, v45  }
0x1b0: {  	v47 =	vsel vm1, v36, v45;
	v36 =	vsel vm1, v45, v36;
	v58 =	vsel vm1, v44, v59  }
0x1b1: {  	v43 =	vsel vm1, v59, v44;
	v33 =	vadd.f32 v57, v33;
	v59 =	vbroadcast v28, $0x2  }
0x1b2: {  	v45 =	vbroadcast v31, $0x3;
	v53 =	vmul.f32 v51, v6;
	vm1 =	vlt.f32 v36, v62  }
0x1b3: {  	v57 =	vbroadcast v28, $0x3;
	v60 =	vsel vm1, v36, v62;
	v34 =	vsel vm1, v62, v36  }
0x1b4: {  	v61 =	vsel vm1, v43, v63;
	v39 =	vadd.f32 v59, v7;
	v33 =	vadd.f32 v33, v33  }
0x1b5: {  	v35 =	vsel vm1, v63, v43;
	v49 =	vmul.f32 v45, v4;
	v38 =	vadd.f32 v57, v7  }
0x1b6: {  	v57 =	vbroadcast v30, $0x5;
	vm2 =	vlt.f32 v34, v48;
	v33 =	vsub.f32 v39, v33  }
0x1b7: {  	v62 =	vsel vm2, v34, v48;
	v34 =	vsel vm2, v48, v34;
	v48 =	vbroadcast v30, $0x3  }
0x1b8: {  	v63 =	vsel vm2, v35, v50;
	v35 =	vsel vm2, v50, v35;
	v33 =	vmax.f32 v33, $0.0e+00  }
0x1b9: {  	vm1 =	vlt.f32 v34, v32;
	v50 =	vmul.f32 v48, v5;
	vm2 =	vlt.f32 v33, v54  }
0x1ba: {  	s25 =	sadd.s32 $0xFFFFFFF3, s21;
	v32 =	vsel vm1, v34, v32;
	v35 =	vsel vm1, v35, v37;
	v52 =	vsel vm2, v33, v54  }
0x1bb: {  	v33 =	vsel vm2, v54, v33;
	v34 =	vadd.f32 v50, v49;
	v54 =	vsel vm2, s25, v56  }
0x1bc: {  	v55 =	vnsel vm2, s25, v56;
	v50 =	vbroadcast v29, $0x4;
	vm1 =	vlt.f32 v33, v47  }
0x1bd: {  	v56 =	vsel vm1, v33, v47;
	v33 =	vsel vm1, v47, v33;
	v34 =	vadd.f32 v53, v34  }
0x1be: {  	v46 =	vsel vm1, v55, v58;
	v41 =	vsel vm1, v58, v55;
	vm1 =	vlt.f32 v33, v60  }
0x1bf: {  	v47 =	vbroadcast v30, $0x4;
	v58 =	vsel vm1, v60, v33;
	v34 =	vadd.f32 v34, v34  }
0x1c0: {  	v33 =	vsel vm1, v33, v60;
	v59 =	vsel vm1, v41, v61;
	vm2 =	vlt.f32 v58, v62  }
0x1c1: {  	v36 =	vsel vm1, v61, v41;
	v49 =	vmul.f32 v47, v5;
	v60 =	vsel vm2, v58, v62  }
0x1c2: {  	v34 =	vsub.f32 v38, v34;
	v61 =	vsel vm2, v62, v58;
	v62 =	vsel vm2, v36, v63  }
0x1c3: {  	v36 =	vsel vm2, v63, v36;
	v63 =	vbroadcast v31, $0x4;
	vm1 =	vlt.f32 v61, v32  }
0x1c4: {  	v38 =	vmul.f32 v50, v6;
	v34 =	vmax.f32 v34, $0.0e+00;
	v32 =	vsel vm1, v61, v32  }
0x1c5: {  	v35 =	vsel vm1, v36, v35;
	v40 =	vmul.f32 v63, v4;
	vm2 =	vlt.f32 v34, v52  }
0x1c6: {  	s25 =	sadd.s32 $0xFFFFFFF4, s21;
	v61 =	vbroadcast v29, $0x5;
	v48 =	vsel vm2, v34, v52;
	v34 =	vsel vm2, v52, v34  }
0x1c7: {  	v51 =	vsel vm2, s25, v54;
	v39 =	vnsel vm2, s25, v54;
	vm1 =	vlt.f32 v34, v56  }
0x1c8: {  	v37 =	vadd.f32 v49, v40;
	v54 =	vbroadcast v28, $0x4;
	v52 =	vsel vm1, v34, v56  }
0x1c9: {  	v34 =	vsel vm1, v56, v34;
	v53 =	vsel vm1, v39, v46;
	v39 =	vsel vm1, v46, v39  }
0x1ca: {  	v37 =	vadd.f32 v38, v37;
	v38 =	vadd.f32 v54, v7;
	v56 =	vbroadcast v31, $0x5  }
0x1cb: {  	v46 =	vmul.f32 v61, v6;
	v61 =	vbroadcast v29, $0x6;
	vm1 =	vlt.f32 v34, v33  }
0x1cc: {  	v45 =	vsel vm1, v34, v33;
	v33 =	vsel vm1, v33, v34;
	v55 =	vsel vm1, v39, v59  }
0x1cd: {  	v37 =	vadd.f32 v37, v37;
	v39 =	vsel vm1, v59, v39;
	vm2 =	vlt.f32 v33, v60  }
0x1ce: {  	v59 =	vmul.f32 v56, v4;
	v44 =	vsel vm2, v33, v60;
	v33 =	vsel vm2, v60, v33  }
0x1cf: {  	v37 =	vsub.f32 v38, v37;
	v60 =	vmul.f32 v57, v5;
	vm1 =	vlt.f32 v33, v32  }
0x1d0: {  	v41 =	vsel vm2, v39, v62;
	v39 =	vsel vm2, v62, v39;
	v32 =	vsel vm1, v33, v32  }
0x1d1: {  	v58 =	vmax.f32 v37, $0.0e+00;
	v35 =	vsel vm1, v39, v35;
	v63 =	vadd.f32 v60, v59  }
0x1d2: {  	s25 =	sadd.s32 $0xFFFFFFF5, s21;
	v59 =	vbroadcast v30, $0x6;
	v39 =	vmul.f32 v61, v6;
	vm2 =	vlt.f32 v58, v48  }
0x1d3: {  	v62 =	vsel vm2, v58, v48;
	v33 =	vsel vm2, v48, v58;
	v48 =	vsel vm2, s25, v51  }
0x1d4: {  	v49 =	vnsel vm2, s25, v51;
	v36 =	vadd.f32 v46, v63;
	vm1 =	vlt.f32 v33, v52  }
0x1d5: {  	v51 =	vbroadcast v28, $0x5;
	v58 =	vbroadcast v31, $0x6;
	v50 =	vsel vm1, v33, v52  }
0x1d6: {  	v33 =	vsel vm1, v52, v33;
	v52 =	vsel vm1, v49, v53;
	v40 =	vsel vm1, v53, v49  }
0x1d7: {  	v37 =	vadd.f32 v51, v7;
	v36 =	vadd.f32 v36, v36;
	vm1 =	vlt.f32 v33, v45  }
0x1d8: {  	v51 =	vbroadcast v30, $0x7;
	v53 =	vsel vm1, v45, v33;
	v33 =	vsel vm1, v33, v45  }
0x1d9: {  	v54 =	vsel vm1, v40, v55;
	v34 =	vsel vm1, v55, v40;
	vm2 =	vlt.f32 v53, v44  }
0x1da: {  	v36 =	vsub.f32 v37, v36;
	v37 =	vmul.f32 v59, v5;
	v55 =	vsel vm2, v53, v44  }
0x1db: {  	v56 =	vsel vm2, v44, v53;
	v57 =	vsel vm2, v34, v41;
	v34 =	vsel vm2, v41, v34  }
0x1dc: {  	v36 =	vmax.f32 v36, $0.0e+00;
	v41 =	vmul.f32 v58, v4;
	vm1 =	vlt.f32 v56, v32  }
0x1dd: {  	s25 =	sadd.s32 $0xFFFFFFF6, s21;
	vm2 =	vlt.f32 v36, v62;
	v32 =	vsel vm1, v56, v32;
	v34 =	vsel vm1, v34, v35  }
0x1de: {  	v60 =	vsel vm2, v36, v62;
	v36 =	vsel vm2, v62, v36;
	v62 =	vsel vm2, s25, v48  }
0x1df: {  	v38 =	vnsel vm2, s25, v48;
	v37 =	vadd.f32 v37, v41;
	vm1 =	vlt.f32 v36, v50  }
0x1e0: {  	v48 =	vbroadcast v28, $0x6;
	v63 =	vsel vm1, v36, v50;
	v36 =	vsel vm1, v50, v36  }
0x1e1: {  	v41 =	vsel vm1, v38, v52;
	v38 =	vsel vm1, v52, v38;
	v37 =	vadd.f32 v39, v37  }
0x1e2: {  	v39 =	vadd.f32 v48, v7;
	v50 =	vbroadcast v31, $0x7;
	vm1 =	vlt.f32 v36, v33  }
0x1e3: {  	v43 =	vsel vm1, v36, v33;
	v33 =	vsel vm1, v33, v36;
	v49 =	vsel vm1, v38, v54  }
0x1e4: {  	v37 =	vadd.f32 v37, v37;
	v38 =	vsel vm1, v54, v38;
	vm2 =	vlt.f32 v33, v55  }
0x1e5: {  	v53 =	vmul.f32 v50, v4;
	v54 =	vmul.f32 v51, v5;
	v45 =	vsel vm2, v33, v55  }
0x1e6: {  	v33 =	vsel vm2, v55, v33;
	v40 =	vsel vm2, v38, v57;
	v37 =	vsub.f32 v39, v37  }
0x1e7: {  	v38 =	vsel vm2, v57, v38;
	v55 =	vbroadcast v29, $0x7;
	v57 =	vadd.f32 v54, v53  }
0x1e8: {  	v53 =	vbroadcast v30, $0x8;
	vm1 =	vlt.f32 v33, v32;
	v52 =	vmax.f32 v37, $0.0e+00  }
0x1e9: {  	v32 =	vsel vm1, v33, v32;
	v34 =	vsel vm1, v38, v34;
	vm2 =	vlt.f32 v52, v60  }
0x1ea: {  	s25 =	sadd.s32 $0xFFFFFFF7, s21;
	v58 =	vmul.f32 v55, v6;
	v55 =	vbroadcast v29, $0x8;
	v56 =	vsel vm2, v52, v60  }
0x1eb: {  	v33 =	vsel vm2, v60, v52;
	v59 =	vsel vm2, s25, v62;
	v60 =	vnsel vm2, s25, v62  }
0x1ec: {  	v35 =	vadd.f32 v58, v57;
	v62 =	vbroadcast v28, $0x7;
	vm1 =	vlt.f32 v33, v63  }
0x1ed: {  	v52 =	vbroadcast v31, $0x8;
	v38 =	vmul.f32 v55, v6;
	v61 =	vsel vm1, v33, v63  }
0x1ee: {  	v33 =	vsel vm1, v63, v33;
	v63 =	vsel vm1, v60, v41;
	v41 =	vsel vm1, v41, v60  }
0x1ef: {  	v37 =	vadd.f32 v62, v7;
	v35 =	vadd.f32 v35, v35;
	vm1 =	vlt.f32 v33, v43  }
0x1f0: {  	v62 =	vbroadcast v30, $0x9;
	v47 =	vsel vm1, v43, v33;
	v33 =	vsel vm1, v33, v43  }
0x1f1: {  	v48 =	vsel vm1, v41, v49;
	v36 =	vsel vm1, v49, v41;
	vm2 =	vlt.f32 v47, v45  }
0x1f2: {  	v35 =	vsub.f32 v37, v35;
	v37 =	vmul.f32 v53, v5;
	v49 =	vsel vm2, v47, v45  }
0x1f3: {  	v50 =	vsel vm2, v45, v47;
	v51 =	vsel vm2, v36, v40;
	v36 =	vsel vm2, v40, v36  }
0x1f4: {  	v35 =	vmax.f32 v35, $0.0e+00;
	v40 =	vmul.f32 v52, v4;
	vm1 =	vlt.f32 v50, v32  }
0x1f5: {  	v47 =	vbroadcast v30, $0xA;
	vm2 =	vlt.f32 v35, v56;
	v32 =	vsel vm1, v50, v32  }
0x1f6: {  	s25 =	sadd.s32 $0xFFFFFFF8, s21;
	v34 =	vsel vm1, v36, v34;
	v54 =	vsel vm2, v35, v56;
	v35 =	vsel vm2, v56, v35  }
0x1f7: {  	v56 =	vsel vm2, s25, v59;
	v39 =	vnsel vm2, s25, v59;
	vm1 =	vlt.f32 v35, v61  }
0x1f8: {  	v37 =	vadd.f32 v37, v40;
	v59 =	vbroadcast v28, $0x8;
	v57 =	vsel vm1, v35, v61  }
0x1f9: {  	v35 =	vsel vm1, v61, v35;
	v58 =	vsel vm1, v39, v63;
	v39 =	vsel vm1, v63, v39  }
0x1fa: {  	v37 =	vadd.f32 v38, v37;
	v38 =	vadd.f32 v59, v7;
	vm1 =	vlt.f32 v35, v33  }
0x1fb: {  	v61 =	vbroadcast v31, $0x9;
	v44 =	vsel vm1, v35, v33;
	v33 =	vsel vm1, v33, v35  }
0x1fc: {  	v60 =	vsel vm1, v39, v48;
	v37 =	vadd.f32 v37, v37;
	v39 =	vsel vm1, v48, v39  }
0x1fd: {  	v46 =	vmul.f32 v61, v4;
	v48 =	vmul.f32 v62, v5;
	vm2 =	vlt.f32 v33, v49  }
0x1fe: {  	v43 =	vsel vm2, v33, v49;
	v33 =	vsel vm2, v49, v33;
	v41 =	vsel vm2, v39, v51  }
0x1ff: {  	v37 =	vsub.f32 v38, v37;
	v39 =	vsel vm2, v51, v39;
	v49 =	vbroadcast v29, $0x9  }
0x200: {  	v51 =	vadd.f32 v48, v46;
	v46 =	vbroadcast v28, $0xC;
	vm1 =	vlt.f32 v33, v32  }
0x201: {  	v32 =	vsel vm1, v33, v32;
	v63 =	vmax.f32 v37, $0.0e+00;
	v34 =	vsel vm1, v39, v34  }
0x202: {  	s25 =	sadd.s32 $0xFFFFFFF9, s21;
	v52 =	vmul.f32 v49, v6;
	v49 =	vbroadcast v29, $0xA;
	vm2 =	vlt.f32 v63, v54  }
0x203: {  	v50 =	vsel vm2, v63, v54;
	v33 =	vsel vm2, v54, v63;
	v53 =	vsel vm2, s25, v56  }
0x204: {  	v54 =	vnsel vm2, s25, v56;
	v36 =	vadd.f32 v52, v51;
	v56 =	vbroadcast v28, $0x9  }
0x205: {  	v63 =	vbroadcast v31, $0xA;
	v39 =	vmul.f32 v49, v6;
	vm1 =	vlt.f32 v33, v57  }
0x206: {  	v55 =	vsel vm1, v33, v57;
	v33 =	vsel vm1, v57, v33;
	v57 =	vsel vm1, v54, v58  }
0x207: {  	v40 =	vsel vm1, v58, v54;
	v37 =	vadd.f32 v56, v7;
	vm1 =	vlt.f32 v33, v44  }
0x208: {  	v36 =	vadd.f32 v36, v36;
	v54 =	vbroadcast v31, $0xB;
	v58 =	vsel vm1, v44, v33  }
0x209: {  	v33 =	vsel vm1, v33, v44;
	v59 =	vsel vm1, v40, v60;
	v35 =	vsel vm1, v60, v40  }
0x20a: {  	v36 =	vsub.f32 v37, v36;
	v37 =	vmul.f32 v47, v5;
	vm2 =	vlt.f32 v58, v43  }
0x20b: {  	v60 =	vsel vm2, v58, v43;
	v61 =	vsel vm2, v43, v58;
	v62 =	vsel vm2, v35, v41  }
0x20c: {  	v35 =	vsel vm2, v41, v35;
	v36 =	vmax.f32 v36, $0.0e+00;
	vm1 =	vlt.f32 v61, v32  }
0x20d: {  	v41 =	vmul.f32 v63, v4;
	vm2 =	vlt.f32 v36, v50;
	v32 =	vsel vm1, v61, v32  }
0x20e: {  	s25 =	sadd.s32 $0xFFFFFFFA, s21;
	v34 =	vsel vm1, v35, v34;
	v48 =	vsel vm2, v36, v50;
	v36 =	vsel vm2, v50, v36  }
0x20f: {  	v50 =	vsel vm2, s25, v53;
	v38 =	vnsel vm2, s25, v53;
	vm1 =	vlt.f32 v36, v55  }
0x210: {  	v37 =	vadd.f32 v37, v41;
	v53 =	vbroadcast v28, $0xA;
	v51 =	vsel vm1, v36, v55  }
0x211: {  	v36 =	vsel vm1, v55, v36;
	v52 =	vsel vm1, v38, v57;
	v38 =	vsel vm1, v57, v38  }
0x212: {  	v37 =	vadd.f32 v39, v37;
	v39 =	vadd.f32 v53, v7;
	vm1 =	vlt.f32 v36, v33  }
0x213: {  	v55 =	vbroadcast v30, $0xB;
	v57 =	vmul.f32 v54, v4;
	v45 =	vsel vm1, v36, v33  }
0x214: {  	v33 =	vsel vm1, v33, v36;
	v36 =	vsel vm1, v38, v59;
	v37 =	vadd.f32 v37, v37  }
0x215: {  	v38 =	vsel vm1, v59, v38;
	v58 =	vmul.f32 v55, v5;
	vm2 =	vlt.f32 v33, v60  }
0x216: {  	v59 =	vbroadcast v29, $0xB;
	v44 =	vsel vm2, v33, v60;
	v33 =	vsel vm2, v60, v33  }
0x217: {  	v40 =	vsel vm2, v38, v62;
	v37 =	vsub.f32 v39, v37;
	v38 =	vsel vm2, v62, v38  }
0x218: {  	v61 =	vadd.f32 v58, v57;
	v62 =	vmul.f32 v59, v6;
	v57 =	vbroadcast v31, $0xC  }
0x219: {  	v58 =	vbroadcast v30, $0xC;
	vm1 =	vlt.f32 v33, v32;
	v56 =	vmax.f32 v37, $0.0e+00  }
0x21a: {  	v32 =	vsel vm1, v33, v32;
	v34 =	vsel vm1, v38, v34;
	vm2 =	vlt.f32 v56, v48  }
0x21b: {  	s25 =	sadd.s32 $0xFFFFFFFB, s21;
	v35 =	vadd.f32 v62, v61;
	v60 =	vsel vm2, v56, v48;
	v33 =	vsel vm2, v48, v56  }
0x21c: {  	v63 =	vsel vm2, s25, v50;
	v48 =	vnsel vm2, s25, v50;
	vm1 =	vlt.f32 v33, v51  }
0x21d: {  	v50 =	vbroadcast v28, $0xB;
	v35 =	vadd.f32 v35, v35;
	v49 =	vsel vm1, v33, v51  }
0x21e: {  	v33 =	vsel vm1, v51, v33;
	v51 =	vsel vm1, v48, v52;
	v41 =	vsel vm1, v52, v48  }
0x21f: {  	v37 =	vadd.f32 v50, v7;
	v50 =	vbroadcast v31, $0xD;
	vm1 =	vlt.f32 v33, v45  }
0x220: {  	v52 =	vsel vm1, v45, v33;
	v33 =	vsel vm1, v33, v45;
	v53 =	vsel vm1, v41, v36  }
0x221: {  	v36 =	vsel vm1, v36, v41;
	v35 =	vsub.f32 v37, v35;
	vm2 =	vlt.f32 v52, v44  }
0x222: {  	v37 =	vmul.f32 v58, v5;
	v54 =	vsel vm2, v52, v44;
	v55 =	vsel vm2, v44, v52  }
0x223: {  	v56 =	vsel vm2, v36, v40;
	v36 =	vsel vm2, v40, v36;
	v35 =	vmax.f32 v35, $0.0e+00  }
0x224: {  	v40 =	vmul.f32 v57, v4;
	vm1 =	vlt.f32 v55, v32;
	vm2 =	vlt.f32 v35, v60  }
0x225: {  	s25 =	sadd.s32 $0xFFFFFFFC, s21;
	v32 =	vsel vm1, v55, v32;
	v34 =	vsel vm1, v36, v34;
	v59 =	vsel vm2, v35, v60  }
0x226: {  	v35 =	vsel vm2, v60, v35;
	v60 =	vbroadcast v29, $0xC;
	v61 =	vsel vm2, s25, v63  }
0x227: {  	v39 =	vnsel vm2, s25, v63;
	v37 =	vadd.f32 v37, v40;
	vm1 =	vlt.f32 v35, v49  }
0x228: {  	v55 =	vbroadcast v29, $0xD;
	v62 =	vsel vm1, v35, v49;
	v38 =	vmul.f32 v60, v6  }
0x229: {  	v35 =	vsel vm1, v49, v35;
	v63 =	vsel vm1, v39, v51;
	v39 =	vsel vm1, v51, v39  }
0x22a: {  	v51 =	vbroadcast v30, $0xD;
	v57 =	vmul.f32 v55, v6;
	vm1 =	vlt.f32 v35, v33  }
0x22b: {  	v60 =	vbroadcast v28, $0xD;
	v37 =	vadd.f32 v38, v37;
	v43 =	vsel vm1, v35, v33  }
0x22c: {  	v33 =	vsel vm1, v33, v35;
	v48 =	vsel vm1, v39, v53;
	v38 =	vadd.f32 v46, v7  }
0x22d: {  	v39 =	vsel vm1, v53, v39;
	v53 =	vmul.f32 v50, v4;
	vm2 =	vlt.f32 v33, v54  }
0x22e: {  	v37 =	vadd.f32 v37, v37;
	v49 =	vsel vm2, v33, v54;
	v33 =	vsel vm2, v54, v33  }
0x22f: {  	v41 =	vsel vm2, v39, v56;
	v39 =	vsel vm2, v56, v39;
	v54 =	vmul.f32 v51, v5  }
0x230: {  	v51 =	vbroadcast v31, $0xE;
	v31 =	vbroadcast v31, $0xF;
	vm1 =	vlt.f32 v33, v32  }
0x231: {  	v37 =	vsub.f32 v38, v37;
	v32 =	vsel vm1, v33, v32;
	v56 =	vadd.f32 v54, v53  }
0x232: {  	v34 =	vsel vm1, v39, v34;
	v54 =	vbroadcast v29, $0xE;
	v31 =	vmul.f32 v31, v4  }
0x233: {  	v29 =	vbroadcast v29, $0xF;
	v52 =	vmax.f32 v37, $0.0e+00;
	v36 =	vadd.f32 v57, v56  }
0x234: {  	v37 =	vadd.f32 v60, v7;
	v56 =	vmul.f32 v54, v6;
	v60 =	vbroadcast v28, $0xE  }
0x235: {  	s25 =	sadd.s32 $0xFFFFFFFD, s21;
	v29 =	vmul.f32 v29, v6;
	v28 =	vbroadcast v28, $0xF;
	vm2 =	vlt.f32 v52, v59  }
0x236: {  	v39 =	vsel vm2, v52, v59;
	v33 =	vsel vm2, v59, v52;
	v38 =	vsel vm2, s25, v61  }
0x237: {  	v58 =	vnsel vm2, s25, v61;
	v36 =	vadd.f32 v36, v36;
	v52 =	vbroadcast v30, $0xE  }
0x238: {  	v30 =	vbroadcast v30, $0xF;
	v28 =	vadd.f32 v28, v7;
	vm1 =	vlt.f32 v33, v62  }
0x239: {  	v59 =	vsel vm1, v33, v62;
	v33 =	vsel vm1, v62, v33;
	v61 =	vsel vm1, v58, v63  }
0x23a: {  	v40 =	vsel vm1, v63, v58;
	v36 =	vsub.f32 v37, v36;
	vm1 =	vlt.f32 v33, v43  }
0x23b: {  	v37 =	vmul.f32 v52, v5;
	v30 =	vmul.f32 v30, v5;
	v62 =	vsel vm1, v43, v33  }
0x23c: {  	v33 =	vsel vm1, v33, v43;
	v63 =	vsel vm1, v40, v48;
	v35 =	vsel vm1, v48, v40  }
0x23d: {  	v36 =	vmax.f32 v36, $0.0e+00;
	v30 =	vadd.f32 v30, v31;
	vm2 =	vlt.f32 v62, v49  }
0x23e: {  	vm1 =	vlt.f32 v36, v39;
	v48 =	vsel vm2, v62, v49;
	v49 =	vsel vm2, v49, v62  }
0x23f: {  	s25 =	sadd.s32 $0xFFFFFFFE, s21;
	v50 =	vsel vm2, v35, v41;
	v35 =	vsel vm2, v41, v35;
	v53 =	vsel vm1, v39, v36  }
0x240: {  	v41 =	vmul.f32 v51, v4;
	v55 =	vnsel vm1, s25, v38;
	vm2 =	vlt.f32 v49, v32  }
0x241: {  	v36 =	vsel vm1, v36, v39;
	v29 =	vadd.f32 v29, v30;
	v32 =	vsel vm2, v49, v32  }
0x242: {  	v34 =	vsel vm2, v35, v34;
	vm2 =	vlt.f32 v53, v59;
	v37 =	vadd.f32 v37, v41  }
0x243: {  	v38 =	vsel vm1, s25, v38;
	v29 =	vadd.f32 v29, v29;
	v47 =	vsel vm2, v53, v59  }
0x244: {  	v35 =	vsel vm2, v59, v53;
	v44 =	vsel vm2, v61, v55;
	v59 =	vadd.f32 v56, v37  }
0x245: {  	vm3 =	vlt.f32 v35, v33;
	v37 =	vadd.f32 v60, v7;
	v28 =	vsub.f32 v28, v29  }
0x246: {  	v58 =	vsel vm3, v35, v33;
	v33 =	vsel vm3, v33, v35;
	v35 =	vadd.f32 v59, v59  }
0x247: {  	v57 =	vsel vm2, v55, v61;
	v61 =	vsel vm3, v44, v63;
	v43 =	vsel vm3, v63, v44  }
0x248: {  	vm2 =	vlt.f32 v33, v48;
	v28 =	vmax.f32 v28, $0.0e+00;
	v35 =	vsub.f32 v37, v35  }
0x249: {  	v62 =	vsel vm2, v33, v48;
	v33 =	vsel vm2, v48, v33;
	v63 =	vsel vm2, v43, v50  }
0x24a: {  	v44 =	vsel vm2, v50, v43;
	vm1 =	vlt.f32 v33, v32;
	v35 =	vmax.f32 v35, $0.0e+00  }
0x24b: {  	s25 =	sadd.s32 $0xFFFFFFFF, s21;
	v48 =	vsel vm1, v33, v32;
	v49 =	vsel vm1, v44, v34;
	vm1 =	vlt.f32 v35, v36  }
0x24c: {  	v50 =	vsel vm1, v35, v36;
	v51 =	vsel vm1, v36, v35;
	v52 =	vsel vm1, s25, v38  }
0x24d: {  	v53 =	vnsel vm1, s25, v38;
	vm1 =	vlt.f32 v51, v47;
	vm2 =	vlt.f32 v28, v50  }
0x24e: {  	v54 =	vsel vm1, v51, v47;
	v30 =	vsel vm1, v47, v51;
	v55 =	vsel vm1, v53, v57  }
0x24f: {  	v35 =	vsel vm1, v57, v53;
	v59 =	vsel vm2, v50, v28;
	vm1 =	vlt.f32 v30, v58  }
0x250: {  	v36 =	vsel vm2, v28, v50;
	v29 =	vsel vm1, v30, v58;
	v30 =	vsel vm1, v58, v30  }
0x251: {  	v56 =	vsel vm1, v35, v61;
	v35 =	vsel vm1, v61, v35;
	vm1 =	vlt.f32 v30, v62  }
0x252: {  	v41 =	vsel vm2, s21, v52;
	v57 =	vsel vm1, v30, v62;
	v30 =	vsel vm1, v62, v30  }
0x253: {  	v58 =	vsel vm1, v35, v63;
	v35 =	vsel vm1, v63, v35;
	vm1 =	vlt.f32 v59, v54  }
0x254: {  	v61 =	vnsel vm2, s21, v52;
	vm3 =	vlt.f32 v30, v48;
	v28 =	vsel vm1, v54, v59  }
0x255: {  	p0 =	sne.s32 s21, $0xFFF;
	v40 =	vsel vm1, v61, v55;
	v32 =	vsel vm1, v55, v61;
	vm2 =	vlt.f32 v28, v29  }
.Ltmp2:
0x256: {  	v30 =	vsel vm3, v30, v48;
	v60 =	vsel vm3, v35, v49;
	v62 =	vsel vm2, v29, v28;
	(pc) =	sbr.rel @p0 .LBB2_7-.Ltmp2, $4  }
0x257: {  	v35 =	vsel vm1, v59, v54;
	v34 =	vsel vm2, v28, v29;
	vm1 =	vlt.f32 v62, v57  }
0x258: {  	v39 =	vsel vm2, v32, v56;
	v28 =	vsel vm2, v56, v32;
	v29 =	vsel vm1, v57, v62  }
0x259: {  	s22 =	sadd.s32 $0x10, s22;
	s23 =	sadd.s32 $0x10, s23;
	v33 =	vsel vm1, v62, v57;
	v63 =	vsel vm1, v58, v28;
	vm2 =	vlt.f32 v29, v30  }
0x25a: {  	s24 =	sadd.s32 $0x10, s24;
	s18 =	sadd.s32 $0x10, s18;
	s21 =	sadd.s32 $0x10, s21;
	v38 =	vsel vm1, v28, v58;
	v32 =	vsel vm2, v29, v30;
	v37 =	vsel vm2, v63, v60  }
0x25b: {  	v4 =	vadd.s32 v0, v41;
	_ =	sdelay $0x2  }
0x25c: {  	v5 =	vadd.f32 $9.999999930e-09, v12  }
0x25d: {  	v6 =	vadd.f32 $9.999999930e-09, v11  }
0x25e: {  	(erf) = vrcp.f32 v5;
	[tilespmem:s28], [sflag:$0x1] =	stream.indirect_vreg.gather [hbm4b:s6+s2], $0x1, v4, vm0, $0xb8;
	[tilespmem:$0x10300] =	vst v63  }
0x25f: {  	v10 =	vadd.f32 $9.999999930e-09, v10;
	v11 =	vadd.s32 v0, v40;
	(erf) = vrcp.f32 v6  }
0x260: {  	[tilespmem:s29], [sflag:$0x1] =	stream.indirect_vreg.gather [hbm4b:s7+s2], $0x1, v4, vm0, $0xb8;
	[tilespmem:$0x10300] =	vst v63  }
0x261: {  	v12 =	vadd.f32 $9.999999930e-09, v9;
	(erf) = vrcp.f32 v10  }
0x262: {  	[tilespmem:s30], [sflag:$0x1] =	stream.indirect_vreg.gather [hbm4b:s8+s2], $0x1, v4, vm0, $0xb8;
	[tilespmem:$0x10300] =	vst v63  }
0x263: {  	v28 =	vadd.f32 $9.999999930e-09, v8;
	(erf) = vrcp.f32 v12  }
0x264: {  	[tilespmem:s31], [sflag:$0x1] =	stream.indirect_vreg.gather [hbm4b:s6+s2], $0x1, v11, vm0, $0xb8;
	[tilespmem:$0x10300] =	vst v63  }
0x265: {  	v29 =	vadd.s32 v0, v39;
	(erf) = vrcp.f32 v28  }
0x266: {  	[tilespmem:s0], [sflag:$0x1] =	stream.indirect_vreg.gather [hbm4b:s7+s2], $0x1, v11, vm0, $0xb8;
	[tilespmem:$0x10300] =	vst v63  }
0x267: {  	v30 =	vpop (erf)  }
0x268: {  	v7 =	vpop (erf);
	[tilespmem:s1], [sflag:$0x1] =	stream.indirect_vreg.gather [hbm4b:s8+s2], $0x1, v11, vm0, $0xb8;
	[tilespmem:$0x10300] =	vst v63  }
0x269: {  	v31 =	vadd.f32 v7, v30  }
0x26a: {  	v8 =	vpop (erf);
	[tilespmem:s26], [sflag:$0x1] =	stream.indirect_vreg.gather [hbm4b:s6+s2], $0x1, v29, vm0, $0xb8;
	[tilespmem:$0x10300] =	vst v63  }
0x26b: {  	v38 =	vadd.s32 v0, v38;
	v6 =	vadd.f32 v8, v31  }
0x26c: {  	v39 =	vpop (erf);
	[tilespmem:s9], [sflag:$0x1] =	stream.indirect_vreg.gather [hbm4b:s7+s2], $0x1, v29, vm0, $0xb8;
	[tilespmem:$0x10300] =	vst v63  }
0x26d: {  	v6 =	vadd.f32 v39, v6  }
0x26e: {  	v40 =	vpop (erf);
	[tilespmem:s10], [sflag:$0x1] =	stream.indirect_vreg.gather [hbm4b:s8+s2], $0x1, v29, vm0, $0xb8;
	[tilespmem:$0x10300] =	vst v63  }
0x26f: {  	v41 =	vadd.f32 v40, v6  }
0x270: {  	[tilespmem:s11], [sflag:$0x1] =	stream.indirect_vreg.gather [hbm4b:s6+s2], $0x1, v38, vm0, $0xb8;
	[tilespmem:$0x10300] =	vst v63  }
0x271: {  	v42 =	vadd.s32 v0, v37;
	(erf) = vrcp.f32 v41  }
0x272: {  	[tilespmem:s12], [sflag:$0x1] =	stream.indirect_vreg.gather [hbm4b:s7+s2], $0x1, v38, vm0, $0xb8;
	[tilespmem:$0x10300] =	vst v63  }
0x273: {  	_ = 	snop  }
0x274: {  	[tilespmem:s13], [sflag:$0x1] =	stream.indirect_vreg.gather [hbm4b:s8+s2], $0x1, v38, vm0, $0xb8;
	[tilespmem:$0x10300] =	vst v63  }
0x275: {  	_ = 	snop  }
0x276: {  	[tilespmem:s14], [sflag:$0x1] =	stream.indirect_vreg.gather [hbm4b:s6+s2], $0x1, v42, vm0, $0xb8;
	[tilespmem:$0x10300] =	vst v63  }
0x277: {  	_ = 	snop  }
0x278: {  	[tilespmem:s15], [sflag:$0x1] =	stream.indirect_vreg.gather [hbm4b:s7+s2], $0x1, v42, vm0, $0xb8;
	[tilespmem:$0x10300] =	vst v63  }
0x279: {  	_ = 	snop  }
0x27a: {  	v4 =	vpop (erf);
	[tilespmem:s16], [sflag:$0x1] =	stream.indirect_vreg.gather [hbm4b:s8+s2], $0x1, v42, vm0, $0xb8;
	[tilespmem:$0x10300] =	vst v63  }
0x27b: {  	_ =	swait.ge [sflag:s17], $0x10  }
0x27c: {  	[sflag:s17] =	ssyncset.done $0x0  }
0x27d: {  	[sflag:s17] =	ssyncadd.s32 $0xFFFFFFF0  }
0x27e: {  	_ =	swait.ge [sflag:s17], $0x10  }
0x27f: {  	[sflag:s17] =	ssyncset.done $0x0  }
0x280: {  	[sflag:s17] =	ssyncadd.s32 $0xFFFFFFF0  }
0x281: {  	_ =	swait.ge [sflag:s17], $0x10  }
0x282: {  	[sflag:s17] =	ssyncset.done $0x0  }
0x283: {  	[sflag:s17] =	ssyncadd.s32 $0xFFFFFFF0  }
0x284: {  	_ =	swait.ge [sflag:s17], $0x10  }
0x285: {  	[sflag:s17] =	ssyncset.done $0x0  }
0x286: {  	[sflag:s17] =	ssyncadd.s32 $0xFFFFFFF0  }
0x287: {  	_ =	swait.ge [sflag:s17], $0x10  }
0x288: {  	[sflag:s17] =	ssyncset.done $0x0  }
0x289: {  	[sflag:s17] =	ssyncadd.s32 $0xFFFFFFF0  }
0x28a: {  	_ =	swait.ge [sflag:s17], $0x10  }
0x28b: {  	[sflag:s17] =	ssyncset.done $0x0  }
0x28c: {  	[sflag:s17] =	ssyncadd.s32 $0xFFFFFFF0  }
0x28d: {  	_ =	swait.ge [sflag:s17], $0x10  }
0x28e: {  	[sflag:s17] =	ssyncset.done $0x0  }
0x28f: {  	[sflag:s17] =	ssyncadd.s32 $0xFFFFFFF0  }
0x290: {  	_ =	swait.ge [sflag:s17], $0x10  }
0x291: {  	[sflag:s17] =	ssyncset.done $0x0  }
0x292: {  	[sflag:s17] =	ssyncadd.s32 $0xFFFFFFF0  }
0x293: {  	_ =	swait.ge [sflag:s17], $0x10  }
0x294: {  	[sflag:s17] =	ssyncset.done $0x0  }
0x295: {  	[sflag:s17] =	ssyncadd.s32 $0xFFFFFFF0  }
0x296: {  	_ =	swait.ge [sflag:s17], $0x10  }
0x297: {  	[sflag:s17] =	ssyncset.done $0x0  }
0x298: {  	[sflag:s17] =	ssyncadd.s32 $0xFFFFFFF0  }
0x299: {  	_ =	swait.ge [sflag:s17], $0x10  }
0x29a: {  	[sflag:s17] =	ssyncset.done $0x0  }
0x29b: {  	[sflag:s17] =	ssyncadd.s32 $0xFFFFFFF0  }
0x29c: {  	_ =	swait.ge [sflag:s17], $0x10  }
0x29d: {  	[sflag:s17] =	ssyncset.done $0x0  }
0x29e: {  	[sflag:s17] =	ssyncadd.s32 $0xFFFFFFF0  }
0x29f: {  	_ =	swait.ge [sflag:s17], $0x10  }
0x2a0: {  	[sflag:s17] =	ssyncset.done $0x0  }
0x2a1: {  	[sflag:s17] =	ssyncadd.s32 $0xFFFFFFF0  }
0x2a2: {  	_ =	swait.ge [sflag:s17], $0x10  }
0x2a3: {  	[sflag:s17] =	ssyncset.done $0x0  }
0x2a4: {  	v43 =	vadd.f32 $9.999999930e-09, v36;
	[sflag:s17] =	ssyncadd.s32 $0xFFFFFFF0  }
0x2a5: {  	v44 =	vadd.f32 $9.999999930e-09, v35;
	_ =	swait.ge [sflag:s17], $0x10  }
0x2a6: {  	(erf) = vrcp.f32 v43  }
0x2a7: {  	v45 =	vadd.f32 $9.999999930e-09, v34;
	(erf) = vrcp.f32 v44;
	_ =	sdelay $0x1  }
0x2a8: {  	v47 =	vadd.f32 $9.999999930e-09, v33;
	(erf) = vrcp.f32 v45  }
0x2a9: {  	v46 =	vmul.f32 v26, v30  }
0x2aa: {  	v50 =	vadd.f32 $9.999999930e-09, v32;
	v49 =	vmul.f32 v27, v30;
	(erf) = vrcp.f32 v47  }
0x2ab: {  	v5 =	vmul.f32 v20, v30;
	v48 =	vmul.f32 v25, v7;
	v9 =	vadd.f32 $0.0e+00, v46;
	[sflag:s17] =	ssyncset.done $0x0  }
0x2ac: {  	v24 =	vmul.f32 v24, v7;
	v52 =	vadd.f32 $0.0e+00, v49;
	[sflag:s17] =	ssyncadd.s32 $0xFFFFFFF0;
	(erf) = vrcp.f32 v50  }
0x2ad: {  	v7 =	vmul.f32 v18, v7;
	v51 =	vmul.f32 v23, v8;
	v9 =	vadd.f32 v48, v9;
	v55 =	vld [tilespmem:$0xFB00]  }
0x2ae: {  	v22 =	vmul.f32 v22, v8;
	v5 =	vadd.f32 $0.0e+00, v5;
	v23 =	vadd.f32 v24, v52;
	v57 =	vld [tilespmem:$0xFC80];
	v56 =	vpop (erf)  }
0x2af: {  	v34 =	vmul.f32 v14, v8;
	v54 =	vmul.f32 v21, v39;
	v53 =	vadd.f32 v51, v9;
	v59 =	vld [tilespmem:$0xFE00];
	v58 =	vpop (erf)  }
0x2b0: {  	v19 =	vmul.f32 v19, v39;
	v60 =	vadd.f32 v22, v23;
	v62 =	vld [tilespmem:$0xFF80];
	v61 =	vadd.f32 v58, v56  }
0x2b1: {  	v15 =	vmul.f32 v15, v40;
	v5 =	vadd.f32 v7, v5;
	v6 =	vadd.f32 v54, v53;
	v32 =	vld [tilespmem:$0xFB80];
	v63 =	vpop (erf)  }
0x2b2: {  	v16 =	vmul.f32 v16, v40;
	v19 =	vadd.f32 v19, v60;
	v35 =	vld [tilespmem:$0xFC00];
	v31 =	vadd.f32 v63, v61  }
0x2b3: {  	v39 =	vmul.f32 v13, v39;
	v5 =	vadd.f32 v34, v5;
	v6 =	vadd.f32 v15, v6;
	v38 =	vld [tilespmem:$0xFD00];
	v33 =	vpop (erf)  }
0x2b4: {  	v36 =	vadd.f32 v16, v19;
	v42 =	vld [tilespmem:$0xFD80];
	v37 =	vadd.f32 v33, v31  }
0x2b5: {  	v40 =	vmul.f32 v17, v40;
	v5 =	vadd.f32 v39, v5;
	v6 =	vmul.f32 v6, v4;
	v44 =	vld [tilespmem:$0xFE80];
	v41 =	vpop (erf)  }
0x2b6: {  	v14 =	vmul.f32 v36, v4;
	v47 =	vld [tilespmem:$0xFF00];
	v12 =	vmul.f32 v55, v56;
	v15 =	vadd.f32 v41, v37  }
0x2b7: {  	v5 =	vadd.f32 v40, v5;
	v48 =	vld [tilespmem:$0x10000];
	v46 =	vmul.f32 v32, v56;
	v8 =	vmul.f32 v35, v56  }
0x2b8: {  	v50 =	vld [tilespmem:$0x10080];
	v43 =	vmul.f32 v57, v58;
	v12 =	vadd.f32 $0.0e+00, v12;
	(erf) = vrcp.f32 v15  }
0x2b9: {  	v30 =	vld [tilespmem:$0x10100];
	v49 =	vmul.f32 v38, v58;
	v13 =	vmul.f32 v42, v58;
	v9 =	vadd.f32 $0.0e+00, v46  }
0x2ba: {  	v51 =	vld [tilespmem:$0x10180];
	v45 =	vmul.f32 v59, v63;
	v8 =	vadd.f32 $0.0e+00, v8;
	v12 =	vadd.f32 v43, v12  }
0x2bb: {  	v54 =	vld [tilespmem:$0x10200];
	v53 =	vmul.f32 v44, v63;
	v55 =	vmul.f32 v47, v63;
	v9 =	vadd.f32 v49, v9  }
0x2bc: {  	v52 =	vmul.f32 v62, v33;
	v8 =	vadd.f32 v13, v8;
	v7 =	vadd.f32 v45, v12  }
0x2bd: {  	v56 =	vmul.f32 v48, v33;
	v58 =	vmul.f32 v50, v33;
	v9 =	vadd.f32 v53, v9  }
0x2be: {  	v57 =	vmul.f32 v30, v41;
	v8 =	vadd.f32 v55, v8;
	v7 =	vadd.f32 v52, v7  }
0x2bf: {  	v4 =	vmul.f32 v5, v4;
	v59 =	vmul.f32 v51, v41;
	v9 =	vadd.f32 v56, v9  }
0x2c0: {  	v11 =	vmul.f32 v54, v41;
	v8 =	vadd.f32 v58, v8;
	v7 =	vadd.f32 v57, v7  }
0x2c1: {  	v6 =	vsub.f32 v3, v6;
	v60 =	vadd.f32 v59, v9;
	v61 =	vpop (erf)  }
0x2c2: {  	s19 =	sadd.s32 $0x1, s19;
	v4 =	vsub.f32 v1, v4;
	v8 =	vadd.f32 v11, v8;
	v7 =	vmul.f32 v7, v61  }
0x2c3: {  	p0 =	sne.s32 s19, $0x30;
	[tilespmem:s20+$0x6900] =	vst v6;
	v62 =	vsub.f32 v2, v14;
	v5 =	vmul.f32 v60, v61  }
.Ltmp3:
0x2c4: {  	[tilespmem:s20+$0x6F00] =	vst v4;
	v63 =	vmul.f32 v8, v61;
	v3 =	vsub.f32 v3, v7;
	(pc) =	sbr.rel @p0 .LBB2_4-.Ltmp3, $4  }
0x2c5: {  	[tilespmem:s20+$0x6C00] =	vst v62;
	v2 =	vsub.f32 v2, v5  }
0x2c6: {  	v1 =	vsub.f32 v1, v63;
	[tilespmem:s20+$0x7200] =	vst v3  }
0x2c7: {  	[tilespmem:s20+$0x7500] =	vst v2  }
0x2c8: {  	[tilespmem:s20+$0x7800] =	vst v1  }
0x2c9: {  	s18 =	rddreg [dreg:$0xb];
	s19 =	simm.s32 $0x6900  }
0x2ca: {  	[hbm4b:s18+s2] =	stream.linear.scatter [tilespmem:s19], [sflag:$0x2], $0x300, $0x38;
	[tilespmem:$0x10300] =	vst v63  }
0x2cb: {  	s19 =	simm.s32 $0x2  }
0x2cc: {  	_ =	swait.ge [sflag:s19], $0x300  }
0x2cd: {  	[sflag:s19] =	ssyncset.done $0x0  }
0x2ce: {  	s20 =	simm.s32 $0x6C00;
	s21 =	rddreg [dreg:$0xc];
	[sflag:s19] =	ssyncadd.s32 $0xFFFFFD00  }
0x2cf: {  	[hbm4b:s21+s2] =	stream.linear.scatter [tilespmem:s20], [sflag:$0x2], $0x300, $0x38;
	[tilespmem:$0x10300] =	vst v63  }
0x2d0: {  	_ =	swait.ge [sflag:s19], $0x300  }
0x2d1: {  	[sflag:s19] =	ssyncset.done $0x0  }
0x2d2: {  	s23 =	simm.s32 $0x6F00;
	s22 =	rddreg [dreg:$0xd];
	[sflag:s19] =	ssyncadd.s32 $0xFFFFFD00  }
0x2d3: {  	[hbm4b:s22+s2] =	stream.linear.scatter [tilespmem:s23], [sflag:$0x2], $0x300, $0x38;
	[tilespmem:$0x10300] =	vst v63  }
0x2d4: {  	_ =	swait.ge [sflag:s19], $0x300  }
0x2d5: {  	[sflag:s19] =	ssyncset.done $0x0  }
0x2d6: {  	s25 =	simm.s32 $0x7200;
	s24 =	rddreg [dreg:$0xe];
	[sflag:s19] =	ssyncadd.s32 $0xFFFFFD00  }
0x2d7: {  	[hbm4b:s24+s2] =	stream.linear.scatter [tilespmem:s25], [sflag:$0x2], $0x300, $0x38;
	[tilespmem:$0x10300] =	vst v63  }
0x2d8: {  	_ =	swait.ge [sflag:s19], $0x300  }
0x2d9: {  	[sflag:s19] =	ssyncset.done $0x0  }
0x2da: {  	s21 =	simm.s32 $0x7500;
	s20 =	rddreg [dreg:$0xf];
	[sflag:s19] =	ssyncadd.s32 $0xFFFFFD00  }
0x2db: {  	[hbm4b:s20+s2] =	stream.linear.scatter [tilespmem:s21], [sflag:$0x2], $0x300, $0x38;
	[tilespmem:$0x10300] =	vst v63  }
0x2dc: {  	_ =	swait.ge [sflag:s19], $0x300  }
0x2dd: {  	[sflag:s19] =	ssyncset.done $0x0  }
0x2de: {  	s23 =	simm.s32 $0x7800;
	s22 =	rddreg [dreg:$0x10];
	[sflag:s19] =	ssyncadd.s32 $0xFFFFFD00  }
0x2df: {  	[hbm4b:s22+s2] =	stream.linear.scatter [tilespmem:s23], [sflag:$0x2], $0x300, $0x38;
	[tilespmem:$0x10300] =	vst v63  }
0x2e0: {  	_ =	swait.ge [sflag:s19], $0x300  }
0x2e1: {  	s24 =	rddreg [dreg:$0x12]  }
0x2e2: {  	s25 =	rddreg [dreg:$0x11];
	s20 =	sadd.s32 $0x1, s24  }
0x2e3: {  	p0 =	sne.s32 s20, s25  }
.Ltmp4:
0x2e4: {  	_ = 	snop;
	(pc) =	sbr.rel @p0 .LBB2_1-.Ltmp4, $3  }
0x2e5: {  	_ =	sdelay $0x1  }
0x2e6: {  	[sflag:s19] =	ssyncset.done $0x0  }
0x2e7: {  	[sflag:s19] =	ssyncadd.s32 $0xFFFFFD00  }
0x2e8: {  	_ =	sfence.sel $0x180000  }
0x2e9: {  	[bflag:$0x0] =	sbarrier.arrive $0xFFFF  }
0x2ea: {  	_ =	strace $0x90000047  }
0x2eb: {  	s0 =	stileid.u32;
	[bflag:$0x2] =	sbarrier.arrive $0xFFFF  }
0x2ec: {  	p0 =	sne.s32 s0, $0x0;
	s0 =	rddreg [dreg:$0x1]  }
0x2ed: {  	s0 =	sadd.s32 @!p0 $0x100000, s0  }
0x2ee: {  	[sflag:s0] =	ssyncadd.tile.s32 @!p0 $0x1;
	_ =	shalt  }
.Lfunc_end2:
_tile_overlayer_lowered:
.L_overlay_start_2:
0x2ef: {  	(tag) =	ssettag $0x2  }
0x2f0: {  	s0 =	rddreg [dreg:$0x0];
	s2 =	stileid.u32  }
0x2f1: {  	s1 =	rddreg [dreg:$0x1];
	p0 =	sne.s32 s2, $0x0  }
0x2f2: {  	s3 =	rddreg [dreg:$0x2];
	[bflag:$0x3] =	sbarrier.arrive $0xFFFF;
	s2 =	simm.s32 @!p0 $0x1C02  }
0x2f3: {  	[timem:s3], [sflag:s2] =	dma.local @!p0 [hbm:s0], s1  }
0x2f4: {  	s0 =	simm.s32 @!p0 $0x2  }
0x2f5: {  	_ =	swait.ge @!p0 [sflag:s0], s1  }
0x2f6: {  	s1 =	ssub.s32 @!p0 $0x0, s1;
	[sflag:s0] =	ssyncset.done @!p0 $0x0  }
0x2f7: {  	[sflag:s0] =	ssyncadd.s32 @!p0 s1  }
0x2f8: {  	[bflag:$0x3] =	sbarrier.arrive $0xFFFF  }
0x2f9: {  	_ =	shalt  }

</sc_bundles>
